<compile_context>
chip_gen: v7x
topology: tpu7x:2x2x1
jax: 0.10.2.dev20260603
libtpu: 0.0.44.dev20260713+nightly
codegen_flags: <defaults>
</compile_context>

<pallas_src>
import functools

import jax
import jax.numpy as jnp
from jax import lax
from jax.experimental import pallas as pl
from jax.experimental.pallas import tpu as pltpu
from jax.experimental.pallas import tpu_sc as plsc

NC, NS = 2, 16
NW = NC * NS
PAIRS = NW // 2
LANES = 16


def _sc_composite(tbl, frags, alphas, im):
    B, K, H, W = frags.shape
    P = tbl.shape[1]
    rpp = H // PAIRS
    n = min(256, W)
    ncol = W // n
    ngroups = n // LANES
    total_chunks = B * rpp * ncol
    half = total_chunks // 2
    per_b = rpp * ncol

    mesh = plsc.VectorSubcoreMesh(core_axis_name="c", subcore_axis_name="s")

    @functools.partial(
        pl.kernel,
        out_type=jax.ShapeDtypeStruct((B, 4, H, W), jnp.float32),
        mesh=mesh,
        compiler_params=pltpu.CompilerParams(needs_layout_passes=False),
        scratch_types=[
            pltpu.VMEM((P,), jnp.int32),
            pltpu.VMEM((K, n), jnp.int32),
            pltpu.VMEM((K, n), jnp.int32),
            pltpu.VMEM((K, n), jnp.float32),
            pltpu.VMEM((K, n), jnp.float32),
            pltpu.VMEM((2, n), jnp.float32),
            pltpu.VMEM((2, n), jnp.float32),
            pltpu.VMEM((2, n), jnp.float32),
            pltpu.VMEM((2, n), jnp.float32),
            pltpu.SemaphoreType.DMA,
            pltpu.SemaphoreType.DMA,
            pltpu.SemaphoreType.DMA,
            pltpu.SemaphoreType.DMA,
        ],
    )
    def body(tbl_hbm, frag_hbm, alpha_hbm, im_hbm, out_hbm,
             tbl_v, frag0, frag1, alpha0, alpha1, im0, im1, acc0_v, acc1_v,
             isem0, isem1, osem0, osem1):
        fv = (frag0, frag1)
        av = (alpha0, alpha1)
        iv = (im0, im1)
        accv = (acc0_v, acc1_v)
        isem = (isem0, isem1)
        osem = (osem0, osem1)

        wid = lax.axis_index("s") * NC + lax.axis_index("c")
        pair = wid // 2
        member = wid % 2
        ch0 = member * 2
        keep_hi = (ch0 + 1) < 3
        pltpu.sync_copy(tbl_hbm.at[member], tbl_v)

        def pos(i):
            b = i // per_b
            rem = i % per_b
            r = pair * rpp + rem // ncol
            col = (rem % ncol) * n
            return b, r, col

        def in_copies(i, buf):
            b, r, col = pos(i)
            return (
                pltpu.make_async_copy(
                    frag_hbm.at[b, :, r, pl.ds(col, n)], fv[buf], isem[buf]),
                pltpu.make_async_copy(
                    alpha_hbm.at[b, :, r, pl.ds(col, n)], av[buf], isem[buf]),
                pltpu.make_async_copy(
                    im_hbm.at[pl.ds(member, 2), r, pl.ds(col, n)], iv[buf],
                    isem[buf]),
            )

        def out_copy(i, buf):
            b, r, col = pos(i)
            return pltpu.make_async_copy(
                accv[buf], out_hbm.at[b, pl.ds(ch0, 2), r, pl.ds(col, n)],
                osem[buf])

        for c in in_copies(0, 0):
            c.start()
        for c in in_copies(1, 1):
            c.start()

        def jbody(j, carry):
            for buf in (0, 1):
                i = 2 * j + buf
                for c in in_copies(i, buf):
                    c.wait()

                @pl.when(j > 0)
                def _():
                    out_copy(i, buf).wait()

                @plsc.parallel_loop(0, ngroups, step=1, unroll=2)
                def group_body(g):
                    s = pl.ds(g * LANES, LANES)
                    for kk in range(K):
                        idx = fv[buf][kk, s]
                        al = av[buf][kk, s]
                        a = jnp.where(idx >= 0, al, 0.0)
                        if kk == 0:
                            w = a
                            t = 1.0 - a
                        else:
                            w = a * t
                            t = t - w
                        safe = jnp.maximum(idx, 0)
                        gw = plsc.load_gather(tbl_v, [safe])
                        clo = plsc.bitcast(gw << 16, jnp.float32)
                        chi = plsc.bitcast(gw, jnp.float32)
                        if kk == 0:
                            acc0 = w * clo
                            acc1 = w * chi
                        else:
                            acc0 = acc0 + w * clo
                            acc1 = acc1 + w * chi
                    bg = fv[buf][0, s] < 0
                    im_lo = jnp.where(member == 0, iv[buf][0, s], iv[buf][1, s])
                    acc0 = jnp.where(bg, im_lo, acc0)
                    acc1 = jnp.where(jnp.logical_and(bg, keep_hi),
                                     iv[buf][1, s], acc1)
                    accv[buf][0, s] = acc0
                    accv[buf][1, s] = acc1

                out_copy(i, buf).start()

                @pl.when(j < half - 1)
                def _():
                    for c in in_copies(i + 2, buf):
                        c.start()
            return carry

        lax.fori_loop(0, half, jbody, 0)
        out_copy(total_chunks - 2, 0).wait()
        out_copy(total_chunks - 1, 1).wait()

    return body(tbl, frags, alphas, im)


def kernel(fragments, alphas, ptclds, im):
    def pack_pair(c_lo, c_hi):
        b0 = lax.bitcast_convert_type(c_lo, jnp.uint32)
        lo = (b0 + jnp.uint32(0x7FFF) + ((b0 >> 16) & jnp.uint32(1))) >> 16
        b1 = lax.bitcast_convert_type(c_hi, jnp.uint32)
        hi = jnp.where(b1 >= jnp.uint32(0x10000),
                       (b1 + jnp.uint32(0x8000) - lo) >> 16, b1 >> 16)
        return (hi << 16) | lo

    tbl = lax.bitcast_convert_type(
        jnp.stack([pack_pair(ptclds[0], ptclds[1]),
                   pack_pair(ptclds[2], ptclds[3])]), jnp.int32)
    return _sc_composite(tbl, fragments, alphas, im)

# --- scband reference (transcript-rebuilt; emitter-appended) ---
"""Pipeline reference for scband-my-compositor-42219528520133 (READ-ONLY COPY).

The authoritative reference and input builder live on the scoring server;
editing this copy changes nothing except your own understanding.
"""

import jax, jax.numpy as jnp
import numpy as np

B, K, H, W, C, P = 4, 16, 512, 512, 4, 100000


def setup_inputs(seed: int = 0) -> dict:
    key = jax.random.key(seed)
    k1, k2, k3, k4 = jax.random.split(key, 4)
    # fragments: point indices per pixel; negative values (< 0) mark background pixels,
    # matching pytorch3d fragment semantics. minval=-P//10 so ~9% of entries are background.
    fragments = jax.random.randint(k1, (B, K, H, W), -P // 10, P, dtype=jnp.int32)
    alphas = jax.random.uniform(k2, (B, K, H, W), dtype=jnp.float32)
    ptclds = jax.random.normal(k3, (C, P), dtype=jnp.float32)  # packed point features (C, P)
    im = jax.random.uniform(k4, (3, H, W), dtype=jnp.float32)  # background image (init arg)
    return {"fragments": fragments, "alphas": alphas, "ptclds": ptclds, "im": im}


def _alpha_composite(fragments, alphas, ptclds):
    # fragments: (B, K, H, W) int; alphas: (B, K, H, W); ptclds: (C, P)
    mask = fragments >= 0
    idx = jnp.where(mask, fragments, 0)
    # gather point features -> (B, K, H, W, C)
    feats = jnp.take(ptclds.T, idx, axis=0)
    a = jnp.where(mask, alphas, 0.0)
    # front-to-back transmittance: prod_{j<k} (1 - a_j), exclusive along K
    t = jnp.cumprod(1.0 - a, axis=1)
    t = jnp.concatenate([jnp.ones_like(t[:, :1]), t[:, :-1]], axis=1)
    w = a * t  # (B, K, H, W)
    images = jnp.einsum('bkhw,bkhwc->bchw', w, feats)  # (B, C, H, W)
    return images


def _add_background_img_to_images(pix_idxs, images, im):
    background_mask = pix_idxs[:, 0] < 0  # (B, H, W)
    Bn = images.shape[0]
    im_b = jnp.broadcast_to(im[None], (Bn,) + im.shape)  # (B, 3, H, W)
    rgb = jnp.where(background_mask[:, None, :, :], im_b, images[:, :3])
    images = jnp.concatenate([rgb, images[:, 3:]], axis=1)
    return images


def reference(fragments, alphas, ptclds, im):
    images = _alpha_composite(fragments, alphas, ptclds)
    images = _add_background_img_to_images(fragments, images, im)
    return images

if __name__ == "__main__":
    import jax
    _d = setup_inputs()
    print(jax.jit(kernel)(*tuple(_d.values())))

</pallas_src>

<mosaic_0001>
#map = affine_map<(d0, d1) -> (0, 0)>
#map1 = affine_map<(d0, d1) -> (0, 0, 0, 0)>
#map2 = affine_map<(d0, d1) -> (0, 0, 0)>
module attributes {stable_mosaic.version = 14 : i64} {
  func.func @body(%arg0: i32, %arg1: i32, %arg2: memref<2x100000xi32, #tpu.memory_space<hbm>>, %arg3: memref<4x16x512x512xi32, #tpu.memory_space<hbm>>, %arg4: memref<4x16x512x512xf32, #tpu.memory_space<hbm>>, %arg5: memref<3x512x512xf32, #tpu.memory_space<hbm>>, %arg6: memref<4x4x512x512xf32, #tpu.memory_space<hbm>>, %arg7: memref<100000xi32, #tpu.memory_space<vmem>>, %arg8: memref<16x256xi32, #tpu.memory_space<vmem>>, %arg9: memref<16x256xi32, #tpu.memory_space<vmem>>, %arg10: memref<16x256xf32, #tpu.memory_space<vmem>>, %arg11: memref<16x256xf32, #tpu.memory_space<vmem>>, %arg12: memref<2x256xf32, #tpu.memory_space<vmem>>, %arg13: memref<2x256xf32, #tpu.memory_space<vmem>>, %arg14: memref<2x256xf32, #tpu.memory_space<vmem>>, %arg15: memref<2x256xf32, #tpu.memory_space<vmem>>, %arg16: memref<!tpu.dma_semaphore, #tpu.memory_space<semaphore_mem>>, %arg17: memref<!tpu.dma_semaphore, #tpu.memory_space<semaphore_mem>>, %arg18: memref<!tpu.dma_semaphore, #tpu.memory_space<semaphore_mem>>, %arg19: memref<!tpu.dma_semaphore, #tpu.memory_space<semaphore_mem>>) attributes {dimension_semantics = [#tpu.dimension_semantics<core_parallel>, #tpu.dimension_semantics<subcore_parallel>], iteration_bounds = array<i64: 2, 16>, scalar_prefetch = 0 : i64, scratch_operands = 13 : i64, tpu.core_type = #tpu.core_type<sc_vector_subcore>, window_params = [{transform_indices = #map}, {transform_indices = #map1}, {transform_indices = #map1}, {transform_indices = #map2}, {transform_indices = #map1}]} {
    %mul3A = arith.constant 2 : i32
    %mul3A_0 = arith.muli %arg1, %mul3A : i32
    %add3A = arith.addi %mul3A_0, %arg0 : i32
    %jit3A = arith.constant 2 : i32
    %div3A = arith.divsi %add3A, %jit3A : i32
    %sign3A = arith.constant 0 : i32
    %sign3A_1 = arith.cmpi sgt, %add3A, %sign3A : i32
    %sign3A_2 = arith.extui %sign3A_1 : i1 to i32
    %sign3A_3 = arith.constant 0 : i32
    %sign3A_4 = arith.cmpi slt, %add3A, %sign3A_3 : i32
    %sign3A_5 = arith.extui %sign3A_4 : i1 to i32
    %sign3A_6 = arith.subi %sign3A_2, %sign3A_5 : i32
    %sign3A_7 = arith.constant 0 : i32
    %sign3A_8 = arith.cmpi sgt, %jit3A, %sign3A_7 : i32
    %sign3A_9 = arith.extui %sign3A_8 : i1 to i32
    %sign3A_10 = arith.constant 0 : i32
    %sign3A_11 = arith.cmpi slt, %jit3A, %sign3A_10 : i32
    %sign3A_12 = arith.extui %sign3A_11 : i1 to i32
    %sign3A_13 = arith.subi %sign3A_9, %sign3A_12 : i32
    %ne3A = arith.cmpi ne, %sign3A_6, %sign3A_13 : i32
    %rem3A = arith.remsi %add3A, %jit3A : i32
    %ne3A_14 = arith.constant 0 : i32
    %ne3A_15 = arith.cmpi ne, %rem3A, %ne3A_14 : i32
    %and3A = arith.andi %ne3A, %ne3A_15 : i1
    %sub3A = arith.constant 1 : i32
    %sub3A_16 = arith.subi %div3A, %sub3A : i32
    %select_n3A = arith.select %and3A, %sub3A_16, %div3A : i32
    %jit3A_17 = arith.constant 2 : i32
    %eq3A = arith.constant 0 : i32
    %eq3A_18 = arith.cmpi eq, %jit3A_17, %eq3A : i32
    %jit3A_19 = arith.constant 1 : i32
    %select_n3A_20 = arith.select %eq3A_18, %jit3A_19, %jit3A_17 : i32
    %rem3A_21 = arith.remsi %add3A, %select_n3A_20 : i32
    %ne3A_22 = arith.constant 0 : i32
    %ne3A_23 = arith.cmpi ne, %rem3A_21, %ne3A_22 : i32
    %lt3A = arith.constant 0 : i32
    %lt3A_24 = arith.cmpi slt, %rem3A_21, %lt3A : i32
    %lt3A_25 = arith.constant 0 : i32
    %lt3A_26 = arith.cmpi slt, %select_n3A_20, %lt3A_25 : i32
    %ne3A_27 = arith.xori %lt3A_24, %lt3A_26 : i1
    %and3A_28 = arith.andi %ne3A_27, %ne3A_23 : i1
    %add3A_29 = arith.addi %rem3A_21, %select_n3A_20 : i32
    %select_n3A_30 = arith.select %and3A_28, %add3A_29, %rem3A_21 : i32
    %mul3A_31 = arith.constant 2 : i32
    %mul3A_32 = arith.muli %select_n3A_30, %mul3A_31 : i32
    %add3A_33 = arith.constant 1 : i32
    %add3A_34 = arith.addi %mul3A_32, %add3A_33 : i32
    %lt3A_35 = arith.constant 3 : i32
    %lt3A_36 = arith.cmpi slt, %add3A_34, %lt3A_35 : i32
    "tpu.region"() ({
      %run_scoped3A = tpu.sem_alloc : memref<!tpu.dma_semaphore, #tpu.memory_space<semaphore_mem>>
      %dma_start3A_118 = arith.constant 0 : i32
      %dma_start3A_119 = tpu.memref_slice %arg2[%select_n3A_30, %dma_start3A_118] : memref<2x100000xi32, #tpu.memory_space<hbm>> -> memref<1x100000xi32, #tpu.memory_space<hbm>>
      %dma_start3A_120 = tpu.memref_squeeze %dma_start3A_119 : memref<1x100000xi32, #tpu.memory_space<hbm>> -> memref<100000xi32, #tpu.memory_space<hbm>>
      %dma_start3A_121 = arith.constant 0 : i32
      %dma_start3A_122 = tpu.memref_slice %arg2[%select_n3A_30, %dma_start3A_121] : memref<2x100000xi32, #tpu.memory_space<hbm>> -> memref<1x100000xi32, #tpu.memory_space<hbm>>
      %dma_start3A_123 = tpu.memref_squeeze %dma_start3A_122 : memref<1x100000xi32, #tpu.memory_space<hbm>> -> memref<100000xi32, #tpu.memory_space<hbm>>
      tpu.enqueue_dma source(%dma_start3A_123 : memref<100000xi32, #tpu.memory_space<hbm>>) target(%arg7 : memref<100000xi32, #tpu.memory_space<vmem>>) target_semaphore(%run_scoped3A : memref<!tpu.dma_semaphore, #tpu.memory_space<semaphore_mem>>)
      %dma_wait3A_124 = arith.constant 0 : i32
      %dma_wait3A_125 = tpu.memref_slice %arg2[%select_n3A_30, %dma_wait3A_124] : memref<2x100000xi32, #tpu.memory_space<hbm>> -> memref<1x100000xi32, #tpu.memory_space<hbm>>
      %dma_wait3A_126 = tpu.memref_squeeze %dma_wait3A_125 : memref<1x100000xi32, #tpu.memory_space<hbm>> -> memref<100000xi32, #tpu.memory_space<hbm>>
      %dma_wait3A_127 = arith.constant 0 : i32
      %dma_wait3A_128 = tpu.memref_slice %arg2[%select_n3A_30, %dma_wait3A_127] : memref<2x100000xi32, #tpu.memory_space<hbm>> -> memref<1x100000xi32, #tpu.memory_space<hbm>>
      %dma_wait3A_129 = tpu.memref_squeeze %dma_wait3A_128 : memref<1x100000xi32, #tpu.memory_space<hbm>> -> memref<100000xi32, #tpu.memory_space<hbm>>
      tpu.wait_dma2 semaphore(%run_scoped3A : memref<!tpu.dma_semaphore, #tpu.memory_space<semaphore_mem>>) src(%dma_wait3A_129 : memref<100000xi32, #tpu.memory_space<hbm>>) dst(%arg7 : memref<100000xi32, #tpu.memory_space<vmem>>)
      tpu.yield
    }) : () -> ()
    %mul3A_37 = arith.constant 32 : i32
    %mul3A_38 = arith.muli %select_n3A, %mul3A_37 : i32
    %add3A_39 = arith.constant 0 : i32
    %add3A_40 = arith.addi %mul3A_38, %add3A_39 : i32
    %dma_start3A = arith.constant 0 : i32
    %dma_start3A_41 = arith.constant 0 : i32
    %dma_start3A_42 = arith.constant 0 : i32
    %dma_start3A_43 = tpu.memref_slice %arg3[%dma_start3A, %dma_start3A_41, %add3A_40, %dma_start3A_42] : memref<4x16x512x512xi32, #tpu.memory_space<hbm>> -> memref<1x16x1x256xi32, #tpu.memory_space<hbm>>
    %dma_start3A_44 = tpu.memref_squeeze %dma_start3A_43 : memref<1x16x1x256xi32, #tpu.memory_space<hbm>> -> memref<16x256xi32, #tpu.memory_space<hbm>>
    %dma_start3A_45 = arith.constant 0 : i32
    %dma_start3A_46 = arith.constant 0 : i32
    %dma_start3A_47 = tpu.memref_slice %arg3[%dma_start3A, %dma_start3A_45, %add3A_40, %dma_start3A_46] : memref<4x16x512x512xi32, #tpu.memory_space<hbm>> -> memref<1x16x1x256xi32, #tpu.memory_space<hbm>>
    %dma_start3A_48 = tpu.memref_squeeze %dma_start3A_47 : memref<1x16x1x256xi32, #tpu.memory_space<hbm>> -> memref<16x256xi32, #tpu.memory_space<hbm>>
    tpu.enqueue_dma source(%dma_start3A_48 : memref<16x256xi32, #tpu.memory_space<hbm>>) target(%arg8 : memref<16x256xi32, #tpu.memory_space<vmem>>) target_semaphore(%arg16 : memref<!tpu.dma_semaphore, #tpu.memory_space<semaphore_mem>>)
    %dma_start3A_49 = arith.constant 0 : i32
    %dma_start3A_50 = arith.constant 0 : i32
    %dma_start3A_51 = arith.constant 0 : i32
    %dma_start3A_52 = tpu.memref_slice %arg4[%dma_start3A_49, %dma_start3A_50, %add3A_40, %dma_start3A_51] : memref<4x16x512x512xf32, #tpu.memory_space<hbm>> -> memref<1x16x1x256xf32, #tpu.memory_space<hbm>>
    %dma_start3A_53 = tpu.memref_squeeze %dma_start3A_52 : memref<1x16x1x256xf32, #tpu.memory_space<hbm>> -> memref<16x256xf32, #tpu.memory_space<hbm>>
    %dma_start3A_54 = arith.constant 0 : i32
    %dma_start3A_55 = arith.constant 0 : i32
    %dma_start3A_56 = tpu.memref_slice %arg4[%dma_start3A_49, %dma_start3A_54, %add3A_40, %dma_start3A_55] : memref<4x16x512x512xf32, #tpu.memory_space<hbm>> -> memref<1x16x1x256xf32, #tpu.memory_space<hbm>>
    %dma_start3A_57 = tpu.memref_squeeze %dma_start3A_56 : memref<1x16x1x256xf32, #tpu.memory_space<hbm>> -> memref<16x256xf32, #tpu.memory_space<hbm>>
    tpu.enqueue_dma source(%dma_start3A_57 : memref<16x256xf32, #tpu.memory_space<hbm>>) target(%arg10 : memref<16x256xf32, #tpu.memory_space<vmem>>) target_semaphore(%arg16 : memref<!tpu.dma_semaphore, #tpu.memory_space<semaphore_mem>>)
    %dma_start3A_58 = arith.constant 0 : i32
    %dma_start3A_59 = tpu.memref_slice %arg5[%select_n3A_30, %add3A_40, %dma_start3A_58] : memref<3x512x512xf32, #tpu.memory_space<hbm>> -> memref<2x1x256xf32, #tpu.memory_space<hbm>>
    %dma_start3A_60 = tpu.memref_squeeze %dma_start3A_59 : memref<2x1x256xf32, #tpu.memory_space<hbm>> -> memref<2x256xf32, #tpu.memory_space<hbm>>
    %dma_start3A_61 = arith.constant 0 : i32
    %dma_start3A_62 = tpu.memref_slice %arg5[%select_n3A_30, %add3A_40, %dma_start3A_61] : memref<3x512x512xf32, #tpu.memory_space<hbm>> -> memref<2x1x256xf32, #tpu.memory_space<hbm>>
    %dma_start3A_63 = tpu.memref_squeeze %dma_start3A_62 : memref<2x1x256xf32, #tpu.memory_space<hbm>> -> memref<2x256xf32, #tpu.memory_space<hbm>>
    tpu.enqueue_dma source(%dma_start3A_63 : memref<2x256xf32, #tpu.memory_space<hbm>>) target(%arg12 : memref<2x256xf32, #tpu.memory_space<vmem>>) target_semaphore(%arg16 : memref<!tpu.dma_semaphore, #tpu.memory_space<semaphore_mem>>)
    %mul3A_64 = arith.constant 32 : i32
    %mul3A_65 = arith.muli %select_n3A, %mul3A_64 : i32
    %add3A_66 = arith.constant 0 : i32
    %add3A_67 = arith.addi %mul3A_65, %add3A_66 : i32
    %dma_start3A_68 = arith.constant 0 : i32
    %dma_start3A_69 = arith.constant 0 : i32
    %dma_start3A_70 = arith.constant 256 : i32
    %dma_start3A_71 = tpu.memref_slice %arg3[%dma_start3A_68, %dma_start3A_69, %add3A_67, %dma_start3A_70] : memref<4x16x512x512xi32, #tpu.memory_space<hbm>> -> memref<1x16x1x256xi32, #tpu.memory_space<hbm>>
    %dma_start3A_72 = tpu.memref_squeeze %dma_start3A_71 : memref<1x16x1x256xi32, #tpu.memory_space<hbm>> -> memref<16x256xi32, #tpu.memory_space<hbm>>
    %dma_start3A_73 = arith.constant 0 : i32
    %dma_start3A_74 = arith.constant 256 : i32
    %dma_start3A_75 = tpu.memref_slice %arg3[%dma_start3A_68, %dma_start3A_73, %add3A_67, %dma_start3A_74] : memref<4x16x512x512xi32, #tpu.memory_space<hbm>> -> memref<1x16x1x256xi32, #tpu.memory_space<hbm>>
    %dma_start3A_76 = tpu.memref_squeeze %dma_start3A_75 : memref<1x16x1x256xi32, #tpu.memory_space<hbm>> -> memref<16x256xi32, #tpu.memory_space<hbm>>
    tpu.enqueue_dma source(%dma_start3A_76 : memref<16x256xi32, #tpu.memory_space<hbm>>) target(%arg9 : memref<16x256xi32, #tpu.memory_space<vmem>>) target_semaphore(%arg17 : memref<!tpu.dma_semaphore, #tpu.memory_space<semaphore_mem>>)
    %dma_start3A_77 = arith.constant 0 : i32
    %dma_start3A_78 = arith.constant 0 : i32
    %dma_start3A_79 = arith.constant 256 : i32
    %dma_start3A_80 = tpu.memref_slice %arg4[%dma_start3A_77, %dma_start3A_78, %add3A_67, %dma_start3A_79] : memref<4x16x512x512xf32, #tpu.memory_space<hbm>> -> memref<1x16x1x256xf32, #tpu.memory_space<hbm>>
    %dma_start3A_81 = tpu.memref_squeeze %dma_start3A_80 : memref<1x16x1x256xf32, #tpu.memory_space<hbm>> -> memref<16x256xf32, #tpu.memory_space<hbm>>
    %dma_start3A_82 = arith.constant 0 : i32
    %dma_start3A_83 = arith.constant 256 : i32
    %dma_start3A_84 = tpu.memref_slice %arg4[%dma_start3A_77, %dma_start3A_82, %add3A_67, %dma_start3A_83] : memref<4x16x512x512xf32, #tpu.memory_space<hbm>> -> memref<1x16x1x256xf32, #tpu.memory_space<hbm>>
    %dma_start3A_85 = tpu.memref_squeeze %dma_start3A_84 : memref<1x16x1x256xf32, #tpu.memory_space<hbm>> -> memref<16x256xf32, #tpu.memory_space<hbm>>
    tpu.enqueue_dma source(%dma_start3A_85 : memref<16x256xf32, #tpu.memory_space<hbm>>) target(%arg11 : memref<16x256xf32, #tpu.memory_space<vmem>>) target_semaphore(%arg17 : memref<!tpu.dma_semaphore, #tpu.memory_space<semaphore_mem>>)
    %dma_start3A_86 = arith.constant 256 : i32
    %dma_start3A_87 = tpu.memref_slice %arg5[%select_n3A_30, %add3A_67, %dma_start3A_86] : memref<3x512x512xf32, #tpu.memory_space<hbm>> -> memref<2x1x256xf32, #tpu.memory_space<hbm>>
    %dma_start3A_88 = tpu.memref_squeeze %dma_start3A_87 : memref<2x1x256xf32, #tpu.memory_space<hbm>> -> memref<2x256xf32, #tpu.memory_space<hbm>>
    %dma_start3A_89 = arith.constant 256 : i32
    %dma_start3A_90 = tpu.memref_slice %arg5[%select_n3A_30, %add3A_67, %dma_start3A_89] : memref<3x512x512xf32, #tpu.memory_space<hbm>> -> memref<2x1x256xf32, #tpu.memory_space<hbm>>
    %dma_start3A_91 = tpu.memref_squeeze %dma_start3A_90 : memref<2x1x256xf32, #tpu.memory_space<hbm>> -> memref<2x256xf32, #tpu.memory_space<hbm>>
    tpu.enqueue_dma source(%dma_start3A_91 : memref<2x256xf32, #tpu.memory_space<hbm>>) target(%arg13 : memref<2x256xf32, #tpu.memory_space<vmem>>) target_semaphore(%arg17 : memref<!tpu.dma_semaphore, #tpu.memory_space<semaphore_mem>>)
    %scan3A = arith.constant 0 : i32
    %scan3A_92 = arith.constant 0 : i32
    %scan3A_93 = arith.constant 128 : i32
    %scan3A_94 = arith.addi %scan3A_92, %scan3A_93 : i32
    %scan3A_95 = arith.constant 1 : i32
    scf.for %scan3A_118 = %scan3A_92 to %scan3A_94 step %scan3A_95  : i32 {
      %mul3A_119 = arith.constant 2 : i32
      %mul3A_120 = arith.muli %mul3A_119, %scan3A_118 : i32
      %add3A_121 = arith.constant 0 : i32
      %add3A_122 = arith.addi %mul3A_120, %add3A_121 : i32
      %jit3A_123 = arith.constant 64 : i32
      %div3A_124 = arith.divsi %add3A_122, %jit3A_123 : i32
      %sign3A_125 = arith.constant 0 : i32
      %sign3A_126 = arith.cmpi sgt, %add3A_122, %sign3A_125 : i32
      %sign3A_127 = arith.extui %sign3A_126 : i1 to i32
      %sign3A_128 = arith.constant 0 : i32
      %sign3A_129 = arith.cmpi slt, %add3A_122, %sign3A_128 : i32
      %sign3A_130 = arith.extui %sign3A_129 : i1 to i32
      %sign3A_131 = arith.subi %sign3A_127, %sign3A_130 : i32
      %sign3A_132 = arith.constant 0 : i32
      %sign3A_133 = arith.cmpi sgt, %jit3A_123, %sign3A_132 : i32
      %sign3A_134 = arith.extui %sign3A_133 : i1 to i32
      %sign3A_135 = arith.constant 0 : i32
      %sign3A_136 = arith.cmpi slt, %jit3A_123, %sign3A_135 : i32
      %sign3A_137 = arith.extui %sign3A_136 : i1 to i32
      %sign3A_138 = arith.subi %sign3A_134, %sign3A_137 : i32
      %ne3A_139 = arith.cmpi ne, %sign3A_131, %sign3A_138 : i32
      %rem3A_140 = arith.remsi %add3A_122, %jit3A_123 : i32
      %ne3A_141 = arith.constant 0 : i32
      %ne3A_142 = arith.cmpi ne, %rem3A_140, %ne3A_141 : i32
      %and3A_143 = arith.andi %ne3A_139, %ne3A_142 : i1
      %sub3A_144 = arith.constant 1 : i32
      %sub3A_145 = arith.subi %div3A_124, %sub3A_144 : i32
      %select_n3A_146 = arith.select %and3A_143, %sub3A_145, %div3A_124 : i32
      %jit3A_147 = arith.constant 64 : i32
      %eq3A_148 = arith.constant 0 : i32
      %eq3A_149 = arith.cmpi eq, %jit3A_147, %eq3A_148 : i32
      %jit3A_150 = arith.constant 1 : i32
      %select_n3A_151 = arith.select %eq3A_149, %jit3A_150, %jit3A_147 : i32
      %rem3A_152 = arith.remsi %add3A_122, %select_n3A_151 : i32
      %ne3A_153 = arith.constant 0 : i32
      %ne3A_154 = arith.cmpi ne, %rem3A_152, %ne3A_153 : i32
      %lt3A_155 = arith.constant 0 : i32
      %lt3A_156 = arith.cmpi slt, %rem3A_152, %lt3A_155 : i32
      %lt3A_157 = arith.constant 0 : i32
      %lt3A_158 = arith.cmpi slt, %select_n3A_151, %lt3A_157 : i32
      %ne3A_159 = arith.xori %lt3A_156, %lt3A_158 : i1
      %and3A_160 = arith.andi %ne3A_159, %ne3A_154 : i1
      %add3A_161 = arith.addi %rem3A_152, %select_n3A_151 : i32
      %select_n3A_162 = arith.select %and3A_160, %add3A_161, %rem3A_152 : i32
      %mul3A_163 = arith.constant 32 : i32
      %mul3A_164 = arith.muli %select_n3A, %mul3A_163 : i32
      %jit3A_165 = arith.constant 2 : i32
      %div3A_166 = arith.divsi %select_n3A_162, %jit3A_165 : i32
      %sign3A_167 = arith.constant 0 : i32
      %sign3A_168 = arith.cmpi sgt, %select_n3A_162, %sign3A_167 : i32
      %sign3A_169 = arith.extui %sign3A_168 : i1 to i32
      %sign3A_170 = arith.constant 0 : i32
      %sign3A_171 = arith.cmpi slt, %select_n3A_162, %sign3A_170 : i32
      %sign3A_172 = arith.extui %sign3A_171 : i1 to i32
      %sign3A_173 = arith.subi %sign3A_169, %sign3A_172 : i32
      %sign3A_174 = arith.constant 0 : i32
      %sign3A_175 = arith.cmpi sgt, %jit3A_165, %sign3A_174 : i32
      %sign3A_176 = arith.extui %sign3A_175 : i1 to i32
      %sign3A_177 = arith.constant 0 : i32
      %sign3A_178 = arith.cmpi slt, %jit3A_165, %sign3A_177 : i32
      %sign3A_179 = arith.extui %sign3A_178 : i1 to i32
      %sign3A_180 = arith.subi %sign3A_176, %sign3A_179 : i32
      %ne3A_181 = arith.cmpi ne, %sign3A_173, %sign3A_180 : i32
      %rem3A_182 = arith.remsi %select_n3A_162, %jit3A_165 : i32
      %ne3A_183 = arith.constant 0 : i32
      %ne3A_184 = arith.cmpi ne, %rem3A_182, %ne3A_183 : i32
      %and3A_185 = arith.andi %ne3A_181, %ne3A_184 : i1
      %sub3A_186 = arith.constant 1 : i32
      %sub3A_187 = arith.subi %div3A_166, %sub3A_186 : i32
      %select_n3A_188 = arith.select %and3A_185, %sub3A_187, %div3A_166 : i32
      %add3A_189 = arith.addi %mul3A_164, %select_n3A_188 : i32
      %jit3A_190 = arith.constant 2 : i32
      %eq3A_191 = arith.constant 0 : i32
      %eq3A_192 = arith.cmpi eq, %jit3A_190, %eq3A_191 : i32
      %jit3A_193 = arith.constant 1 : i32
      %select_n3A_194 = arith.select %eq3A_192, %jit3A_193, %jit3A_190 : i32
      %rem3A_195 = arith.remsi %select_n3A_162, %select_n3A_194 : i32
      %ne3A_196 = arith.constant 0 : i32
      %ne3A_197 = arith.cmpi ne, %rem3A_195, %ne3A_196 : i32
      %lt3A_198 = arith.constant 0 : i32
      %lt3A_199 = arith.cmpi slt, %rem3A_195, %lt3A_198 : i32
      %lt3A_200 = arith.constant 0 : i32
      %lt3A_201 = arith.cmpi slt, %select_n3A_194, %lt3A_200 : i32
      %ne3A_202 = arith.xori %lt3A_199, %lt3A_201 : i1
      %and3A_203 = arith.andi %ne3A_202, %ne3A_197 : i1
      %add3A_204 = arith.addi %rem3A_195, %select_n3A_194 : i32
      %select_n3A_205 = arith.select %and3A_203, %add3A_204, %rem3A_195 : i32
      %mul3A_206 = arith.constant 256 : i32
      %mul3A_207 = arith.muli %select_n3A_205, %mul3A_206 : i32
      %dma_wait3A_208 = arith.constant 0 : i32
      %dma_wait3A_209 = tpu.memref_slice %arg3[%select_n3A_146, %dma_wait3A_208, %add3A_189, %mul3A_207] : memref<4x16x512x512xi32, #tpu.memory_space<hbm>> -> memref<1x16x1x256xi32, #tpu.memory_space<hbm>>
      %dma_wait3A_210 = tpu.memref_squeeze %dma_wait3A_209 : memref<1x16x1x256xi32, #tpu.memory_space<hbm>> -> memref<16x256xi32, #tpu.memory_space<hbm>>
      %dma_wait3A_211 = arith.constant 0 : i32
      %dma_wait3A_212 = tpu.memref_slice %arg3[%select_n3A_146, %dma_wait3A_211, %add3A_189, %mul3A_207] : memref<4x16x512x512xi32, #tpu.memory_space<hbm>> -> memref<1x16x1x256xi32, #tpu.memory_space<hbm>>
      %dma_wait3A_213 = tpu.memref_squeeze %dma_wait3A_212 : memref<1x16x1x256xi32, #tpu.memory_space<hbm>> -> memref<16x256xi32, #tpu.memory_space<hbm>>
      tpu.wait_dma2 semaphore(%arg16 : memref<!tpu.dma_semaphore, #tpu.memory_space<semaphore_mem>>) src(%dma_wait3A_213 : memref<16x256xi32, #tpu.memory_space<hbm>>) dst(%arg8 : memref<16x256xi32, #tpu.memory_space<vmem>>)
      %dma_wait3A_214 = arith.constant 0 : i32
      %dma_wait3A_215 = tpu.memref_slice %arg4[%select_n3A_146, %dma_wait3A_214, %add3A_189, %mul3A_207] : memref<4x16x512x512xf32, #tpu.memory_space<hbm>> -> memref<1x16x1x256xf32, #tpu.memory_space<hbm>>
      %dma_wait3A_216 = tpu.memref_squeeze %dma_wait3A_215 : memref<1x16x1x256xf32, #tpu.memory_space<hbm>> -> memref<16x256xf32, #tpu.memory_space<hbm>>
      %dma_wait3A_217 = arith.constant 0 : i32
      %dma_wait3A_218 = tpu.memref_slice %arg4[%select_n3A_146, %dma_wait3A_217, %add3A_189, %mul3A_207] : memref<4x16x512x512xf32, #tpu.memory_space<hbm>> -> memref<1x16x1x256xf32, #tpu.memory_space<hbm>>
      %dma_wait3A_219 = tpu.memref_squeeze %dma_wait3A_218 : memref<1x16x1x256xf32, #tpu.memory_space<hbm>> -> memref<16x256xf32, #tpu.memory_space<hbm>>
      tpu.wait_dma2 semaphore(%arg16 : memref<!tpu.dma_semaphore, #tpu.memory_space<semaphore_mem>>) src(%dma_wait3A_219 : memref<16x256xf32, #tpu.memory_space<hbm>>) dst(%arg10 : memref<16x256xf32, #tpu.memory_space<vmem>>)
      %dma_wait3A_220 = tpu.memref_slice %arg5[%select_n3A_30, %add3A_189, %mul3A_207] : memref<3x512x512xf32, #tpu.memory_space<hbm>> -> memref<2x1x256xf32, #tpu.memory_space<hbm>>
      %dma_wait3A_221 = tpu.memref_squeeze %dma_wait3A_220 : memref<2x1x256xf32, #tpu.memory_space<hbm>> -> memref<2x256xf32, #tpu.memory_space<hbm>>
      %dma_wait3A_222 = tpu.memref_slice %arg5[%select_n3A_30, %add3A_189, %mul3A_207] : memref<3x512x512xf32, #tpu.memory_space<hbm>> -> memref<2x1x256xf32, #tpu.memory_space<hbm>>
      %dma_wait3A_223 = tpu.memref_squeeze %dma_wait3A_222 : memref<2x1x256xf32, #tpu.memory_space<hbm>> -> memref<2x256xf32, #tpu.memory_space<hbm>>
      tpu.wait_dma2 semaphore(%arg16 : memref<!tpu.dma_semaphore, #tpu.memory_space<semaphore_mem>>) src(%dma_wait3A_223 : memref<2x256xf32, #tpu.memory_space<hbm>>) dst(%arg12 : memref<2x256xf32, #tpu.memory_space<vmem>>)
      %gt3A = arith.constant 0 : i32
      %gt3A_224 = arith.cmpi sgt, %scan3A_118, %gt3A : i32
      %convert_element_type3A = arith.extui %gt3A_224 : i1 to i32
      %cond3A = arith.constant 0 : i32
      %cond3A_225 = arith.cmpi ne, %convert_element_type3A, %cond3A : i32
      scf.if %cond3A_225 {
        %jit3A_529 = arith.constant 64 : i32
        %div3A_530 = arith.divsi %add3A_122, %jit3A_529 : i32
        %sign3A_531 = arith.constant 0 : i32
        %sign3A_532 = arith.cmpi sgt, %add3A_122, %sign3A_531 : i32
        %sign3A_533 = arith.extui %sign3A_532 : i1 to i32
        %sign3A_534 = arith.constant 0 : i32
        %sign3A_535 = arith.cmpi slt, %add3A_122, %sign3A_534 : i32
        %sign3A_536 = arith.extui %sign3A_535 : i1 to i32
        %sign3A_537 = arith.subi %sign3A_533, %sign3A_536 : i32
        %sign3A_538 = arith.constant 0 : i32
        %sign3A_539 = arith.cmpi sgt, %jit3A_529, %sign3A_538 : i32
        %sign3A_540 = arith.extui %sign3A_539 : i1 to i32
        %sign3A_541 = arith.constant 0 : i32
        %sign3A_542 = arith.cmpi slt, %jit3A_529, %sign3A_541 : i32
        %sign3A_543 = arith.extui %sign3A_542 : i1 to i32
        %sign3A_544 = arith.subi %sign3A_540, %sign3A_543 : i32
        %ne3A_545 = arith.cmpi ne, %sign3A_537, %sign3A_544 : i32
        %rem3A_546 = arith.remsi %add3A_122, %jit3A_529 : i32
        %ne3A_547 = arith.constant 0 : i32
        %ne3A_548 = arith.cmpi ne, %rem3A_546, %ne3A_547 : i32
        %and3A_549 = arith.andi %ne3A_545, %ne3A_548 : i1
        %sub3A_550 = arith.constant 1 : i32
        %sub3A_551 = arith.subi %div3A_530, %sub3A_550 : i32
        %select_n3A_552 = arith.select %and3A_549, %sub3A_551, %div3A_530 : i32
        %jit3A_553 = arith.constant 64 : i32
        %eq3A_554 = arith.constant 0 : i32
        %eq3A_555 = arith.cmpi eq, %jit3A_553, %eq3A_554 : i32
        %jit3A_556 = arith.constant 1 : i32
        %select_n3A_557 = arith.select %eq3A_555, %jit3A_556, %jit3A_553 : i32
        %rem3A_558 = arith.remsi %add3A_122, %select_n3A_557 : i32
        %ne3A_559 = arith.constant 0 : i32
        %ne3A_560 = arith.cmpi ne, %rem3A_558, %ne3A_559 : i32
        %lt3A_561 = arith.constant 0 : i32
        %lt3A_562 = arith.cmpi slt, %rem3A_558, %lt3A_561 : i32
        %lt3A_563 = arith.constant 0 : i32
        %lt3A_564 = arith.cmpi slt, %select_n3A_557, %lt3A_563 : i32
        %ne3A_565 = arith.xori %lt3A_562, %lt3A_564 : i1
        %and3A_566 = arith.andi %ne3A_565, %ne3A_560 : i1
        %add3A_567 = arith.addi %rem3A_558, %select_n3A_557 : i32
        %select_n3A_568 = arith.select %and3A_566, %add3A_567, %rem3A_558 : i32
        %mul3A_569 = arith.constant 32 : i32
        %mul3A_570 = arith.muli %select_n3A, %mul3A_569 : i32
        %jit3A_571 = arith.constant 2 : i32
        %div3A_572 = arith.divsi %select_n3A_568, %jit3A_571 : i32
        %sign3A_573 = arith.constant 0 : i32
        %sign3A_574 = arith.cmpi sgt, %select_n3A_568, %sign3A_573 : i32
        %sign3A_575 = arith.extui %sign3A_574 : i1 to i32
        %sign3A_576 = arith.constant 0 : i32
        %sign3A_577 = arith.cmpi slt, %select_n3A_568, %sign3A_576 : i32
        %sign3A_578 = arith.extui %sign3A_577 : i1 to i32
        %sign3A_579 = arith.subi %sign3A_575, %sign3A_578 : i32
        %sign3A_580 = arith.constant 0 : i32
        %sign3A_581 = arith.cmpi sgt, %jit3A_571, %sign3A_580 : i32
        %sign3A_582 = arith.extui %sign3A_581 : i1 to i32
        %sign3A_583 = arith.constant 0 : i32
        %sign3A_584 = arith.cmpi slt, %jit3A_571, %sign3A_583 : i32
        %sign3A_585 = arith.extui %sign3A_584 : i1 to i32
        %sign3A_586 = arith.subi %sign3A_582, %sign3A_585 : i32
        %ne3A_587 = arith.cmpi ne, %sign3A_579, %sign3A_586 : i32
        %rem3A_588 = arith.remsi %select_n3A_568, %jit3A_571 : i32
        %ne3A_589 = arith.constant 0 : i32
        %ne3A_590 = arith.cmpi ne, %rem3A_588, %ne3A_589 : i32
        %and3A_591 = arith.andi %ne3A_587, %ne3A_590 : i1
        %sub3A_592 = arith.constant 1 : i32
        %sub3A_593 = arith.subi %div3A_572, %sub3A_592 : i32
        %select_n3A_594 = arith.select %and3A_591, %sub3A_593, %div3A_572 : i32
        %add3A_595 = arith.addi %mul3A_570, %select_n3A_594 : i32
        %jit3A_596 = arith.constant 2 : i32
        %eq3A_597 = arith.constant 0 : i32
        %eq3A_598 = arith.cmpi eq, %jit3A_596, %eq3A_597 : i32
        %jit3A_599 = arith.constant 1 : i32
        %select_n3A_600 = arith.select %eq3A_598, %jit3A_599, %jit3A_596 : i32
        %rem3A_601 = arith.remsi %select_n3A_568, %select_n3A_600 : i32
        %ne3A_602 = arith.constant 0 : i32
        %ne3A_603 = arith.cmpi ne, %rem3A_601, %ne3A_602 : i32
        %lt3A_604 = arith.constant 0 : i32
        %lt3A_605 = arith.cmpi slt, %rem3A_601, %lt3A_604 : i32
        %lt3A_606 = arith.constant 0 : i32
        %lt3A_607 = arith.cmpi slt, %select_n3A_600, %lt3A_606 : i32
        %ne3A_608 = arith.xori %lt3A_605, %lt3A_607 : i1
        %and3A_609 = arith.andi %ne3A_608, %ne3A_603 : i1
        %add3A_610 = arith.addi %rem3A_601, %select_n3A_600 : i32
        %select_n3A_611 = arith.select %and3A_609, %add3A_610, %rem3A_601 : i32
        %mul3A_612 = arith.constant 256 : i32
        %mul3A_613 = arith.muli %select_n3A_611, %mul3A_612 : i32
        %dma_wait3A_614 = tpu.memref_slice %arg6[%select_n3A_552, %mul3A_32, %add3A_595, %mul3A_613] : memref<4x4x512x512xf32, #tpu.memory_space<hbm>> -> memref<1x2x1x256xf32, #tpu.memory_space<hbm>>
        %dma_wait3A_615 = tpu.memref_squeeze %dma_wait3A_614 : memref<1x2x1x256xf32, #tpu.memory_space<hbm>> -> memref<2x256xf32, #tpu.memory_space<hbm>>
        %dma_wait3A_616 = tpu.memref_slice %arg6[%select_n3A_552, %mul3A_32, %add3A_595, %mul3A_613] : memref<4x4x512x512xf32, #tpu.memory_space<hbm>> -> memref<1x2x1x256xf32, #tpu.memory_space<hbm>>
        %dma_wait3A_617 = tpu.memref_squeeze %dma_wait3A_616 : memref<1x2x1x256xf32, #tpu.memory_space<hbm>> -> memref<2x256xf32, #tpu.memory_space<hbm>>
        tpu.wait_dma2 semaphore(%arg18 : memref<!tpu.dma_semaphore, #tpu.memory_space<semaphore_mem>>) src(%arg14 : memref<2x256xf32, #tpu.memory_space<vmem>>) dst(%dma_wait3A_617 : memref<2x256xf32, #tpu.memory_space<hbm>>)
      } else {
      }
      %parallel_loop3A = arith.constant 0 : i32
      %parallel_loop3A_226 = arith.constant 16 : i32
      %parallel_loop3A_227 = arith.constant 1 : i32
      scf.for %parallel_loop3A_529 = %parallel_loop3A to %parallel_loop3A_226 step %parallel_loop3A_227  : i32 {
        %parallel_loop3A_530 = arith.constant 16 : i32
        %parallel_loop3A_531 = arith.muli %parallel_loop3A_529, %parallel_loop3A_530 : i32
        %parallel_loop3A_532 = arith.constant 0 : i32
        %parallel_loop3A_533 = arith.index_cast %parallel_loop3A_532 : i32 to index
        %parallel_loop3A_534 = arith.index_cast %parallel_loop3A_531 : i32 to index
        %parallel_loop3A_535 = tpu.vector_load %arg8[%parallel_loop3A_533, %parallel_loop3A_534] {strides = array<i32>} : memref<16x256xi32, #tpu.memory_space<vmem>>, vector<16xi32>,
        %parallel_loop3A_536 = arith.constant 0 : i32
        %parallel_loop3A_537 = arith.index_cast %parallel_loop3A_536 : i32 to index
        %parallel_loop3A_538 = arith.index_cast %parallel_loop3A_531 : i32 to index
        %parallel_loop3A_539 = tpu.vector_load %arg10[%parallel_loop3A_537, %parallel_loop3A_538] {strides = array<i32>} : memref<16x256xf32, #tpu.memory_space<vmem>>, vector<16xf32>,
        %parallel_loop3A_540 = arith.constant 0 : i32
        %parallel_loop3A_541 = vector.broadcast %parallel_loop3A_540 : i32 to vector<16xi32>
        %parallel_loop3A_542 = arith.cmpi sge, %parallel_loop3A_535, %parallel_loop3A_541 : vector<16xi32>
        %parallel_loop3A_543 = arith.constant 0.000000e+00 : f32
        %parallel_loop3A_544 = vector.broadcast %parallel_loop3A_543 : f32 to vector<16xf32>
        %parallel_loop3A_545 = arith.select %parallel_loop3A_542, %parallel_loop3A_539, %parallel_loop3A_544 : vector<16xi1>, vector<16xf32>
        %parallel_loop3A_546 = arith.constant 1.000000e+00 : f32
        %parallel_loop3A_547 = vector.broadcast %parallel_loop3A_546 : f32 to vector<16xf32>
        %parallel_loop3A_548 = arith.subf %parallel_loop3A_547, %parallel_loop3A_545 : vector<16xf32>
        %parallel_loop3A_549 = arith.constant 0 : i32
        %parallel_loop3A_550 = vector.broadcast %parallel_loop3A_549 : i32 to vector<16xi32>
        %parallel_loop3A_551 = arith.maxsi %parallel_loop3A_535, %parallel_loop3A_550 : vector<16xi32>
        %parallel_loop3A_552 = tpu.vector_load_idx %arg7[%parallel_loop3A_551] : memref<100000xi32, #tpu.memory_space<vmem>>[vector<16xi32>], vector<16xi32>,
        %parallel_loop3A_553 = arith.constant 16 : i32
        %parallel_loop3A_554 = vector.broadcast %parallel_loop3A_553 : i32 to vector<16xi32>
        %parallel_loop3A_555 = arith.shli %parallel_loop3A_552, %parallel_loop3A_554 : vector<16xi32>
        %parallel_loop3A_556 = vector.bitcast %parallel_loop3A_555 : vector<16xi32> to vector<16xf32>
        %parallel_loop3A_557 = vector.bitcast %parallel_loop3A_552 : vector<16xi32> to vector<16xf32>
        %parallel_loop3A_558 = arith.mulf %parallel_loop3A_545, %parallel_loop3A_556 : vector<16xf32>
        %parallel_loop3A_559 = arith.mulf %parallel_loop3A_545, %parallel_loop3A_557 : vector<16xf32>
        %parallel_loop3A_560 = arith.constant 1 : i32
        %parallel_loop3A_561 = arith.index_cast %parallel_loop3A_560 : i32 to index
        %parallel_loop3A_562 = arith.index_cast %parallel_loop3A_531 : i32 to index
        %parallel_loop3A_563 = tpu.vector_load %arg8[%parallel_loop3A_561, %parallel_loop3A_562] {strides = array<i32>} : memref<16x256xi32, #tpu.memory_space<vmem>>, vector<16xi32>,
        %parallel_loop3A_564 = arith.constant 1 : i32
        %parallel_loop3A_565 = arith.index_cast %parallel_loop3A_564 : i32 to index
        %parallel_loop3A_566 = arith.index_cast %parallel_loop3A_531 : i32 to index
        %parallel_loop3A_567 = tpu.vector_load %arg10[%parallel_loop3A_565, %parallel_loop3A_566] {strides = array<i32>} : memref<16x256xf32, #tpu.memory_space<vmem>>, vector<16xf32>,
        %parallel_loop3A_568 = arith.constant 0 : i32
        %parallel_loop3A_569 = vector.broadcast %parallel_loop3A_568 : i32 to vector<16xi32>
        %parallel_loop3A_570 = arith.cmpi sge, %parallel_loop3A_563, %parallel_loop3A_569 : vector<16xi32>
        %parallel_loop3A_571 = arith.constant 0.000000e+00 : f32
        %parallel_loop3A_572 = vector.broadcast %parallel_loop3A_571 : f32 to vector<16xf32>
        %parallel_loop3A_573 = arith.select %parallel_loop3A_570, %parallel_loop3A_567, %parallel_loop3A_572 : vector<16xi1>, vector<16xf32>
        %parallel_loop3A_574 = arith.mulf %parallel_loop3A_573, %parallel_loop3A_548 : vector<16xf32>
        %parallel_loop3A_575 = arith.subf %parallel_loop3A_548, %parallel_loop3A_574 : vector<16xf32>
        %parallel_loop3A_576 = arith.constant 0 : i32
        %parallel_loop3A_577 = vector.broadcast %parallel_loop3A_576 : i32 to vector<16xi32>
        %parallel_loop3A_578 = arith.maxsi %parallel_loop3A_563, %parallel_loop3A_577 : vector<16xi32>
        %parallel_loop3A_579 = tpu.vector_load_idx %arg7[%parallel_loop3A_578] : memref<100000xi32, #tpu.memory_space<vmem>>[vector<16xi32>], vector<16xi32>,
        %parallel_loop3A_580 = arith.constant 16 : i32
        %parallel_loop3A_581 = vector.broadcast %parallel_loop3A_580 : i32 to vector<16xi32>
        %parallel_loop3A_582 = arith.shli %parallel_loop3A_579, %parallel_loop3A_581 : vector<16xi32>
        %parallel_loop3A_583 = vector.bitcast %parallel_loop3A_582 : vector<16xi32> to vector<16xf32>
        %parallel_loop3A_584 = vector.bitcast %parallel_loop3A_579 : vector<16xi32> to vector<16xf32>
        %parallel_loop3A_585 = arith.mulf %parallel_loop3A_574, %parallel_loop3A_583 : vector<16xf32>
        %parallel_loop3A_586 = arith.addf %parallel_loop3A_558, %parallel_loop3A_585 : vector<16xf32>
        %parallel_loop3A_587 = arith.mulf %parallel_loop3A_574, %parallel_loop3A_584 : vector<16xf32>
        %parallel_loop3A_588 = arith.addf %parallel_loop3A_559, %parallel_loop3A_587 : vector<16xf32>
        %parallel_loop3A_589 = arith.constant 2 : i32
        %parallel_loop3A_590 = arith.index_cast %parallel_loop3A_589 : i32 to index
        %parallel_loop3A_591 = arith.index_cast %parallel_loop3A_531 : i32 to index
        %parallel_loop3A_592 = tpu.vector_load %arg8[%parallel_loop3A_590, %parallel_loop3A_591] {strides = array<i32>} : memref<16x256xi32, #tpu.memory_space<vmem>>, vector<16xi32>,
        %parallel_loop3A_593 = arith.constant 2 : i32
        %parallel_loop3A_594 = arith.index_cast %parallel_loop3A_593 : i32 to index
        %parallel_loop3A_595 = arith.index_cast %parallel_loop3A_531 : i32 to index
        %parallel_loop3A_596 = tpu.vector_load %arg10[%parallel_loop3A_594, %parallel_loop3A_595] {strides = array<i32>} : memref<16x256xf32, #tpu.memory_space<vmem>>, vector<16xf32>,
        %parallel_loop3A_597 = arith.constant 0 : i32
        %parallel_loop3A_598 = vector.broadcast %parallel_loop3A_597 : i32 to vector<16xi32>
        %parallel_loop3A_599 = arith.cmpi sge, %parallel_loop3A_592, %parallel_loop3A_598 : vector<16xi32>
        %parallel_loop3A_600 = arith.constant 0.000000e+00 : f32
        %parallel_loop3A_601 = vector.broadcast %parallel_loop3A_600 : f32 to vector<16xf32>
        %parallel_loop3A_602 = arith.select %parallel_loop3A_599, %parallel_loop3A_596, %parallel_loop3A_601 : vector<16xi1>, vector<16xf32>
        %parallel_loop3A_603 = arith.mulf %parallel_loop3A_602, %parallel_loop3A_575 : vector<16xf32>
        %parallel_loop3A_604 = arith.subf %parallel_loop3A_575, %parallel_loop3A_603 : vector<16xf32>
        %parallel_loop3A_605 = arith.constant 0 : i32
        %parallel_loop3A_606 = vector.broadcast %parallel_loop3A_605 : i32 to vector<16xi32>
        %parallel_loop3A_607 = arith.maxsi %parallel_loop3A_592, %parallel_loop3A_606 : vector<16xi32>
        %parallel_loop3A_608 = tpu.vector_load_idx %arg7[%parallel_loop3A_607] : memref<100000xi32, #tpu.memory_space<vmem>>[vector<16xi32>], vector<16xi32>,
        %parallel_loop3A_609 = arith.constant 16 : i32
        %parallel_loop3A_610 = vector.broadcast %parallel_loop3A_609 : i32 to vector<16xi32>
        %parallel_loop3A_611 = arith.shli %parallel_loop3A_608, %parallel_loop3A_610 : vector<16xi32>
        %parallel_loop3A_612 = vector.bitcast %parallel_loop3A_611 : vector<16xi32> to vector<16xf32>
        %parallel_loop3A_613 = vector.bitcast %parallel_loop3A_608 : vector<16xi32> to vector<16xf32>
        %parallel_loop3A_614 = arith.mulf %parallel_loop3A_603, %parallel_loop3A_612 : vector<16xf32>
        %parallel_loop3A_615 = arith.addf %parallel_loop3A_586, %parallel_loop3A_614 : vector<16xf32>
        %parallel_loop3A_616 = arith.mulf %parallel_loop3A_603, %parallel_loop3A_613 : vector<16xf32>
        %parallel_loop3A_617 = arith.addf %parallel_loop3A_588, %parallel_loop3A_616 : vector<16xf32>
        %parallel_loop3A_618 = arith.constant 3 : i32
        %parallel_loop3A_619 = arith.index_cast %parallel_loop3A_618 : i32 to index
        %parallel_loop3A_620 = arith.index_cast %parallel_loop3A_531 : i32 to index
        %parallel_loop3A_621 = tpu.vector_load %arg8[%parallel_loop3A_619, %parallel_loop3A_620] {strides = array<i32>} : memref<16x256xi32, #tpu.memory_space<vmem>>, vector<16xi32>,
        %parallel_loop3A_622 = arith.constant 3 : i32
        %parallel_loop3A_623 = arith.index_cast %parallel_loop3A_622 : i32 to index
        %parallel_loop3A_624 = arith.index_cast %parallel_loop3A_531 : i32 to index
        %parallel_loop3A_625 = tpu.vector_load %arg10[%parallel_loop3A_623, %parallel_loop3A_624] {strides = array<i32>} : memref<16x256xf32, #tpu.memory_space<vmem>>, vector<16xf32>,
        %parallel_loop3A_626 = arith.constant 0 : i32
        %parallel_loop3A_627 = vector.broadcast %parallel_loop3A_626 : i32 to vector<16xi32>
        %parallel_loop3A_628 = arith.cmpi sge, %parallel_loop3A_621, %parallel_loop3A_627 : vector<16xi32>
        %parallel_loop3A_629 = arith.constant 0.000000e+00 : f32
        %parallel_loop3A_630 = vector.broadcast %parallel_loop3A_629 : f32 to vector<16xf32>
        %parallel_loop3A_631 = arith.select %parallel_loop3A_628, %parallel_loop3A_625, %parallel_loop3A_630 : vector<16xi1>, vector<16xf32>
        %parallel_loop3A_632 = arith.mulf %parallel_loop3A_631, %parallel_loop3A_604 : vector<16xf32>
        %parallel_loop3A_633 = arith.subf %parallel_loop3A_604, %parallel_loop3A_632 : vector<16xf32>
        %parallel_loop3A_634 = arith.constant 0 : i32
        %parallel_loop3A_635 = vector.broadcast %parallel_loop3A_634 : i32 to vector<16xi32>
        %parallel_loop3A_636 = arith.maxsi %parallel_loop3A_621, %parallel_loop3A_635 : vector<16xi32>
        %parallel_loop3A_637 = tpu.vector_load_idx %arg7[%parallel_loop3A_636] : memref<100000xi32, #tpu.memory_space<vmem>>[vector<16xi32>], vector<16xi32>,
        %parallel_loop3A_638 = arith.constant 16 : i32
        %parallel_loop3A_639 = vector.broadcast %parallel_loop3A_638 : i32 to vector<16xi32>
        %parallel_loop3A_640 = arith.shli %parallel_loop3A_637, %parallel_loop3A_639 : vector<16xi32>
        %parallel_loop3A_641 = vector.bitcast %parallel_loop3A_640 : vector<16xi32> to vector<16xf32>
        %parallel_loop3A_642 = vector.bitcast %parallel_loop3A_637 : vector<16xi32> to vector<16xf32>
        %parallel_loop3A_643 = arith.mulf %parallel_loop3A_632, %parallel_loop3A_641 : vector<16xf32>
        %parallel_loop3A_644 = arith.addf %parallel_loop3A_615, %parallel_loop3A_643 : vector<16xf32>
        %parallel_loop3A_645 = arith.mulf %parallel_loop3A_632, %parallel_loop3A_642 : vector<16xf32>
        %parallel_loop3A_646 = arith.addf %parallel_loop3A_617, %parallel_loop3A_645 : vector<16xf32>
        %parallel_loop3A_647 = arith.constant 4 : i32
        %parallel_loop3A_648 = arith.index_cast %parallel_loop3A_647 : i32 to index
        %parallel_loop3A_649 = arith.index_cast %parallel_loop3A_531 : i32 to index
        %parallel_loop3A_650 = tpu.vector_load %arg8[%parallel_loop3A_648, %parallel_loop3A_649] {strides = array<i32>} : memref<16x256xi32, #tpu.memory_space<vmem>>, vector<16xi32>,
        %parallel_loop3A_651 = arith.constant 4 : i32
        %parallel_loop3A_652 = arith.index_cast %parallel_loop3A_651 : i32 to index
        %parallel_loop3A_653 = arith.index_cast %parallel_loop3A_531 : i32 to index
        %parallel_loop3A_654 = tpu.vector_load %arg10[%parallel_loop3A_652, %parallel_loop3A_653] {strides = array<i32>} : memref<16x256xf32, #tpu.memory_space<vmem>>, vector<16xf32>,
        %parallel_loop3A_655 = arith.constant 0 : i32
        %parallel_loop3A_656 = vector.broadcast %parallel_loop3A_655 : i32 to vector<16xi32>
        %parallel_loop3A_657 = arith.cmpi sge, %parallel_loop3A_650, %parallel_loop3A_656 : vector<16xi32>
        %parallel_loop3A_658 = arith.constant 0.000000e+00 : f32
        %parallel_loop3A_659 = vector.broadcast %parallel_loop3A_658 : f32 to vector<16xf32>
        %parallel_loop3A_660 = arith.select %parallel_loop3A_657, %parallel_loop3A_654, %parallel_loop3A_659 : vector<16xi1>, vector<16xf32>
        %parallel_loop3A_661 = arith.mulf %parallel_loop3A_660, %parallel_loop3A_633 : vector<16xf32>
        %parallel_loop3A_662 = arith.subf %parallel_loop3A_633, %parallel_loop3A_661 : vector<16xf32>
        %parallel_loop3A_663 = arith.constant 0 : i32
        %parallel_loop3A_664 = vector.broadcast %parallel_loop3A_663 : i32 to vector<16xi32>
        %parallel_loop3A_665 = arith.maxsi %parallel_loop3A_650, %parallel_loop3A_664 : vector<16xi32>
        %parallel_loop3A_666 = tpu.vector_load_idx %arg7[%parallel_loop3A_665] : memref<100000xi32, #tpu.memory_space<vmem>>[vector<16xi32>], vector<16xi32>,
        %parallel_loop3A_667 = arith.constant 16 : i32
        %parallel_loop3A_668 = vector.broadcast %parallel_loop3A_667 : i32 to vector<16xi32>
        %parallel_loop3A_669 = arith.shli %parallel_loop3A_666, %parallel_loop3A_668 : vector<16xi32>
        %parallel_loop3A_670 = vector.bitcast %parallel_loop3A_669 : vector<16xi32> to vector<16xf32>
        %parallel_loop3A_671 = vector.bitcast %parallel_loop3A_666 : vector<16xi32> to vector<16xf32>
        %parallel_loop3A_672 = arith.mulf %parallel_loop3A_661, %parallel_loop3A_670 : vector<16xf32>
        %parallel_loop3A_673 = arith.addf %parallel_loop3A_644, %parallel_loop3A_672 : vector<16xf32>
        %parallel_loop3A_674 = arith.mulf %parallel_loop3A_661, %parallel_loop3A_671 : vector<16xf32>
        %parallel_loop3A_675 = arith.addf %parallel_loop3A_646, %parallel_loop3A_674 : vector<16xf32>
        %parallel_loop3A_676 = arith.constant 5 : i32
        %parallel_loop3A_677 = arith.index_cast %parallel_loop3A_676 : i32 to index
        %parallel_loop3A_678 = arith.index_cast %parallel_loop3A_531 : i32 to index
        %parallel_loop3A_679 = tpu.vector_load %arg8[%parallel_loop3A_677, %parallel_loop3A_678] {strides = array<i32>} : memref<16x256xi32, #tpu.memory_space<vmem>>, vector<16xi32>,
        %parallel_loop3A_680 = arith.constant 5 : i32
        %parallel_loop3A_681 = arith.index_cast %parallel_loop3A_680 : i32 to index
        %parallel_loop3A_682 = arith.index_cast %parallel_loop3A_531 : i32 to index
        %parallel_loop3A_683 = tpu.vector_load %arg10[%parallel_loop3A_681, %parallel_loop3A_682] {strides = array<i32>} : memref<16x256xf32, #tpu.memory_space<vmem>>, vector<16xf32>,
        %parallel_loop3A_684 = arith.constant 0 : i32
        %parallel_loop3A_685 = vector.broadcast %parallel_loop3A_684 : i32 to vector<16xi32>
        %parallel_loop3A_686 = arith.cmpi sge, %parallel_loop3A_679, %parallel_loop3A_685 : vector<16xi32>
        %parallel_loop3A_687 = arith.constant 0.000000e+00 : f32
        %parallel_loop3A_688 = vector.broadcast %parallel_loop3A_687 : f32 to vector<16xf32>
        %parallel_loop3A_689 = arith.select %parallel_loop3A_686, %parallel_loop3A_683, %parallel_loop3A_688 : vector<16xi1>, vector<16xf32>
        %parallel_loop3A_690 = arith.mulf %parallel_loop3A_689, %parallel_loop3A_662 : vector<16xf32>
        %parallel_loop3A_691 = arith.subf %parallel_loop3A_662, %parallel_loop3A_690 : vector<16xf32>
        %parallel_loop3A_692 = arith.constant 0 : i32
        %parallel_loop3A_693 = vector.broadcast %parallel_loop3A_692 : i32 to vector<16xi32>
        %parallel_loop3A_694 = arith.maxsi %parallel_loop3A_679, %parallel_loop3A_693 : vector<16xi32>
        %parallel_loop3A_695 = tpu.vector_load_idx %arg7[%parallel_loop3A_694] : memref<100000xi32, #tpu.memory_space<vmem>>[vector<16xi32>], vector<16xi32>,
        %parallel_loop3A_696 = arith.constant 16 : i32
        %parallel_loop3A_697 = vector.broadcast %parallel_loop3A_696 : i32 to vector<16xi32>
        %parallel_loop3A_698 = arith.shli %parallel_loop3A_695, %parallel_loop3A_697 : vector<16xi32>
        %parallel_loop3A_699 = vector.bitcast %parallel_loop3A_698 : vector<16xi32> to vector<16xf32>
        %parallel_loop3A_700 = vector.bitcast %parallel_loop3A_695 : vector<16xi32> to vector<16xf32>
        %parallel_loop3A_701 = arith.mulf %parallel_loop3A_690, %parallel_loop3A_699 : vector<16xf32>
        %parallel_loop3A_702 = arith.addf %parallel_loop3A_673, %parallel_loop3A_701 : vector<16xf32>
        %parallel_loop3A_703 = arith.mulf %parallel_loop3A_690, %parallel_loop3A_700 : vector<16xf32>
        %parallel_loop3A_704 = arith.addf %parallel_loop3A_675, %parallel_loop3A_703 : vector<16xf32>
        %parallel_loop3A_705 = arith.constant 6 : i32
        %parallel_loop3A_706 = arith.index_cast %parallel_loop3A_705 : i32 to index
        %parallel_loop3A_707 = arith.index_cast %parallel_loop3A_531 : i32 to index
        %parallel_loop3A_708 = tpu.vector_load %arg8[%parallel_loop3A_706, %parallel_loop3A_707] {strides = array<i32>} : memref<16x256xi32, #tpu.memory_space<vmem>>, vector<16xi32>,
        %parallel_loop3A_709 = arith.constant 6 : i32
        %parallel_loop3A_710 = arith.index_cast %parallel_loop3A_709 : i32 to index
        %parallel_loop3A_711 = arith.index_cast %parallel_loop3A_531 : i32 to index
        %parallel_loop3A_712 = tpu.vector_load %arg10[%parallel_loop3A_710, %parallel_loop3A_711] {strides = array<i32>} : memref<16x256xf32, #tpu.memory_space<vmem>>, vector<16xf32>,
        %parallel_loop3A_713 = arith.constant 0 : i32
        %parallel_loop3A_714 = vector.broadcast %parallel_loop3A_713 : i32 to vector<16xi32>
        %parallel_loop3A_715 = arith.cmpi sge, %parallel_loop3A_708, %parallel_loop3A_714 : vector<16xi32>
        %parallel_loop3A_716 = arith.constant 0.000000e+00 : f32
        %parallel_loop3A_717 = vector.broadcast %parallel_loop3A_716 : f32 to vector<16xf32>
        %parallel_loop3A_718 = arith.select %parallel_loop3A_715, %parallel_loop3A_712, %parallel_loop3A_717 : vector<16xi1>, vector<16xf32>
        %parallel_loop3A_719 = arith.mulf %parallel_loop3A_718, %parallel_loop3A_691 : vector<16xf32>
        %parallel_loop3A_720 = arith.subf %parallel_loop3A_691, %parallel_loop3A_719 : vector<16xf32>
        %parallel_loop3A_721 = arith.constant 0 : i32
        %parallel_loop3A_722 = vector.broadcast %parallel_loop3A_721 : i32 to vector<16xi32>
        %parallel_loop3A_723 = arith.maxsi %parallel_loop3A_708, %parallel_loop3A_722 : vector<16xi32>
        %parallel_loop3A_724 = tpu.vector_load_idx %arg7[%parallel_loop3A_723] : memref<100000xi32, #tpu.memory_space<vmem>>[vector<16xi32>], vector<16xi32>,
        %parallel_loop3A_725 = arith.constant 16 : i32
        %parallel_loop3A_726 = vector.broadcast %parallel_loop3A_725 : i32 to vector<16xi32>
        %parallel_loop3A_727 = arith.shli %parallel_loop3A_724, %parallel_loop3A_726 : vector<16xi32>
        %parallel_loop3A_728 = vector.bitcast %parallel_loop3A_727 : vector<16xi32> to vector<16xf32>
        %parallel_loop3A_729 = vector.bitcast %parallel_loop3A_724 : vector<16xi32> to vector<16xf32>
        %parallel_loop3A_730 = arith.mulf %parallel_loop3A_719, %parallel_loop3A_728 : vector<16xf32>
        %parallel_loop3A_731 = arith.addf %parallel_loop3A_702, %parallel_loop3A_730 : vector<16xf32>
        %parallel_loop3A_732 = arith.mulf %parallel_loop3A_719, %parallel_loop3A_729 : vector<16xf32>
        %parallel_loop3A_733 = arith.addf %parallel_loop3A_704, %parallel_loop3A_732 : vector<16xf32>
        %parallel_loop3A_734 = arith.constant 7 : i32
        %parallel_loop3A_735 = arith.index_cast %parallel_loop3A_734 : i32 to index
        %parallel_loop3A_736 = arith.index_cast %parallel_loop3A_531 : i32 to index
        %parallel_loop3A_737 = tpu.vector_load %arg8[%parallel_loop3A_735, %parallel_loop3A_736] {strides = array<i32>} : memref<16x256xi32, #tpu.memory_space<vmem>>, vector<16xi32>,
        %parallel_loop3A_738 = arith.constant 7 : i32
        %parallel_loop3A_739 = arith.index_cast %parallel_loop3A_738 : i32 to index
        %parallel_loop3A_740 = arith.index_cast %parallel_loop3A_531 : i32 to index
        %parallel_loop3A_741 = tpu.vector_load %arg10[%parallel_loop3A_739, %parallel_loop3A_740] {strides = array<i32>} : memref<16x256xf32, #tpu.memory_space<vmem>>, vector<16xf32>,
        %parallel_loop3A_742 = arith.constant 0 : i32
        %parallel_loop3A_743 = vector.broadcast %parallel_loop3A_742 : i32 to vector<16xi32>
        %parallel_loop3A_744 = arith.cmpi sge, %parallel_loop3A_737, %parallel_loop3A_743 : vector<16xi32>
        %parallel_loop3A_745 = arith.constant 0.000000e+00 : f32
        %parallel_loop3A_746 = vector.broadcast %parallel_loop3A_745 : f32 to vector<16xf32>
        %parallel_loop3A_747 = arith.select %parallel_loop3A_744, %parallel_loop3A_741, %parallel_loop3A_746 : vector<16xi1>, vector<16xf32>
        %parallel_loop3A_748 = arith.mulf %parallel_loop3A_747, %parallel_loop3A_720 : vector<16xf32>
        %parallel_loop3A_749 = arith.subf %parallel_loop3A_720, %parallel_loop3A_748 : vector<16xf32>
        %parallel_loop3A_750 = arith.constant 0 : i32
        %parallel_loop3A_751 = vector.broadcast %parallel_loop3A_750 : i32 to vector<16xi32>
        %parallel_loop3A_752 = arith.maxsi %parallel_loop3A_737, %parallel_loop3A_751 : vector<16xi32>
        %parallel_loop3A_753 = tpu.vector_load_idx %arg7[%parallel_loop3A_752] : memref<100000xi32, #tpu.memory_space<vmem>>[vector<16xi32>], vector<16xi32>,
        %parallel_loop3A_754 = arith.constant 16 : i32
        %parallel_loop3A_755 = vector.broadcast %parallel_loop3A_754 : i32 to vector<16xi32>
        %parallel_loop3A_756 = arith.shli %parallel_loop3A_753, %parallel_loop3A_755 : vector<16xi32>
        %parallel_loop3A_757 = vector.bitcast %parallel_loop3A_756 : vector<16xi32> to vector<16xf32>
        %parallel_loop3A_758 = vector.bitcast %parallel_loop3A_753 : vector<16xi32> to vector<16xf32>
        %parallel_loop3A_759 = arith.mulf %parallel_loop3A_748, %parallel_loop3A_757 : vector<16xf32>
        %parallel_loop3A_760 = arith.addf %parallel_loop3A_731, %parallel_loop3A_759 : vector<16xf32>
        %parallel_loop3A_761 = arith.mulf %parallel_loop3A_748, %parallel_loop3A_758 : vector<16xf32>
        %parallel_loop3A_762 = arith.addf %parallel_loop3A_733, %parallel_loop3A_761 : vector<16xf32>
        %parallel_loop3A_763 = arith.constant 8 : i32
        %parallel_loop3A_764 = arith.index_cast %parallel_loop3A_763 : i32 to index
        %parallel_loop3A_765 = arith.index_cast %parallel_loop3A_531 : i32 to index
        %parallel_loop3A_766 = tpu.vector_load %arg8[%parallel_loop3A_764, %parallel_loop3A_765] {strides = array<i32>} : memref<16x256xi32, #tpu.memory_space<vmem>>, vector<16xi32>,
        %parallel_loop3A_767 = arith.constant 8 : i32
        %parallel_loop3A_768 = arith.index_cast %parallel_loop3A_767 : i32 to index
        %parallel_loop3A_769 = arith.index_cast %parallel_loop3A_531 : i32 to index
        %parallel_loop3A_770 = tpu.vector_load %arg10[%parallel_loop3A_768, %parallel_loop3A_769] {strides = array<i32>} : memref<16x256xf32, #tpu.memory_space<vmem>>, vector<16xf32>,
        %parallel_loop3A_771 = arith.constant 0 : i32
        %parallel_loop3A_772 = vector.broadcast %parallel_loop3A_771 : i32 to vector<16xi32>
        %parallel_loop3A_773 = arith.cmpi sge, %parallel_loop3A_766, %parallel_loop3A_772 : vector<16xi32>
        %parallel_loop3A_774 = arith.constant 0.000000e+00 : f32
        %parallel_loop3A_775 = vector.broadcast %parallel_loop3A_774 : f32 to vector<16xf32>
        %parallel_loop3A_776 = arith.select %parallel_loop3A_773, %parallel_loop3A_770, %parallel_loop3A_775 : vector<16xi1>, vector<16xf32>
        %parallel_loop3A_777 = arith.mulf %parallel_loop3A_776, %parallel_loop3A_749 : vector<16xf32>
        %parallel_loop3A_778 = arith.subf %parallel_loop3A_749, %parallel_loop3A_777 : vector<16xf32>
        %parallel_loop3A_779 = arith.constant 0 : i32
        %parallel_loop3A_780 = vector.broadcast %parallel_loop3A_779 : i32 to vector<16xi32>
        %parallel_loop3A_781 = arith.maxsi %parallel_loop3A_766, %parallel_loop3A_780 : vector<16xi32>
        %parallel_loop3A_782 = tpu.vector_load_idx %arg7[%parallel_loop3A_781] : memref<100000xi32, #tpu.memory_space<vmem>>[vector<16xi32>], vector<16xi32>,
        %parallel_loop3A_783 = arith.constant 16 : i32
        %parallel_loop3A_784 = vector.broadcast %parallel_loop3A_783 : i32 to vector<16xi32>
        %parallel_loop3A_785 = arith.shli %parallel_loop3A_782, %parallel_loop3A_784 : vector<16xi32>
        %parallel_loop3A_786 = vector.bitcast %parallel_loop3A_785 : vector<16xi32> to vector<16xf32>
        %parallel_loop3A_787 = vector.bitcast %parallel_loop3A_782 : vector<16xi32> to vector<16xf32>
        %parallel_loop3A_788 = arith.mulf %parallel_loop3A_777, %parallel_loop3A_786 : vector<16xf32>
        %parallel_loop3A_789 = arith.addf %parallel_loop3A_760, %parallel_loop3A_788 : vector<16xf32>
        %parallel_loop3A_790 = arith.mulf %parallel_loop3A_777, %parallel_loop3A_787 : vector<16xf32>
        %parallel_loop3A_791 = arith.addf %parallel_loop3A_762, %parallel_loop3A_790 : vector<16xf32>
        %parallel_loop3A_792 = arith.constant 9 : i32
        %parallel_loop3A_793 = arith.index_cast %parallel_loop3A_792 : i32 to index
        %parallel_loop3A_794 = arith.index_cast %parallel_loop3A_531 : i32 to index
        %parallel_loop3A_795 = tpu.vector_load %arg8[%parallel_loop3A_793, %parallel_loop3A_794] {strides = array<i32>} : memref<16x256xi32, #tpu.memory_space<vmem>>, vector<16xi32>,
        %parallel_loop3A_796 = arith.constant 9 : i32
        %parallel_loop3A_797 = arith.index_cast %parallel_loop3A_796 : i32 to index
        %parallel_loop3A_798 = arith.index_cast %parallel_loop3A_531 : i32 to index
        %parallel_loop3A_799 = tpu.vector_load %arg10[%parallel_loop3A_797, %parallel_loop3A_798] {strides = array<i32>} : memref<16x256xf32, #tpu.memory_space<vmem>>, vector<16xf32>,
        %parallel_loop3A_800 = arith.constant 0 : i32
        %parallel_loop3A_801 = vector.broadcast %parallel_loop3A_800 : i32 to vector<16xi32>
        %parallel_loop3A_802 = arith.cmpi sge, %parallel_loop3A_795, %parallel_loop3A_801 : vector<16xi32>
        %parallel_loop3A_803 = arith.constant 0.000000e+00 : f32
        %parallel_loop3A_804 = vector.broadcast %parallel_loop3A_803 : f32 to vector<16xf32>
        %parallel_loop3A_805 = arith.select %parallel_loop3A_802, %parallel_loop3A_799, %parallel_loop3A_804 : vector<16xi1>, vector<16xf32>
        %parallel_loop3A_806 = arith.mulf %parallel_loop3A_805, %parallel_loop3A_778 : vector<16xf32>
        %parallel_loop3A_807 = arith.subf %parallel_loop3A_778, %parallel_loop3A_806 : vector<16xf32>
        %parallel_loop3A_808 = arith.constant 0 : i32
        %parallel_loop3A_809 = vector.broadcast %parallel_loop3A_808 : i32 to vector<16xi32>
        %parallel_loop3A_810 = arith.maxsi %parallel_loop3A_795, %parallel_loop3A_809 : vector<16xi32>
        %parallel_loop3A_811 = tpu.vector_load_idx %arg7[%parallel_loop3A_810] : memref<100000xi32, #tpu.memory_space<vmem>>[vector<16xi32>], vector<16xi32>,
        %parallel_loop3A_812 = arith.constant 16 : i32
        %parallel_loop3A_813 = vector.broadcast %parallel_loop3A_812 : i32 to vector<16xi32>
        %parallel_loop3A_814 = arith.shli %parallel_loop3A_811, %parallel_loop3A_813 : vector<16xi32>
        %parallel_loop3A_815 = vector.bitcast %parallel_loop3A_814 : vector<16xi32> to vector<16xf32>
        %parallel_loop3A_816 = vector.bitcast %parallel_loop3A_811 : vector<16xi32> to vector<16xf32>
        %parallel_loop3A_817 = arith.mulf %parallel_loop3A_806, %parallel_loop3A_815 : vector<16xf32>
        %parallel_loop3A_818 = arith.addf %parallel_loop3A_789, %parallel_loop3A_817 : vector<16xf32>
        %parallel_loop3A_819 = arith.mulf %parallel_loop3A_806, %parallel_loop3A_816 : vector<16xf32>
        %parallel_loop3A_820 = arith.addf %parallel_loop3A_791, %parallel_loop3A_819 : vector<16xf32>
        %parallel_loop3A_821 = arith.constant 10 : i32
        %parallel_loop3A_822 = arith.index_cast %parallel_loop3A_821 : i32 to index
        %parallel_loop3A_823 = arith.index_cast %parallel_loop3A_531 : i32 to index
        %parallel_loop3A_824 = tpu.vector_load %arg8[%parallel_loop3A_822, %parallel_loop3A_823] {strides = array<i32>} : memref<16x256xi32, #tpu.memory_space<vmem>>, vector<16xi32>,
        %parallel_loop3A_825 = arith.constant 10 : i32
        %parallel_loop3A_826 = arith.index_cast %parallel_loop3A_825 : i32 to index
        %parallel_loop3A_827 = arith.index_cast %parallel_loop3A_531 : i32 to index
        %parallel_loop3A_828 = tpu.vector_load %arg10[%parallel_loop3A_826, %parallel_loop3A_827] {strides = array<i32>} : memref<16x256xf32, #tpu.memory_space<vmem>>, vector<16xf32>,
        %parallel_loop3A_829 = arith.constant 0 : i32
        %parallel_loop3A_830 = vector.broadcast %parallel_loop3A_829 : i32 to vector<16xi32>
        %parallel_loop3A_831 = arith.cmpi sge, %parallel_loop3A_824, %parallel_loop3A_830 : vector<16xi32>
        %parallel_loop3A_832 = arith.constant 0.000000e+00 : f32
        %parallel_loop3A_833 = vector.broadcast %parallel_loop3A_832 : f32 to vector<16xf32>
        %parallel_loop3A_834 = arith.select %parallel_loop3A_831, %parallel_loop3A_828, %parallel_loop3A_833 : vector<16xi1>, vector<16xf32>
        %parallel_loop3A_835 = arith.mulf %parallel_loop3A_834, %parallel_loop3A_807 : vector<16xf32>
        %parallel_loop3A_836 = arith.subf %parallel_loop3A_807, %parallel_loop3A_835 : vector<16xf32>
        %parallel_loop3A_837 = arith.constant 0 : i32
        %parallel_loop3A_838 = vector.broadcast %parallel_loop3A_837 : i32 to vector<16xi32>
        %parallel_loop3A_839 = arith.maxsi %parallel_loop3A_824, %parallel_loop3A_838 : vector<16xi32>
        %parallel_loop3A_840 = tpu.vector_load_idx %arg7[%parallel_loop3A_839] : memref<100000xi32, #tpu.memory_space<vmem>>[vector<16xi32>], vector<16xi32>,
        %parallel_loop3A_841 = arith.constant 16 : i32
        %parallel_loop3A_842 = vector.broadcast %parallel_loop3A_841 : i32 to vector<16xi32>
        %parallel_loop3A_843 = arith.shli %parallel_loop3A_840, %parallel_loop3A_842 : vector<16xi32>
        %parallel_loop3A_844 = vector.bitcast %parallel_loop3A_843 : vector<16xi32> to vector<16xf32>
        %parallel_loop3A_845 = vector.bitcast %parallel_loop3A_840 : vector<16xi32> to vector<16xf32>
        %parallel_loop3A_846 = arith.mulf %parallel_loop3A_835, %parallel_loop3A_844 : vector<16xf32>
        %parallel_loop3A_847 = arith.addf %parallel_loop3A_818, %parallel_loop3A_846 : vector<16xf32>
        %parallel_loop3A_848 = arith.mulf %parallel_loop3A_835, %parallel_loop3A_845 : vector<16xf32>
        %parallel_loop3A_849 = arith.addf %parallel_loop3A_820, %parallel_loop3A_848 : vector<16xf32>
        %parallel_loop3A_850 = arith.constant 11 : i32
        %parallel_loop3A_851 = arith.index_cast %parallel_loop3A_850 : i32 to index
        %parallel_loop3A_852 = arith.index_cast %parallel_loop3A_531 : i32 to index
        %parallel_loop3A_853 = tpu.vector_load %arg8[%parallel_loop3A_851, %parallel_loop3A_852] {strides = array<i32>} : memref<16x256xi32, #tpu.memory_space<vmem>>, vector<16xi32>,
        %parallel_loop3A_854 = arith.constant 11 : i32
        %parallel_loop3A_855 = arith.index_cast %parallel_loop3A_854 : i32 to index
        %parallel_loop3A_856 = arith.index_cast %parallel_loop3A_531 : i32 to index
        %parallel_loop3A_857 = tpu.vector_load %arg10[%parallel_loop3A_855, %parallel_loop3A_856] {strides = array<i32>} : memref<16x256xf32, #tpu.memory_space<vmem>>, vector<16xf32>,
        %parallel_loop3A_858 = arith.constant 0 : i32
        %parallel_loop3A_859 = vector.broadcast %parallel_loop3A_858 : i32 to vector<16xi32>
        %parallel_loop3A_860 = arith.cmpi sge, %parallel_loop3A_853, %parallel_loop3A_859 : vector<16xi32>
        %parallel_loop3A_861 = arith.constant 0.000000e+00 : f32
        %parallel_loop3A_862 = vector.broadcast %parallel_loop3A_861 : f32 to vector<16xf32>
        %parallel_loop3A_863 = arith.select %parallel_loop3A_860, %parallel_loop3A_857, %parallel_loop3A_862 : vector<16xi1>, vector<16xf32>
        %parallel_loop3A_864 = arith.mulf %parallel_loop3A_863, %parallel_loop3A_836 : vector<16xf32>
        %parallel_loop3A_865 = arith.subf %parallel_loop3A_836, %parallel_loop3A_864 : vector<16xf32>
        %parallel_loop3A_866 = arith.constant 0 : i32
        %parallel_loop3A_867 = vector.broadcast %parallel_loop3A_866 : i32 to vector<16xi32>
        %parallel_loop3A_868 = arith.maxsi %parallel_loop3A_853, %parallel_loop3A_867 : vector<16xi32>
        %parallel_loop3A_869 = tpu.vector_load_idx %arg7[%parallel_loop3A_868] : memref<100000xi32, #tpu.memory_space<vmem>>[vector<16xi32>], vector<16xi32>,
        %parallel_loop3A_870 = arith.constant 16 : i32
        %parallel_loop3A_871 = vector.broadcast %parallel_loop3A_870 : i32 to vector<16xi32>
        %parallel_loop3A_872 = arith.shli %parallel_loop3A_869, %parallel_loop3A_871 : vector<16xi32>
        %parallel_loop3A_873 = vector.bitcast %parallel_loop3A_872 : vector<16xi32> to vector<16xf32>
        %parallel_loop3A_874 = vector.bitcast %parallel_loop3A_869 : vector<16xi32> to vector<16xf32>
        %parallel_loop3A_875 = arith.mulf %parallel_loop3A_864, %parallel_loop3A_873 : vector<16xf32>
        %parallel_loop3A_876 = arith.addf %parallel_loop3A_847, %parallel_loop3A_875 : vector<16xf32>
        %parallel_loop3A_877 = arith.mulf %parallel_loop3A_864, %parallel_loop3A_874 : vector<16xf32>
        %parallel_loop3A_878 = arith.addf %parallel_loop3A_849, %parallel_loop3A_877 : vector<16xf32>
        %parallel_loop3A_879 = arith.constant 12 : i32
        %parallel_loop3A_880 = arith.index_cast %parallel_loop3A_879 : i32 to index
        %parallel_loop3A_881 = arith.index_cast %parallel_loop3A_531 : i32 to index
        %parallel_loop3A_882 = tpu.vector_load %arg8[%parallel_loop3A_880, %parallel_loop3A_881] {strides = array<i32>} : memref<16x256xi32, #tpu.memory_space<vmem>>, vector<16xi32>,
        %parallel_loop3A_883 = arith.constant 12 : i32
        %parallel_loop3A_884 = arith.index_cast %parallel_loop3A_883 : i32 to index
        %parallel_loop3A_885 = arith.index_cast %parallel_loop3A_531 : i32 to index
        %parallel_loop3A_886 = tpu.vector_load %arg10[%parallel_loop3A_884, %parallel_loop3A_885] {strides = array<i32>} : memref<16x256xf32, #tpu.memory_space<vmem>>, vector<16xf32>,
        %parallel_loop3A_887 = arith.constant 0 : i32
        %parallel_loop3A_888 = vector.broadcast %parallel_loop3A_887 : i32 to vector<16xi32>
        %parallel_loop3A_889 = arith.cmpi sge, %parallel_loop3A_882, %parallel_loop3A_888 : vector<16xi32>
        %parallel_loop3A_890 = arith.constant 0.000000e+00 : f32
        %parallel_loop3A_891 = vector.broadcast %parallel_loop3A_890 : f32 to vector<16xf32>
        %parallel_loop3A_892 = arith.select %parallel_loop3A_889, %parallel_loop3A_886, %parallel_loop3A_891 : vector<16xi1>, vector<16xf32>
        %parallel_loop3A_893 = arith.mulf %parallel_loop3A_892, %parallel_loop3A_865 : vector<16xf32>
        %parallel_loop3A_894 = arith.subf %parallel_loop3A_865, %parallel_loop3A_893 : vector<16xf32>
        %parallel_loop3A_895 = arith.constant 0 : i32
        %parallel_loop3A_896 = vector.broadcast %parallel_loop3A_895 : i32 to vector<16xi32>
        %parallel_loop3A_897 = arith.maxsi %parallel_loop3A_882, %parallel_loop3A_896 : vector<16xi32>
        %parallel_loop3A_898 = tpu.vector_load_idx %arg7[%parallel_loop3A_897] : memref<100000xi32, #tpu.memory_space<vmem>>[vector<16xi32>], vector<16xi32>,
        %parallel_loop3A_899 = arith.constant 16 : i32
        %parallel_loop3A_900 = vector.broadcast %parallel_loop3A_899 : i32 to vector<16xi32>
        %parallel_loop3A_901 = arith.shli %parallel_loop3A_898, %parallel_loop3A_900 : vector<16xi32>
        %parallel_loop3A_902 = vector.bitcast %parallel_loop3A_901 : vector<16xi32> to vector<16xf32>
        %parallel_loop3A_903 = vector.bitcast %parallel_loop3A_898 : vector<16xi32> to vector<16xf32>
        %parallel_loop3A_904 = arith.mulf %parallel_loop3A_893, %parallel_loop3A_902 : vector<16xf32>
        %parallel_loop3A_905 = arith.addf %parallel_loop3A_876, %parallel_loop3A_904 : vector<16xf32>
        %parallel_loop3A_906 = arith.mulf %parallel_loop3A_893, %parallel_loop3A_903 : vector<16xf32>
        %parallel_loop3A_907 = arith.addf %parallel_loop3A_878, %parallel_loop3A_906 : vector<16xf32>
        %parallel_loop3A_908 = arith.constant 13 : i32
        %parallel_loop3A_909 = arith.index_cast %parallel_loop3A_908 : i32 to index
        %parallel_loop3A_910 = arith.index_cast %parallel_loop3A_531 : i32 to index
        %parallel_loop3A_911 = tpu.vector_load %arg8[%parallel_loop3A_909, %parallel_loop3A_910] {strides = array<i32>} : memref<16x256xi32, #tpu.memory_space<vmem>>, vector<16xi32>,
        %parallel_loop3A_912 = arith.constant 13 : i32
        %parallel_loop3A_913 = arith.index_cast %parallel_loop3A_912 : i32 to index
        %parallel_loop3A_914 = arith.index_cast %parallel_loop3A_531 : i32 to index
        %parallel_loop3A_915 = tpu.vector_load %arg10[%parallel_loop3A_913, %parallel_loop3A_914] {strides = array<i32>} : memref<16x256xf32, #tpu.memory_space<vmem>>, vector<16xf32>,
        %parallel_loop3A_916 = arith.constant 0 : i32
        %parallel_loop3A_917 = vector.broadcast %parallel_loop3A_916 : i32 to vector<16xi32>
        %parallel_loop3A_918 = arith.cmpi sge, %parallel_loop3A_911, %parallel_loop3A_917 : vector<16xi32>
        %parallel_loop3A_919 = arith.constant 0.000000e+00 : f32
        %parallel_loop3A_920 = vector.broadcast %parallel_loop3A_919 : f32 to vector<16xf32>
        %parallel_loop3A_921 = arith.select %parallel_loop3A_918, %parallel_loop3A_915, %parallel_loop3A_920 : vector<16xi1>, vector<16xf32>
        %parallel_loop3A_922 = arith.mulf %parallel_loop3A_921, %parallel_loop3A_894 : vector<16xf32>
        %parallel_loop3A_923 = arith.subf %parallel_loop3A_894, %parallel_loop3A_922 : vector<16xf32>
        %parallel_loop3A_924 = arith.constant 0 : i32
        %parallel_loop3A_925 = vector.broadcast %parallel_loop3A_924 : i32 to vector<16xi32>
        %parallel_loop3A_926 = arith.maxsi %parallel_loop3A_911, %parallel_loop3A_925 : vector<16xi32>
        %parallel_loop3A_927 = tpu.vector_load_idx %arg7[%parallel_loop3A_926] : memref<100000xi32, #tpu.memory_space<vmem>>[vector<16xi32>], vector<16xi32>,
        %parallel_loop3A_928 = arith.constant 16 : i32
        %parallel_loop3A_929 = vector.broadcast %parallel_loop3A_928 : i32 to vector<16xi32>
        %parallel_loop3A_930 = arith.shli %parallel_loop3A_927, %parallel_loop3A_929 : vector<16xi32>
        %parallel_loop3A_931 = vector.bitcast %parallel_loop3A_930 : vector<16xi32> to vector<16xf32>
        %parallel_loop3A_932 = vector.bitcast %parallel_loop3A_927 : vector<16xi32> to vector<16xf32>
        %parallel_loop3A_933 = arith.mulf %parallel_loop3A_922, %parallel_loop3A_931 : vector<16xf32>
        %parallel_loop3A_934 = arith.addf %parallel_loop3A_905, %parallel_loop3A_933 : vector<16xf32>
        %parallel_loop3A_935 = arith.mulf %parallel_loop3A_922, %parallel_loop3A_932 : vector<16xf32>
        %parallel_loop3A_936 = arith.addf %parallel_loop3A_907, %parallel_loop3A_935 : vector<16xf32>
        %parallel_loop3A_937 = arith.constant 14 : i32
        %parallel_loop3A_938 = arith.index_cast %parallel_loop3A_937 : i32 to index
        %parallel_loop3A_939 = arith.index_cast %parallel_loop3A_531 : i32 to index
        %parallel_loop3A_940 = tpu.vector_load %arg8[%parallel_loop3A_938, %parallel_loop3A_939] {strides = array<i32>} : memref<16x256xi32, #tpu.memory_space<vmem>>, vector<16xi32>,
        %parallel_loop3A_941 = arith.constant 14 : i32
        %parallel_loop3A_942 = arith.index_cast %parallel_loop3A_941 : i32 to index
        %parallel_loop3A_943 = arith.index_cast %parallel_loop3A_531 : i32 to index
        %parallel_loop3A_944 = tpu.vector_load %arg10[%parallel_loop3A_942, %parallel_loop3A_943] {strides = array<i32>} : memref<16x256xf32, #tpu.memory_space<vmem>>, vector<16xf32>,
        %parallel_loop3A_945 = arith.constant 0 : i32
        %parallel_loop3A_946 = vector.broadcast %parallel_loop3A_945 : i32 to vector<16xi32>
        %parallel_loop3A_947 = arith.cmpi sge, %parallel_loop3A_940, %parallel_loop3A_946 : vector<16xi32>
        %parallel_loop3A_948 = arith.constant 0.000000e+00 : f32
        %parallel_loop3A_949 = vector.broadcast %parallel_loop3A_948 : f32 to vector<16xf32>
        %parallel_loop3A_950 = arith.select %parallel_loop3A_947, %parallel_loop3A_944, %parallel_loop3A_949 : vector<16xi1>, vector<16xf32>
        %parallel_loop3A_951 = arith.mulf %parallel_loop3A_950, %parallel_loop3A_923 : vector<16xf32>
        %parallel_loop3A_952 = arith.subf %parallel_loop3A_923, %parallel_loop3A_951 : vector<16xf32>
        %parallel_loop3A_953 = arith.constant 0 : i32
        %parallel_loop3A_954 = vector.broadcast %parallel_loop3A_953 : i32 to vector<16xi32>
        %parallel_loop3A_955 = arith.maxsi %parallel_loop3A_940, %parallel_loop3A_954 : vector<16xi32>
        %parallel_loop3A_956 = tpu.vector_load_idx %arg7[%parallel_loop3A_955] : memref<100000xi32, #tpu.memory_space<vmem>>[vector<16xi32>], vector<16xi32>,
        %parallel_loop3A_957 = arith.constant 16 : i32
        %parallel_loop3A_958 = vector.broadcast %parallel_loop3A_957 : i32 to vector<16xi32>
        %parallel_loop3A_959 = arith.shli %parallel_loop3A_956, %parallel_loop3A_958 : vector<16xi32>
        %parallel_loop3A_960 = vector.bitcast %parallel_loop3A_959 : vector<16xi32> to vector<16xf32>
        %parallel_loop3A_961 = vector.bitcast %parallel_loop3A_956 : vector<16xi32> to vector<16xf32>
        %parallel_loop3A_962 = arith.mulf %parallel_loop3A_951, %parallel_loop3A_960 : vector<16xf32>
        %parallel_loop3A_963 = arith.addf %parallel_loop3A_934, %parallel_loop3A_962 : vector<16xf32>
        %parallel_loop3A_964 = arith.mulf %parallel_loop3A_951, %parallel_loop3A_961 : vector<16xf32>
        %parallel_loop3A_965 = arith.addf %parallel_loop3A_936, %parallel_loop3A_964 : vector<16xf32>
        %parallel_loop3A_966 = arith.constant 15 : i32
        %parallel_loop3A_967 = arith.index_cast %parallel_loop3A_966 : i32 to index
        %parallel_loop3A_968 = arith.index_cast %parallel_loop3A_531 : i32 to index
        %parallel_loop3A_969 = tpu.vector_load %arg8[%parallel_loop3A_967, %parallel_loop3A_968] {strides = array<i32>} : memref<16x256xi32, #tpu.memory_space<vmem>>, vector<16xi32>,
        %parallel_loop3A_970 = arith.constant 15 : i32
        %parallel_loop3A_971 = arith.index_cast %parallel_loop3A_970 : i32 to index
        %parallel_loop3A_972 = arith.index_cast %parallel_loop3A_531 : i32 to index
        %parallel_loop3A_973 = tpu.vector_load %arg10[%parallel_loop3A_971, %parallel_loop3A_972] {strides = array<i32>} : memref<16x256xf32, #tpu.memory_space<vmem>>, vector<16xf32>,
        %parallel_loop3A_974 = arith.constant 0 : i32
        %parallel_loop3A_975 = vector.broadcast %parallel_loop3A_974 : i32 to vector<16xi32>
        %parallel_loop3A_976 = arith.cmpi sge, %parallel_loop3A_969, %parallel_loop3A_975 : vector<16xi32>
        %parallel_loop3A_977 = arith.constant 0.000000e+00 : f32
        %parallel_loop3A_978 = vector.broadcast %parallel_loop3A_977 : f32 to vector<16xf32>
        %parallel_loop3A_979 = arith.select %parallel_loop3A_976, %parallel_loop3A_973, %parallel_loop3A_978 : vector<16xi1>, vector<16xf32>
        %parallel_loop3A_980 = arith.mulf %parallel_loop3A_979, %parallel_loop3A_952 : vector<16xf32>
        %parallel_loop3A_981 = arith.subf %parallel_loop3A_952, %parallel_loop3A_980 : vector<16xf32>
        %parallel_loop3A_982 = arith.constant 0 : i32
        %parallel_loop3A_983 = vector.broadcast %parallel_loop3A_982 : i32 to vector<16xi32>
        %parallel_loop3A_984 = arith.maxsi %parallel_loop3A_969, %parallel_loop3A_983 : vector<16xi32>
        %parallel_loop3A_985 = tpu.vector_load_idx %arg7[%parallel_loop3A_984] : memref<100000xi32, #tpu.memory_space<vmem>>[vector<16xi32>], vector<16xi32>,
        %parallel_loop3A_986 = arith.constant 16 : i32
        %parallel_loop3A_987 = vector.broadcast %parallel_loop3A_986 : i32 to vector<16xi32>
        %parallel_loop3A_988 = arith.shli %parallel_loop3A_985, %parallel_loop3A_987 : vector<16xi32>
        %parallel_loop3A_989 = vector.bitcast %parallel_loop3A_988 : vector<16xi32> to vector<16xf32>
        %parallel_loop3A_990 = vector.bitcast %parallel_loop3A_985 : vector<16xi32> to vector<16xf32>
        %parallel_loop3A_991 = arith.mulf %parallel_loop3A_980, %parallel_loop3A_989 : vector<16xf32>
        %parallel_loop3A_992 = arith.addf %parallel_loop3A_963, %parallel_loop3A_991 : vector<16xf32>
        %parallel_loop3A_993 = arith.mulf %parallel_loop3A_980, %parallel_loop3A_990 : vector<16xf32>
        %parallel_loop3A_994 = arith.addf %parallel_loop3A_965, %parallel_loop3A_993 : vector<16xf32>
        %parallel_loop3A_995 = arith.constant 0 : i32
        %parallel_loop3A_996 = arith.index_cast %parallel_loop3A_995 : i32 to index
        %parallel_loop3A_997 = arith.index_cast %parallel_loop3A_531 : i32 to index
        %parallel_loop3A_998 = tpu.vector_load %arg8[%parallel_loop3A_996, %parallel_loop3A_997] {strides = array<i32>} : memref<16x256xi32, #tpu.memory_space<vmem>>, vector<16xi32>,
        %parallel_loop3A_999 = arith.constant 0 : i32
        %parallel_loop3A_1000 = vector.broadcast %parallel_loop3A_999 : i32 to vector<16xi32>
        %parallel_loop3A_1001 = arith.cmpi slt, %parallel_loop3A_998, %parallel_loop3A_1000 : vector<16xi32>
        %parallel_loop3A_1002 = arith.constant 0 : i32
        %parallel_loop3A_1003 = arith.cmpi eq, %select_n3A_30, %parallel_loop3A_1002 : i32
        %parallel_loop3A_1004 = arith.constant 0 : i32
        %parallel_loop3A_1005 = arith.index_cast %parallel_loop3A_1004 : i32 to index
        %parallel_loop3A_1006 = arith.index_cast %parallel_loop3A_531 : i32 to index
        %parallel_loop3A_1007 = tpu.vector_load %arg12[%parallel_loop3A_1005, %parallel_loop3A_1006] {strides = array<i32>} : memref<2x256xf32, #tpu.memory_space<vmem>>, vector<16xf32>,
        %parallel_loop3A_1008 = arith.constant 1 : i32
        %parallel_loop3A_1009 = arith.index_cast %parallel_loop3A_1008 : i32 to index
        %parallel_loop3A_1010 = arith.index_cast %parallel_loop3A_531 : i32 to index
        %parallel_loop3A_1011 = tpu.vector_load %arg12[%parallel_loop3A_1009, %parallel_loop3A_1010] {strides = array<i32>} : memref<2x256xf32, #tpu.memory_space<vmem>>, vector<16xf32>,
        %parallel_loop3A_1012 = arith.select %parallel_loop3A_1003, %parallel_loop3A_1007, %parallel_loop3A_1011 : vector<16xf32>
        %parallel_loop3A_1013 = arith.select %parallel_loop3A_1001, %parallel_loop3A_1012, %parallel_loop3A_992 : vector<16xi1>, vector<16xf32>
        %parallel_loop3A_1014 = vector.broadcast %lt3A_36 : i1 to vector<16xi1>
        %parallel_loop3A_1015 = arith.andi %parallel_loop3A_1001, %parallel_loop3A_1014 : vector<16xi1>
        %parallel_loop3A_1016 = arith.constant 1 : i32
        %parallel_loop3A_1017 = arith.index_cast %parallel_loop3A_1016 : i32 to index
        %parallel_loop3A_1018 = arith.index_cast %parallel_loop3A_531 : i32 to index
        %parallel_loop3A_1019 = tpu.vector_load %arg12[%parallel_loop3A_1017, %parallel_loop3A_1018] {strides = array<i32>} : memref<2x256xf32, #tpu.memory_space<vmem>>, vector<16xf32>,
        %parallel_loop3A_1020 = arith.select %parallel_loop3A_1015, %parallel_loop3A_1019, %parallel_loop3A_994 : vector<16xi1>, vector<16xf32>
        %parallel_loop3A_1021 = arith.constant 0 : i32
        %parallel_loop3A_1022 = arith.index_cast %parallel_loop3A_1021 : i32 to index
        %parallel_loop3A_1023 = arith.index_cast %parallel_loop3A_531 : i32 to index
        %parallel_loop3A_1024 = tpu.vector_load %arg14[%parallel_loop3A_1022, %parallel_loop3A_1023] {strides = array<i32>} : memref<2x256xf32, #tpu.memory_space<vmem>>, vector<16xf32>,
        tpu.vector_store %arg14[%parallel_loop3A_1022, %parallel_loop3A_1023], %parallel_loop3A_1013 {strides = array<i32>} : memref<2x256xf32, #tpu.memory_space<vmem>>, vector<16xf32>,
        %parallel_loop3A_1025 = arith.constant 1 : i32
        %parallel_loop3A_1026 = arith.index_cast %parallel_loop3A_1025 : i32 to index
        %parallel_loop3A_1027 = arith.index_cast %parallel_loop3A_531 : i32 to index
        %parallel_loop3A_1028 = tpu.vector_load %arg14[%parallel_loop3A_1026, %parallel_loop3A_1027] {strides = array<i32>} : memref<2x256xf32, #tpu.memory_space<vmem>>, vector<16xf32>,
        tpu.vector_store %arg14[%parallel_loop3A_1026, %parallel_loop3A_1027], %parallel_loop3A_1020 {strides = array<i32>} : memref<2x256xf32, #tpu.memory_space<vmem>>, vector<16xf32>,
      } {sc.loop_unroll_factor = 2 : i64, sc.parallel_access}
      %jit3A_228 = arith.constant 64 : i32
      %div3A_229 = arith.divsi %add3A_122, %jit3A_228 : i32
      %sign3A_230 = arith.constant 0 : i32
      %sign3A_231 = arith.cmpi sgt, %add3A_122, %sign3A_230 : i32
      %sign3A_232 = arith.extui %sign3A_231 : i1 to i32
      %sign3A_233 = arith.constant 0 : i32
      %sign3A_234 = arith.cmpi slt, %add3A_122, %sign3A_233 : i32
      %sign3A_235 = arith.extui %sign3A_234 : i1 to i32
      %sign3A_236 = arith.subi %sign3A_232, %sign3A_235 : i32
      %sign3A_237 = arith.constant 0 : i32
      %sign3A_238 = arith.cmpi sgt, %jit3A_228, %sign3A_237 : i32
      %sign3A_239 = arith.extui %sign3A_238 : i1 to i32
      %sign3A_240 = arith.constant 0 : i32
      %sign3A_241 = arith.cmpi slt, %jit3A_228, %sign3A_240 : i32
      %sign3A_242 = arith.extui %sign3A_241 : i1 to i32
      %sign3A_243 = arith.subi %sign3A_239, %sign3A_242 : i32
      %ne3A_244 = arith.cmpi ne, %sign3A_236, %sign3A_243 : i32
      %rem3A_245 = arith.remsi %add3A_122, %jit3A_228 : i32
      %ne3A_246 = arith.constant 0 : i32
      %ne3A_247 = arith.cmpi ne, %rem3A_245, %ne3A_246 : i32
      %and3A_248 = arith.andi %ne3A_244, %ne3A_247 : i1
      %sub3A_249 = arith.constant 1 : i32
      %sub3A_250 = arith.subi %div3A_229, %sub3A_249 : i32
      %select_n3A_251 = arith.select %and3A_248, %sub3A_250, %div3A_229 : i32
      %jit3A_252 = arith.constant 64 : i32
      %eq3A_253 = arith.constant 0 : i32
      %eq3A_254 = arith.cmpi eq, %jit3A_252, %eq3A_253 : i32
      %jit3A_255 = arith.constant 1 : i32
      %select_n3A_256 = arith.select %eq3A_254, %jit3A_255, %jit3A_252 : i32
      %rem3A_257 = arith.remsi %add3A_122, %select_n3A_256 : i32
      %ne3A_258 = arith.constant 0 : i32
      %ne3A_259 = arith.cmpi ne, %rem3A_257, %ne3A_258 : i32
      %lt3A_260 = arith.constant 0 : i32
      %lt3A_261 = arith.cmpi slt, %rem3A_257, %lt3A_260 : i32
      %lt3A_262 = arith.constant 0 : i32
      %lt3A_263 = arith.cmpi slt, %select_n3A_256, %lt3A_262 : i32
      %ne3A_264 = arith.xori %lt3A_261, %lt3A_263 : i1
      %and3A_265 = arith.andi %ne3A_264, %ne3A_259 : i1
      %add3A_266 = arith.addi %rem3A_257, %select_n3A_256 : i32
      %select_n3A_267 = arith.select %and3A_265, %add3A_266, %rem3A_257 : i32
      %mul3A_268 = arith.constant 32 : i32
      %mul3A_269 = arith.muli %select_n3A, %mul3A_268 : i32
      %jit3A_270 = arith.constant 2 : i32
      %div3A_271 = arith.divsi %select_n3A_267, %jit3A_270 : i32
      %sign3A_272 = arith.constant 0 : i32
      %sign3A_273 = arith.cmpi sgt, %select_n3A_267, %sign3A_272 : i32
      %sign3A_274 = arith.extui %sign3A_273 : i1 to i32
      %sign3A_275 = arith.constant 0 : i32
      %sign3A_276 = arith.cmpi slt, %select_n3A_267, %sign3A_275 : i32
      %sign3A_277 = arith.extui %sign3A_276 : i1 to i32
      %sign3A_278 = arith.subi %sign3A_274, %sign3A_277 : i32
      %sign3A_279 = arith.constant 0 : i32
      %sign3A_280 = arith.cmpi sgt, %jit3A_270, %sign3A_279 : i32
      %sign3A_281 = arith.extui %sign3A_280 : i1 to i32
      %sign3A_282 = arith.constant 0 : i32
      %sign3A_283 = arith.cmpi slt, %jit3A_270, %sign3A_282 : i32
      %sign3A_284 = arith.extui %sign3A_283 : i1 to i32
      %sign3A_285 = arith.subi %sign3A_281, %sign3A_284 : i32
      %ne3A_286 = arith.cmpi ne, %sign3A_278, %sign3A_285 : i32
      %rem3A_287 = arith.remsi %select_n3A_267, %jit3A_270 : i32
      %ne3A_288 = arith.constant 0 : i32
      %ne3A_289 = arith.cmpi ne, %rem3A_287, %ne3A_288 : i32
      %and3A_290 = arith.andi %ne3A_286, %ne3A_289 : i1
      %sub3A_291 = arith.constant 1 : i32
      %sub3A_292 = arith.subi %div3A_271, %sub3A_291 : i32
      %select_n3A_293 = arith.select %and3A_290, %sub3A_292, %div3A_271 : i32
      %add3A_294 = arith.addi %mul3A_269, %select_n3A_293 : i32
      %jit3A_295 = arith.constant 2 : i32
      %eq3A_296 = arith.constant 0 : i32
      %eq3A_297 = arith.cmpi eq, %jit3A_295, %eq3A_296 : i32
      %jit3A_298 = arith.constant 1 : i32
      %select_n3A_299 = arith.select %eq3A_297, %jit3A_298, %jit3A_295 : i32
      %rem3A_300 = arith.remsi %select_n3A_267, %select_n3A_299 : i32
      %ne3A_301 = arith.constant 0 : i32
      %ne3A_302 = arith.cmpi ne, %rem3A_300, %ne3A_301 : i32
      %lt3A_303 = arith.constant 0 : i32
      %lt3A_304 = arith.cmpi slt, %rem3A_300, %lt3A_303 : i32
      %lt3A_305 = arith.constant 0 : i32
      %lt3A_306 = arith.cmpi slt, %select_n3A_299, %lt3A_305 : i32
      %ne3A_307 = arith.xori %lt3A_304, %lt3A_306 : i1
      %and3A_308 = arith.andi %ne3A_307, %ne3A_302 : i1
      %add3A_309 = arith.addi %rem3A_300, %select_n3A_299 : i32
      %select_n3A_310 = arith.select %and3A_308, %add3A_309, %rem3A_300 : i32
      %mul3A_311 = arith.constant 256 : i32
      %mul3A_312 = arith.muli %select_n3A_310, %mul3A_311 : i32
      %dma_start3A_313 = tpu.memref_slice %arg6[%select_n3A_251, %mul3A_32, %add3A_294, %mul3A_312] : memref<4x4x512x512xf32, #tpu.memory_space<hbm>> -> memref<1x2x1x256xf32, #tpu.memory_space<hbm>>
      %dma_start3A_314 = tpu.memref_squeeze %dma_start3A_313 : memref<1x2x1x256xf32, #tpu.memory_space<hbm>> -> memref<2x256xf32, #tpu.memory_space<hbm>>
      %dma_start3A_315 = tpu.memref_slice %arg6[%select_n3A_251, %mul3A_32, %add3A_294, %mul3A_312] : memref<4x4x512x512xf32, #tpu.memory_space<hbm>> -> memref<1x2x1x256xf32, #tpu.memory_space<hbm>>
      %dma_start3A_316 = tpu.memref_squeeze %dma_start3A_315 : memref<1x2x1x256xf32, #tpu.memory_space<hbm>> -> memref<2x256xf32, #tpu.memory_space<hbm>>
      tpu.enqueue_dma source(%arg14 : memref<2x256xf32, #tpu.memory_space<vmem>>) target(%dma_start3A_316 : memref<2x256xf32, #tpu.memory_space<hbm>>) target_semaphore(%arg18 : memref<!tpu.dma_semaphore, #tpu.memory_space<semaphore_mem>>)
      %lt3A_317 = arith.constant 127 : i32
      %lt3A_318 = arith.cmpi slt, %scan3A_118, %lt3A_317 : i32
      %convert_element_type3A_319 = arith.extui %lt3A_318 : i1 to i32
      %cond3A_320 = arith.constant 0 : i32
      %cond3A_321 = arith.cmpi ne, %convert_element_type3A_319, %cond3A_320 : i32
      scf.if %cond3A_321 {
        %add3A_529 = arith.constant 2 : i32
        %add3A_530 = arith.addi %add3A_122, %add3A_529 : i32
        %jit3A_531 = arith.constant 64 : i32
        %div3A_532 = arith.divsi %add3A_530, %jit3A_531 : i32
        %sign3A_533 = arith.constant 0 : i32
        %sign3A_534 = arith.cmpi sgt, %add3A_530, %sign3A_533 : i32
        %sign3A_535 = arith.extui %sign3A_534 : i1 to i32
        %sign3A_536 = arith.constant 0 : i32
        %sign3A_537 = arith.cmpi slt, %add3A_530, %sign3A_536 : i32
        %sign3A_538 = arith.extui %sign3A_537 : i1 to i32
        %sign3A_539 = arith.subi %sign3A_535, %sign3A_538 : i32
        %sign3A_540 = arith.constant 0 : i32
        %sign3A_541 = arith.cmpi sgt, %jit3A_531, %sign3A_540 : i32
        %sign3A_542 = arith.extui %sign3A_541 : i1 to i32
        %sign3A_543 = arith.constant 0 : i32
        %sign3A_544 = arith.cmpi slt, %jit3A_531, %sign3A_543 : i32
        %sign3A_545 = arith.extui %sign3A_544 : i1 to i32
        %sign3A_546 = arith.subi %sign3A_542, %sign3A_545 : i32
        %ne3A_547 = arith.cmpi ne, %sign3A_539, %sign3A_546 : i32
        %rem3A_548 = arith.remsi %add3A_530, %jit3A_531 : i32
        %ne3A_549 = arith.constant 0 : i32
        %ne3A_550 = arith.cmpi ne, %rem3A_548, %ne3A_549 : i32
        %and3A_551 = arith.andi %ne3A_547, %ne3A_550 : i1
        %sub3A_552 = arith.constant 1 : i32
        %sub3A_553 = arith.subi %div3A_532, %sub3A_552 : i32
        %select_n3A_554 = arith.select %and3A_551, %sub3A_553, %div3A_532 : i32
        %jit3A_555 = arith.constant 64 : i32
        %eq3A_556 = arith.constant 0 : i32
        %eq3A_557 = arith.cmpi eq, %jit3A_555, %eq3A_556 : i32
        %jit3A_558 = arith.constant 1 : i32
        %select_n3A_559 = arith.select %eq3A_557, %jit3A_558, %jit3A_555 : i32
        %rem3A_560 = arith.remsi %add3A_530, %select_n3A_559 : i32
        %ne3A_561 = arith.constant 0 : i32
        %ne3A_562 = arith.cmpi ne, %rem3A_560, %ne3A_561 : i32
        %lt3A_563 = arith.constant 0 : i32
        %lt3A_564 = arith.cmpi slt, %rem3A_560, %lt3A_563 : i32
        %lt3A_565 = arith.constant 0 : i32
        %lt3A_566 = arith.cmpi slt, %select_n3A_559, %lt3A_565 : i32
        %ne3A_567 = arith.xori %lt3A_564, %lt3A_566 : i1
        %and3A_568 = arith.andi %ne3A_567, %ne3A_562 : i1
        %add3A_569 = arith.addi %rem3A_560, %select_n3A_559 : i32
        %select_n3A_570 = arith.select %and3A_568, %add3A_569, %rem3A_560 : i32
        %mul3A_571 = arith.constant 32 : i32
        %mul3A_572 = arith.muli %select_n3A, %mul3A_571 : i32
        %jit3A_573 = arith.constant 2 : i32
        %div3A_574 = arith.divsi %select_n3A_570, %jit3A_573 : i32
        %sign3A_575 = arith.constant 0 : i32
        %sign3A_576 = arith.cmpi sgt, %select_n3A_570, %sign3A_575 : i32
        %sign3A_577 = arith.extui %sign3A_576 : i1 to i32
        %sign3A_578 = arith.constant 0 : i32
        %sign3A_579 = arith.cmpi slt, %select_n3A_570, %sign3A_578 : i32
        %sign3A_580 = arith.extui %sign3A_579 : i1 to i32
        %sign3A_581 = arith.subi %sign3A_577, %sign3A_580 : i32
        %sign3A_582 = arith.constant 0 : i32
        %sign3A_583 = arith.cmpi sgt, %jit3A_573, %sign3A_582 : i32
        %sign3A_584 = arith.extui %sign3A_583 : i1 to i32
        %sign3A_585 = arith.constant 0 : i32
        %sign3A_586 = arith.cmpi slt, %jit3A_573, %sign3A_585 : i32
        %sign3A_587 = arith.extui %sign3A_586 : i1 to i32
        %sign3A_588 = arith.subi %sign3A_584, %sign3A_587 : i32
        %ne3A_589 = arith.cmpi ne, %sign3A_581, %sign3A_588 : i32
        %rem3A_590 = arith.remsi %select_n3A_570, %jit3A_573 : i32
        %ne3A_591 = arith.constant 0 : i32
        %ne3A_592 = arith.cmpi ne, %rem3A_590, %ne3A_591 : i32
        %and3A_593 = arith.andi %ne3A_589, %ne3A_592 : i1
        %sub3A_594 = arith.constant 1 : i32
        %sub3A_595 = arith.subi %div3A_574, %sub3A_594 : i32
        %select_n3A_596 = arith.select %and3A_593, %sub3A_595, %div3A_574 : i32
        %add3A_597 = arith.addi %mul3A_572, %select_n3A_596 : i32
        %jit3A_598 = arith.constant 2 : i32
        %eq3A_599 = arith.constant 0 : i32
        %eq3A_600 = arith.cmpi eq, %jit3A_598, %eq3A_599 : i32
        %jit3A_601 = arith.constant 1 : i32
        %select_n3A_602 = arith.select %eq3A_600, %jit3A_601, %jit3A_598 : i32
        %rem3A_603 = arith.remsi %select_n3A_570, %select_n3A_602 : i32
        %ne3A_604 = arith.constant 0 : i32
        %ne3A_605 = arith.cmpi ne, %rem3A_603, %ne3A_604 : i32
        %lt3A_606 = arith.constant 0 : i32
        %lt3A_607 = arith.cmpi slt, %rem3A_603, %lt3A_606 : i32
        %lt3A_608 = arith.constant 0 : i32
        %lt3A_609 = arith.cmpi slt, %select_n3A_602, %lt3A_608 : i32
        %ne3A_610 = arith.xori %lt3A_607, %lt3A_609 : i1
        %and3A_611 = arith.andi %ne3A_610, %ne3A_605 : i1
        %add3A_612 = arith.addi %rem3A_603, %select_n3A_602 : i32
        %select_n3A_613 = arith.select %and3A_611, %add3A_612, %rem3A_603 : i32
        %mul3A_614 = arith.constant 256 : i32
        %mul3A_615 = arith.muli %select_n3A_613, %mul3A_614 : i32
        %dma_start3A_616 = arith.constant 0 : i32
        %dma_start3A_617 = tpu.memref_slice %arg3[%select_n3A_554, %dma_start3A_616, %add3A_597, %mul3A_615] : memref<4x16x512x512xi32, #tpu.memory_space<hbm>> -> memref<1x16x1x256xi32, #tpu.memory_space<hbm>>
        %dma_start3A_618 = tpu.memref_squeeze %dma_start3A_617 : memref<1x16x1x256xi32, #tpu.memory_space<hbm>> -> memref<16x256xi32, #tpu.memory_space<hbm>>
        %dma_start3A_619 = arith.constant 0 : i32
        %dma_start3A_620 = tpu.memref_slice %arg3[%select_n3A_554, %dma_start3A_619, %add3A_597, %mul3A_615] : memref<4x16x512x512xi32, #tpu.memory_space<hbm>> -> memref<1x16x1x256xi32, #tpu.memory_space<hbm>>
        %dma_start3A_621 = tpu.memref_squeeze %dma_start3A_620 : memref<1x16x1x256xi32, #tpu.memory_space<hbm>> -> memref<16x256xi32, #tpu.memory_space<hbm>>
        tpu.enqueue_dma source(%dma_start3A_621 : memref<16x256xi32, #tpu.memory_space<hbm>>) target(%arg8 : memref<16x256xi32, #tpu.memory_space<vmem>>) target_semaphore(%arg16 : memref<!tpu.dma_semaphore, #tpu.memory_space<semaphore_mem>>)
        %dma_start3A_622 = arith.constant 0 : i32
        %dma_start3A_623 = tpu.memref_slice %arg4[%select_n3A_554, %dma_start3A_622, %add3A_597, %mul3A_615] : memref<4x16x512x512xf32, #tpu.memory_space<hbm>> -> memref<1x16x1x256xf32, #tpu.memory_space<hbm>>
        %dma_start3A_624 = tpu.memref_squeeze %dma_start3A_623 : memref<1x16x1x256xf32, #tpu.memory_space<hbm>> -> memref<16x256xf32, #tpu.memory_space<hbm>>
        %dma_start3A_625 = arith.constant 0 : i32
        %dma_start3A_626 = tpu.memref_slice %arg4[%select_n3A_554, %dma_start3A_625, %add3A_597, %mul3A_615] : memref<4x16x512x512xf32, #tpu.memory_space<hbm>> -> memref<1x16x1x256xf32, #tpu.memory_space<hbm>>
        %dma_start3A_627 = tpu.memref_squeeze %dma_start3A_626 : memref<1x16x1x256xf32, #tpu.memory_space<hbm>> -> memref<16x256xf32, #tpu.memory_space<hbm>>
        tpu.enqueue_dma source(%dma_start3A_627 : memref<16x256xf32, #tpu.memory_space<hbm>>) target(%arg10 : memref<16x256xf32, #tpu.memory_space<vmem>>) target_semaphore(%arg16 : memref<!tpu.dma_semaphore, #tpu.memory_space<semaphore_mem>>)
        %dma_start3A_628 = tpu.memref_slice %arg5[%select_n3A_30, %add3A_597, %mul3A_615] : memref<3x512x512xf32, #tpu.memory_space<hbm>> -> memref<2x1x256xf32, #tpu.memory_space<hbm>>
        %dma_start3A_629 = tpu.memref_squeeze %dma_start3A_628 : memref<2x1x256xf32, #tpu.memory_space<hbm>> -> memref<2x256xf32, #tpu.memory_space<hbm>>
        %dma_start3A_630 = tpu.memref_slice %arg5[%select_n3A_30, %add3A_597, %mul3A_615] : memref<3x512x512xf32, #tpu.memory_space<hbm>> -> memref<2x1x256xf32, #tpu.memory_space<hbm>>
        %dma_start3A_631 = tpu.memref_squeeze %dma_start3A_630 : memref<2x1x256xf32, #tpu.memory_space<hbm>> -> memref<2x256xf32, #tpu.memory_space<hbm>>
        tpu.enqueue_dma source(%dma_start3A_631 : memref<2x256xf32, #tpu.memory_space<hbm>>) target(%arg12 : memref<2x256xf32, #tpu.memory_space<vmem>>) target_semaphore(%arg16 : memref<!tpu.dma_semaphore, #tpu.memory_space<semaphore_mem>>)
      } else {
      }
      %mul3A_322 = arith.constant 2 : i32
      %mul3A_323 = arith.muli %mul3A_322, %scan3A_118 : i32
      %add3A_324 = arith.constant 1 : i32
      %add3A_325 = arith.addi %mul3A_323, %add3A_324 : i32
      %jit3A_326 = arith.constant 64 : i32
      %div3A_327 = arith.divsi %add3A_325, %jit3A_326 : i32
      %sign3A_328 = arith.constant 0 : i32
      %sign3A_329 = arith.cmpi sgt, %add3A_325, %sign3A_328 : i32
      %sign3A_330 = arith.extui %sign3A_329 : i1 to i32
      %sign3A_331 = arith.constant 0 : i32
      %sign3A_332 = arith.cmpi slt, %add3A_325, %sign3A_331 : i32
      %sign3A_333 = arith.extui %sign3A_332 : i1 to i32
      %sign3A_334 = arith.subi %sign3A_330, %sign3A_333 : i32
      %sign3A_335 = arith.constant 0 : i32
      %sign3A_336 = arith.cmpi sgt, %jit3A_326, %sign3A_335 : i32
      %sign3A_337 = arith.extui %sign3A_336 : i1 to i32
      %sign3A_338 = arith.constant 0 : i32
      %sign3A_339 = arith.cmpi slt, %jit3A_326, %sign3A_338 : i32
      %sign3A_340 = arith.extui %sign3A_339 : i1 to i32
      %sign3A_341 = arith.subi %sign3A_337, %sign3A_340 : i32
      %ne3A_342 = arith.cmpi ne, %sign3A_334, %sign3A_341 : i32
      %rem3A_343 = arith.remsi %add3A_325, %jit3A_326 : i32
      %ne3A_344 = arith.constant 0 : i32
      %ne3A_345 = arith.cmpi ne, %rem3A_343, %ne3A_344 : i32
      %and3A_346 = arith.andi %ne3A_342, %ne3A_345 : i1
      %sub3A_347 = arith.constant 1 : i32
      %sub3A_348 = arith.subi %div3A_327, %sub3A_347 : i32
      %select_n3A_349 = arith.select %and3A_346, %sub3A_348, %div3A_327 : i32
      %jit3A_350 = arith.constant 64 : i32
      %eq3A_351 = arith.constant 0 : i32
      %eq3A_352 = arith.cmpi eq, %jit3A_350, %eq3A_351 : i32
      %jit3A_353 = arith.constant 1 : i32
      %select_n3A_354 = arith.select %eq3A_352, %jit3A_353, %jit3A_350 : i32
      %rem3A_355 = arith.remsi %add3A_325, %select_n3A_354 : i32
      %ne3A_356 = arith.constant 0 : i32
      %ne3A_357 = arith.cmpi ne, %rem3A_355, %ne3A_356 : i32
      %lt3A_358 = arith.constant 0 : i32
      %lt3A_359 = arith.cmpi slt, %rem3A_355, %lt3A_358 : i32
      %lt3A_360 = arith.constant 0 : i32
      %lt3A_361 = arith.cmpi slt, %select_n3A_354, %lt3A_360 : i32
      %ne3A_362 = arith.xori %lt3A_359, %lt3A_361 : i1
      %and3A_363 = arith.andi %ne3A_362, %ne3A_357 : i1
      %add3A_364 = arith.addi %rem3A_355, %select_n3A_354 : i32
      %select_n3A_365 = arith.select %and3A_363, %add3A_364, %rem3A_355 : i32
      %mul3A_366 = arith.constant 32 : i32
      %mul3A_367 = arith.muli %select_n3A, %mul3A_366 : i32
      %jit3A_368 = arith.constant 2 : i32
      %div3A_369 = arith.divsi %select_n3A_365, %jit3A_368 : i32
      %sign3A_370 = arith.constant 0 : i32
      %sign3A_371 = arith.cmpi sgt, %select_n3A_365, %sign3A_370 : i32
      %sign3A_372 = arith.extui %sign3A_371 : i1 to i32
      %sign3A_373 = arith.constant 0 : i32
      %sign3A_374 = arith.cmpi slt, %select_n3A_365, %sign3A_373 : i32
      %sign3A_375 = arith.extui %sign3A_374 : i1 to i32
      %sign3A_376 = arith.subi %sign3A_372, %sign3A_375 : i32
      %sign3A_377 = arith.constant 0 : i32
      %sign3A_378 = arith.cmpi sgt, %jit3A_368, %sign3A_377 : i32
      %sign3A_379 = arith.extui %sign3A_378 : i1 to i32
      %sign3A_380 = arith.constant 0 : i32
      %sign3A_381 = arith.cmpi slt, %jit3A_368, %sign3A_380 : i32
      %sign3A_382 = arith.extui %sign3A_381 : i1 to i32
      %sign3A_383 = arith.subi %sign3A_379, %sign3A_382 : i32
      %ne3A_384 = arith.cmpi ne, %sign3A_376, %sign3A_383 : i32
      %rem3A_385 = arith.remsi %select_n3A_365, %jit3A_368 : i32
      %ne3A_386 = arith.constant 0 : i32
      %ne3A_387 = arith.cmpi ne, %rem3A_385, %ne3A_386 : i32
      %and3A_388 = arith.andi %ne3A_384, %ne3A_387 : i1
      %sub3A_389 = arith.constant 1 : i32
      %sub3A_390 = arith.subi %div3A_369, %sub3A_389 : i32
      %select_n3A_391 = arith.select %and3A_388, %sub3A_390, %div3A_369 : i32
      %add3A_392 = arith.addi %mul3A_367, %select_n3A_391 : i32
      %jit3A_393 = arith.constant 2 : i32
      %eq3A_394 = arith.constant 0 : i32
      %eq3A_395 = arith.cmpi eq, %jit3A_393, %eq3A_394 : i32
      %jit3A_396 = arith.constant 1 : i32
      %select_n3A_397 = arith.select %eq3A_395, %jit3A_396, %jit3A_393 : i32
      %rem3A_398 = arith.remsi %select_n3A_365, %select_n3A_397 : i32
      %ne3A_399 = arith.constant 0 : i32
      %ne3A_400 = arith.cmpi ne, %rem3A_398, %ne3A_399 : i32
      %lt3A_401 = arith.constant 0 : i32
      %lt3A_402 = arith.cmpi slt, %rem3A_398, %lt3A_401 : i32
      %lt3A_403 = arith.constant 0 : i32
      %lt3A_404 = arith.cmpi slt, %select_n3A_397, %lt3A_403 : i32
      %ne3A_405 = arith.xori %lt3A_402, %lt3A_404 : i1
      %and3A_406 = arith.andi %ne3A_405, %ne3A_400 : i1
      %add3A_407 = arith.addi %rem3A_398, %select_n3A_397 : i32
      %select_n3A_408 = arith.select %and3A_406, %add3A_407, %rem3A_398 : i32
      %mul3A_409 = arith.constant 256 : i32
      %mul3A_410 = arith.muli %select_n3A_408, %mul3A_409 : i32
      %dma_wait3A_411 = arith.constant 0 : i32
      %dma_wait3A_412 = tpu.memref_slice %arg3[%select_n3A_349, %dma_wait3A_411, %add3A_392, %mul3A_410] : memref<4x16x512x512xi32, #tpu.memory_space<hbm>> -> memref<1x16x1x256xi32, #tpu.memory_space<hbm>>
      %dma_wait3A_413 = tpu.memref_squeeze %dma_wait3A_412 : memref<1x16x1x256xi32, #tpu.memory_space<hbm>> -> memref<16x256xi32, #tpu.memory_space<hbm>>
      %dma_wait3A_414 = arith.constant 0 : i32
      %dma_wait3A_415 = tpu.memref_slice %arg3[%select_n3A_349, %dma_wait3A_414, %add3A_392, %mul3A_410] : memref<4x16x512x512xi32, #tpu.memory_space<hbm>> -> memref<1x16x1x256xi32, #tpu.memory_space<hbm>>
      %dma_wait3A_416 = tpu.memref_squeeze %dma_wait3A_415 : memref<1x16x1x256xi32, #tpu.memory_space<hbm>> -> memref<16x256xi32, #tpu.memory_space<hbm>>
      tpu.wait_dma2 semaphore(%arg17 : memref<!tpu.dma_semaphore, #tpu.memory_space<semaphore_mem>>) src(%dma_wait3A_416 : memref<16x256xi32, #tpu.memory_space<hbm>>) dst(%arg9 : memref<16x256xi32, #tpu.memory_space<vmem>>)
      %dma_wait3A_417 = arith.constant 0 : i32
      %dma_wait3A_418 = tpu.memref_slice %arg4[%select_n3A_349, %dma_wait3A_417, %add3A_392, %mul3A_410] : memref<4x16x512x512xf32, #tpu.memory_space<hbm>> -> memref<1x16x1x256xf32, #tpu.memory_space<hbm>>
      %dma_wait3A_419 = tpu.memref_squeeze %dma_wait3A_418 : memref<1x16x1x256xf32, #tpu.memory_space<hbm>> -> memref<16x256xf32, #tpu.memory_space<hbm>>
      %dma_wait3A_420 = arith.constant 0 : i32
      %dma_wait3A_421 = tpu.memref_slice %arg4[%select_n3A_349, %dma_wait3A_420, %add3A_392, %mul3A_410] : memref<4x16x512x512xf32, #tpu.memory_space<hbm>> -> memref<1x16x1x256xf32, #tpu.memory_space<hbm>>
      %dma_wait3A_422 = tpu.memref_squeeze %dma_wait3A_421 : memref<1x16x1x256xf32, #tpu.memory_space<hbm>> -> memref<16x256xf32, #tpu.memory_space<hbm>>
      tpu.wait_dma2 semaphore(%arg17 : memref<!tpu.dma_semaphore, #tpu.memory_space<semaphore_mem>>) src(%dma_wait3A_422 : memref<16x256xf32, #tpu.memory_space<hbm>>) dst(%arg11 : memref<16x256xf32, #tpu.memory_space<vmem>>)
      %dma_wait3A_423 = tpu.memref_slice %arg5[%select_n3A_30, %add3A_392, %mul3A_410] : memref<3x512x512xf32, #tpu.memory_space<hbm>> -> memref<2x1x256xf32, #tpu.memory_space<hbm>>
      %dma_wait3A_424 = tpu.memref_squeeze %dma_wait3A_423 : memref<2x1x256xf32, #tpu.memory_space<hbm>> -> memref<2x256xf32, #tpu.memory_space<hbm>>
      %dma_wait3A_425 = tpu.memref_slice %arg5[%select_n3A_30, %add3A_392, %mul3A_410] : memref<3x512x512xf32, #tpu.memory_space<hbm>> -> memref<2x1x256xf32, #tpu.memory_space<hbm>>
      %dma_wait3A_426 = tpu.memref_squeeze %dma_wait3A_425 : memref<2x1x256xf32, #tpu.memory_space<hbm>> -> memref<2x256xf32, #tpu.memory_space<hbm>>
      tpu.wait_dma2 semaphore(%arg17 : memref<!tpu.dma_semaphore, #tpu.memory_space<semaphore_mem>>) src(%dma_wait3A_426 : memref<2x256xf32, #tpu.memory_space<hbm>>) dst(%arg13 : memref<2x256xf32, #tpu.memory_space<vmem>>)
      %gt3A_427 = arith.constant 0 : i32
      %gt3A_428 = arith.cmpi sgt, %scan3A_118, %gt3A_427 : i32
      %convert_element_type3A_429 = arith.extui %gt3A_428 : i1 to i32
      %cond3A_430 = arith.constant 0 : i32
      %cond3A_431 = arith.cmpi ne, %convert_element_type3A_429, %cond3A_430 : i32
      scf.if %cond3A_431 {
        %jit3A_529 = arith.constant 64 : i32
        %div3A_530 = arith.divsi %add3A_325, %jit3A_529 : i32
        %sign3A_531 = arith.constant 0 : i32
        %sign3A_532 = arith.cmpi sgt, %add3A_325, %sign3A_531 : i32
        %sign3A_533 = arith.extui %sign3A_532 : i1 to i32
        %sign3A_534 = arith.constant 0 : i32
        %sign3A_535 = arith.cmpi slt, %add3A_325, %sign3A_534 : i32
        %sign3A_536 = arith.extui %sign3A_535 : i1 to i32
        %sign3A_537 = arith.subi %sign3A_533, %sign3A_536 : i32
        %sign3A_538 = arith.constant 0 : i32
        %sign3A_539 = arith.cmpi sgt, %jit3A_529, %sign3A_538 : i32
        %sign3A_540 = arith.extui %sign3A_539 : i1 to i32
        %sign3A_541 = arith.constant 0 : i32
        %sign3A_542 = arith.cmpi slt, %jit3A_529, %sign3A_541 : i32
        %sign3A_543 = arith.extui %sign3A_542 : i1 to i32
        %sign3A_544 = arith.subi %sign3A_540, %sign3A_543 : i32
        %ne3A_545 = arith.cmpi ne, %sign3A_537, %sign3A_544 : i32
        %rem3A_546 = arith.remsi %add3A_325, %jit3A_529 : i32
        %ne3A_547 = arith.constant 0 : i32
        %ne3A_548 = arith.cmpi ne, %rem3A_546, %ne3A_547 : i32
        %and3A_549 = arith.andi %ne3A_545, %ne3A_548 : i1
        %sub3A_550 = arith.constant 1 : i32
        %sub3A_551 = arith.subi %div3A_530, %sub3A_550 : i32
        %select_n3A_552 = arith.select %and3A_549, %sub3A_551, %div3A_530 : i32
        %jit3A_553 = arith.constant 64 : i32
        %eq3A_554 = arith.constant 0 : i32
        %eq3A_555 = arith.cmpi eq, %jit3A_553, %eq3A_554 : i32
        %jit3A_556 = arith.constant 1 : i32
        %select_n3A_557 = arith.select %eq3A_555, %jit3A_556, %jit3A_553 : i32
        %rem3A_558 = arith.remsi %add3A_325, %select_n3A_557 : i32
        %ne3A_559 = arith.constant 0 : i32
        %ne3A_560 = arith.cmpi ne, %rem3A_558, %ne3A_559 : i32
        %lt3A_561 = arith.constant 0 : i32
        %lt3A_562 = arith.cmpi slt, %rem3A_558, %lt3A_561 : i32
        %lt3A_563 = arith.constant 0 : i32
        %lt3A_564 = arith.cmpi slt, %select_n3A_557, %lt3A_563 : i32
        %ne3A_565 = arith.xori %lt3A_562, %lt3A_564 : i1
        %and3A_566 = arith.andi %ne3A_565, %ne3A_560 : i1
        %add3A_567 = arith.addi %rem3A_558, %select_n3A_557 : i32
        %select_n3A_568 = arith.select %and3A_566, %add3A_567, %rem3A_558 : i32
        %mul3A_569 = arith.constant 32 : i32
        %mul3A_570 = arith.muli %select_n3A, %mul3A_569 : i32
        %jit3A_571 = arith.constant 2 : i32
        %div3A_572 = arith.divsi %select_n3A_568, %jit3A_571 : i32
        %sign3A_573 = arith.constant 0 : i32
        %sign3A_574 = arith.cmpi sgt, %select_n3A_568, %sign3A_573 : i32
        %sign3A_575 = arith.extui %sign3A_574 : i1 to i32
        %sign3A_576 = arith.constant 0 : i32
        %sign3A_577 = arith.cmpi slt, %select_n3A_568, %sign3A_576 : i32
        %sign3A_578 = arith.extui %sign3A_577 : i1 to i32
        %sign3A_579 = arith.subi %sign3A_575, %sign3A_578 : i32
        %sign3A_580 = arith.constant 0 : i32
        %sign3A_581 = arith.cmpi sgt, %jit3A_571, %sign3A_580 : i32
        %sign3A_582 = arith.extui %sign3A_581 : i1 to i32
        %sign3A_583 = arith.constant 0 : i32
        %sign3A_584 = arith.cmpi slt, %jit3A_571, %sign3A_583 : i32
        %sign3A_585 = arith.extui %sign3A_584 : i1 to i32
        %sign3A_586 = arith.subi %sign3A_582, %sign3A_585 : i32
        %ne3A_587 = arith.cmpi ne, %sign3A_579, %sign3A_586 : i32
        %rem3A_588 = arith.remsi %select_n3A_568, %jit3A_571 : i32
        %ne3A_589 = arith.constant 0 : i32
        %ne3A_590 = arith.cmpi ne, %rem3A_588, %ne3A_589 : i32
        %and3A_591 = arith.andi %ne3A_587, %ne3A_590 : i1
        %sub3A_592 = arith.constant 1 : i32
        %sub3A_593 = arith.subi %div3A_572, %sub3A_592 : i32
        %select_n3A_594 = arith.select %and3A_591, %sub3A_593, %div3A_572 : i32
        %add3A_595 = arith.addi %mul3A_570, %select_n3A_594 : i32
        %jit3A_596 = arith.constant 2 : i32
        %eq3A_597 = arith.constant 0 : i32
        %eq3A_598 = arith.cmpi eq, %jit3A_596, %eq3A_597 : i32
        %jit3A_599 = arith.constant 1 : i32
        %select_n3A_600 = arith.select %eq3A_598, %jit3A_599, %jit3A_596 : i32
        %rem3A_601 = arith.remsi %select_n3A_568, %select_n3A_600 : i32
        %ne3A_602 = arith.constant 0 : i32
        %ne3A_603 = arith.cmpi ne, %rem3A_601, %ne3A_602 : i32
        %lt3A_604 = arith.constant 0 : i32
        %lt3A_605 = arith.cmpi slt, %rem3A_601, %lt3A_604 : i32
        %lt3A_606 = arith.constant 0 : i32
        %lt3A_607 = arith.cmpi slt, %select_n3A_600, %lt3A_606 : i32
        %ne3A_608 = arith.xori %lt3A_605, %lt3A_607 : i1
        %and3A_609 = arith.andi %ne3A_608, %ne3A_603 : i1
        %add3A_610 = arith.addi %rem3A_601, %select_n3A_600 : i32
        %select_n3A_611 = arith.select %and3A_609, %add3A_610, %rem3A_601 : i32
        %mul3A_612 = arith.constant 256 : i32
        %mul3A_613 = arith.muli %select_n3A_611, %mul3A_612 : i32
        %dma_wait3A_614 = tpu.memref_slice %arg6[%select_n3A_552, %mul3A_32, %add3A_595, %mul3A_613] : memref<4x4x512x512xf32, #tpu.memory_space<hbm>> -> memref<1x2x1x256xf32, #tpu.memory_space<hbm>>
        %dma_wait3A_615 = tpu.memref_squeeze %dma_wait3A_614 : memref<1x2x1x256xf32, #tpu.memory_space<hbm>> -> memref<2x256xf32, #tpu.memory_space<hbm>>
        %dma_wait3A_616 = tpu.memref_slice %arg6[%select_n3A_552, %mul3A_32, %add3A_595, %mul3A_613] : memref<4x4x512x512xf32, #tpu.memory_space<hbm>> -> memref<1x2x1x256xf32, #tpu.memory_space<hbm>>
        %dma_wait3A_617 = tpu.memref_squeeze %dma_wait3A_616 : memref<1x2x1x256xf32, #tpu.memory_space<hbm>> -> memref<2x256xf32, #tpu.memory_space<hbm>>
        tpu.wait_dma2 semaphore(%arg19 : memref<!tpu.dma_semaphore, #tpu.memory_space<semaphore_mem>>) src(%arg15 : memref<2x256xf32, #tpu.memory_space<vmem>>) dst(%dma_wait3A_617 : memref<2x256xf32, #tpu.memory_space<hbm>>)
      } else {
      }
      %parallel_loop3A_432 = arith.constant 0 : i32
      %parallel_loop3A_433 = arith.constant 16 : i32
      %parallel_loop3A_434 = arith.constant 1 : i32
      scf.for %parallel_loop3A_529 = %parallel_loop3A_432 to %parallel_loop3A_433 step %parallel_loop3A_434  : i32 {
        %parallel_loop3A_530 = arith.constant 16 : i32
        %parallel_loop3A_531 = arith.muli %parallel_loop3A_529, %parallel_loop3A_530 : i32
        %parallel_loop3A_532 = arith.constant 0 : i32
        %parallel_loop3A_533 = arith.index_cast %parallel_loop3A_532 : i32 to index
        %parallel_loop3A_534 = arith.index_cast %parallel_loop3A_531 : i32 to index
        %parallel_loop3A_535 = tpu.vector_load %arg9[%parallel_loop3A_533, %parallel_loop3A_534] {strides = array<i32>} : memref<16x256xi32, #tpu.memory_space<vmem>>, vector<16xi32>,
        %parallel_loop3A_536 = arith.constant 0 : i32
        %parallel_loop3A_537 = arith.index_cast %parallel_loop3A_536 : i32 to index
        %parallel_loop3A_538 = arith.index_cast %parallel_loop3A_531 : i32 to index
        %parallel_loop3A_539 = tpu.vector_load %arg11[%parallel_loop3A_537, %parallel_loop3A_538] {strides = array<i32>} : memref<16x256xf32, #tpu.memory_space<vmem>>, vector<16xf32>,
        %parallel_loop3A_540 = arith.constant 0 : i32
        %parallel_loop3A_541 = vector.broadcast %parallel_loop3A_540 : i32 to vector<16xi32>
        %parallel_loop3A_542 = arith.cmpi sge, %parallel_loop3A_535, %parallel_loop3A_541 : vector<16xi32>
        %parallel_loop3A_543 = arith.constant 0.000000e+00 : f32
        %parallel_loop3A_544 = vector.broadcast %parallel_loop3A_543 : f32 to vector<16xf32>
        %parallel_loop3A_545 = arith.select %parallel_loop3A_542, %parallel_loop3A_539, %parallel_loop3A_544 : vector<16xi1>, vector<16xf32>
        %parallel_loop3A_546 = arith.constant 1.000000e+00 : f32
        %parallel_loop3A_547 = vector.broadcast %parallel_loop3A_546 : f32 to vector<16xf32>
        %parallel_loop3A_548 = arith.subf %parallel_loop3A_547, %parallel_loop3A_545 : vector<16xf32>
        %parallel_loop3A_549 = arith.constant 0 : i32
        %parallel_loop3A_550 = vector.broadcast %parallel_loop3A_549 : i32 to vector<16xi32>
        %parallel_loop3A_551 = arith.maxsi %parallel_loop3A_535, %parallel_loop3A_550 : vector<16xi32>
        %parallel_loop3A_552 = tpu.vector_load_idx %arg7[%parallel_loop3A_551] : memref<100000xi32, #tpu.memory_space<vmem>>[vector<16xi32>], vector<16xi32>,
        %parallel_loop3A_553 = arith.constant 16 : i32
        %parallel_loop3A_554 = vector.broadcast %parallel_loop3A_553 : i32 to vector<16xi32>
        %parallel_loop3A_555 = arith.shli %parallel_loop3A_552, %parallel_loop3A_554 : vector<16xi32>
        %parallel_loop3A_556 = vector.bitcast %parallel_loop3A_555 : vector<16xi32> to vector<16xf32>
        %parallel_loop3A_557 = vector.bitcast %parallel_loop3A_552 : vector<16xi32> to vector<16xf32>
        %parallel_loop3A_558 = arith.mulf %parallel_loop3A_545, %parallel_loop3A_556 : vector<16xf32>
        %parallel_loop3A_559 = arith.mulf %parallel_loop3A_545, %parallel_loop3A_557 : vector<16xf32>
        %parallel_loop3A_560 = arith.constant 1 : i32
        %parallel_loop3A_561 = arith.index_cast %parallel_loop3A_560 : i32 to index
        %parallel_loop3A_562 = arith.index_cast %parallel_loop3A_531 : i32 to index
        %parallel_loop3A_563 = tpu.vector_load %arg9[%parallel_loop3A_561, %parallel_loop3A_562] {strides = array<i32>} : memref<16x256xi32, #tpu.memory_space<vmem>>, vector<16xi32>,
        %parallel_loop3A_564 = arith.constant 1 : i32
        %parallel_loop3A_565 = arith.index_cast %parallel_loop3A_564 : i32 to index
        %parallel_loop3A_566 = arith.index_cast %parallel_loop3A_531 : i32 to index
        %parallel_loop3A_567 = tpu.vector_load %arg11[%parallel_loop3A_565, %parallel_loop3A_566] {strides = array<i32>} : memref<16x256xf32, #tpu.memory_space<vmem>>, vector<16xf32>,
        %parallel_loop3A_568 = arith.constant 0 : i32
        %parallel_loop3A_569 = vector.broadcast %parallel_loop3A_568 : i32 to vector<16xi32>
        %parallel_loop3A_570 = arith.cmpi sge, %parallel_loop3A_563, %parallel_loop3A_569 : vector<16xi32>
        %parallel_loop3A_571 = arith.constant 0.000000e+00 : f32
        %parallel_loop3A_572 = vector.broadcast %parallel_loop3A_571 : f32 to vector<16xf32>
        %parallel_loop3A_573 = arith.select %parallel_loop3A_570, %parallel_loop3A_567, %parallel_loop3A_572 : vector<16xi1>, vector<16xf32>
        %parallel_loop3A_574 = arith.mulf %parallel_loop3A_573, %parallel_loop3A_548 : vector<16xf32>
        %parallel_loop3A_575 = arith.subf %parallel_loop3A_548, %parallel_loop3A_574 : vector<16xf32>
        %parallel_loop3A_576 = arith.constant 0 : i32
        %parallel_loop3A_577 = vector.broadcast %parallel_loop3A_576 : i32 to vector<16xi32>
        %parallel_loop3A_578 = arith.maxsi %parallel_loop3A_563, %parallel_loop3A_577 : vector<16xi32>
        %parallel_loop3A_579 = tpu.vector_load_idx %arg7[%parallel_loop3A_578] : memref<100000xi32, #tpu.memory_space<vmem>>[vector<16xi32>], vector<16xi32>,
        %parallel_loop3A_580 = arith.constant 16 : i32
        %parallel_loop3A_581 = vector.broadcast %parallel_loop3A_580 : i32 to vector<16xi32>
        %parallel_loop3A_582 = arith.shli %parallel_loop3A_579, %parallel_loop3A_581 : vector<16xi32>
        %parallel_loop3A_583 = vector.bitcast %parallel_loop3A_582 : vector<16xi32> to vector<16xf32>
        %parallel_loop3A_584 = vector.bitcast %parallel_loop3A_579 : vector<16xi32> to vector<16xf32>
        %parallel_loop3A_585 = arith.mulf %parallel_loop3A_574, %parallel_loop3A_583 : vector<16xf32>
        %parallel_loop3A_586 = arith.addf %parallel_loop3A_558, %parallel_loop3A_585 : vector<16xf32>
        %parallel_loop3A_587 = arith.mulf %parallel_loop3A_574, %parallel_loop3A_584 : vector<16xf32>
        %parallel_loop3A_588 = arith.addf %parallel_loop3A_559, %parallel_loop3A_587 : vector<16xf32>
        %parallel_loop3A_589 = arith.constant 2 : i32
        %parallel_loop3A_590 = arith.index_cast %parallel_loop3A_589 : i32 to index
        %parallel_loop3A_591 = arith.index_cast %parallel_loop3A_531 : i32 to index
        %parallel_loop3A_592 = tpu.vector_load %arg9[%parallel_loop3A_590, %parallel_loop3A_591] {strides = array<i32>} : memref<16x256xi32, #tpu.memory_space<vmem>>, vector<16xi32>,
        %parallel_loop3A_593 = arith.constant 2 : i32
        %parallel_loop3A_594 = arith.index_cast %parallel_loop3A_593 : i32 to index
        %parallel_loop3A_595 = arith.index_cast %parallel_loop3A_531 : i32 to index
        %parallel_loop3A_596 = tpu.vector_load %arg11[%parallel_loop3A_594, %parallel_loop3A_595] {strides = array<i32>} : memref<16x256xf32, #tpu.memory_space<vmem>>, vector<16xf32>,
        %parallel_loop3A_597 = arith.constant 0 : i32
        %parallel_loop3A_598 = vector.broadcast %parallel_loop3A_597 : i32 to vector<16xi32>
        %parallel_loop3A_599 = arith.cmpi sge, %parallel_loop3A_592, %parallel_loop3A_598 : vector<16xi32>
        %parallel_loop3A_600 = arith.constant 0.000000e+00 : f32
        %parallel_loop3A_601 = vector.broadcast %parallel_loop3A_600 : f32 to vector<16xf32>
        %parallel_loop3A_602 = arith.select %parallel_loop3A_599, %parallel_loop3A_596, %parallel_loop3A_601 : vector<16xi1>, vector<16xf32>
        %parallel_loop3A_603 = arith.mulf %parallel_loop3A_602, %parallel_loop3A_575 : vector<16xf32>
        %parallel_loop3A_604 = arith.subf %parallel_loop3A_575, %parallel_loop3A_603 : vector<16xf32>
        %parallel_loop3A_605 = arith.constant 0 : i32
        %parallel_loop3A_606 = vector.broadcast %parallel_loop3A_605 : i32 to vector<16xi32>
        %parallel_loop3A_607 = arith.maxsi %parallel_loop3A_592, %parallel_loop3A_606 : vector<16xi32>
        %parallel_loop3A_608 = tpu.vector_load_idx %arg7[%parallel_loop3A_607] : memref<100000xi32, #tpu.memory_space<vmem>>[vector<16xi32>], vector<16xi32>,
        %parallel_loop3A_609 = arith.constant 16 : i32
        %parallel_loop3A_610 = vector.broadcast %parallel_loop3A_609 : i32 to vector<16xi32>
        %parallel_loop3A_611 = arith.shli %parallel_loop3A_608, %parallel_loop3A_610 : vector<16xi32>
        %parallel_loop3A_612 = vector.bitcast %parallel_loop3A_611 : vector<16xi32> to vector<16xf32>
        %parallel_loop3A_613 = vector.bitcast %parallel_loop3A_608 : vector<16xi32> to vector<16xf32>
        %parallel_loop3A_614 = arith.mulf %parallel_loop3A_603, %parallel_loop3A_612 : vector<16xf32>
        %parallel_loop3A_615 = arith.addf %parallel_loop3A_586, %parallel_loop3A_614 : vector<16xf32>
        %parallel_loop3A_616 = arith.mulf %parallel_loop3A_603, %parallel_loop3A_613 : vector<16xf32>
        %parallel_loop3A_617 = arith.addf %parallel_loop3A_588, %parallel_loop3A_616 : vector<16xf32>
        %parallel_loop3A_618 = arith.constant 3 : i32
        %parallel_loop3A_619 = arith.index_cast %parallel_loop3A_618 : i32 to index
        %parallel_loop3A_620 = arith.index_cast %parallel_loop3A_531 : i32 to index
        %parallel_loop3A_621 = tpu.vector_load %arg9[%parallel_loop3A_619, %parallel_loop3A_620] {strides = array<i32>} : memref<16x256xi32, #tpu.memory_space<vmem>>, vector<16xi32>,
        %parallel_loop3A_622 = arith.constant 3 : i32
        %parallel_loop3A_623 = arith.index_cast %parallel_loop3A_622 : i32 to index
        %parallel_loop3A_624 = arith.index_cast %parallel_loop3A_531 : i32 to index
        %parallel_loop3A_625 = tpu.vector_load %arg11[%parallel_loop3A_623, %parallel_loop3A_624] {strides = array<i32>} : memref<16x256xf32, #tpu.memory_space<vmem>>, vector<16xf32>,
        %parallel_loop3A_626 = arith.constant 0 : i32
        %parallel_loop3A_627 = vector.broadcast %parallel_loop3A_626 : i32 to vector<16xi32>
        %parallel_loop3A_628 = arith.cmpi sge, %parallel_loop3A_621, %parallel_loop3A_627 : vector<16xi32>
        %parallel_loop3A_629 = arith.constant 0.000000e+00 : f32
        %parallel_loop3A_630 = vector.broadcast %parallel_loop3A_629 : f32 to vector<16xf32>
        %parallel_loop3A_631 = arith.select %parallel_loop3A_628, %parallel_loop3A_625, %parallel_loop3A_630 : vector<16xi1>, vector<16xf32>
        %parallel_loop3A_632 = arith.mulf %parallel_loop3A_631, %parallel_loop3A_604 : vector<16xf32>
        %parallel_loop3A_633 = arith.subf %parallel_loop3A_604, %parallel_loop3A_632 : vector<16xf32>
        %parallel_loop3A_634 = arith.constant 0 : i32
        %parallel_loop3A_635 = vector.broadcast %parallel_loop3A_634 : i32 to vector<16xi32>
        %parallel_loop3A_636 = arith.maxsi %parallel_loop3A_621, %parallel_loop3A_635 : vector<16xi32>
        %parallel_loop3A_637 = tpu.vector_load_idx %arg7[%parallel_loop3A_636] : memref<100000xi32, #tpu.memory_space<vmem>>[vector<16xi32>], vector<16xi32>,
        %parallel_loop3A_638 = arith.constant 16 : i32
        %parallel_loop3A_639 = vector.broadcast %parallel_loop3A_638 : i32 to vector<16xi32>
        %parallel_loop3A_640 = arith.shli %parallel_loop3A_637, %parallel_loop3A_639 : vector<16xi32>
        %parallel_loop3A_641 = vector.bitcast %parallel_loop3A_640 : vector<16xi32> to vector<16xf32>
        %parallel_loop3A_642 = vector.bitcast %parallel_loop3A_637 : vector<16xi32> to vector<16xf32>
        %parallel_loop3A_643 = arith.mulf %parallel_loop3A_632, %parallel_loop3A_641 : vector<16xf32>
        %parallel_loop3A_644 = arith.addf %parallel_loop3A_615, %parallel_loop3A_643 : vector<16xf32>
        %parallel_loop3A_645 = arith.mulf %parallel_loop3A_632, %parallel_loop3A_642 : vector<16xf32>
        %parallel_loop3A_646 = arith.addf %parallel_loop3A_617, %parallel_loop3A_645 : vector<16xf32>
        %parallel_loop3A_647 = arith.constant 4 : i32
        %parallel_loop3A_648 = arith.index_cast %parallel_loop3A_647 : i32 to index
        %parallel_loop3A_649 = arith.index_cast %parallel_loop3A_531 : i32 to index
        %parallel_loop3A_650 = tpu.vector_load %arg9[%parallel_loop3A_648, %parallel_loop3A_649] {strides = array<i32>} : memref<16x256xi32, #tpu.memory_space<vmem>>, vector<16xi32>,
        %parallel_loop3A_651 = arith.constant 4 : i32
        %parallel_loop3A_652 = arith.index_cast %parallel_loop3A_651 : i32 to index
        %parallel_loop3A_653 = arith.index_cast %parallel_loop3A_531 : i32 to index
        %parallel_loop3A_654 = tpu.vector_load %arg11[%parallel_loop3A_652, %parallel_loop3A_653] {strides = array<i32>} : memref<16x256xf32, #tpu.memory_space<vmem>>, vector<16xf32>,
        %parallel_loop3A_655 = arith.constant 0 : i32
        %parallel_loop3A_656 = vector.broadcast %parallel_loop3A_655 : i32 to vector<16xi32>
        %parallel_loop3A_657 = arith.cmpi sge, %parallel_loop3A_650, %parallel_loop3A_656 : vector<16xi32>
        %parallel_loop3A_658 = arith.constant 0.000000e+00 : f32
        %parallel_loop3A_659 = vector.broadcast %parallel_loop3A_658 : f32 to vector<16xf32>
        %parallel_loop3A_660 = arith.select %parallel_loop3A_657, %parallel_loop3A_654, %parallel_loop3A_659 : vector<16xi1>, vector<16xf32>
        %parallel_loop3A_661 = arith.mulf %parallel_loop3A_660, %parallel_loop3A_633 : vector<16xf32>
        %parallel_loop3A_662 = arith.subf %parallel_loop3A_633, %parallel_loop3A_661 : vector<16xf32>
        %parallel_loop3A_663 = arith.constant 0 : i32
        %parallel_loop3A_664 = vector.broadcast %parallel_loop3A_663 : i32 to vector<16xi32>
        %parallel_loop3A_665 = arith.maxsi %parallel_loop3A_650, %parallel_loop3A_664 : vector<16xi32>
        %parallel_loop3A_666 = tpu.vector_load_idx %arg7[%parallel_loop3A_665] : memref<100000xi32, #tpu.memory_space<vmem>>[vector<16xi32>], vector<16xi32>,
        %parallel_loop3A_667 = arith.constant 16 : i32
        %parallel_loop3A_668 = vector.broadcast %parallel_loop3A_667 : i32 to vector<16xi32>
        %parallel_loop3A_669 = arith.shli %parallel_loop3A_666, %parallel_loop3A_668 : vector<16xi32>
        %parallel_loop3A_670 = vector.bitcast %parallel_loop3A_669 : vector<16xi32> to vector<16xf32>
        %parallel_loop3A_671 = vector.bitcast %parallel_loop3A_666 : vector<16xi32> to vector<16xf32>
        %parallel_loop3A_672 = arith.mulf %parallel_loop3A_661, %parallel_loop3A_670 : vector<16xf32>
        %parallel_loop3A_673 = arith.addf %parallel_loop3A_644, %parallel_loop3A_672 : vector<16xf32>
        %parallel_loop3A_674 = arith.mulf %parallel_loop3A_661, %parallel_loop3A_671 : vector<16xf32>
        %parallel_loop3A_675 = arith.addf %parallel_loop3A_646, %parallel_loop3A_674 : vector<16xf32>
        %parallel_loop3A_676 = arith.constant 5 : i32
        %parallel_loop3A_677 = arith.index_cast %parallel_loop3A_676 : i32 to index
        %parallel_loop3A_678 = arith.index_cast %parallel_loop3A_531 : i32 to index
        %parallel_loop3A_679 = tpu.vector_load %arg9[%parallel_loop3A_677, %parallel_loop3A_678] {strides = array<i32>} : memref<16x256xi32, #tpu.memory_space<vmem>>, vector<16xi32>,
        %parallel_loop3A_680 = arith.constant 5 : i32
        %parallel_loop3A_681 = arith.index_cast %parallel_loop3A_680 : i32 to index
        %parallel_loop3A_682 = arith.index_cast %parallel_loop3A_531 : i32 to index
        %parallel_loop3A_683 = tpu.vector_load %arg11[%parallel_loop3A_681, %parallel_loop3A_682] {strides = array<i32>} : memref<16x256xf32, #tpu.memory_space<vmem>>, vector<16xf32>,
        %parallel_loop3A_684 = arith.constant 0 : i32
        %parallel_loop3A_685 = vector.broadcast %parallel_loop3A_684 : i32 to vector<16xi32>
        %parallel_loop3A_686 = arith.cmpi sge, %parallel_loop3A_679, %parallel_loop3A_685 : vector<16xi32>
        %parallel_loop3A_687 = arith.constant 0.000000e+00 : f32
        %parallel_loop3A_688 = vector.broadcast %parallel_loop3A_687 : f32 to vector<16xf32>
        %parallel_loop3A_689 = arith.select %parallel_loop3A_686, %parallel_loop3A_683, %parallel_loop3A_688 : vector<16xi1>, vector<16xf32>
        %parallel_loop3A_690 = arith.mulf %parallel_loop3A_689, %parallel_loop3A_662 : vector<16xf32>
        %parallel_loop3A_691 = arith.subf %parallel_loop3A_662, %parallel_loop3A_690 : vector<16xf32>
        %parallel_loop3A_692 = arith.constant 0 : i32
        %parallel_loop3A_693 = vector.broadcast %parallel_loop3A_692 : i32 to vector<16xi32>
        %parallel_loop3A_694 = arith.maxsi %parallel_loop3A_679, %parallel_loop3A_693 : vector<16xi32>
        %parallel_loop3A_695 = tpu.vector_load_idx %arg7[%parallel_loop3A_694] : memref<100000xi32, #tpu.memory_space<vmem>>[vector<16xi32>], vector<16xi32>,
        %parallel_loop3A_696 = arith.constant 16 : i32
        %parallel_loop3A_697 = vector.broadcast %parallel_loop3A_696 : i32 to vector<16xi32>
        %parallel_loop3A_698 = arith.shli %parallel_loop3A_695, %parallel_loop3A_697 : vector<16xi32>
        %parallel_loop3A_699 = vector.bitcast %parallel_loop3A_698 : vector<16xi32> to vector<16xf32>
        %parallel_loop3A_700 = vector.bitcast %parallel_loop3A_695 : vector<16xi32> to vector<16xf32>
        %parallel_loop3A_701 = arith.mulf %parallel_loop3A_690, %parallel_loop3A_699 : vector<16xf32>
        %parallel_loop3A_702 = arith.addf %parallel_loop3A_673, %parallel_loop3A_701 : vector<16xf32>
        %parallel_loop3A_703 = arith.mulf %parallel_loop3A_690, %parallel_loop3A_700 : vector<16xf32>
        %parallel_loop3A_704 = arith.addf %parallel_loop3A_675, %parallel_loop3A_703 : vector<16xf32>
        %parallel_loop3A_705 = arith.constant 6 : i32
        %parallel_loop3A_706 = arith.index_cast %parallel_loop3A_705 : i32 to index
        %parallel_loop3A_707 = arith.index_cast %parallel_loop3A_531 : i32 to index
        %parallel_loop3A_708 = tpu.vector_load %arg9[%parallel_loop3A_706, %parallel_loop3A_707] {strides = array<i32>} : memref<16x256xi32, #tpu.memory_space<vmem>>, vector<16xi32>,
        %parallel_loop3A_709 = arith.constant 6 : i32
        %parallel_loop3A_710 = arith.index_cast %parallel_loop3A_709 : i32 to index
        %parallel_loop3A_711 = arith.index_cast %parallel_loop3A_531 : i32 to index
        %parallel_loop3A_712 = tpu.vector_load %arg11[%parallel_loop3A_710, %parallel_loop3A_711] {strides = array<i32>} : memref<16x256xf32, #tpu.memory_space<vmem>>, vector<16xf32>,
        %parallel_loop3A_713 = arith.constant 0 : i32
        %parallel_loop3A_714 = vector.broadcast %parallel_loop3A_713 : i32 to vector<16xi32>
        %parallel_loop3A_715 = arith.cmpi sge, %parallel_loop3A_708, %parallel_loop3A_714 : vector<16xi32>
        %parallel_loop3A_716 = arith.constant 0.000000e+00 : f32
        %parallel_loop3A_717 = vector.broadcast %parallel_loop3A_716 : f32 to vector<16xf32>
        %parallel_loop3A_718 = arith.select %parallel_loop3A_715, %parallel_loop3A_712, %parallel_loop3A_717 : vector<16xi1>, vector<16xf32>
        %parallel_loop3A_719 = arith.mulf %parallel_loop3A_718, %parallel_loop3A_691 : vector<16xf32>
        %parallel_loop3A_720 = arith.subf %parallel_loop3A_691, %parallel_loop3A_719 : vector<16xf32>
        %parallel_loop3A_721 = arith.constant 0 : i32
        %parallel_loop3A_722 = vector.broadcast %parallel_loop3A_721 : i32 to vector<16xi32>
        %parallel_loop3A_723 = arith.maxsi %parallel_loop3A_708, %parallel_loop3A_722 : vector<16xi32>
        %parallel_loop3A_724 = tpu.vector_load_idx %arg7[%parallel_loop3A_723] : memref<100000xi32, #tpu.memory_space<vmem>>[vector<16xi32>], vector<16xi32>,
        %parallel_loop3A_725 = arith.constant 16 : i32
        %parallel_loop3A_726 = vector.broadcast %parallel_loop3A_725 : i32 to vector<16xi32>
        %parallel_loop3A_727 = arith.shli %parallel_loop3A_724, %parallel_loop3A_726 : vector<16xi32>
        %parallel_loop3A_728 = vector.bitcast %parallel_loop3A_727 : vector<16xi32> to vector<16xf32>
        %parallel_loop3A_729 = vector.bitcast %parallel_loop3A_724 : vector<16xi32> to vector<16xf32>
        %parallel_loop3A_730 = arith.mulf %parallel_loop3A_719, %parallel_loop3A_728 : vector<16xf32>
        %parallel_loop3A_731 = arith.addf %parallel_loop3A_702, %parallel_loop3A_730 : vector<16xf32>
        %parallel_loop3A_732 = arith.mulf %parallel_loop3A_719, %parallel_loop3A_729 : vector<16xf32>
        %parallel_loop3A_733 = arith.addf %parallel_loop3A_704, %parallel_loop3A_732 : vector<16xf32>
        %parallel_loop3A_734 = arith.constant 7 : i32
        %parallel_loop3A_735 = arith.index_cast %parallel_loop3A_734 : i32 to index
        %parallel_loop3A_736 = arith.index_cast %parallel_loop3A_531 : i32 to index
        %parallel_loop3A_737 = tpu.vector_load %arg9[%parallel_loop3A_735, %parallel_loop3A_736] {strides = array<i32>} : memref<16x256xi32, #tpu.memory_space<vmem>>, vector<16xi32>,
        %parallel_loop3A_738 = arith.constant 7 : i32
        %parallel_loop3A_739 = arith.index_cast %parallel_loop3A_738 : i32 to index
        %parallel_loop3A_740 = arith.index_cast %parallel_loop3A_531 : i32 to index
        %parallel_loop3A_741 = tpu.vector_load %arg11[%parallel_loop3A_739, %parallel_loop3A_740] {strides = array<i32>} : memref<16x256xf32, #tpu.memory_space<vmem>>, vector<16xf32>,
        %parallel_loop3A_742 = arith.constant 0 : i32
        %parallel_loop3A_743 = vector.broadcast %parallel_loop3A_742 : i32 to vector<16xi32>
        %parallel_loop3A_744 = arith.cmpi sge, %parallel_loop3A_737, %parallel_loop3A_743 : vector<16xi32>
        %parallel_loop3A_745 = arith.constant 0.000000e+00 : f32
        %parallel_loop3A_746 = vector.broadcast %parallel_loop3A_745 : f32 to vector<16xf32>
        %parallel_loop3A_747 = arith.select %parallel_loop3A_744, %parallel_loop3A_741, %parallel_loop3A_746 : vector<16xi1>, vector<16xf32>
        %parallel_loop3A_748 = arith.mulf %parallel_loop3A_747, %parallel_loop3A_720 : vector<16xf32>
        %parallel_loop3A_749 = arith.subf %parallel_loop3A_720, %parallel_loop3A_748 : vector<16xf32>
        %parallel_loop3A_750 = arith.constant 0 : i32
        %parallel_loop3A_751 = vector.broadcast %parallel_loop3A_750 : i32 to vector<16xi32>
        %parallel_loop3A_752 = arith.maxsi %parallel_loop3A_737, %parallel_loop3A_751 : vector<16xi32>
        %parallel_loop3A_753 = tpu.vector_load_idx %arg7[%parallel_loop3A_752] : memref<100000xi32, #tpu.memory_space<vmem>>[vector<16xi32>], vector<16xi32>,
        %parallel_loop3A_754 = arith.constant 16 : i32
        %parallel_loop3A_755 = vector.broadcast %parallel_loop3A_754 : i32 to vector<16xi32>
        %parallel_loop3A_756 = arith.shli %parallel_loop3A_753, %parallel_loop3A_755 : vector<16xi32>
        %parallel_loop3A_757 = vector.bitcast %parallel_loop3A_756 : vector<16xi32> to vector<16xf32>
        %parallel_loop3A_758 = vector.bitcast %parallel_loop3A_753 : vector<16xi32> to vector<16xf32>
        %parallel_loop3A_759 = arith.mulf %parallel_loop3A_748, %parallel_loop3A_757 : vector<16xf32>
        %parallel_loop3A_760 = arith.addf %parallel_loop3A_731, %parallel_loop3A_759 : vector<16xf32>
        %parallel_loop3A_761 = arith.mulf %parallel_loop3A_748, %parallel_loop3A_758 : vector<16xf32>
        %parallel_loop3A_762 = arith.addf %parallel_loop3A_733, %parallel_loop3A_761 : vector<16xf32>
        %parallel_loop3A_763 = arith.constant 8 : i32
        %parallel_loop3A_764 = arith.index_cast %parallel_loop3A_763 : i32 to index
        %parallel_loop3A_765 = arith.index_cast %parallel_loop3A_531 : i32 to index
        %parallel_loop3A_766 = tpu.vector_load %arg9[%parallel_loop3A_764, %parallel_loop3A_765] {strides = array<i32>} : memref<16x256xi32, #tpu.memory_space<vmem>>, vector<16xi32>,
        %parallel_loop3A_767 = arith.constant 8 : i32
        %parallel_loop3A_768 = arith.index_cast %parallel_loop3A_767 : i32 to index
        %parallel_loop3A_769 = arith.index_cast %parallel_loop3A_531 : i32 to index
        %parallel_loop3A_770 = tpu.vector_load %arg11[%parallel_loop3A_768, %parallel_loop3A_769] {strides = array<i32>} : memref<16x256xf32, #tpu.memory_space<vmem>>, vector<16xf32>,
        %parallel_loop3A_771 = arith.constant 0 : i32
        %parallel_loop3A_772 = vector.broadcast %parallel_loop3A_771 : i32 to vector<16xi32>
        %parallel_loop3A_773 = arith.cmpi sge, %parallel_loop3A_766, %parallel_loop3A_772 : vector<16xi32>
        %parallel_loop3A_774 = arith.constant 0.000000e+00 : f32
        %parallel_loop3A_775 = vector.broadcast %parallel_loop3A_774 : f32 to vector<16xf32>
        %parallel_loop3A_776 = arith.select %parallel_loop3A_773, %parallel_loop3A_770, %parallel_loop3A_775 : vector<16xi1>, vector<16xf32>
        %parallel_loop3A_777 = arith.mulf %parallel_loop3A_776, %parallel_loop3A_749 : vector<16xf32>
        %parallel_loop3A_778 = arith.subf %parallel_loop3A_749, %parallel_loop3A_777 : vector<16xf32>
        %parallel_loop3A_779 = arith.constant 0 : i32
        %parallel_loop3A_780 = vector.broadcast %parallel_loop3A_779 : i32 to vector<16xi32>
        %parallel_loop3A_781 = arith.maxsi %parallel_loop3A_766, %parallel_loop3A_780 : vector<16xi32>
        %parallel_loop3A_782 = tpu.vector_load_idx %arg7[%parallel_loop3A_781] : memref<100000xi32, #tpu.memory_space<vmem>>[vector<16xi32>], vector<16xi32>,
        %parallel_loop3A_783 = arith.constant 16 : i32
        %parallel_loop3A_784 = vector.broadcast %parallel_loop3A_783 : i32 to vector<16xi32>
        %parallel_loop3A_785 = arith.shli %parallel_loop3A_782, %parallel_loop3A_784 : vector<16xi32>
        %parallel_loop3A_786 = vector.bitcast %parallel_loop3A_785 : vector<16xi32> to vector<16xf32>
        %parallel_loop3A_787 = vector.bitcast %parallel_loop3A_782 : vector<16xi32> to vector<16xf32>
        %parallel_loop3A_788 = arith.mulf %parallel_loop3A_777, %parallel_loop3A_786 : vector<16xf32>
        %parallel_loop3A_789 = arith.addf %parallel_loop3A_760, %parallel_loop3A_788 : vector<16xf32>
        %parallel_loop3A_790 = arith.mulf %parallel_loop3A_777, %parallel_loop3A_787 : vector<16xf32>
        %parallel_loop3A_791 = arith.addf %parallel_loop3A_762, %parallel_loop3A_790 : vector<16xf32>
        %parallel_loop3A_792 = arith.constant 9 : i32
        %parallel_loop3A_793 = arith.index_cast %parallel_loop3A_792 : i32 to index
        %parallel_loop3A_794 = arith.index_cast %parallel_loop3A_531 : i32 to index
        %parallel_loop3A_795 = tpu.vector_load %arg9[%parallel_loop3A_793, %parallel_loop3A_794] {strides = array<i32>} : memref<16x256xi32, #tpu.memory_space<vmem>>, vector<16xi32>,
        %parallel_loop3A_796 = arith.constant 9 : i32
        %parallel_loop3A_797 = arith.index_cast %parallel_loop3A_796 : i32 to index
        %parallel_loop3A_798 = arith.index_cast %parallel_loop3A_531 : i32 to index
        %parallel_loop3A_799 = tpu.vector_load %arg11[%parallel_loop3A_797, %parallel_loop3A_798] {strides = array<i32>} : memref<16x256xf32, #tpu.memory_space<vmem>>, vector<16xf32>,
        %parallel_loop3A_800 = arith.constant 0 : i32
        %parallel_loop3A_801 = vector.broadcast %parallel_loop3A_800 : i32 to vector<16xi32>
        %parallel_loop3A_802 = arith.cmpi sge, %parallel_loop3A_795, %parallel_loop3A_801 : vector<16xi32>
        %parallel_loop3A_803 = arith.constant 0.000000e+00 : f32
        %parallel_loop3A_804 = vector.broadcast %parallel_loop3A_803 : f32 to vector<16xf32>
        %parallel_loop3A_805 = arith.select %parallel_loop3A_802, %parallel_loop3A_799, %parallel_loop3A_804 : vector<16xi1>, vector<16xf32>
        %parallel_loop3A_806 = arith.mulf %parallel_loop3A_805, %parallel_loop3A_778 : vector<16xf32>
        %parallel_loop3A_807 = arith.subf %parallel_loop3A_778, %parallel_loop3A_806 : vector<16xf32>
        %parallel_loop3A_808 = arith.constant 0 : i32
        %parallel_loop3A_809 = vector.broadcast %parallel_loop3A_808 : i32 to vector<16xi32>
        %parallel_loop3A_810 = arith.maxsi %parallel_loop3A_795, %parallel_loop3A_809 : vector<16xi32>
        %parallel_loop3A_811 = tpu.vector_load_idx %arg7[%parallel_loop3A_810] : memref<100000xi32, #tpu.memory_space<vmem>>[vector<16xi32>], vector<16xi32>,
        %parallel_loop3A_812 = arith.constant 16 : i32
        %parallel_loop3A_813 = vector.broadcast %parallel_loop3A_812 : i32 to vector<16xi32>
        %parallel_loop3A_814 = arith.shli %parallel_loop3A_811, %parallel_loop3A_813 : vector<16xi32>
        %parallel_loop3A_815 = vector.bitcast %parallel_loop3A_814 : vector<16xi32> to vector<16xf32>
        %parallel_loop3A_816 = vector.bitcast %parallel_loop3A_811 : vector<16xi32> to vector<16xf32>
        %parallel_loop3A_817 = arith.mulf %parallel_loop3A_806, %parallel_loop3A_815 : vector<16xf32>
        %parallel_loop3A_818 = arith.addf %parallel_loop3A_789, %parallel_loop3A_817 : vector<16xf32>
        %parallel_loop3A_819 = arith.mulf %parallel_loop3A_806, %parallel_loop3A_816 : vector<16xf32>
        %parallel_loop3A_820 = arith.addf %parallel_loop3A_791, %parallel_loop3A_819 : vector<16xf32>
        %parallel_loop3A_821 = arith.constant 10 : i32
        %parallel_loop3A_822 = arith.index_cast %parallel_loop3A_821 : i32 to index
        %parallel_loop3A_823 = arith.index_cast %parallel_loop3A_531 : i32 to index
        %parallel_loop3A_824 = tpu.vector_load %arg9[%parallel_loop3A_822, %parallel_loop3A_823] {strides = array<i32>} : memref<16x256xi32, #tpu.memory_space<vmem>>, vector<16xi32>,
        %parallel_loop3A_825 = arith.constant 10 : i32
        %parallel_loop3A_826 = arith.index_cast %parallel_loop3A_825 : i32 to index
        %parallel_loop3A_827 = arith.index_cast %parallel_loop3A_531 : i32 to index
        %parallel_loop3A_828 = tpu.vector_load %arg11[%parallel_loop3A_826, %parallel_loop3A_827] {strides = array<i32>} : memref<16x256xf32, #tpu.memory_space<vmem>>, vector<16xf32>,
        %parallel_loop3A_829 = arith.constant 0 : i32
        %parallel_loop3A_830 = vector.broadcast %parallel_loop3A_829 : i32 to vector<16xi32>
        %parallel_loop3A_831 = arith.cmpi sge, %parallel_loop3A_824, %parallel_loop3A_830 : vector<16xi32>
        %parallel_loop3A_832 = arith.constant 0.000000e+00 : f32
        %parallel_loop3A_833 = vector.broadcast %parallel_loop3A_832 : f32 to vector<16xf32>
        %parallel_loop3A_834 = arith.select %parallel_loop3A_831, %parallel_loop3A_828, %parallel_loop3A_833 : vector<16xi1>, vector<16xf32>
        %parallel_loop3A_835 = arith.mulf %parallel_loop3A_834, %parallel_loop3A_807 : vector<16xf32>
        %parallel_loop3A_836 = arith.subf %parallel_loop3A_807, %parallel_loop3A_835 : vector<16xf32>
        %parallel_loop3A_837 = arith.constant 0 : i32
        %parallel_loop3A_838 = vector.broadcast %parallel_loop3A_837 : i32 to vector<16xi32>
        %parallel_loop3A_839 = arith.maxsi %parallel_loop3A_824, %parallel_loop3A_838 : vector<16xi32>
        %parallel_loop3A_840 = tpu.vector_load_idx %arg7[%parallel_loop3A_839] : memref<100000xi32, #tpu.memory_space<vmem>>[vector<16xi32>], vector<16xi32>,
        %parallel_loop3A_841 = arith.constant 16 : i32
        %parallel_loop3A_842 = vector.broadcast %parallel_loop3A_841 : i32 to vector<16xi32>
        %parallel_loop3A_843 = arith.shli %parallel_loop3A_840, %parallel_loop3A_842 : vector<16xi32>
        %parallel_loop3A_844 = vector.bitcast %parallel_loop3A_843 : vector<16xi32> to vector<16xf32>
        %parallel_loop3A_845 = vector.bitcast %parallel_loop3A_840 : vector<16xi32> to vector<16xf32>
        %parallel_loop3A_846 = arith.mulf %parallel_loop3A_835, %parallel_loop3A_844 : vector<16xf32>
        %parallel_loop3A_847 = arith.addf %parallel_loop3A_818, %parallel_loop3A_846 : vector<16xf32>
        %parallel_loop3A_848 = arith.mulf %parallel_loop3A_835, %parallel_loop3A_845 : vector<16xf32>
        %parallel_loop3A_849 = arith.addf %parallel_loop3A_820, %parallel_loop3A_848 : vector<16xf32>
        %parallel_loop3A_850 = arith.constant 11 : i32
        %parallel_loop3A_851 = arith.index_cast %parallel_loop3A_850 : i32 to index
        %parallel_loop3A_852 = arith.index_cast %parallel_loop3A_531 : i32 to index
        %parallel_loop3A_853 = tpu.vector_load %arg9[%parallel_loop3A_851, %parallel_loop3A_852] {strides = array<i32>} : memref<16x256xi32, #tpu.memory_space<vmem>>, vector<16xi32>,
        %parallel_loop3A_854 = arith.constant 11 : i32
        %parallel_loop3A_855 = arith.index_cast %parallel_loop3A_854 : i32 to index
        %parallel_loop3A_856 = arith.index_cast %parallel_loop3A_531 : i32 to index
        %parallel_loop3A_857 = tpu.vector_load %arg11[%parallel_loop3A_855, %parallel_loop3A_856] {strides = array<i32>} : memref<16x256xf32, #tpu.memory_space<vmem>>, vector<16xf32>,
        %parallel_loop3A_858 = arith.constant 0 : i32
        %parallel_loop3A_859 = vector.broadcast %parallel_loop3A_858 : i32 to vector<16xi32>
        %parallel_loop3A_860 = arith.cmpi sge, %parallel_loop3A_853, %parallel_loop3A_859 : vector<16xi32>
        %parallel_loop3A_861 = arith.constant 0.000000e+00 : f32
        %parallel_loop3A_862 = vector.broadcast %parallel_loop3A_861 : f32 to vector<16xf32>
        %parallel_loop3A_863 = arith.select %parallel_loop3A_860, %parallel_loop3A_857, %parallel_loop3A_862 : vector<16xi1>, vector<16xf32>
        %parallel_loop3A_864 = arith.mulf %parallel_loop3A_863, %parallel_loop3A_836 : vector<16xf32>
        %parallel_loop3A_865 = arith.subf %parallel_loop3A_836, %parallel_loop3A_864 : vector<16xf32>
        %parallel_loop3A_866 = arith.constant 0 : i32
        %parallel_loop3A_867 = vector.broadcast %parallel_loop3A_866 : i32 to vector<16xi32>
        %parallel_loop3A_868 = arith.maxsi %parallel_loop3A_853, %parallel_loop3A_867 : vector<16xi32>
        %parallel_loop3A_869 = tpu.vector_load_idx %arg7[%parallel_loop3A_868] : memref<100000xi32, #tpu.memory_space<vmem>>[vector<16xi32>], vector<16xi32>,
        %parallel_loop3A_870 = arith.constant 16 : i32
        %parallel_loop3A_871 = vector.broadcast %parallel_loop3A_870 : i32 to vector<16xi32>
        %parallel_loop3A_872 = arith.shli %parallel_loop3A_869, %parallel_loop3A_871 : vector<16xi32>
        %parallel_loop3A_873 = vector.bitcast %parallel_loop3A_872 : vector<16xi32> to vector<16xf32>
        %parallel_loop3A_874 = vector.bitcast %parallel_loop3A_869 : vector<16xi32> to vector<16xf32>
        %parallel_loop3A_875 = arith.mulf %parallel_loop3A_864, %parallel_loop3A_873 : vector<16xf32>
        %parallel_loop3A_876 = arith.addf %parallel_loop3A_847, %parallel_loop3A_875 : vector<16xf32>
        %parallel_loop3A_877 = arith.mulf %parallel_loop3A_864, %parallel_loop3A_874 : vector<16xf32>
        %parallel_loop3A_878 = arith.addf %parallel_loop3A_849, %parallel_loop3A_877 : vector<16xf32>
        %parallel_loop3A_879 = arith.constant 12 : i32
        %parallel_loop3A_880 = arith.index_cast %parallel_loop3A_879 : i32 to index
        %parallel_loop3A_881 = arith.index_cast %parallel_loop3A_531 : i32 to index
        %parallel_loop3A_882 = tpu.vector_load %arg9[%parallel_loop3A_880, %parallel_loop3A_881] {strides = array<i32>} : memref<16x256xi32, #tpu.memory_space<vmem>>, vector<16xi32>,
        %parallel_loop3A_883 = arith.constant 12 : i32
        %parallel_loop3A_884 = arith.index_cast %parallel_loop3A_883 : i32 to index
        %parallel_loop3A_885 = arith.index_cast %parallel_loop3A_531 : i32 to index
        %parallel_loop3A_886 = tpu.vector_load %arg11[%parallel_loop3A_884, %parallel_loop3A_885] {strides = array<i32>} : memref<16x256xf32, #tpu.memory_space<vmem>>, vector<16xf32>,
        %parallel_loop3A_887 = arith.constant 0 : i32
        %parallel_loop3A_888 = vector.broadcast %parallel_loop3A_887 : i32 to vector<16xi32>
        %parallel_loop3A_889 = arith.cmpi sge, %parallel_loop3A_882, %parallel_loop3A_888 : vector<16xi32>
        %parallel_loop3A_890 = arith.constant 0.000000e+00 : f32
        %parallel_loop3A_891 = vector.broadcast %parallel_loop3A_890 : f32 to vector<16xf32>
        %parallel_loop3A_892 = arith.select %parallel_loop3A_889, %parallel_loop3A_886, %parallel_loop3A_891 : vector<16xi1>, vector<16xf32>
        %parallel_loop3A_893 = arith.mulf %parallel_loop3A_892, %parallel_loop3A_865 : vector<16xf32>
        %parallel_loop3A_894 = arith.subf %parallel_loop3A_865, %parallel_loop3A_893 : vector<16xf32>
        %parallel_loop3A_895 = arith.constant 0 : i32
        %parallel_loop3A_896 = vector.broadcast %parallel_loop3A_895 : i32 to vector<16xi32>
        %parallel_loop3A_897 = arith.maxsi %parallel_loop3A_882, %parallel_loop3A_896 : vector<16xi32>
        %parallel_loop3A_898 = tpu.vector_load_idx %arg7[%parallel_loop3A_897] : memref<100000xi32, #tpu.memory_space<vmem>>[vector<16xi32>], vector<16xi32>,
        %parallel_loop3A_899 = arith.constant 16 : i32
        %parallel_loop3A_900 = vector.broadcast %parallel_loop3A_899 : i32 to vector<16xi32>
        %parallel_loop3A_901 = arith.shli %parallel_loop3A_898, %parallel_loop3A_900 : vector<16xi32>
        %parallel_loop3A_902 = vector.bitcast %parallel_loop3A_901 : vector<16xi32> to vector<16xf32>
        %parallel_loop3A_903 = vector.bitcast %parallel_loop3A_898 : vector<16xi32> to vector<16xf32>
        %parallel_loop3A_904 = arith.mulf %parallel_loop3A_893, %parallel_loop3A_902 : vector<16xf32>
        %parallel_loop3A_905 = arith.addf %parallel_loop3A_876, %parallel_loop3A_904 : vector<16xf32>
        %parallel_loop3A_906 = arith.mulf %parallel_loop3A_893, %parallel_loop3A_903 : vector<16xf32>
        %parallel_loop3A_907 = arith.addf %parallel_loop3A_878, %parallel_loop3A_906 : vector<16xf32>
        %parallel_loop3A_908 = arith.constant 13 : i32
        %parallel_loop3A_909 = arith.index_cast %parallel_loop3A_908 : i32 to index
        %parallel_loop3A_910 = arith.index_cast %parallel_loop3A_531 : i32 to index
        %parallel_loop3A_911 = tpu.vector_load %arg9[%parallel_loop3A_909, %parallel_loop3A_910] {strides = array<i32>} : memref<16x256xi32, #tpu.memory_space<vmem>>, vector<16xi32>,
        %parallel_loop3A_912 = arith.constant 13 : i32
        %parallel_loop3A_913 = arith.index_cast %parallel_loop3A_912 : i32 to index
        %parallel_loop3A_914 = arith.index_cast %parallel_loop3A_531 : i32 to index
        %parallel_loop3A_915 = tpu.vector_load %arg11[%parallel_loop3A_913, %parallel_loop3A_914] {strides = array<i32>} : memref<16x256xf32, #tpu.memory_space<vmem>>, vector<16xf32>,
        %parallel_loop3A_916 = arith.constant 0 : i32
        %parallel_loop3A_917 = vector.broadcast %parallel_loop3A_916 : i32 to vector<16xi32>
        %parallel_loop3A_918 = arith.cmpi sge, %parallel_loop3A_911, %parallel_loop3A_917 : vector<16xi32>
        %parallel_loop3A_919 = arith.constant 0.000000e+00 : f32
        %parallel_loop3A_920 = vector.broadcast %parallel_loop3A_919 : f32 to vector<16xf32>
        %parallel_loop3A_921 = arith.select %parallel_loop3A_918, %parallel_loop3A_915, %parallel_loop3A_920 : vector<16xi1>, vector<16xf32>
        %parallel_loop3A_922 = arith.mulf %parallel_loop3A_921, %parallel_loop3A_894 : vector<16xf32>
        %parallel_loop3A_923 = arith.subf %parallel_loop3A_894, %parallel_loop3A_922 : vector<16xf32>
        %parallel_loop3A_924 = arith.constant 0 : i32
        %parallel_loop3A_925 = vector.broadcast %parallel_loop3A_924 : i32 to vector<16xi32>
        %parallel_loop3A_926 = arith.maxsi %parallel_loop3A_911, %parallel_loop3A_925 : vector<16xi32>
        %parallel_loop3A_927 = tpu.vector_load_idx %arg7[%parallel_loop3A_926] : memref<100000xi32, #tpu.memory_space<vmem>>[vector<16xi32>], vector<16xi32>,
        %parallel_loop3A_928 = arith.constant 16 : i32
        %parallel_loop3A_929 = vector.broadcast %parallel_loop3A_928 : i32 to vector<16xi32>
        %parallel_loop3A_930 = arith.shli %parallel_loop3A_927, %parallel_loop3A_929 : vector<16xi32>
        %parallel_loop3A_931 = vector.bitcast %parallel_loop3A_930 : vector<16xi32> to vector<16xf32>
        %parallel_loop3A_932 = vector.bitcast %parallel_loop3A_927 : vector<16xi32> to vector<16xf32>
        %parallel_loop3A_933 = arith.mulf %parallel_loop3A_922, %parallel_loop3A_931 : vector<16xf32>
        %parallel_loop3A_934 = arith.addf %parallel_loop3A_905, %parallel_loop3A_933 : vector<16xf32>
        %parallel_loop3A_935 = arith.mulf %parallel_loop3A_922, %parallel_loop3A_932 : vector<16xf32>
        %parallel_loop3A_936 = arith.addf %parallel_loop3A_907, %parallel_loop3A_935 : vector<16xf32>
        %parallel_loop3A_937 = arith.constant 14 : i32
        %parallel_loop3A_938 = arith.index_cast %parallel_loop3A_937 : i32 to index
        %parallel_loop3A_939 = arith.index_cast %parallel_loop3A_531 : i32 to index
        %parallel_loop3A_940 = tpu.vector_load %arg9[%parallel_loop3A_938, %parallel_loop3A_939] {strides = array<i32>} : memref<16x256xi32, #tpu.memory_space<vmem>>, vector<16xi32>,
        %parallel_loop3A_941 = arith.constant 14 : i32
        %parallel_loop3A_942 = arith.index_cast %parallel_loop3A_941 : i32 to index
        %parallel_loop3A_943 = arith.index_cast %parallel_loop3A_531 : i32 to index
        %parallel_loop3A_944 = tpu.vector_load %arg11[%parallel_loop3A_942, %parallel_loop3A_943] {strides = array<i32>} : memref<16x256xf32, #tpu.memory_space<vmem>>, vector<16xf32>,
        %parallel_loop3A_945 = arith.constant 0 : i32
        %parallel_loop3A_946 = vector.broadcast %parallel_loop3A_945 : i32 to vector<16xi32>
        %parallel_loop3A_947 = arith.cmpi sge, %parallel_loop3A_940, %parallel_loop3A_946 : vector<16xi32>
        %parallel_loop3A_948 = arith.constant 0.000000e+00 : f32
        %parallel_loop3A_949 = vector.broadcast %parallel_loop3A_948 : f32 to vector<16xf32>
        %parallel_loop3A_950 = arith.select %parallel_loop3A_947, %parallel_loop3A_944, %parallel_loop3A_949 : vector<16xi1>, vector<16xf32>
        %parallel_loop3A_951 = arith.mulf %parallel_loop3A_950, %parallel_loop3A_923 : vector<16xf32>
        %parallel_loop3A_952 = arith.subf %parallel_loop3A_923, %parallel_loop3A_951 : vector<16xf32>
        %parallel_loop3A_953 = arith.constant 0 : i32
        %parallel_loop3A_954 = vector.broadcast %parallel_loop3A_953 : i32 to vector<16xi32>
        %parallel_loop3A_955 = arith.maxsi %parallel_loop3A_940, %parallel_loop3A_954 : vector<16xi32>
        %parallel_loop3A_956 = tpu.vector_load_idx %arg7[%parallel_loop3A_955] : memref<100000xi32, #tpu.memory_space<vmem>>[vector<16xi32>], vector<16xi32>,
        %parallel_loop3A_957 = arith.constant 16 : i32
        %parallel_loop3A_958 = vector.broadcast %parallel_loop3A_957 : i32 to vector<16xi32>
        %parallel_loop3A_959 = arith.shli %parallel_loop3A_956, %parallel_loop3A_958 : vector<16xi32>
        %parallel_loop3A_960 = vector.bitcast %parallel_loop3A_959 : vector<16xi32> to vector<16xf32>
        %parallel_loop3A_961 = vector.bitcast %parallel_loop3A_956 : vector<16xi32> to vector<16xf32>
        %parallel_loop3A_962 = arith.mulf %parallel_loop3A_951, %parallel_loop3A_960 : vector<16xf32>
        %parallel_loop3A_963 = arith.addf %parallel_loop3A_934, %parallel_loop3A_962 : vector<16xf32>
        %parallel_loop3A_964 = arith.mulf %parallel_loop3A_951, %parallel_loop3A_961 : vector<16xf32>
        %parallel_loop3A_965 = arith.addf %parallel_loop3A_936, %parallel_loop3A_964 : vector<16xf32>
        %parallel_loop3A_966 = arith.constant 15 : i32
        %parallel_loop3A_967 = arith.index_cast %parallel_loop3A_966 : i32 to index
        %parallel_loop3A_968 = arith.index_cast %parallel_loop3A_531 : i32 to index
        %parallel_loop3A_969 = tpu.vector_load %arg9[%parallel_loop3A_967, %parallel_loop3A_968] {strides = array<i32>} : memref<16x256xi32, #tpu.memory_space<vmem>>, vector<16xi32>,
        %parallel_loop3A_970 = arith.constant 15 : i32
        %parallel_loop3A_971 = arith.index_cast %parallel_loop3A_970 : i32 to index
        %parallel_loop3A_972 = arith.index_cast %parallel_loop3A_531 : i32 to index
        %parallel_loop3A_973 = tpu.vector_load %arg11[%parallel_loop3A_971, %parallel_loop3A_972] {strides = array<i32>} : memref<16x256xf32, #tpu.memory_space<vmem>>, vector<16xf32>,
        %parallel_loop3A_974 = arith.constant 0 : i32
        %parallel_loop3A_975 = vector.broadcast %parallel_loop3A_974 : i32 to vector<16xi32>
        %parallel_loop3A_976 = arith.cmpi sge, %parallel_loop3A_969, %parallel_loop3A_975 : vector<16xi32>
        %parallel_loop3A_977 = arith.constant 0.000000e+00 : f32
        %parallel_loop3A_978 = vector.broadcast %parallel_loop3A_977 : f32 to vector<16xf32>
        %parallel_loop3A_979 = arith.select %parallel_loop3A_976, %parallel_loop3A_973, %parallel_loop3A_978 : vector<16xi1>, vector<16xf32>
        %parallel_loop3A_980 = arith.mulf %parallel_loop3A_979, %parallel_loop3A_952 : vector<16xf32>
        %parallel_loop3A_981 = arith.subf %parallel_loop3A_952, %parallel_loop3A_980 : vector<16xf32>
        %parallel_loop3A_982 = arith.constant 0 : i32
        %parallel_loop3A_983 = vector.broadcast %parallel_loop3A_982 : i32 to vector<16xi32>
        %parallel_loop3A_984 = arith.maxsi %parallel_loop3A_969, %parallel_loop3A_983 : vector<16xi32>
        %parallel_loop3A_985 = tpu.vector_load_idx %arg7[%parallel_loop3A_984] : memref<100000xi32, #tpu.memory_space<vmem>>[vector<16xi32>], vector<16xi32>,
        %parallel_loop3A_986 = arith.constant 16 : i32
        %parallel_loop3A_987 = vector.broadcast %parallel_loop3A_986 : i32 to vector<16xi32>
        %parallel_loop3A_988 = arith.shli %parallel_loop3A_985, %parallel_loop3A_987 : vector<16xi32>
        %parallel_loop3A_989 = vector.bitcast %parallel_loop3A_988 : vector<16xi32> to vector<16xf32>
        %parallel_loop3A_990 = vector.bitcast %parallel_loop3A_985 : vector<16xi32> to vector<16xf32>
        %parallel_loop3A_991 = arith.mulf %parallel_loop3A_980, %parallel_loop3A_989 : vector<16xf32>
        %parallel_loop3A_992 = arith.addf %parallel_loop3A_963, %parallel_loop3A_991 : vector<16xf32>
        %parallel_loop3A_993 = arith.mulf %parallel_loop3A_980, %parallel_loop3A_990 : vector<16xf32>
        %parallel_loop3A_994 = arith.addf %parallel_loop3A_965, %parallel_loop3A_993 : vector<16xf32>
        %parallel_loop3A_995 = arith.constant 0 : i32
        %parallel_loop3A_996 = arith.index_cast %parallel_loop3A_995 : i32 to index
        %parallel_loop3A_997 = arith.index_cast %parallel_loop3A_531 : i32 to index
        %parallel_loop3A_998 = tpu.vector_load %arg9[%parallel_loop3A_996, %parallel_loop3A_997] {strides = array<i32>} : memref<16x256xi32, #tpu.memory_space<vmem>>, vector<16xi32>,
        %parallel_loop3A_999 = arith.constant 0 : i32
        %parallel_loop3A_1000 = vector.broadcast %parallel_loop3A_999 : i32 to vector<16xi32>
        %parallel_loop3A_1001 = arith.cmpi slt, %parallel_loop3A_998, %parallel_loop3A_1000 : vector<16xi32>
        %parallel_loop3A_1002 = arith.constant 0 : i32
        %parallel_loop3A_1003 = arith.cmpi eq, %select_n3A_30, %parallel_loop3A_1002 : i32
        %parallel_loop3A_1004 = arith.constant 0 : i32
        %parallel_loop3A_1005 = arith.index_cast %parallel_loop3A_1004 : i32 to index
        %parallel_loop3A_1006 = arith.index_cast %parallel_loop3A_531 : i32 to index
        %parallel_loop3A_1007 = tpu.vector_load %arg13[%parallel_loop3A_1005, %parallel_loop3A_1006] {strides = array<i32>} : memref<2x256xf32, #tpu.memory_space<vmem>>, vector<16xf32>,
        %parallel_loop3A_1008 = arith.constant 1 : i32
        %parallel_loop3A_1009 = arith.index_cast %parallel_loop3A_1008 : i32 to index
        %parallel_loop3A_1010 = arith.index_cast %parallel_loop3A_531 : i32 to index
        %parallel_loop3A_1011 = tpu.vector_load %arg13[%parallel_loop3A_1009, %parallel_loop3A_1010] {strides = array<i32>} : memref<2x256xf32, #tpu.memory_space<vmem>>, vector<16xf32>,
        %parallel_loop3A_1012 = arith.select %parallel_loop3A_1003, %parallel_loop3A_1007, %parallel_loop3A_1011 : vector<16xf32>
        %parallel_loop3A_1013 = arith.select %parallel_loop3A_1001, %parallel_loop3A_1012, %parallel_loop3A_992 : vector<16xi1>, vector<16xf32>
        %parallel_loop3A_1014 = vector.broadcast %lt3A_36 : i1 to vector<16xi1>
        %parallel_loop3A_1015 = arith.andi %parallel_loop3A_1001, %parallel_loop3A_1014 : vector<16xi1>
        %parallel_loop3A_1016 = arith.constant 1 : i32
        %parallel_loop3A_1017 = arith.index_cast %parallel_loop3A_1016 : i32 to index
        %parallel_loop3A_1018 = arith.index_cast %parallel_loop3A_531 : i32 to index
        %parallel_loop3A_1019 = tpu.vector_load %arg13[%parallel_loop3A_1017, %parallel_loop3A_1018] {strides = array<i32>} : memref<2x256xf32, #tpu.memory_space<vmem>>, vector<16xf32>,
        %parallel_loop3A_1020 = arith.select %parallel_loop3A_1015, %parallel_loop3A_1019, %parallel_loop3A_994 : vector<16xi1>, vector<16xf32>
        %parallel_loop3A_1021 = arith.constant 0 : i32
        %parallel_loop3A_1022 = arith.index_cast %parallel_loop3A_1021 : i32 to index
        %parallel_loop3A_1023 = arith.index_cast %parallel_loop3A_531 : i32 to index
        %parallel_loop3A_1024 = tpu.vector_load %arg15[%parallel_loop3A_1022, %parallel_loop3A_1023] {strides = array<i32>} : memref<2x256xf32, #tpu.memory_space<vmem>>, vector<16xf32>,
        tpu.vector_store %arg15[%parallel_loop3A_1022, %parallel_loop3A_1023], %parallel_loop3A_1013 {strides = array<i32>} : memref<2x256xf32, #tpu.memory_space<vmem>>, vector<16xf32>,
        %parallel_loop3A_1025 = arith.constant 1 : i32
        %parallel_loop3A_1026 = arith.index_cast %parallel_loop3A_1025 : i32 to index
        %parallel_loop3A_1027 = arith.index_cast %parallel_loop3A_531 : i32 to index
        %parallel_loop3A_1028 = tpu.vector_load %arg15[%parallel_loop3A_1026, %parallel_loop3A_1027] {strides = array<i32>} : memref<2x256xf32, #tpu.memory_space<vmem>>, vector<16xf32>,
        tpu.vector_store %arg15[%parallel_loop3A_1026, %parallel_loop3A_1027], %parallel_loop3A_1020 {strides = array<i32>} : memref<2x256xf32, #tpu.memory_space<vmem>>, vector<16xf32>,
      } {sc.loop_unroll_factor = 2 : i64, sc.parallel_access}
      %jit3A_435 = arith.constant 64 : i32
      %div3A_436 = arith.divsi %add3A_325, %jit3A_435 : i32
      %sign3A_437 = arith.constant 0 : i32
      %sign3A_438 = arith.cmpi sgt, %add3A_325, %sign3A_437 : i32
      %sign3A_439 = arith.extui %sign3A_438 : i1 to i32
      %sign3A_440 = arith.constant 0 : i32
      %sign3A_441 = arith.cmpi slt, %add3A_325, %sign3A_440 : i32
      %sign3A_442 = arith.extui %sign3A_441 : i1 to i32
      %sign3A_443 = arith.subi %sign3A_439, %sign3A_442 : i32
      %sign3A_444 = arith.constant 0 : i32
      %sign3A_445 = arith.cmpi sgt, %jit3A_435, %sign3A_444 : i32
      %sign3A_446 = arith.extui %sign3A_445 : i1 to i32
      %sign3A_447 = arith.constant 0 : i32
      %sign3A_448 = arith.cmpi slt, %jit3A_435, %sign3A_447 : i32
      %sign3A_449 = arith.extui %sign3A_448 : i1 to i32
      %sign3A_450 = arith.subi %sign3A_446, %sign3A_449 : i32
      %ne3A_451 = arith.cmpi ne, %sign3A_443, %sign3A_450 : i32
      %rem3A_452 = arith.remsi %add3A_325, %jit3A_435 : i32
      %ne3A_453 = arith.constant 0 : i32
      %ne3A_454 = arith.cmpi ne, %rem3A_452, %ne3A_453 : i32
      %and3A_455 = arith.andi %ne3A_451, %ne3A_454 : i1
      %sub3A_456 = arith.constant 1 : i32
      %sub3A_457 = arith.subi %div3A_436, %sub3A_456 : i32
      %select_n3A_458 = arith.select %and3A_455, %sub3A_457, %div3A_436 : i32
      %jit3A_459 = arith.constant 64 : i32
      %eq3A_460 = arith.constant 0 : i32
      %eq3A_461 = arith.cmpi eq, %jit3A_459, %eq3A_460 : i32
      %jit3A_462 = arith.constant 1 : i32
      %select_n3A_463 = arith.select %eq3A_461, %jit3A_462, %jit3A_459 : i32
      %rem3A_464 = arith.remsi %add3A_325, %select_n3A_463 : i32
      %ne3A_465 = arith.constant 0 : i32
      %ne3A_466 = arith.cmpi ne, %rem3A_464, %ne3A_465 : i32
      %lt3A_467 = arith.constant 0 : i32
      %lt3A_468 = arith.cmpi slt, %rem3A_464, %lt3A_467 : i32
      %lt3A_469 = arith.constant 0 : i32
      %lt3A_470 = arith.cmpi slt, %select_n3A_463, %lt3A_469 : i32
      %ne3A_471 = arith.xori %lt3A_468, %lt3A_470 : i1
      %and3A_472 = arith.andi %ne3A_471, %ne3A_466 : i1
      %add3A_473 = arith.addi %rem3A_464, %select_n3A_463 : i32
      %select_n3A_474 = arith.select %and3A_472, %add3A_473, %rem3A_464 : i32
      %mul3A_475 = arith.constant 32 : i32
      %mul3A_476 = arith.muli %select_n3A, %mul3A_475 : i32
      %jit3A_477 = arith.constant 2 : i32
      %div3A_478 = arith.divsi %select_n3A_474, %jit3A_477 : i32
      %sign3A_479 = arith.constant 0 : i32
      %sign3A_480 = arith.cmpi sgt, %select_n3A_474, %sign3A_479 : i32
      %sign3A_481 = arith.extui %sign3A_480 : i1 to i32
      %sign3A_482 = arith.constant 0 : i32
      %sign3A_483 = arith.cmpi slt, %select_n3A_474, %sign3A_482 : i32
      %sign3A_484 = arith.extui %sign3A_483 : i1 to i32
      %sign3A_485 = arith.subi %sign3A_481, %sign3A_484 : i32
      %sign3A_486 = arith.constant 0 : i32
      %sign3A_487 = arith.cmpi sgt, %jit3A_477, %sign3A_486 : i32
      %sign3A_488 = arith.extui %sign3A_487 : i1 to i32
      %sign3A_489 = arith.constant 0 : i32
      %sign3A_490 = arith.cmpi slt, %jit3A_477, %sign3A_489 : i32
      %sign3A_491 = arith.extui %sign3A_490 : i1 to i32
      %sign3A_492 = arith.subi %sign3A_488, %sign3A_491 : i32
      %ne3A_493 = arith.cmpi ne, %sign3A_485, %sign3A_492 : i32
      %rem3A_494 = arith.remsi %select_n3A_474, %jit3A_477 : i32
      %ne3A_495 = arith.constant 0 : i32
      %ne3A_496 = arith.cmpi ne, %rem3A_494, %ne3A_495 : i32
      %and3A_497 = arith.andi %ne3A_493, %ne3A_496 : i1
      %sub3A_498 = arith.constant 1 : i32
      %sub3A_499 = arith.subi %div3A_478, %sub3A_498 : i32
      %select_n3A_500 = arith.select %and3A_497, %sub3A_499, %div3A_478 : i32
      %add3A_501 = arith.addi %mul3A_476, %select_n3A_500 : i32
      %jit3A_502 = arith.constant 2 : i32
      %eq3A_503 = arith.constant 0 : i32
      %eq3A_504 = arith.cmpi eq, %jit3A_502, %eq3A_503 : i32
      %jit3A_505 = arith.constant 1 : i32
      %select_n3A_506 = arith.select %eq3A_504, %jit3A_505, %jit3A_502 : i32
      %rem3A_507 = arith.remsi %select_n3A_474, %select_n3A_506 : i32
      %ne3A_508 = arith.constant 0 : i32
      %ne3A_509 = arith.cmpi ne, %rem3A_507, %ne3A_508 : i32
      %lt3A_510 = arith.constant 0 : i32
      %lt3A_511 = arith.cmpi slt, %rem3A_507, %lt3A_510 : i32
      %lt3A_512 = arith.constant 0 : i32
      %lt3A_513 = arith.cmpi slt, %select_n3A_506, %lt3A_512 : i32
      %ne3A_514 = arith.xori %lt3A_511, %lt3A_513 : i1
      %and3A_515 = arith.andi %ne3A_514, %ne3A_509 : i1
      %add3A_516 = arith.addi %rem3A_507, %select_n3A_506 : i32
      %select_n3A_517 = arith.select %and3A_515, %add3A_516, %rem3A_507 : i32
      %mul3A_518 = arith.constant 256 : i32
      %mul3A_519 = arith.muli %select_n3A_517, %mul3A_518 : i32
      %dma_start3A_520 = tpu.memref_slice %arg6[%select_n3A_458, %mul3A_32, %add3A_501, %mul3A_519] : memref<4x4x512x512xf32, #tpu.memory_space<hbm>> -> memref<1x2x1x256xf32, #tpu.memory_space<hbm>>
      %dma_start3A_521 = tpu.memref_squeeze %dma_start3A_520 : memref<1x2x1x256xf32, #tpu.memory_space<hbm>> -> memref<2x256xf32, #tpu.memory_space<hbm>>
      %dma_start3A_522 = tpu.memref_slice %arg6[%select_n3A_458, %mul3A_32, %add3A_501, %mul3A_519] : memref<4x4x512x512xf32, #tpu.memory_space<hbm>> -> memref<1x2x1x256xf32, #tpu.memory_space<hbm>>
      %dma_start3A_523 = tpu.memref_squeeze %dma_start3A_522 : memref<1x2x1x256xf32, #tpu.memory_space<hbm>> -> memref<2x256xf32, #tpu.memory_space<hbm>>
      tpu.enqueue_dma source(%arg15 : memref<2x256xf32, #tpu.memory_space<vmem>>) target(%dma_start3A_523 : memref<2x256xf32, #tpu.memory_space<hbm>>) target_semaphore(%arg19 : memref<!tpu.dma_semaphore, #tpu.memory_space<semaphore_mem>>)
      %lt3A_524 = arith.constant 127 : i32
      %lt3A_525 = arith.cmpi slt, %scan3A_118, %lt3A_524 : i32
      %convert_element_type3A_526 = arith.extui %lt3A_525 : i1 to i32
      %cond3A_527 = arith.constant 0 : i32
      %cond3A_528 = arith.cmpi ne, %convert_element_type3A_526, %cond3A_527 : i32
      scf.if %cond3A_528 {
        %add3A_529 = arith.constant 2 : i32
        %add3A_530 = arith.addi %add3A_325, %add3A_529 : i32
        %jit3A_531 = arith.constant 64 : i32
        %div3A_532 = arith.divsi %add3A_530, %jit3A_531 : i32
        %sign3A_533 = arith.constant 0 : i32
        %sign3A_534 = arith.cmpi sgt, %add3A_530, %sign3A_533 : i32
        %sign3A_535 = arith.extui %sign3A_534 : i1 to i32
        %sign3A_536 = arith.constant 0 : i32
        %sign3A_537 = arith.cmpi slt, %add3A_530, %sign3A_536 : i32
        %sign3A_538 = arith.extui %sign3A_537 : i1 to i32
        %sign3A_539 = arith.subi %sign3A_535, %sign3A_538 : i32
        %sign3A_540 = arith.constant 0 : i32
        %sign3A_541 = arith.cmpi sgt, %jit3A_531, %sign3A_540 : i32
        %sign3A_542 = arith.extui %sign3A_541 : i1 to i32
        %sign3A_543 = arith.constant 0 : i32
        %sign3A_544 = arith.cmpi slt, %jit3A_531, %sign3A_543 : i32
        %sign3A_545 = arith.extui %sign3A_544 : i1 to i32
        %sign3A_546 = arith.subi %sign3A_542, %sign3A_545 : i32
        %ne3A_547 = arith.cmpi ne, %sign3A_539, %sign3A_546 : i32
        %rem3A_548 = arith.remsi %add3A_530, %jit3A_531 : i32
        %ne3A_549 = arith.constant 0 : i32
        %ne3A_550 = arith.cmpi ne, %rem3A_548, %ne3A_549 : i32
        %and3A_551 = arith.andi %ne3A_547, %ne3A_550 : i1
        %sub3A_552 = arith.constant 1 : i32
        %sub3A_553 = arith.subi %div3A_532, %sub3A_552 : i32
        %select_n3A_554 = arith.select %and3A_551, %sub3A_553, %div3A_532 : i32
        %jit3A_555 = arith.constant 64 : i32
        %eq3A_556 = arith.constant 0 : i32
        %eq3A_557 = arith.cmpi eq, %jit3A_555, %eq3A_556 : i32
        %jit3A_558 = arith.constant 1 : i32
        %select_n3A_559 = arith.select %eq3A_557, %jit3A_558, %jit3A_555 : i32
        %rem3A_560 = arith.remsi %add3A_530, %select_n3A_559 : i32
        %ne3A_561 = arith.constant 0 : i32
        %ne3A_562 = arith.cmpi ne, %rem3A_560, %ne3A_561 : i32
        %lt3A_563 = arith.constant 0 : i32
        %lt3A_564 = arith.cmpi slt, %rem3A_560, %lt3A_563 : i32
        %lt3A_565 = arith.constant 0 : i32
        %lt3A_566 = arith.cmpi slt, %select_n3A_559, %lt3A_565 : i32
        %ne3A_567 = arith.xori %lt3A_564, %lt3A_566 : i1
        %and3A_568 = arith.andi %ne3A_567, %ne3A_562 : i1
        %add3A_569 = arith.addi %rem3A_560, %select_n3A_559 : i32
        %select_n3A_570 = arith.select %and3A_568, %add3A_569, %rem3A_560 : i32
        %mul3A_571 = arith.constant 32 : i32
        %mul3A_572 = arith.muli %select_n3A, %mul3A_571 : i32
        %jit3A_573 = arith.constant 2 : i32
        %div3A_574 = arith.divsi %select_n3A_570, %jit3A_573 : i32
        %sign3A_575 = arith.constant 0 : i32
        %sign3A_576 = arith.cmpi sgt, %select_n3A_570, %sign3A_575 : i32
        %sign3A_577 = arith.extui %sign3A_576 : i1 to i32
        %sign3A_578 = arith.constant 0 : i32
        %sign3A_579 = arith.cmpi slt, %select_n3A_570, %sign3A_578 : i32
        %sign3A_580 = arith.extui %sign3A_579 : i1 to i32
        %sign3A_581 = arith.subi %sign3A_577, %sign3A_580 : i32
        %sign3A_582 = arith.constant 0 : i32
        %sign3A_583 = arith.cmpi sgt, %jit3A_573, %sign3A_582 : i32
        %sign3A_584 = arith.extui %sign3A_583 : i1 to i32
        %sign3A_585 = arith.constant 0 : i32
        %sign3A_586 = arith.cmpi slt, %jit3A_573, %sign3A_585 : i32
        %sign3A_587 = arith.extui %sign3A_586 : i1 to i32
        %sign3A_588 = arith.subi %sign3A_584, %sign3A_587 : i32
        %ne3A_589 = arith.cmpi ne, %sign3A_581, %sign3A_588 : i32
        %rem3A_590 = arith.remsi %select_n3A_570, %jit3A_573 : i32
        %ne3A_591 = arith.constant 0 : i32
        %ne3A_592 = arith.cmpi ne, %rem3A_590, %ne3A_591 : i32
        %and3A_593 = arith.andi %ne3A_589, %ne3A_592 : i1
        %sub3A_594 = arith.constant 1 : i32
        %sub3A_595 = arith.subi %div3A_574, %sub3A_594 : i32
        %select_n3A_596 = arith.select %and3A_593, %sub3A_595, %div3A_574 : i32
        %add3A_597 = arith.addi %mul3A_572, %select_n3A_596 : i32
        %jit3A_598 = arith.constant 2 : i32
        %eq3A_599 = arith.constant 0 : i32
        %eq3A_600 = arith.cmpi eq, %jit3A_598, %eq3A_599 : i32
        %jit3A_601 = arith.constant 1 : i32
        %select_n3A_602 = arith.select %eq3A_600, %jit3A_601, %jit3A_598 : i32
        %rem3A_603 = arith.remsi %select_n3A_570, %select_n3A_602 : i32
        %ne3A_604 = arith.constant 0 : i32
        %ne3A_605 = arith.cmpi ne, %rem3A_603, %ne3A_604 : i32
        %lt3A_606 = arith.constant 0 : i32
        %lt3A_607 = arith.cmpi slt, %rem3A_603, %lt3A_606 : i32
        %lt3A_608 = arith.constant 0 : i32
        %lt3A_609 = arith.cmpi slt, %select_n3A_602, %lt3A_608 : i32
        %ne3A_610 = arith.xori %lt3A_607, %lt3A_609 : i1
        %and3A_611 = arith.andi %ne3A_610, %ne3A_605 : i1
        %add3A_612 = arith.addi %rem3A_603, %select_n3A_602 : i32
        %select_n3A_613 = arith.select %and3A_611, %add3A_612, %rem3A_603 : i32
        %mul3A_614 = arith.constant 256 : i32
        %mul3A_615 = arith.muli %select_n3A_613, %mul3A_614 : i32
        %dma_start3A_616 = arith.constant 0 : i32
        %dma_start3A_617 = tpu.memref_slice %arg3[%select_n3A_554, %dma_start3A_616, %add3A_597, %mul3A_615] : memref<4x16x512x512xi32, #tpu.memory_space<hbm>> -> memref<1x16x1x256xi32, #tpu.memory_space<hbm>>
        %dma_start3A_618 = tpu.memref_squeeze %dma_start3A_617 : memref<1x16x1x256xi32, #tpu.memory_space<hbm>> -> memref<16x256xi32, #tpu.memory_space<hbm>>
        %dma_start3A_619 = arith.constant 0 : i32
        %dma_start3A_620 = tpu.memref_slice %arg3[%select_n3A_554, %dma_start3A_619, %add3A_597, %mul3A_615] : memref<4x16x512x512xi32, #tpu.memory_space<hbm>> -> memref<1x16x1x256xi32, #tpu.memory_space<hbm>>
        %dma_start3A_621 = tpu.memref_squeeze %dma_start3A_620 : memref<1x16x1x256xi32, #tpu.memory_space<hbm>> -> memref<16x256xi32, #tpu.memory_space<hbm>>
        tpu.enqueue_dma source(%dma_start3A_621 : memref<16x256xi32, #tpu.memory_space<hbm>>) target(%arg9 : memref<16x256xi32, #tpu.memory_space<vmem>>) target_semaphore(%arg17 : memref<!tpu.dma_semaphore, #tpu.memory_space<semaphore_mem>>)
        %dma_start3A_622 = arith.constant 0 : i32
        %dma_start3A_623 = tpu.memref_slice %arg4[%select_n3A_554, %dma_start3A_622, %add3A_597, %mul3A_615] : memref<4x16x512x512xf32, #tpu.memory_space<hbm>> -> memref<1x16x1x256xf32, #tpu.memory_space<hbm>>
        %dma_start3A_624 = tpu.memref_squeeze %dma_start3A_623 : memref<1x16x1x256xf32, #tpu.memory_space<hbm>> -> memref<16x256xf32, #tpu.memory_space<hbm>>
        %dma_start3A_625 = arith.constant 0 : i32
        %dma_start3A_626 = tpu.memref_slice %arg4[%select_n3A_554, %dma_start3A_625, %add3A_597, %mul3A_615] : memref<4x16x512x512xf32, #tpu.memory_space<hbm>> -> memref<1x16x1x256xf32, #tpu.memory_space<hbm>>
        %dma_start3A_627 = tpu.memref_squeeze %dma_start3A_626 : memref<1x16x1x256xf32, #tpu.memory_space<hbm>> -> memref<16x256xf32, #tpu.memory_space<hbm>>
        tpu.enqueue_dma source(%dma_start3A_627 : memref<16x256xf32, #tpu.memory_space<hbm>>) target(%arg11 : memref<16x256xf32, #tpu.memory_space<vmem>>) target_semaphore(%arg17 : memref<!tpu.dma_semaphore, #tpu.memory_space<semaphore_mem>>)
        %dma_start3A_628 = tpu.memref_slice %arg5[%select_n3A_30, %add3A_597, %mul3A_615] : memref<3x512x512xf32, #tpu.memory_space<hbm>> -> memref<2x1x256xf32, #tpu.memory_space<hbm>>
        %dma_start3A_629 = tpu.memref_squeeze %dma_start3A_628 : memref<2x1x256xf32, #tpu.memory_space<hbm>> -> memref<2x256xf32, #tpu.memory_space<hbm>>
        %dma_start3A_630 = tpu.memref_slice %arg5[%select_n3A_30, %add3A_597, %mul3A_615] : memref<3x512x512xf32, #tpu.memory_space<hbm>> -> memref<2x1x256xf32, #tpu.memory_space<hbm>>
        %dma_start3A_631 = tpu.memref_squeeze %dma_start3A_630 : memref<2x1x256xf32, #tpu.memory_space<hbm>> -> memref<2x256xf32, #tpu.memory_space<hbm>>
        tpu.enqueue_dma source(%dma_start3A_631 : memref<2x256xf32, #tpu.memory_space<hbm>>) target(%arg13 : memref<2x256xf32, #tpu.memory_space<vmem>>) target_semaphore(%arg17 : memref<!tpu.dma_semaphore, #tpu.memory_space<semaphore_mem>>)
      } else {
      }
    }
    %scan3A_96 = arith.constant 128 : i32
    %mul3A_97 = arith.constant 32 : i32
    %mul3A_98 = arith.muli %select_n3A, %mul3A_97 : i32
    %add3A_99 = arith.constant 31 : i32
    %add3A_100 = arith.addi %mul3A_98, %add3A_99 : i32
    %dma_wait3A = arith.constant 3 : i32
    %dma_wait3A_101 = arith.constant 0 : i32
    %dma_wait3A_102 = tpu.memref_slice %arg6[%dma_wait3A, %mul3A_32, %add3A_100, %dma_wait3A_101] : memref<4x4x512x512xf32, #tpu.memory_space<hbm>> -> memref<1x2x1x256xf32, #tpu.memory_space<hbm>>
    %dma_wait3A_103 = tpu.memref_squeeze %dma_wait3A_102 : memref<1x2x1x256xf32, #tpu.memory_space<hbm>> -> memref<2x256xf32, #tpu.memory_space<hbm>>
    %dma_wait3A_104 = arith.constant 0 : i32
    %dma_wait3A_105 = tpu.memref_slice %arg6[%dma_wait3A, %mul3A_32, %add3A_100, %dma_wait3A_104] : memref<4x4x512x512xf32, #tpu.memory_space<hbm>> -> memref<1x2x1x256xf32, #tpu.memory_space<hbm>>
    %dma_wait3A_106 = tpu.memref_squeeze %dma_wait3A_105 : memref<1x2x1x256xf32, #tpu.memory_space<hbm>> -> memref<2x256xf32, #tpu.memory_space<hbm>>
    tpu.wait_dma2 semaphore(%arg18 : memref<!tpu.dma_semaphore, #tpu.memory_space<semaphore_mem>>) src(%arg14 : memref<2x256xf32, #tpu.memory_space<vmem>>) dst(%dma_wait3A_106 : memref<2x256xf32, #tpu.memory_space<hbm>>)
    %mul3A_107 = arith.constant 32 : i32
    %mul3A_108 = arith.muli %select_n3A, %mul3A_107 : i32
    %add3A_109 = arith.constant 31 : i32
    %add3A_110 = arith.addi %mul3A_108, %add3A_109 : i32
    %dma_wait3A_111 = arith.constant 3 : i32
    %dma_wait3A_112 = arith.constant 256 : i32
    %dma_wait3A_113 = tpu.memref_slice %arg6[%dma_wait3A_111, %mul3A_32, %add3A_110, %dma_wait3A_112] : memref<4x4x512x512xf32, #tpu.memory_space<hbm>> -> memref<1x2x1x256xf32, #tpu.memory_space<hbm>>
    %dma_wait3A_114 = tpu.memref_squeeze %dma_wait3A_113 : memref<1x2x1x256xf32, #tpu.memory_space<hbm>> -> memref<2x256xf32, #tpu.memory_space<hbm>>
    %dma_wait3A_115 = arith.constant 256 : i32
    %dma_wait3A_116 = tpu.memref_slice %arg6[%dma_wait3A_111, %mul3A_32, %add3A_110, %dma_wait3A_115] : memref<4x4x512x512xf32, #tpu.memory_space<hbm>> -> memref<1x2x1x256xf32, #tpu.memory_space<hbm>>
    %dma_wait3A_117 = tpu.memref_squeeze %dma_wait3A_116 : memref<1x2x1x256xf32, #tpu.memory_space<hbm>> -> memref<2x256xf32, #tpu.memory_space<hbm>>
    tpu.wait_dma2 semaphore(%arg19 : memref<!tpu.dma_semaphore, #tpu.memory_space<semaphore_mem>>) src(%arg15 : memref<2x256xf32, #tpu.memory_space<vmem>>) dst(%dma_wait3A_117 : memref<2x256xf32, #tpu.memory_space<hbm>>)
    return
  }
}

</mosaic_0001>

<sc_bundles>
// kernel: kernel.3.cloned.1.call-start
scs
__scs_entry_jumppad:
0x0: {  	(pc) =	sbr.rel $0x88, $3  }
0x1: {  	(tag) =	ssettag $0x0;
	lr =	simm.s32 $0x1  }
0x2: {  	[smem:$0x3F9D] =	sst lr;
	_ =	strace $0xD0000000  }
0x3: {  	_ = 	snop  }
0x4: {  	_ = 	snop  }
0x5: {  	_ = 	snop  }
0x6: {  	_ = 	snop  }
0x7: {  	_ = 	snop  }
__scs_overlays_trampoline_lowered:
0x8: {  	[smem:$0x3FAC] =	sst s0  }
0x9: {  	[smem:$0x3FAD] =	sst s1  }
0xa: {  	[smem:$0x3FAE] =	sst s2  }
0xb: {  	[smem:$0x3FAF] =	sst s3  }
0xc: {  	[smem:$0x3FB0] =	sst s4  }
0xd: {  	[smem:$0x3FB1] =	sst s5  }
0xe: {  	[smem:$0x3FB2] =	sst s6  }
0xf: {  	[smem:$0x3FB3] =	sst s7  }
0x10: {  	[smem:$0x3FB4] =	sst s8  }
0x11: {  	[smem:$0x3FB5] =	sst s9;
	s0 =	simm.s32 @!p0 $0x0  }
0x12: {  	s1 =	sld [smem:$0x3F9B];
	s0 =	simm.s32 @p0 $0x1  }
0x13: {  	[smem:$0x3FB6] =	sst s0;
	s0 =	simm.s32 @!p1 $0x0  }
0x14: {  	s2 =	sld [smem:$0x3F9A];
	s0 =	simm.s32 @p1 $0x1  }
0x15: {  	[smem:$0x3FB7] =	sst s0;
	s0 =	simm.s32 @!p2 $0x0  }
0x16: {  	s3 =	sld [smem:$0x3FDB];
	s0 =	simm.s32 @p2 $0x1  }
0x17: {  	s4 =	simm.s32 $0x1BF5;
	[smem:$0x3FB9] =	sst s0  }
0x18: {  	s0 =	sld [smem:$0x3F9C];
	_ =	swait.ge [sflag:s4], $0x0  }
0x19: {  	s7 =	sld [smem:$0x3F9D]  }
0x1a: {  	s8 =	sadd.s32 $0xFFFFE003, lr  }
0x1b: {  	s9 =	sadd.s32 $0xFFFFFEF7, lr;
	s5 =	simm.s32 $0xFFFFFFFF;
	p2 =	slt.u32 s8, $0xFFFFF086  }
0x1c: {  	p1 =	slt.u32 s9, $0xF7A;
	s5 =	simm.s32 @!p2 $0x0  }
0x1d: {  	s5 =	simm.s32 @p1 $0x1;
	p0 =	seq.s32 s7, s2  }
0x1e: {  	s7 =	smul.u32 @!p0 $0xF7A, s2;
	p2 =	seq.s32 @!p0 s5, $0x0  }
0x1f: {  	s9 =	smul.u32 $0xF7A, s1;
	s8 =	simm.s32 @!p0 $0x1BF5;
	p2 =	por !p2, p0  }
0x20: {  	[sflag:s8] =	ssyncset.s32 @!p0 $0xFFFFF086;
	s6 =	sadd.s32 @!p0 s3, s7;
	s7 =	simm.s32 @!p0 $0x108  }
0x21: {  	s3 =	sadd.s32 s3, s9;
	s6 =	sadd.s32 @!p0 $0x88, s6;
	s7 =	simm.s32 @p2 $0x1082  }
0x22: {  	[simem:s7], [sflag:s8] =	dma.local @!p0 [hbm:s6], $0xF7A  }
0x23: {  	s9 =	sor.u32 $0xD0000000, s2;
	s6 =	simm.s32 $0x108;
	_ =	swait.ge @!p0 [sflag:s8], $0x0  }
0x24: {  	s3 =	sadd.s32 $0x88, s3;
	s6 =	simm.s32 @!p1 $0x1082;
	[sflag:s4] =	ssyncset.s32 $0xFFFFF086  }
0x25: {  	[simem:s6], [sflag:s4] =	dma.local [hbm:s3], $0xF7A  }
0x26: {  	[smem:$0x3F9D] =	sst s1;
	(tag) =	ssettag s2;
	_ =	strace s9  }
0x27: {  	s1 =	sld [smem:$0x3FAD]  }
0x28: {  	s2 =	sld [smem:$0x3FAE]  }
0x29: {  	s4 =	sld [smem:$0x3FB0]  }
0x2a: {  	p0 =	seq.s32 s5, $0x0;
	s5 =	sld [smem:$0x3FB1]  }
0x2b: {  	s6 =	sld [smem:$0x3FB2]  }
0x2c: {  	s7 =	sld [smem:$0x3FB3]  }
0x2d: {  	s3 =	simm.s32 $0x108;
	s8 =	sld [smem:$0x3FB4]  }
0x2e: {  	s3 =	simm.s32 @!p0 $0x1082;
	s9 =	sld [smem:$0x3FB5]  }
0x2f: {  	lr =	sadd.s32 s0, s3;
	s0 =	sld [smem:$0x3FAC]  }
0x30: {  	s3 =	sld [smem:$0x3FAF]  }
0x31: {  	[smem:$0x3FB8] =	sst s10  }
0x32: {  	s10 =	sld [smem:$0x3FB6];
	_ =	sdelay $0x3  }
0x33: {  	p0 =	seq.s32 s10, $0x1;
	s10 =	sld [smem:$0x3FB8];
	_ =	sdelay $0x3  }
0x34: {  	[smem:$0x3FB8] =	sst s10  }
0x35: {  	s10 =	sld [smem:$0x3FB7];
	_ =	sdelay $0x3  }
0x36: {  	p1 =	seq.s32 s10, $0x1;
	s10 =	sld [smem:$0x3FB8];
	_ =	sdelay $0x3  }
0x37: {  	[smem:$0x3FB8] =	sst s10  }
0x38: {  	s10 =	sld [smem:$0x3FB9]  }
0x39: {  	_ = 	snop;
	(pc) =	sbr.ind lr, $3  }
0x3a: {  	_ = 	snop  }
0x3b: {  	_ = 	snop  }
0x3c: {  	p2 =	seq.s32 s10, $0x1;
	s10 =	sld [smem:$0x3FB8]  }
0x3d: {  	_ =	shalt  }
0x3e: {  	_ =	shalt  }
0x3f: {  	_ =	shalt  }
0x40: {  	_ =	shalt  }
0x41: {  	_ =	shalt  }
0x42: {  	_ =	shalt  }
0x43: {  	_ =	shalt  }
0x44: {  	_ =	shalt  }
0x45: {  	_ =	shalt  }
0x46: {  	_ =	shalt  }
0x47: {  	_ =	shalt  }
0x48: {  	_ =	shalt  }
0x49: {  	_ =	shalt  }
0x4a: {  	_ =	shalt  }
0x4b: {  	_ =	shalt  }
0x4c: {  	_ =	shalt  }
0x4d: {  	_ =	shalt  }
0x4e: {  	_ =	shalt  }
0x4f: {  	_ =	shalt  }
0x50: {  	_ =	shalt  }
0x51: {  	_ =	shalt  }
0x52: {  	_ =	shalt  }
0x53: {  	_ =	shalt  }
0x54: {  	_ =	shalt  }
0x55: {  	_ =	shalt  }
0x56: {  	_ =	shalt  }
0x57: {  	_ =	shalt  }
0x58: {  	_ =	shalt  }
0x59: {  	_ =	shalt  }
0x5a: {  	_ =	shalt  }
0x5b: {  	_ =	shalt  }
0x5c: {  	_ =	shalt  }
0x5d: {  	_ =	shalt  }
0x5e: {  	_ =	shalt  }
0x5f: {  	_ =	shalt  }
0x60: {  	_ =	shalt  }
0x61: {  	_ =	shalt  }
0x62: {  	_ =	shalt  }
0x63: {  	_ =	shalt  }
0x64: {  	_ =	shalt  }
0x65: {  	_ =	shalt  }
0x66: {  	_ =	shalt  }
0x67: {  	_ =	shalt  }
0x68: {  	_ =	shalt  }
0x69: {  	_ =	shalt  }
0x6a: {  	_ =	shalt  }
0x6b: {  	_ =	shalt  }
0x6c: {  	_ =	shalt  }
0x6d: {  	_ =	shalt  }
0x6e: {  	_ =	shalt  }
0x6f: {  	_ =	shalt  }
0x70: {  	_ =	shalt  }
0x71: {  	_ =	shalt  }
0x72: {  	_ =	shalt  }
0x73: {  	_ =	shalt  }
0x74: {  	_ =	shalt  }
0x75: {  	_ =	shalt  }
0x76: {  	_ =	shalt  }
0x77: {  	_ =	shalt  }
0x78: {  	_ =	shalt  }
0x79: {  	_ =	shalt  }
0x7a: {  	_ =	shalt  }
0x7b: {  	_ =	shalt  }
0x7c: {  	_ =	shalt  }
0x7d: {  	_ =	shalt  }
0x7e: {  	_ =	shalt  }
0x7f: {  	_ =	shalt  }
0x80: {  	_ =	shalt  }
0x81: {  	_ =	shalt  }
0x82: {  	_ =	shalt  }
0x83: {  	_ =	shalt  }
0x84: {  	_ =	shalt  }
0x85: {  	_ =	shalt  }
0x86: {  	_ =	shalt  }
0x87: {  	_ =	shalt  }
.Lfunc_end0:
.L_simem_size_0:
called_computation_lowered:
.L_overlay_start_0:
0x88: {  	s2 =	sld [smem:$0x3FD9]  }
0x89: {  	s3 =	sld [smem:$0x3FFE];
	_ =	sdelay $0x1  }
0x8a: {  	s1 =	srdreg.scid  }
0x8b: {  	s0 =	sand.u32 $0x1, s1  }
0x8c: {  	s17 =	sshll.u32 s0, $0xA;
	s2 =	sadd.s32 s3, s2  }
0x8d: {  	s2 =	sadd.s32 s2, s17  }
0x8e: {  	[smem:$0x3FC4] =	sst s2  }
0x8f: {  	_ = 	snop  }
0x90: {  	s2 =	sld [smem:$0x3FC9]  }
0x91: {  	s18 =	sld [smem:$0x3FC8]  }
0x92: {  	s4 =	sld [smem:$0x3FC6]  }
0x93: {  	s5 =	sld [smem:$0x3FD0];
	(tm) =	ssettm $0x1  }
0x94: {  	s6 =	sld [smem:$0x3FFB];
	_ =	sdelay $0x3  }
0x95: {  	_ =	strace s6  }
0x96: {  	s6 =	sld [smem:$0x3FFC];
	_ =	sdelay $0x3  }
0x97: {  	_ =	strace s6  }
0x98: {  	s6 =	sld [smem:$0x3FFD];
	_ =	sdelay $0x3  }
0x99: {  	_ =	strace s6  }
0x9a: {  	_ =	strace $0x8FFFFFFF  }
0x9b: {  	s19 =	sld [smem:$0x3FDB];
	_ =	sdelay $0x1  }
0x9c: {  	s7 =	simm.s32 $_scs_section_size  }
0x9d: {  	s8 =	simm.s32 $_size__tile_overlayer_lowered;
	s9 =	simm.s32 $_tile_overlayer_lowered  }
0x9e: {  	s22 =	simm.s32 $0x1BFF;
	s21 =	sshll.u32 s9, $0x1;
	s6 =	sadd.s32 s7, s19  }
0x9f: {  	s10 =	simm.s32 $0x0;
	s20 =	sshll.u32 s8, $0x1;
	s8 =	sadd.s32 s21, s6  }
0xa0: {  	[timem:s10], [sflag:s22] =	dma.local [hbm:s8], s20  }
0xa1: {  	_ =	swait.ge [sflag:s22], s20  }
0xa2: {  	s7 =	ssub.s32 $0x0, s20;
	[sflag:s22] =	ssyncset.done $0x0  }
0xa3: {  	[sflag:s22] =	ssyncadd.s32 s7;
	_ =	sdelay $0x1  }
0xa4: {  	s23 =	simm.s32 $0x1B8B  }
0xa5: {  	_ =	swait.ge [sflag:s23], $0x1  }
0xa6: {  	[sflag:s23] =	ssyncset.done $0x0  }
0xa7: {  	s25 =	simm.s32 $0x1B8E;
	s24 =	sld [smem:$0x3FFE];
	[sflag:s23] =	ssyncadd.s32 $0xFFFFFFFF  }
0xa8: {  	s26 =	simm.s32 $execute0_lowered;
	[smem:$0x3FD2] =	sst s25  }
0xa9: {  	s8 =	sshll.u32 s26, $0x1;
	_ =	strace $0x80000046;
	[dreg:$0x1] =	wrdreg $0xFFFFFFFF  }
0xaa: {  	s28 =	simm.s32 $_size_execute0_lowered;
	s6 =	sadd.s32 s6, s8;
	[dreg:$0x0] =	wrdreg $0x0  }
0xab: {  	s8 =	sshll.u32 s28, $0x1;
	[dreg:$0x2] =	wrdreg s6  }
0xac: {  	[dreg:$0x3] =	wrdreg s8  }
0xad: {  	[dreg:$0x4] =	wrdreg $0xC0  }
0xae: {  	_ =	task [dreg:s10], $0x5FFFF  }
0xaf: {  	[dreg:$0x1] =	wrdreg $0xFFFFFFFF  }
0xb0: {  	[dreg:$0x0] =	wrdreg $0x60  }
0xb1: {  	[dreg:$0x2] =	wrdreg s24  }
0xb2: {  	[dreg:$0x3] =	wrdreg s2  }
0xb3: {  	[dreg:$0x4] =	wrdreg s18  }
0xb4: {  	[dreg:$0x5] =	wrdreg s4  }
0xb5: {  	[dreg:$0x6] =	wrdreg s5  }
0xb6: {  	[dreg:$0x7] =	wrdreg $0x9  }
0xb7: {  	_ =	task.clear_ibuf [dreg:s10], $0x8FFFF;
	_ =	strace $0x90000046  }
0xb8: {  	s29 =	simm.s32 $0x9;
	_ =	strace $0x80000048  }
0xb9: {  	_ =	swait.ge [sflag:s29], $0x1  }
0xba: {  	[sflag:s29] =	ssyncadd.s32 $0xFFFFFFFF  }
0xbb: {  	_ =	strace $0x90000048  }
0xbc: {  	_ =	sfence  }
0xbd: {  	s30 =	sld [smem:$0x0];
	_ =	sdelay $0x2  }
0xbe: {  	s31 =	sshll.u32 s1, $0xD;
	s1 =	sshrl.u32 s1, $0x2  }
0xbf: {  	s3 =	sand.u32 $0x4000, s31;
	s1 =	sadd.s32 s1, s30  }
0xc0: {  	s0 =	sor.u32 s3, s0;
	s1 =	sshll.u32 s1, $0x11  }
0xc1: {  	s0 =	sor.u32 s1, s0  }
0xc2: {  	s0 =	sadd.s32 $0x8F2B, s0  }
0xc3: {  	[sflag:s0] =	ssyncadd.remote.s32 $0x1  }
0xc4: {  	_ =	sfence.sel $0xFFFF  }
0xc5: {  	[dreg:$0x0] =	wrdreg $0xFFFFFFFF;
	(pc) =	sbr.abs _section_cstart, $3  }
0xc6: {  	[dreg:$0x1] =	wrdreg $0xFFFFFFFF  }
0xc7: {  	_ =	task.clear_ibuf [dreg:s10], $0x2FFFF;
	_ =	strace $0x9FFFFFFF  }
0xc8: {  	(tm) =	ssettm $0x7FFFFFFF  }
0xc9: {  	_ =	shalt  }
tec
execute0_lowered:
.L_overlay_start_1:
0x0: {  	(tag) =	ssettag $0x1  }
0x1: {  	s0 =	rddreg [dreg:$0x0]  }
0x2: {  	s5 =	rddreg [dreg:$0x1]  }
0x3: {  	s8 =	rddreg [dreg:$0x2]  }
0x4: {  	s9 =	rddreg [dreg:$0x3];
	s1 =	srdreg.scid  }
0x5: {  	s11 =	rddreg [dreg:$0x4];
	s7 =	stileid.u32  }
0x6: {  	s6 =	simm.s32 $0x0;
	s4 =	simm.s32 $0x1;
	s13 =	simm.s32 $0x2  }
0x7: {  	s1 =	sand.u32 $0x1, s1;
	[smem:$0x7FF] =	sst s6;
	s28 =	sadd.s32 $0x100, s9  }
0x8: {  	s30 =	sadd.s32 $0x100, s11;
	s2 =	sor.u32 s1, s7;
	p1 =	seq.s32 s1, $0x1  }
0x9: {  	_ =	strace $0x80000047;
	s18 =	sshll.u32 s1, $0x4;
	s3 =	ssub.s32 $0x2, s1  }
0xa: {  	s10 =	sshll.u32 s1, $0x12;
	[dreg:$0xd] =	wrdreg s28;
	p0 =	seq.s32 s2, $0x0  }
0xb: {  	s29 =	sshll.u32 s1, $0x13;
	[dreg:$0x10] =	wrdreg s30;
	p0 =	por !p0, !p1  }
0xc: {  	s0 =	sadd.s32 s18, s0;
	[dreg:$0x6] =	wrdreg s10;
	p0 =	por !p0, !p0  }
0xd: {  	s19 =	sshrl.u32 s3, $0x1;
	[dreg:$0xf] =	wrdreg s29;
	s4 =	simm.s32 @!p0 $0x0  }
0xe: {  	s2 =	ssub.s32 s3, s19;
	s0 =	sadd.s32 $0x600, s0;
	s20 =	ssub.s32 s7, s4  }
0xf: {  	[dreg:$0x7] =	wrdreg s0;
	s31 =	smax.u32 s2, $0x1;
	s4 =	sshll.u32 s20, $0xE  }
0x10: {  	s2 =	simm.s32 $0x0;
	s21 =	sshrl.u32 s4, $0x3;
	s4 =	sadd.s32 s10, s4  }
0x11: {  	[dreg:$0x11] =	wrdreg s31;
	s22 =	sadd.s32 s5, s21;
	s23 =	sshrl.u32 s4, $0x3  }
0x12: {  	s24 =	sadd.s32 s8, s21;
	s0 =	sor.u32 $0x100, s21;
	[dreg:$0x8] =	wrdreg s22  }
.Ltmp0:
0x13: {  	[dreg:$0x9] =	wrdreg s24;
	s25 =	sadd.s32 s9, s23;
	(pc) =	sbr.rel .LBB2_1-.Ltmp0, $4  }
0x14: {  	p0 =	seq.s32 s1, $0x0;
	s26 =	sadd.s32 s5, s0;
	[dreg:$0xa] =	wrdreg s25  }
0x15: {  	s7 =	simm.s32 $0x1;
	s0 =	sadd.s32 s8, s0;
	[dreg:$0xb] =	wrdreg s26  }
0x16: {  	vm0 =	vmxor vm0, vm0;
	s10 =	sshll.u32 s20, $0x5;
	[dreg:$0xc] =	wrdreg s0;
	s0 =	sadd.s32 s23, s28  }
0x17: {  	vm0 =	vmneg @p0 vm0;
	s21 =	simm.s32 $0x80;
	s24 =	simm.s32 $0x40000;
	[dreg:$0xe] =	wrdreg s0  }
.LBB2_8:
0x18: {  	s0 =	simm.s32 $0x3  }
0x19: {  	_ =	swait.ge [sflag:s0], $0x200  }
0x1a: {  	[sflag:s0] =	ssyncset.done $0x0  }
0x1b: {  	s1 =	simm.s32 $0x4;
	[sflag:s0] =	ssyncadd.s32 $0xFFFFFE00  }
0x1c: {  	_ =	swait.ge [sflag:s1], $0x200  }
0x1d: {  	s2 =	rddreg [dreg:$0x12]  }
0x1e: {  	s31 =	rddreg [dreg:$0x11];
	s2 =	sadd.s32 $0x1, s2  }
0x1f: {  	p1 =	sne.s32 s2, s31  }
.Ltmp1:
0x20: {  	_ = 	snop;
	(pc) =	sbr.rel @!p1 .LBB2_9-.Ltmp1, $3  }
0x21: {  	_ =	sdelay $0x1  }
0x22: {  	[sflag:s1] =	ssyncset.done $0x0  }
0x23: {  	[sflag:s1] =	ssyncadd.s32 $0xFFFFFE00  }
.LBB2_1:
0x24: {  	[dreg:$0x12] =	wrdreg s2  }
0x25: {  	s0 =	rddreg [dreg:$0x7];
	s1 =	simm.s32 $0x100;
	s17 =	simm.s32 $0x5  }
0x26: {  	[tilespmem:s6], [sflag:$0x5] =	stream.strided.gather [hbm4b:s0+s21], $0x18700, s1, s21, $0x38;
	[tilespmem:$0x1CF00] =	vst v63  }
0x27: {  	_ =	swait.ge [sflag:s17], $0x18700  }
0x28: {  	[sflag:s17] =	ssyncset.done $0x0  }
0x29: {  	s19 =	simm.s32 $0x18700;
	s18 =	rddreg [dreg:$0x8];
	[sflag:s17] =	ssyncadd.s32 $0xFFFE7900  }
0x2a: {  	[tilespmem:s19], [sflag:$0x1] =	stream.strided.gather [hbm4b:s18+s21], $0x400, s24, s21, $0x38;
	[tilespmem:$0x1CF00] =	vst v63  }
0x2b: {  	s22 =	simm.s32 $0x18B00;
	s20 =	sadd.s32 $0x80, s18  }
0x2c: {  	[tilespmem:s22], [sflag:$0x1] =	stream.strided.gather [hbm4b:s20+s21], $0x400, s24, s21, $0x38;
	[tilespmem:$0x1CF00] =	vst v63  }
0x2d: {  	s25 =	simm.s32 $0x18F00;
	s23 =	sadd.s32 $0x40000, s18  }
0x2e: {  	[tilespmem:s25], [sflag:$0x1] =	stream.strided.gather [hbm4b:s23+s21], $0x400, s24, s21, $0x38;
	[tilespmem:$0x1CF00] =	vst v63  }
0x2f: {  	s26 =	simm.s32 $0x19300;
	s0 =	sadd.s32 $0x80, s23  }
0x30: {  	[tilespmem:s26], [sflag:$0x1] =	stream.strided.gather [hbm4b:s0+s21], $0x400, s24, s21, $0x38;
	[tilespmem:$0x1CF00] =	vst v63  }
0x31: {  	s29 =	simm.s32 $0x1A700;
	s28 =	rddreg [dreg:$0x9]  }
0x32: {  	[tilespmem:s29], [sflag:$0x1] =	stream.strided.gather [hbm4b:s28+s21], $0x400, s24, s21, $0x38;
	[tilespmem:$0x1CF00] =	vst v63  }
0x33: {  	s31 =	simm.s32 $0x1AB00;
	s30 =	sadd.s32 $0x80, s28  }
0x34: {  	[tilespmem:s31], [sflag:$0x1] =	stream.strided.gather [hbm4b:s30+s21], $0x400, s24, s21, $0x38;
	[tilespmem:$0x1CF00] =	vst v63  }
0x35: {  	s3 =	simm.s32 $0x1AF00;
	s2 =	sadd.s32 $0x40000, s28  }
0x36: {  	[tilespmem:s3], [sflag:$0x1] =	stream.strided.gather [hbm4b:s2+s21], $0x400, s24, s21, $0x38;
	[tilespmem:$0x1CF00] =	vst v63  }
0x37: {  	s4 =	simm.s32 $0x1B300;
	s0 =	sadd.s32 $0x80, s2  }
0x38: {  	[tilespmem:s4], [sflag:$0x1] =	stream.strided.gather [hbm4b:s0+s21], $0x400, s24, s21, $0x38;
	[tilespmem:$0x1CF00] =	vst v63  }
0x39: {  	s8 =	simm.s32 $0x1C700;
	s5 =	rddreg [dreg:$0xa]  }
0x3a: {  	[tilespmem:s8], [sflag:$0x1] =	stream.strided.gather [hbm4b:s5+s21], $0x100, s24, s21, $0x38;
	[tilespmem:$0x1CF00] =	vst v63  }
0x3b: {  	s9 =	simm.s32 $0x1C800;
	s0 =	sadd.s32 $0x80, s5  }
0x3c: {  	[tilespmem:s9], [sflag:$0x1] =	stream.strided.gather [hbm4b:s0+s21], $0x100, s24, s21, $0x38;
	[tilespmem:$0x1CF00] =	vst v63  }
0x3d: {  	s12 =	simm.s32 $0x19700;
	s11 =	rddreg [dreg:$0xb]  }
0x3e: {  	[tilespmem:s12], [sflag:$0x2] =	stream.strided.gather [hbm4b:s11+s21], $0x400, s24, s21, $0x38;
	[tilespmem:$0x1CF00] =	vst v63  }
0x3f: {  	s15 =	simm.s32 $0x19B00;
	s14 =	sadd.s32 $0x80, s11  }
0x40: {  	[tilespmem:s15], [sflag:$0x2] =	stream.strided.gather [hbm4b:s14+s21], $0x400, s24, s21, $0x38;
	[tilespmem:$0x1CF00] =	vst v63  }
0x41: {  	s16 =	sadd.s32 $0x40000, s11;
	s17 =	simm.s32 $0x19F00  }
0x42: {  	[tilespmem:s17], [sflag:$0x2] =	stream.strided.gather [hbm4b:s16+s21], $0x400, s24, s21, $0x38;
	[tilespmem:$0x1CF00] =	vst v63  }
0x43: {  	s18 =	simm.s32 $0x1A300;
	s0 =	sadd.s32 $0x80, s16  }
0x44: {  	[tilespmem:s18], [sflag:$0x2] =	stream.strided.gather [hbm4b:s0+s21], $0x400, s24, s21, $0x38;
	[tilespmem:$0x1CF00] =	vst v63  }
0x45: {  	s19 =	rddreg [dreg:$0xc];
	s20 =	simm.s32 $0x1B700  }
0x46: {  	[tilespmem:s20], [sflag:$0x2] =	stream.strided.gather [hbm4b:s19+s21], $0x400, s24, s21, $0x38;
	[tilespmem:$0x1CF00] =	vst v63  }
0x47: {  	s22 =	sadd.s32 $0x80, s19;
	s23 =	simm.s32 $0x1BB00  }
0x48: {  	[tilespmem:s23], [sflag:$0x2] =	stream.strided.gather [hbm4b:s22+s21], $0x400, s24, s21, $0x38;
	[tilespmem:$0x1CF00] =	vst v63  }
0x49: {  	s25 =	sadd.s32 $0x40000, s19;
	s26 =	simm.s32 $0x1BF00  }
0x4a: {  	[tilespmem:s26], [sflag:$0x2] =	stream.strided.gather [hbm4b:s25+s21], $0x400, s24, s21, $0x38;
	[tilespmem:$0x1CF00] =	vst v63  }
0x4b: {  	s28 =	simm.s32 $0x1C300;
	s0 =	sadd.s32 $0x80, s25  }
0x4c: {  	[tilespmem:s28], [sflag:$0x2] =	stream.strided.gather [hbm4b:s0+s21], $0x400, s24, s21, $0x38;
	[tilespmem:$0x1CF00] =	vst v63  }
0x4d: {  	s29 =	rddreg [dreg:$0xe];
	s30 =	simm.s32 $0x1C900  }
0x4e: {  	[tilespmem:s30], [sflag:$0x2] =	stream.strided.gather [hbm4b:s29+s21], $0x100, s24, s21, $0x38;
	[tilespmem:$0x1CF00] =	vst v63  }
0x4f: {  	s31 =	simm.s32 $0x1CA00;
	s14 =	simm.s32 $0x0;
	s0 =	sadd.s32 $0x80, s29  }
0x50: {  	[tilespmem:s31], [sflag:$0x2] =	stream.strided.gather [hbm4b:s0+s21], $0x100, s24, s21, $0x38;
	[tilespmem:$0x1CF00] =	vst v63  }
.LBB2_2:
0x51: {  	_ =	swait.ge [sflag:s7], $0x1000  }
0x52: {  	[sflag:s7] =	ssyncset.done $0x0  }
0x53: {  	[sflag:s7] =	ssyncadd.s32 $0xFFFFF000  }
0x54: {  	_ =	swait.ge [sflag:s7], $0x1000  }
0x55: {  	[sflag:s7] =	ssyncset.done $0x0  }
0x56: {  	[sflag:s7] =	ssyncadd.s32 $0xFFFFF000  }
0x57: {  	_ =	swait.ge [sflag:s7], $0x200  }
0x58: {  	p1 =	seq.s32 s14, $0x0;
	s1 =	simm.s32 $0x0;
	[sflag:s7] =	ssyncset.done $0x0  }
0x59: {  	s3 =	simm.s32 $0x0;
	s0 =	simm.s32 @!p1 $0x3;
	[sflag:s7] =	ssyncadd.s32 $0xFFFFFE00  }
0x5a: {  	s5 =	simm.s32 $0x0;
	s2 =	sand.u32 $0xFFFFFC00, s1;
	_ =	swait.ge @!p1 [sflag:s0], $0x200  }
0x5b: {  	s22 =	sand.u32 $0x60, s3;
	s4 =	sadd.s32 $0x0, s2;
	[sflag:s0] =	ssyncset.done @!p1 $0x0  }
0x5c: {  	s23 =	sor.u32 $0x10, s22;
	s9 =	sor.u32 $0x80, s4;
	[sflag:s0] =	ssyncadd.s32 @!p1 $0xFFFFFE00  }
0x5d: {  	s25 =	sor.u32 s5, s23;
	v0 =	vld [tilespmem:s9+$0x18700]  }
0x5e: {  	v1 =	vld [tilespmem:s25+$0x18700]  }
0x5f: {  	v2 =	vld [tilespmem:s25+$0x1A700]  }
0x60: {  	v6 =	vld [tilespmem:s25+$0x18780]  }
0x61: {  	s5 =	sor.u32 s22, s5;
	v3 =	vld [tilespmem:s25+$0x1A780]  }
0x62: {  	v4 =	vld [tilespmem:s5+$0x18700]  }
0x63: {  	v5 =	vld [tilespmem:s5+$0x1A700]  }
0x64: {  	v7 =	vld [tilespmem:s25+$0x18800]  }
0x65: {  	v8 =	vld [tilespmem:s25+$0x1A800]  }
0x66: {  	v10 =	vld [tilespmem:s9+$0x1A700];
	vm1 =	vgt.s32 v1, $0xFFFFFFFF  }
0x67: {  	v15 =	vld [tilespmem:s25+$0x18880];
	v2 =	vnsel vm1, $0x0, v2  }
0x68: {  	v13 =	vld [tilespmem:s25+$0x1A880];
	vm1 =	vgt.s32 v6, $0xFFFFFFFF;
	v9 =	vsub.f32 $1.000000000e+00, v2  }
0x69: {  	v11 =	vld [tilespmem:s5+$0x18800];
	v3 =	vnsel vm1, $0x0, v3;
	vm1 =	vgt.s32 v4, $0xFFFFFFFF  }
0x6a: {  	v16 =	vld [tilespmem:s5+$0x1A800];
	vm2 =	vgt.s32 v7, $0xFFFFFFFF;
	v12 =	vnsel vm1, $0x0, v5;
	v3 =	vmul.f32 v3, v9  }
0x6b: {  	s26 =	sor.u32 $0x180, s4;
	v18 =	vld [tilespmem:s25+$0x18900];
	v5 =	vnsel vm2, $0x0, v8;
	vm1 =	vgt.s32 v0, $0xFFFFFFFF;
	vm2 =	vgt.s32 v0, $0x0  }
0x6c: {  	v8 =	vld [tilespmem:s26+$0x18700];
	v10 =	vnsel vm1, $0x0, v10;
	vm1 =	vgt.s32 v15, $0xFFFFFFFF;
	v9 =	vsub.f32 v9, v3  }
0x6d: {  	v17 =	vsub.f32 $1.000000000e+00, v12;
	v25 =	vnsel vm2, $0x0, v0;
	v0 =	vnsel vm1, $0x0, v13;
	v13 =	vld [tilespmem:s5+$0x18900]  }
0x6e: {  	v21 =	vld [tilespmem:s25+$0x1A900];
	v5 =	vmul.f32 v5, v9  }
0x6f: {  	v24 =	vld [tilespmem:s25+$0x18980];
	vm3 =	vlt.s32 v4, $0x0;
	vm2 =	vgt.s32 v11, $0x0;
	v14 =	vmul.f32 v10, v17  }
0x70: {  	vm1 =	vgt.s32 v11, $0xFFFFFFFF;
	v29 =	vnsel vm2, $0x0, v11;
	v11 =	vld [tilespmem:s25+$0x18A00];
	v9 =	vsub.f32 v9, v5  }
0x71: {  	v4 =	vsel vm3, $0x0, v4;
	v10 =	vld [tilespmem:s26+$0x1A700];
	v17 =	vsub.f32 v17, v14;
	vm2 =	vgt.s32 v8, $0xFFFFFFFF  }
0x72: {  	vm4 =	vgt.s32 v13, $0xFFFFFFFF;
	v20 =	vmul.f32 v0, v9;
	v0 =	vnsel vm1, $0x0, v16;
	v16 =	vld [tilespmem:s25+$0x1A980]  }
0x73: {  	v23 =	vld [tilespmem:s5+$0x1A900];
	vm5 =	vgt.s32 v13, $0x0;
	vm1 =	vgt.s32 v18, $0xFFFFFFFF;
	v19 =	vmul.f32 v0, v17  }
0x74: {  	v26 =	vld [tilespmem:s25+$0x1AA00];
	v0 =	vnsel vm1, $0x0, v21;
	vm1 =	vgt.s32 v8, $0x0;
	v9 =	vsub.f32 v9, v20  }
0x75: {  	vm6 =	vgt.s32 v11, $0xFFFFFFFF;
	v27 =	vnsel vm1, $0x0, v8;
	v17 =	vsub.f32 v17, v19  }
0x76: {  	v8 =	vnsel vm2, $0x0, v10;
	vm2 =	vgt.s32 v24, $0xFFFFFFFF;
	v0 =	vmul.f32 v0, v9  }
0x77: {  	s8 =	sor.u32 $0x280, s4;
	v22 =	vmul.f32 v8, v17;
	v10 =	vnsel vm2, $0x0, v16;
	vm2 =	vlt.s32 v1, $0x0  }
0x78: {  	v23 =	vnsel vm4, $0x0, v23;
	v21 =	vld [tilespmem:s8+$0x18700];
	v8 =	vsub.f32 v9, v0;
	v1 =	vsel vm2, $0x0, v1  }
0x79: {  	vm4 =	vgt.s32 v6, $0x0;
	v26 =	vnsel vm6, $0x0, v26;
	v9 =	vld [tilespmem:s8+$0x1A700];
	v16 =	vsub.f32 v17, v22  }
0x7a: {  	v33 =	vnsel vm5, $0x0, v13;
	vm5 =	vgt.s32 v15, $0x0;
	v17 =	vld [tilespmem:s25+$0x18A80];
	v10 =	vmul.f32 v10, v8  }
0x7b: {  	v28 =	vld [tilespmem:s25+$0x1AA80];
	v6 =	vnsel vm4, $0x0, v6;
	vm4 =	vgt.s32 v7, $0x0;
	v23 =	vmul.f32 v23, v16  }
0x7c: {  	v31 =	vld [tilespmem:s25+$0x18F80];
	v7 =	vnsel vm4, $0x0, v7;
	vm1 =	vmand vm0, vm3;
	v8 =	vsub.f32 v8, v10  }
0x7d: {  	vm3 =	vmmov vm3;
	vm4 =	vgt.s32 v21, $0xFFFFFFFF;
	v16 =	vsub.f32 v16, v23;
	v40 =	vld.idx.msk [tilespmem:v1+s6+$0x0], $0xffff  }
0x7e: {  	v1 =	vnsel vm5, $0x0, v15;
	v9 =	vnsel vm4, $0x0, v9;
	v13 =	vmul.f32 v26, v8;
	v26 =	vld [tilespmem:s25+$0x18F00]  }
0x7f: {  	v32 =	vld [tilespmem:s25+$0x1AF00];
	vm4 =	vgt.s32 v18, $0x0;
	vm5 =	vgt.s32 v21, $0x0;
	vm6 =	vgt.s32 v17, $0xFFFFFFFF  }
0x80: {  	v6 =	vld.idx.msk [tilespmem:v6+s6+$0x0], $0xffff;
	v15 =	vnsel vm6, $0x0, v28;
	v28 =	vmul.f32 v9, v16;
	v8 =	vsub.f32 v8, v13  }
0x81: {  	v34 =	vld [tilespmem:s25+$0x1AF80];
	vm1 =	vmmov vm1;
	v18 =	vnsel vm4, $0x0, v18;
	v35 =	vnsel vm5, $0x0, v21  }
0x82: {  	vm4 =	vgt.s32 v24, $0x0;
	v9 =	vld [tilespmem:s25+$0x19000];
	v42 =	vsub.f32 v16, v28;
	v15 =	vmul.f32 v15, v8  }
0x83: {  	v41 =	vld.idx.msk [tilespmem:v7+s6+$0x0], $0xffff;
	v21 =	vmul.f32 v40, v2;
	v62 =	vshll.u32 v40, $0x10;
	vm5 =	vgt.s32 v26, $0xFFFFFFFF  }
0x84: {  	v7 =	vsub.f32 v8, v15;
	v8 =	vnsel vm4, $0x0, v24;
	v16 =	vnsel vm5, $0x0, v32  }
0x85: {  	v39 =	vld [tilespmem:s25+$0x1B100];
	vm4 =	vgt.s32 v11, $0x0;
	vm5 =	vgt.s32 v31, $0xFFFFFFFF;
	v24 =	vmul.f32 v6, v3  }
0x86: {  	v38 =	vld.idx.msk [tilespmem:v1+s6+$0x0], $0xffff;
	v6 =	vshll.u32 v6, $0x10;
	v1 =	vnsel vm4, $0x0, v11;
	vm4 =	vgt.s32 v17, $0x0  }
0x87: {  	v37 =	vld.idx.msk [tilespmem:v18+s6+$0x0], $0xffff;
	v18 =	vnsel vm5, $0x0, v34;
	vm5 =	vgt.s32 v9, $0xFFFFFFFF;
	v6 =	vmul.f32 v6, v3  }
0x88: {  	v11 =	vld [tilespmem:s25+$0x1B000];
	v16 =	vmul.f32 v16, v7;
	v21 =	vadd.f32 v24, v21;
	v24 =	vmul.f32 v41, v5  }
0x89: {  	v43 =	vld [tilespmem:s25+$0x19080];
	v17 =	vnsel vm4, $0x0, v17;
	vm4 =	vgt.s32 v26, $0x0;
	v41 =	vshll.u32 v41, $0x10  }
0x8a: {  	v30 =	vld [tilespmem:s25+$0x1B080];
	v41 =	vmul.f32 v41, v5;
	v7 =	vsub.f32 v7, v16;
	v21 =	vadd.f32 v24, v21  }
0x8b: {  	v24 =	vmul.f32 v38, v20;
	v38 =	vshll.u32 v38, $0x10;
	v36 =	vld.idx.msk [tilespmem:v8+s6+$0x0], $0xffff;
	v8 =	vnsel vm4, $0x0, v26  }
0x8c: {  	v44 =	vld [tilespmem:s25+$0x19180];
	vm4 =	vgt.s32 v31, $0x0;
	v20 =	vmul.f32 v38, v20;
	v18 =	vmul.f32 v18, v7  }
0x8d: {  	v26 =	vld [tilespmem:s25+$0x19100];
	v11 =	vnsel vm5, $0x0, v11;
	v21 =	vadd.f32 v24, v21;
	v24 =	vmul.f32 v37, v0  }
0x8e: {  	v34 =	vld.idx.msk [tilespmem:v1+s6+$0x0], $0xffff;
	vm5 =	vgt.s32 v43, $0x0;
	v37 =	vshll.u32 v37, $0x10;
	v1 =	vsub.f32 v7, v18  }
0x8f: {  	v32 =	vld.idx.msk [tilespmem:v17+s6+$0x0], $0xffff;
	v0 =	vmul.f32 v37, v0;
	v7 =	vnsel vm4, $0x0, v31;
	vm4 =	vgt.s32 v9, $0x0  }
0x90: {  	v45 =	vld [tilespmem:s25+$0x19200];
	v9 =	vnsel vm4, $0x0, v9;
	vm4 =	vgt.s32 v43, $0xFFFFFFFF;
	v17 =	vmul.f32 v11, v1  }
0x91: {  	v11 =	vadd.f32 v24, v21;
	v21 =	vmul.f32 v36, v10;
	v31 =	vld.idx.msk [tilespmem:v8+s6+$0x0], $0xffff;
	v8 =	vnsel vm4, $0x0, v30  }
0x92: {  	v47 =	vld [tilespmem:s5+$0x18A00];
	v24 =	vnsel vm5, $0x0, v43;
	vm4 =	vgt.s32 v26, $0x0;
	v36 =	vshll.u32 v36, $0x10  }
0x93: {  	v43 =	vld [tilespmem:s25+$0x19280];
	vm5 =	vgt.s32 v26, $0xFFFFFFFF;
	v46 =	vmul.f32 v34, v13;
	v10 =	vmul.f32 v36, v10  }
0x94: {  	v51 =	vld [tilespmem:s5+$0x1AA00];
	v1 =	vsub.f32 v1, v17;
	v21 =	vadd.f32 v21, v11;
	v57 =	vmul.f32 v32, v15  }
0x95: {  	v32 =	vshll.u32 v32, $0x10;
	v30 =	vld.idx.msk [tilespmem:v7+s6+$0x0], $0xffff;
	v7 =	vnsel vm4, $0x0, v26;
	vm4 =	vgt.s32 v44, $0x0  }
0x96: {  	v63 =	vld [tilespmem:s25+$0x1B280];
	v15 =	vmul.f32 v32, v15;
	v11 =	vmul.f32 v8, v1;
	v21 =	vadd.f32 v46, v21  }
0x97: {  	v8 =	vld [tilespmem:s25+$0x1B180];
	v58 =	vnsel vm4, $0x0, v44;
	vm4 =	vgt.s32 v45, $0x0;
	v59 =	vmul.f32 v31, v16  }
0x98: {  	v26 =	vld.idx.msk [tilespmem:v9+s6+$0x0], $0xffff;
	v49 =	vnsel vm4, $0x0, v45;
	vm4 =	vgt.s32 v43, $0x0;
	v9 =	vsub.f32 v1, v11  }
0x99: {  	v48 =	vld [tilespmem:s25+$0x1B200];
	v1 =	vnsel vm5, $0x0, v39;
	v21 =	vadd.f32 v57, v21;
	vm5 =	vgt.s32 v44, $0xFFFFFFFF  }
0x9a: {  	s9 =	sor.u32 $0x380, s4;
	v24 =	vld.idx.msk [tilespmem:v24+s6+$0x0], $0xffff;
	v52 =	vnsel vm4, $0x0, v43;
	vm4 =	vgt.s32 v47, $0xFFFFFFFF;
	v39 =	vmul.f32 v62, v2  }
0x9b: {  	v57 =	vld [tilespmem:s9+$0x1A700];
	v56 =	vnsel vm4, $0x0, v51;
	vm4 =	vgt.s32 v43, $0xFFFFFFFF;
	v1 =	vmul.f32 v1, v9  }
0x9c: {  	v62 =	vld.idx.msk [tilespmem:v4+s6+$0x0], $0xffff;
	v46 =	vadd.f32 v59, v21;
	v50 =	vmul.f32 v30, v18;
	v39 =	vadd.f32 v6, v39  }
0x9d: {  	v21 =	vld.idx.msk [tilespmem:v7+s6+$0x0], $0xffff;
	v6 =	vnsel vm4, $0x0, v63;
	v7 =	vnsel vm5, $0x0, v8;
	v61 =	vmul.f32 v26, v17  }
0x9e: {  	vm5 =	vgt.s32 v45, $0xFFFFFFFF;
	v45 =	vld [tilespmem:s9+$0x18700];
	v26 =	vshll.u32 v26, $0x10;
	v60 =	vsub.f32 v9, v1  }
0x9f: {  	v51 =	vld [tilespmem:s5+$0x18F00];
	v46 =	vadd.f32 v50, v46;
	v54 =	vmul.f32 v24, v11;
	v48 =	vnsel vm5, $0x0, v48  }
0xa0: {  	v9 =	vld.idx.msk [tilespmem:v58+s6+$0x0], $0xffff;
	vm5 =	vgt.s32 v47, $0x0;
	v39 =	vadd.f32 v41, v39;
	v17 =	vmul.f32 v26, v17  }
0xa1: {  	v2 =	vld.idx.msk [tilespmem:v52+s6+$0x0], $0xffff;
	v52 =	vnsel vm5, $0x0, v47;
	v8 =	vmul.f32 v7, v60;
	v46 =	vadd.f32 v61, v46  }
0xa2: {  	v20 =	vadd.f32 v20, v39;
	v55 =	vmul.f32 v21, v1;
	v21 =	vshll.u32 v21, $0x10  }
0xa3: {  	v7 =	vld.idx.msk [tilespmem:v49+s6+$0x0], $0xffff;
	v44 =	vsub.f32 v60, v8;
	v46 =	vadd.f32 v54, v46;
	vm4 =	vgt.s32 v45, $0xFFFFFFFF  }
0xa4: {  	v25 =	vld.idx.msk [tilespmem:v25+s6+$0x0], $0xffff;
	v54 =	vshll.u32 v62, $0x10;
	v0 =	vadd.f32 v0, v20;
	v1 =	vmul.f32 v21, v1  }
0xa5: {  	v60 =	vld [tilespmem:s5+$0x1AF00];
	v58 =	vmul.f32 v9, v8;
	v5 =	vnsel vm4, $0x0, v57;
	v3 =	vmul.f32 v48, v44  }
0xa6: {  	vm4 =	vgt.s32 v51, $0xFFFFFFFF;
	v9 =	vshll.u32 v9, $0x10;
	v46 =	vadd.f32 v55, v46  }
0xa7: {  	v29 =	vld.idx.msk [tilespmem:v29+s6+$0x0], $0xffff;
	v0 =	vadd.f32 v10, v0;
	v8 =	vmul.f32 v9, v8;
	v59 =	vsub.f32 v44, v3  }
0xa8: {  	v44 =	vmul.f32 v56, v42;
	v61 =	vadd.f32 v58, v46;
	v63 =	vmul.f32 v7, v3  }
0xa9: {  	v27 =	vld.idx.msk [tilespmem:v27+s6+$0x0], $0xffff;
	v46 =	vmul.f32 v62, v12;
	v12 =	vmul.f32 v54, v12;
	v56 =	vshll.u32 v25, $0x10  }
0xaa: {  	v57 =	vld [tilespmem:s5+$0x19000];
	v25 =	vmul.f32 v25, v14;
	v48 =	vnsel vm4, $0x0, v60;
	vm4 =	vmand vm0, vm2  }
0xab: {  	s15 =	sor.u32 $0x880, s4;
	v33 =	vld.idx.msk [tilespmem:v33+s6+$0x0], $0xffff;
	v14 =	vmul.f32 v56, v14;
	v4 =	vmul.f32 v6, v59;
	v42 =	vsub.f32 v42, v44  }
0xac: {  	s11 =	simm.s32 $0x0;
	v53 =	vld [tilespmem:s15+$0x1A700];
	v40 =	vadd.f32 v63, v61;
	v59 =	vshll.u32 v29, $0x10;
	v25 =	vadd.f32 v25, v46  }
0xad: {  	s30 =	sor.u32 s11, s23;
	v50 =	vld [tilespmem:s15+$0x18700];
	v12 =	vadd.f32 v14, v12;
	v14 =	vmul.f32 v59, v19;
	v19 =	vmul.f32 v29, v19  }
0xae: {  	v6 =	vld [tilespmem:s30+$0x1C780];
	v29 =	vshll.u32 v27, $0x10;
	v27 =	vmul.f32 v27, v22;
	v43 =	vmul.f32 v2, v4  }
0xaf: {  	v61 =	vld [tilespmem:s5+$0x1B000];
	vm5 =	vgt.s32 v57, $0xFFFFFFFF;
	v49 =	vmul.f32 v5, v42;
	v22 =	vmul.f32 v29, v22  }
0xb0: {  	v12 =	vadd.f32 v14, v12;
	v19 =	vadd.f32 v19, v25;
	v25 =	vshll.u32 v33, $0x10  }
0xb1: {  	v14 =	vld.idx.msk [tilespmem:v35+s6+$0x0], $0xffff;
	v5 =	vadd.f32 v43, v40;
	v42 =	vsub.f32 v42, v49;
	v25 =	vmul.f32 v25, v23  }
0xb2: {  	v63 =	vld.idx.msk [tilespmem:v52+s6+$0x0], $0xffff;
	v23 =	vmul.f32 v33, v23;
	v12 =	vadd.f32 v22, v12;
	v19 =	vadd.f32 v27, v19  }
0xb3: {  	v5 =	vsel vm4, v6, v5;
	v55 =	vmul.f32 v48, v42;
	vm4 =	vgt.s32 v50, $0xFFFFFFFF  }
0xb4: {  	s16 =	sor.u32 $0x980, s4;
	v38 =	vnsel vm5, $0x0, v61;
	v60 =	vnsel vm4, $0x0, v53;
	vm4 =	vgt.s32 v45, $0x0  }
0xb5: {  	v22 =	vld [tilespmem:s16+$0x18700];
	v19 =	vadd.f32 v23, v19;
	v58 =	vsub.f32 v42, v55;
	v62 =	vnsel vm4, $0x0, v45  }
0xb6: {  	v43 =	vld [tilespmem:s16+$0x1A700];
	vm4 =	vgt.s32 v51, $0x0;
	v41 =	vshll.u32 v14, $0x10;
	v14 =	vmul.f32 v14, v28  }
0xb7: {  	v46 =	vld [tilespmem:s5+$0x19100];
	v20 =	vshll.u32 v63, $0x10;
	v45 =	vnsel vm4, $0x0, v51;
	vm4 =	vgt.s32 v50, $0x0  }
0xb8: {  	v42 =	vmul.f32 v60, v58;
	v23 =	vnsel vm4, $0x0, v50;
	v14 =	vadd.f32 v14, v19;
	v19 =	vld [tilespmem:s5+$0x1B100]  }
0xb9: {  	v20 =	vmul.f32 v20, v44;
	v12 =	vadd.f32 v25, v12;
	v33 =	vmul.f32 v41, v28  }
0xba: {  	vm5 =	vgt.s32 v22, $0xFFFFFFFF;
	v50 =	vmul.f32 v63, v44;
	v29 =	vsub.f32 v58, v42  }
0xbb: {  	vm4 =	vgt.s32 v57, $0x0;
	v51 =	vnsel vm5, $0x0, v43;
	v12 =	vadd.f32 v33, v12;
	v25 =	vld.idx.msk [tilespmem:v62+s6+$0x0], $0xffff  }
0xbc: {  	vm5 =	vgt.s32 v46, $0xFFFFFFFF;
	v14 =	vadd.f32 v50, v14;
	v27 =	vmul.f32 v38, v29;
	v52 =	vld.idx.msk [tilespmem:v45+s6+$0x0], $0xffff  }
0xbd: {  	v12 =	vadd.f32 v20, v12;
	v20 =	vld.idx.msk [tilespmem:v23+s6+$0x0], $0xffff;
	v23 =	vshll.u32 v31, $0x10;
	v19 =	vnsel vm5, $0x0, v19  }
0xbe: {  	s17 =	sor.u32 $0xA80, s4;
	v28 =	vsub.f32 v29, v27;
	v29 =	vshll.u32 v34, $0x10;
	v16 =	vmul.f32 v23, v16  }
0xbf: {  	v31 =	vld [tilespmem:s17+$0x18700];
	v13 =	vmul.f32 v29, v13;
	v29 =	vnsel vm4, $0x0, v57;
	vm4 =	vgt.s32 v22, $0x0  }
0xc0: {  	v36 =	vmul.f32 v51, v28;
	v10 =	vshll.u32 v25, $0x10;
	v25 =	vmul.f32 v25, v49  }
0xc1: {  	v22 =	vnsel vm4, $0x0, v22;
	vm4 =	vgt.s32 v46, $0x0;
	v10 =	vmul.f32 v10, v49  }
0xc2: {  	v54 =	vld [tilespmem:s5+$0x1B200];
	v0 =	vadd.f32 v13, v0;
	v13 =	vshll.u32 v52, $0x10;
	v53 =	vmul.f32 v52, v55  }
0xc3: {  	v23 =	vld [tilespmem:s17+$0x1A700];
	v28 =	vsub.f32 v28, v36;
	v13 =	vmul.f32 v13, v55;
	v14 =	vadd.f32 v25, v14  }
0xc4: {  	s3 =	sor.u32 s11, s3;
	s18 =	sor.u32 $0xB80, s4;
	s4 =	simm.s32 $0x20;
	v25 =	vnsel vm4, $0x0, v46;
	vm4 =	vgt.s32 v31, $0xFFFFFFFF;
	v10 =	vadd.f32 v10, v12;
	v12 =	vld.idx.msk [tilespmem:v29+s6+$0x0], $0xffff  }
0xc5: {  	s12 =	sor.u32 $0x80, s3;
	s3 =	sand.u32 $0x60, s4;
	vm5 =	vgt.s32 v31, $0x0;
	v0 =	vadd.f32 v15, v0;
	v29 =	vshll.u32 v30, $0x10;
	v30 =	vld [tilespmem:s5+$0x19200]  }
0xc6: {  	s23 =	sor.u32 $0x10, s3;
	v15 =	vshll.u32 v20, $0x10;
	v20 =	vmul.f32 v20, v42;
	s5 =	sor.u32 s22, s11;
	s22 =	simm.s32 $0x0;
	v10 =	vadd.f32 v13, v10;
	v13 =	vld.idx.msk [tilespmem:v22+s6+$0x0], $0xffff  }
0xc7: {  	v19 =	vmul.f32 v19, v28;
	v18 =	vmul.f32 v29, v18;
	v16 =	vadd.f32 v16, v0;
	v22 =	vld [tilespmem:s18+$0x18700];
	s25 =	sor.u32 s22, s23  }
0xc8: {  	v15 =	vmul.f32 v15, v42;
	v14 =	vadd.f32 v53, v14;
	v29 =	vnsel vm5, $0x0, v31;
	v21 =	vld [tilespmem:s25+$0x1A700]  }
0xc9: {  	v28 =	vsub.f32 v28, v19;
	v55 =	vld [tilespmem:s25+$0x18880];
	v16 =	vadd.f32 v18, v16;
	v18 =	vshll.u32 v24, $0x10  }
0xca: {  	s9 =	sor.u32 s3, s22;
	v14 =	vadd.f32 v20, v14;
	v56 =	vld [tilespmem:s25+$0x1A900];
	v10 =	vadd.f32 v15, v10;
	v11 =	vmul.f32 v18, v11  }
0xcb: {  	v41 =	vld [tilespmem:s9+$0x18900];
	v0 =	vshll.u32 v12, $0x10;
	v12 =	vmul.f32 v12, v27;
	v16 =	vadd.f32 v17, v16  }
0xcc: {  	v61 =	vld [tilespmem:s25+$0x18F00];
	v31 =	vmul.f32 v0, v27;
	v0 =	vnsel vm4, $0x0, v23;
	vm4 =	vgt.s32 v30, $0x0  }
0xcd: {  	v15 =	vld.idx.msk [tilespmem:v25+s6+$0x0], $0xffff;
	v20 =	vshll.u32 v13, $0x10;
	v13 =	vmul.f32 v13, v36;
	vm5 =	vgt.s32 v22, $0x0  }
0xce: {  	v18 =	vld [tilespmem:s30+$0x1C700];
	v23 =	vmul.f32 v0, v28;
	v26 =	vnsel vm4, $0x0, v30;
	v20 =	vmul.f32 v20, v36  }
0xcf: {  	v62 =	vld [tilespmem:s25+$0x1AF00];
	v12 =	vadd.f32 v12, v14;
	vm4 =	vgt.s32 v30, $0xFFFFFFFF;
	v14 =	vnsel vm5, $0x0, v22  }
0xd0: {  	v25 =	vld [tilespmem:s18+$0x1A700];
	vm5 =	vmmov vm2;
	v11 =	vadd.f32 v11, v16;
	vm2 =	vgt.s32 v22, $0xFFFFFFFF  }
0xd1: {  	s19 =	simm.s32 $0x100;
	vm9 =	vgt.s32 v41, $0xFFFFFFFF;
	vm13 =	vgt.s32 v61, $0xFFFFFFFF;
	v10 =	vadd.f32 v31, v10;
	v31 =	vld [tilespmem:s25+$0x18780]  }
0xd2: {  	s0 =	sand.u32 $0xFFFFFC00, s19;
	v17 =	vshll.u32 v15, $0x10;
	v15 =	vmul.f32 v15, v19;
	v27 =	vsub.f32 v28, v23;
	v28 =	vld.idx.msk [tilespmem:v29+s6+$0x0], $0xffff  }
0xd3: {  	s20 =	sadd.s32 $0x20, s0;
	v17 =	vmul.f32 v17, v19;
	v12 =	vadd.f32 v13, v12;
	v6 =	vpsel p0, v18, v6;
	v18 =	vld [tilespmem:s25+$0x18A80]  }
0xd4: {  	s11 =	sor.u32 $0x80, s20;
	v19 =	vnsel vm4, $0x0, v54;
	v11 =	vadd.f32 v1, v11;
	v10 =	vadd.f32 v20, v10;
	v20 =	vld [tilespmem:s25+$0x18700]  }
0xd5: {  	v22 =	vnsel vm2, $0x0, v25;
	v29 =	vld [tilespmem:s11+$0x18700];
	v19 =	vmul.f32 v19, v27;
	v9 =	vadd.f32 v15, v12  }
0xd6: {  	v25 =	vshll.u32 v7, $0x10;
	v8 =	vadd.f32 v8, v11;
	v26 =	vld.idx.msk [tilespmem:v26+s6+$0x0], $0xffff;
	v10 =	vadd.f32 v17, v10  }
0xd7: {  	v12 =	vld [tilespmem:s9+$0x18700];
	v16 =	vsub.f32 v27, v19;
	vm2 =	vgt.s32 v31, $0xFFFFFFFF;
	v13 =	vshll.u32 v28, $0x10  }
0xd8: {  	vm8 =	vgt.s32 v31, $0x0;
	v17 =	vmul.f32 v28, v23;
	v13 =	vmul.f32 v13, v23;
	v23 =	vld [tilespmem:s25+$0x1A780]  }
0xd9: {  	v24 =	vld [tilespmem:s5+$0x1C700];
	v31 =	vnsel vm8, $0x0, v31;
	vm15 =	vgt.s32 v18, $0xFFFFFFFF;
	vm4 =	vgt.s32 v20, $0xFFFFFFFF  }
0xda: {  	v7 =	vnsel vm4, $0x0, v21;
	v21 =	vld [tilespmem:s25+$0x18800];
	v17 =	vadd.f32 v17, v9;
	vm4 =	vgt.s32 v29, $0x0  }
0xdb: {  	v27 =	vld [tilespmem:s25+$0x1A800];
	v1 =	vshll.u32 v26, $0x10;
	v10 =	vadd.f32 v13, v10;
	v13 =	vsub.f32 $1.000000000e+00, v7  }
0xdc: {  	v15 =	vld [tilespmem:s9+$0x1A700];
	v30 =	vnsel vm4, $0x0, v29;
	vm4 =	vgt.s32 v12, $0xFFFFFFFF;
	v28 =	vmul.f32 v1, v19  }
0xdd: {  	v11 =	vld [tilespmem:s25+$0x1A880];
	v1 =	vmul.f32 v22, v16;
	v19 =	vmul.f32 v26, v19;
	v22 =	vnsel vm2, $0x0, v23  }
0xde: {  	v50 =	vld.idx.msk [tilespmem:v31+s6+$0x0], $0xffff;
	v31 =	vnsel vm13, $0x0, v62;
	vm2 =	vgt.s32 v29, $0xFFFFFFFF;
	v9 =	vmul.f32 v22, v13  }
0xdf: {  	v16 =	vld [tilespmem:s11+$0x1A700];
	v22 =	vmul.f32 v25, v3;
	vm6 =	vgt.s32 v21, $0xFFFFFFFF;
	vm8 =	vgt.s32 v21, $0x0  }
0xe0: {  	v23 =	vld [tilespmem:s9+$0x18800];
	v25 =	vnsel vm6, $0x0, v27;
	vm6 =	vlt.s32 v12, $0x0;
	v3 =	vsub.f32 v13, v9  }
0xe1: {  	v0 =	vld [tilespmem:s12+$0x1C700];
	v27 =	vnsel vm4, $0x0, v15;
	vm4 =	vgt.s32 v55, $0xFFFFFFFF;
	v60 =	vnsel vm8, $0x0, v21  }
0xe2: {  	v26 =	vld [tilespmem:s9+$0x1A800];
	v13 =	vshll.u32 v2, $0x10;
	v2 =	vadd.f32 v28, v10;
	v28 =	vmul.f32 v25, v3  }
0xe3: {  	s26 =	sor.u32 $0x180, s20;
	vm8 =	vgt.s32 v55, $0x0;
	v11 =	vnsel vm4, $0x0, v11;
	v4 =	vmul.f32 v13, v4;
	v13 =	vld [tilespmem:s25+$0x18900]  }
0xe4: {  	v10 =	vld [tilespmem:s26+$0x18700];
	v8 =	vadd.f32 v22, v8;
	v16 =	vnsel vm2, $0x0, v16;
	v15 =	vsub.f32 v3, v28  }
0xe5: {  	s8 =	sor.u32 $0x280, s20;
	vm4 =	vgt.s32 v23, $0x0;
	v3 =	vadd.f32 v19, v17;
	v17 =	vsub.f32 $1.000000000e+00, v27;
	v19 =	vld [tilespmem:s26+$0x1A700]  }
0xe6: {  	v39 =	vld [tilespmem:s8+$0x18700];
	vm2 =	vgt.s32 v23, $0xFFFFFFFF;
	v33 =	vnsel vm4, $0x0, v23;
	v25 =	vmul.f32 v11, v15  }
0xe7: {  	v8 =	vadd.f32 v4, v8;
	v26 =	vnsel vm2, $0x0, v26;
	v29 =	vmul.f32 v16, v17;
	v11 =	vld [tilespmem:s25+$0x18980]  }
0xe8: {  	v22 =	vld [tilespmem:s25+$0x1A980];
	v4 =	vpsel p0, v24, v0;
	vm4 =	vgt.s32 v13, $0xFFFFFFFF;
	v16 =	vsub.f32 v15, v25  }
0xe9: {  	v58 =	vld [tilespmem:s8+$0x1A700];
	v17 =	vsub.f32 v17, v29;
	v15 =	vnsel vm4, $0x0, v56;
	vm4 =	vgt.s32 v10, $0xFFFFFFFF  }
0xea: {  	v23 =	vld [tilespmem:s9+$0x1A900];
	v19 =	vnsel vm4, $0x0, v19;
	vm4 =	vlt.s32 v20, $0x0;
	v15 =	vmul.f32 v15, v16  }
0xeb: {  	v24 =	vld [tilespmem:s25+$0x18A00];
	vm2 =	vgt.s32 v10, $0x0;
	v26 =	vmul.f32 v26, v17;
	v20 =	vsel vm4, $0x0, v20  }
0xec: {  	v36 =	vnsel vm2, $0x0, v10;
	vm7 =	vgt.s32 v11, $0xFFFFFFFF;
	v10 =	vsub.f32 v16, v15;
	v16 =	vld [tilespmem:s25+$0x1AA00]  }
0xed: {  	vm12 =	vgt.s32 v13, $0x0;
	v57 =	vsub.f32 v17, v26;
	v17 =	vnsel vm7, $0x0, v22;
	v22 =	vld [tilespmem:s25+$0x1AA80]  }
0xee: {  	v63 =	vld [tilespmem:s25+$0x19000];
	v12 =	vsel vm6, $0x0, v12;
	vm2 =	vmand vm0, vm6;
	v13 =	vnsel vm12, $0x0, v13  }
0xef: {  	v52 =	vld.idx.msk [tilespmem:v60+s6+$0x0], $0xffff;
	v23 =	vnsel vm9, $0x0, v23;
	v17 =	vmul.f32 v17, v10;
	v32 =	vmul.f32 v19, v57  }
0xf0: {  	vm7 =	vgt.s32 v24, $0xFFFFFFFF;
	v49 =	vld.idx.msk [tilespmem:v20+s6+$0x0], $0xffff;
	v20 =	vnsel vm8, $0x0, v55;
	vm8 =	vgt.s32 v39, $0xFFFFFFFF  }
0xf1: {  	v10 =	vsub.f32 v10, v17;
	v59 =	vsub.f32 v57, v32;
	v57 =	vmul.f32 v50, v9  }
0xf2: {  	v48 =	vld [tilespmem:s25+$0x1B080];
	v16 =	vnsel vm7, $0x0, v16;
	vm7 =	vgt.s32 v41, $0x0;
	v21 =	vnsel vm15, $0x0, v22  }
0xf3: {  	v45 =	vld.idx.msk [tilespmem:v13+s6+$0x0], $0xffff;
	v22 =	vnsel vm8, $0x0, v58;
	vm8 =	vgt.s32 v11, $0x0;
	v19 =	vmul.f32 v16, v10  }
0xf4: {  	v53 =	vld [tilespmem:s25+$0x19080];
	v58 =	vmul.f32 v52, v28;
	vm15 =	vgt.s32 v63, $0xFFFFFFFF;
	v35 =	vmul.f32 v23, v59  }
0xf5: {  	v16 =	vld [tilespmem:s25+$0x18F80];
	v11 =	vnsel vm8, $0x0, v11;
	vm8 =	vgt.s32 v24, $0x0;
	v10 =	vsub.f32 v10, v19  }
0xf6: {  	v23 =	vld [tilespmem:s25+$0x1AF80];
	v41 =	vnsel vm7, $0x0, v41;
	v24 =	vnsel vm8, $0x0, v24;
	vm8 =	vgt.s32 v18, $0x0  }
0xf7: {  	v54 =	vld [tilespmem:s25+$0x19100];
	v51 =	vsub.f32 v59, v35;
	v13 =	vnsel vm8, $0x0, v18;
	v21 =	vmul.f32 v21, v10  }
0xf8: {  	v55 =	vld [tilespmem:s25+$0x19180];
	v56 =	vmul.f32 v49, v7;
	v59 =	vmul.f32 v45, v15;
	v45 =	vshll.u32 v45, $0x10  }
0xf9: {  	v46 =	vld.idx.msk [tilespmem:v20+s6+$0x0], $0xffff;
	vm8 =	vgt.s32 v61, $0x0;
	v15 =	vmul.f32 v45, v15;
	v10 =	vsub.f32 v10, v21  }
0xfa: {  	v43 =	vmul.f32 v22, v51;
	vm14 =	vgt.s32 v16, $0xFFFFFFFF;
	v44 =	vld.idx.msk [tilespmem:v11+s6+$0x0], $0xffff;
	v11 =	vnsel vm8, $0x0, v61  }
0xfb: {  	vm8 =	vgt.s32 v16, $0x0;
	v18 =	vnsel vm14, $0x0, v23;
	v42 =	vld.idx.msk [tilespmem:v24+s6+$0x0], $0xffff;
	v20 =	vmul.f32 v31, v10  }
0xfc: {  	v23 =	vadd.f32 v57, v56;
	v24 =	vnsel vm8, $0x0, v16;
	v16 =	vsel vm5, v6, v8;
	v40 =	vld.idx.msk [tilespmem:v13+s6+$0x0], $0xffff  }
0xfd: {  	vm5 =	vgt.s32 v63, $0x0;
	vm8 =	vgt.s32 v53, $0x0;
	v31 =	vld [tilespmem:s25+$0x1B000];
	v10 =	vsub.f32 v10, v20  }
0xfe: {  	v51 =	vsub.f32 v51, v43;
	v6 =	vnsel vm5, $0x0, v63;
	v13 =	vld [tilespmem:s25+$0x19200];
	vm5 =	vgt.s32 v53, $0xFFFFFFFF  }
0xff: {  	v53 =	vnsel vm8, $0x0, v53;
	v38 =	vld.idx.msk [tilespmem:v11+s6+$0x0], $0xffff;
	v11 =	vnsel vm5, $0x0, v48;
	v22 =	vmul.f32 v18, v10  }
0x100: {  	vm5 =	vgt.s32 v54, $0x0;
	v18 =	vadd.f32 v58, v23;
	v23 =	vmul.f32 v46, v25  }
0x101: {  	vm8 =	vgt.s32 v54, $0xFFFFFFFF;
	v54 =	vnsel vm5, $0x0, v54;
	v10 =	vsub.f32 v10, v22  }
0x102: {  	v48 =	vld [tilespmem:s25+$0x19280];
	vm5 =	vgt.s32 v55, $0x0;
	v31 =	vnsel vm15, $0x0, v31;
	v18 =	vadd.f32 v23, v18  }
0x103: {  	v37 =	vld.idx.msk [tilespmem:v24+s6+$0x0], $0xffff;
	v24 =	vmul.f32 v40, v21;
	v57 =	vnsel vm5, $0x0, v55;
	v23 =	vmul.f32 v31, v10  }
0x104: {  	v56 =	vld [tilespmem:s9+$0x18A00];
	vm5 =	vgt.s32 v13, $0x0;
	v8 =	vadd.f32 v59, v18;
	v18 =	vmul.f32 v44, v17  }
0x105: {  	v47 =	vld [tilespmem:s25+$0x1B100];
	v46 =	vshll.u32 v46, $0x10;
	v40 =	vshll.u32 v40, $0x10;
	v10 =	vsub.f32 v10, v23  }
0x106: {  	v25 =	vmul.f32 v46, v25;
	v31 =	vmul.f32 v42, v19;
	v8 =	vadd.f32 v18, v8  }
0x107: {  	v34 =	vld.idx.msk [tilespmem:v6+s6+$0x0], $0xffff;
	v63 =	vnsel vm5, $0x0, v13;
	v60 =	vmul.f32 v38, v20;
	v18 =	vmul.f32 v11, v10  }
0x108: {  	vm5 =	vgt.s32 v48, $0x0;
	v61 =	vmul.f32 v37, v22;
	v11 =	vld [tilespmem:s25+$0x1B180];
	v8 =	vadd.f32 v31, v8  }
0x109: {  	s15 =	sor.u32 $0x380, s20;
	v59 =	vnsel vm5, $0x0, v48;
	vm5 =	vgt.s32 v56, $0xFFFFFFFF;
	v31 =	vld.idx.msk [tilespmem:v53+s6+$0x0], $0xffff;
	v6 =	vsub.f32 v10, v18  }
0x10a: {  	v44 =	vshll.u32 v44, $0x10;
	v53 =	vld [tilespmem:s15+$0x18700];
	v10 =	vnsel vm8, $0x0, v47;
	v24 =	vadd.f32 v24, v8  }
0x10b: {  	v62 =	vld [tilespmem:s25+$0x1B200];
	v42 =	vshll.u32 v42, $0x10;
	v37 =	vshll.u32 v37, $0x10;
	v8 =	vmul.f32 v10, v6  }
0x10c: {  	v58 =	vld [tilespmem:s9+$0x1AA00];
	v17 =	vmul.f32 v44, v17;
	v19 =	vmul.f32 v42, v19;
	v10 =	vadd.f32 v60, v24  }
0x10d: {  	vm8 =	vgt.s32 v55, $0xFFFFFFFF;
	v24 =	vld.idx.msk [tilespmem:v54+s6+$0x0], $0xffff;
	v60 =	vmul.f32 v34, v23;
	v6 =	vsub.f32 v6, v8  }
0x10e: {  	v11 =	vnsel vm8, $0x0, v11;
	vm8 =	vgt.s32 v13, $0xFFFFFFFF;
	v47 =	vadd.f32 v61, v10  }
0x10f: {  	v13 =	vld.idx.msk [tilespmem:v57+s6+$0x0], $0xffff;
	vm7 =	vgt.s32 v53, $0xFFFFFFFF;
	v61 =	vshll.u32 v50, $0x10;
	v10 =	vmul.f32 v11, v6  }
0x110: {  	v50 =	vld [tilespmem:s25+$0x1B280];
	v11 =	vshll.u32 v49, $0x10;
	v47 =	vadd.f32 v60, v47;
	v49 =	vmul.f32 v61, v9  }
0x111: {  	v9 =	vnsel vm8, $0x0, v62;
	v54 =	vmul.f32 v11, v7;
	v7 =	vmul.f32 v31, v18  }
0x112: {  	v11 =	vld.idx.msk [tilespmem:v63+s6+$0x0], $0xffff;
	v62 =	vmul.f32 v24, v8;
	v63 =	vnsel vm5, $0x0, v58;
	vm5 =	vgt.s32 v48, $0xFFFFFFFF  }
0x113: {  	v31 =	vshll.u32 v31, $0x10;
	v24 =	vshll.u32 v24, $0x10;
	v6 =	vsub.f32 v6, v10  }
0x114: {  	v60 =	vld [tilespmem:s15+$0x1A700];
	v61 =	vmul.f32 v13, v10;
	v57 =	vmul.f32 v63, v51;
	v63 =	vshll.u32 v52, $0x10  }
0x115: {  	s17 =	sor.u32 $0x880, s20;
	v55 =	vld [tilespmem:s9+$0x18F00];
	v47 =	vadd.f32 v7, v47;
	v50 =	vnsel vm5, $0x0, v50;
	vm5 =	vgt.s32 v39, $0x0  }
0x116: {  	v58 =	vld [tilespmem:s17+$0x18700];
	v49 =	vadd.f32 v49, v54;
	v28 =	vmul.f32 v63, v28;
	v9 =	vmul.f32 v9, v6  }
0x117: {  	v7 =	vld.idx.msk [tilespmem:v59+s6+$0x0], $0xffff;
	v51 =	vsub.f32 v51, v57;
	v39 =	vnsel vm5, $0x0, v39;
	vm5 =	vmmov vm3  }
0x118: {  	vm3 =	vmmov vm6;
	v47 =	vadd.f32 v62, v47;
	v62 =	vld.idx.msk [tilespmem:v12+s6+$0x0], $0xffff;
	v28 =	vadd.f32 v28, v49  }
0x119: {  	v63 =	vld [tilespmem:s17+$0x1A700];
	vm6 =	vgt.s32 v56, $0x0;
	v48 =	vnsel vm7, $0x0, v60;
	v6 =	vsub.f32 v6, v9  }
0x11a: {  	v30 =	vld.idx.msk [tilespmem:v30+s6+$0x0], $0xffff;
	vm7 =	vgt.s32 v55, $0xFFFFFFFF;
	v56 =	vnsel vm6, $0x0, v56;
	v25 =	vadd.f32 v25, v28  }
0x11b: {  	v33 =	vld.idx.msk [tilespmem:v33+s6+$0x0], $0xffff;
	v47 =	vadd.f32 v61, v47;
	v12 =	vmul.f32 v50, v6;
	v6 =	vmul.f32 v11, v9  }
0x11c: {  	v48 =	vmul.f32 v48, v51;
	vm6 =	vgt.s32 v58, $0xFFFFFFFF;
	v15 =	vadd.f32 v15, v25  }
0x11d: {  	v54 =	vld [tilespmem:s9+$0x1AF00];
	v47 =	vadd.f32 v6, v47;
	v59 =	vmul.f32 v7, v12;
	v60 =	vshll.u32 v62, $0x10  }
0x11e: {  	s16 =	simm.s32 $0x0;
	v36 =	vld.idx.msk [tilespmem:v36+s6+$0x0], $0xffff;
	v61 =	vmul.f32 v62, v27;
	v62 =	vsub.f32 v51, v48;
	v51 =	vnsel vm6, $0x0, v63  }
0x11f: {  	s26 =	sor.u32 s16, s23;
	v39 =	vld.idx.msk [tilespmem:v39+s6+$0x0], $0xffff;
	vm6 =	vgt.s32 v53, $0x0;
	v50 =	vmul.f32 v60, v27;
	v27 =	vshll.u32 v30, $0x10  }
0x120: {  	v6 =	vld [tilespmem:s26+$0x1C780];
	v30 =	vmul.f32 v30, v29;
	v60 =	vshll.u32 v33, $0x10;
	v52 =	vnsel vm6, $0x0, v53  }
0x121: {  	v46 =	vld [tilespmem:s9+$0x19000];
	vm6 =	vgt.s32 v55, $0x0;
	v47 =	vadd.f32 v59, v47;
	v29 =	vmul.f32 v27, v29  }
0x122: {  	v41 =	vld.idx.msk [tilespmem:v41+s6+$0x0], $0xffff;
	v27 =	vnsel vm7, $0x0, v54;
	vm7 =	vmand vm0, vm4;
	v49 =	vmul.f32 v60, v26  }
0x123: {  	v26 =	vmul.f32 v33, v26;
	v54 =	vmul.f32 v27, v62;
	v30 =	vadd.f32 v30, v61  }
0x124: {  	v56 =	vld.idx.msk [tilespmem:v56+s6+$0x0], $0xffff;
	v29 =	vadd.f32 v29, v50;
	v60 =	vshll.u32 v39, $0x10;
	v39 =	vmul.f32 v39, v43  }
0x125: {  	s18 =	sor.u32 $0x980, s20;
	v61 =	vld [tilespmem:s9+$0x1B000];
	v27 =	vsel vm7, v6, v47;
	v59 =	vsub.f32 v62, v54;
	v62 =	vshll.u32 v36, $0x10  }
0x126: {  	v28 =	vld [tilespmem:s18+$0x18700];
	v36 =	vmul.f32 v36, v32;
	v26 =	vadd.f32 v26, v30;
	vm7 =	vgt.s32 v46, $0xFFFFFFFF  }
0x127: {  	v30 =	vshll.u32 v41, $0x10;
	v45 =	vmul.f32 v60, v43;
	v32 =	vmul.f32 v62, v32  }
0x128: {  	v29 =	vadd.f32 v49, v29;
	v30 =	vmul.f32 v30, v35;
	v35 =	vmul.f32 v41, v35  }
0x129: {  	[tilespmem:s26+$0x1CB80] =	vst v27;
	v27 =	vmul.f32 v31, v18;
	v51 =	vmul.f32 v51, v59;
	v26 =	vadd.f32 v36, v26  }
0x12a: {  	v25 =	vld.idx.msk [tilespmem:v52+s6+$0x0], $0xffff;
	v36 =	vmul.f32 v56, v57;
	v29 =	vadd.f32 v32, v29;
	v53 =	vnsel vm7, $0x0, v61  }
0x12b: {  	v61 =	vnsel vm6, $0x0, v55;
	vm6 =	vgt.s32 v58, $0x0;
	vm7 =	vgt.s32 v28, $0xFFFFFFFF  }
0x12c: {  	v63 =	vsub.f32 v59, v51;
	v26 =	vadd.f32 v35, v26;
	v62 =	vnsel vm6, $0x0, v58  }
0x12d: {  	v59 =	vld [tilespmem:s18+$0x1A700];
	vm6 =	vgt.s32 v46, $0x0;
	v29 =	vadd.f32 v30, v29;
	v30 =	vshll.u32 v56, $0x10  }
0x12e: {  	v52 =	vnsel vm6, $0x0, v46;
	vm6 =	vgt.s32 v28, $0x0;
	v32 =	vmul.f32 v53, v63  }
0x12f: {  	v30 =	vmul.f32 v30, v57;
	v26 =	vadd.f32 v39, v26;
	v50 =	vshll.u32 v25, $0x10  }
0x130: {  	v28 =	vnsel vm6, $0x0, v28;
	v29 =	vadd.f32 v45, v29;
	v33 =	vsub.f32 v63, v32;
	v63 =	vld [tilespmem:s9+$0x19100]  }
0x131: {  	v15 =	vadd.f32 v17, v15;
	v25 =	vmul.f32 v25, v48;
	v39 =	vmul.f32 v50, v48;
	v49 =	vld.idx.msk [tilespmem:v61+s6+$0x0], $0xffff  }
0x132: {  	s19 =	sor.u32 $0xA80, s20;
	v17 =	vld [tilespmem:s9+$0x1B100];
	v26 =	vadd.f32 v36, v26;
	v41 =	vnsel vm7, $0x0, v59;
	v29 =	vadd.f32 v30, v29  }
0x133: {  	v15 =	vadd.f32 v19, v15;
	v55 =	vld [tilespmem:s19+$0x18700];
	v30 =	vmul.f32 v40, v21;
	v41 =	vmul.f32 v41, v33  }
0x134: {  	v53 =	vshll.u32 v38, $0x10;
	v35 =	vld.idx.msk [tilespmem:v62+s6+$0x0], $0xffff;
	v25 =	vadd.f32 v25, v26;
	v29 =	vadd.f32 v39, v29  }
0x135: {  	v15 =	vadd.f32 v30, v15;
	v59 =	vld.idx.msk [tilespmem:v28+s6+$0x0], $0xffff;
	v28 =	vshll.u32 v34, $0x10;
	v33 =	vsub.f32 v33, v41  }
0x136: {  	v62 =	vmul.f32 v28, v23;
	vm7 =	vgt.s32 v63, $0xFFFFFFFF;
	v19 =	vshll.u32 v49, $0x10  }
0x137: {  	v19 =	vmul.f32 v19, v54;
	v54 =	vmul.f32 v49, v54;
	v17 =	vnsel vm7, $0x0, v17  }
0x138: {  	vm6 =	vgt.s32 v63, $0x0;
	v21 =	vmul.f32 v17, v33;
	v17 =	vmul.f32 v53, v20;
	v20 =	vld.idx.msk [tilespmem:v52+s6+$0x0], $0xffff  }
0x139: {  	v58 =	vld [tilespmem:s9+$0x19200];
	v26 =	vshll.u32 v35, $0x10;
	v56 =	vnsel vm6, $0x0, v63;
	v35 =	vmul.f32 v35, v51  }
0x13a: {  	v30 =	vld [tilespmem:s19+$0x1A700];
	vm6 =	vgt.s32 v55, $0xFFFFFFFF;
	vm7 =	vgt.s32 v55, $0x0;
	v57 =	vmul.f32 v26, v51  }
0x13b: {  	s20 =	sor.u32 $0xB80, s20;
	v18 =	vld [tilespmem:s26+$0x1C700];
	v60 =	vnsel vm7, $0x0, v55;
	v19 =	vadd.f32 v19, v29;
	v25 =	vadd.f32 v54, v25  }
0x13c: {  	v29 =	vmul.f32 v37, v22;
	v33 =	vsub.f32 v33, v21;
	v15 =	vadd.f32 v17, v15;
	v17 =	vld [tilespmem:s20+$0x18700]  }
0x13d: {  	v26 =	vld [tilespmem:s9+$0x1B200];
	v39 =	vadd.f32 v57, v19;
	v35 =	vadd.f32 v35, v25;
	v22 =	vshll.u32 v20, $0x10  }
0x13e: {  	s22 =	sor.u32 s16, s4;
	v28 =	vld.idx.msk [tilespmem:v56+s6+$0x0], $0xffff;
	v63 =	vadd.f32 v29, v15;
	v15 =	vshll.u32 v59, $0x10;
	v61 =	vmul.f32 v22, v32  }
0x13f: {  	s1 =	sor.u32 $0x80, s22;
	v19 =	vld.idx.msk [tilespmem:v14+s6+$0x0], $0xffff;
	v32 =	vmul.f32 v20, v32;
	v20 =	vnsel vm6, $0x0, v30;
	vm6 =	vgt.s32 v58, $0x0  }
0x140: {  	s3 =	sor.u32 s3, s16;
	s23 =	sand.u32 $0x18, s14;
	v14 =	vld [tilespmem:s1+$0x1C700];
	v25 =	vmul.f32 v59, v41;
	v29 =	vmul.f32 v15, v41;
	v30 =	vnsel vm6, $0x0, v58  }
0x141: {  	[tilespmem:s30+$0x1CB80] =	vst v5;
	s0 =	sor.u32 s10, s23;
	v15 =	vld [tilespmem:s3+$0x1C700];
	v34 =	vadd.f32 v62, v63;
	v20 =	vmul.f32 v20, v33;
	vm7 =	vgt.s32 v17, $0x0  }
0x142: {  	s31 =	simm.s32 $0x2;
	s28 =	sshll.u32 s0, $0x9;
	[tilespmem:s30+$0x1CB00] =	vst v16;
	s25 =	sshll.u32 s14, $0x7;
	v16 =	vld.idx.msk [tilespmem:v60+s6+$0x0], $0xffff;
	vm6 =	vgt.s32 v58, $0xFFFFFFFF;
	v32 =	vadd.f32 v32, v35;
	v5 =	vnsel vm7, $0x0, v17  }
0x143: {  	s30 =	simm.s32 $0x4;
	s29 =	sand.u32 $0x380, s25;
	s15 =	sshll.u32 s14, $0x1;
	v22 =	vld [tilespmem:s20+$0x1A700];
	v23 =	vsub.f32 v33, v20;
	v33 =	vadd.f32 v61, v39;
	v35 =	vshll.u32 v28, $0x10  }
.LBB2_3:
0x144: {  	v31 =	vmul.f32 v35, v21;
	v21 =	vmul.f32 v28, v21;
	v26 =	vnsel vm6, $0x0, v26  }
0x145: {  	s0 =	sshll.u32 s30, $0x7;
	v28 =	vld.idx.msk [tilespmem:v30+s6+$0x0], $0xffff;
	vm7 =	vmmov vm1;
	vm1 =	vmmov vm2;
	vm6 =	vmmov vm4  }
0x146: {  	s31 =	sadd.s32 $0x2, s31;
	v29 =	vadd.f32 v29, v33;
	v24 =	vmul.f32 v24, v8;
	s4 =	sadd.s32 $0x20, s4;
	s0 =	sand.u32 $0xFFFFFC00, s0;
	v26 =	vmul.f32 v26, v23  }
0x147: {  	v25 =	vadd.f32 v25, v32;
	v27 =	vadd.f32 v27, v34;
	s16 =	sshrl.u32 s31, $0x3;
	s17 =	sand.u32 $0x60, s4;
	v8 =	vshll.u32 v16, $0x10;
	s25 =	sadd.s32 s0, s4  }
0x148: {  	s0 =	sshll.u32 s16, $0xA;
	s11 =	sor.u32 $0x10, s17;
	v30 =	vmul.f32 v8, v20;
	v8 =	vshll.u32 v13, $0x10;
	s8 =	sor.u32 $0x80, s25;
	v23 =	vsub.f32 v23, v26  }
0x149: {  	v16 =	vmul.f32 v16, v20;
	v29 =	vadd.f32 v31, v29;
	s22 =	sor.u32 s17, s0;
	s19 =	sor.u32 $0x180, s25;
	s2 =	sor.u32 s0, s11;
	v20 =	vmul.f32 v8, v10;
	v13 =	vld [tilespmem:s8+$0x18700]  }
0x14a: {  	vm2 =	vgt.s32 v17, $0xFFFFFFFF;
	v21 =	vadd.f32 v21, v25;
	v17 =	vadd.f32 v24, v27;
	s18 =	sor.u32 $0x280, s25;
	s0 =	sor.u32 $0x380, s25;
	s23 =	sor.u32 $0x880, s25;
	v8 =	vld [tilespmem:s2+$0x18700]  }
0x14b: {  	v11 =	vshll.u32 v11, $0x10;
	v22 =	vnsel vm2, $0x0, v22;
	s20 =	sor.u32 $0x980, s25;
	s9 =	sor.u32 $0xA80, s25;
	s25 =	sor.u32 $0xB80, s25;
	v25 =	vshll.u32 v28, $0x10;
	v24 =	vld [tilespmem:s2+$0x1A700]  }
0x14c: {  	p2 =	slt.u32 s31, $0xE;
	v27 =	vadd.f32 v30, v29;
	v22 =	vmul.f32 v22, v23;
	v25 =	vmul.f32 v25, v26;
	v10 =	vld [tilespmem:s2+$0x18780]  }
0x14d: {  	v11 =	vmul.f32 v11, v9;
	v21 =	vadd.f32 v16, v21;
	v26 =	vmul.f32 v28, v26;
	v23 =	vld [tilespmem:s2+$0x1A780]  }
0x14e: {  	v20 =	vadd.f32 v20, v17;
	v28 =	vld [tilespmem:s22+$0x18700];
	vm2 =	vgt.s32 v13, $0xFFFFFFFF;
	vm4 =	vgt.s32 v13, $0x0  }
0x14f: {  	v29 =	vshll.u32 v19, $0x10;
	v16 =	vld [tilespmem:s22+$0x1A700];
	v17 =	vnsel vm4, $0x0, v13;
	vm4 =	vgt.s32 v8, $0xFFFFFFFF  }
0x150: {  	v7 =	vshll.u32 v7, $0x10;
	v9 =	vnsel vm4, $0x0, v24;
	v13 =	vld [tilespmem:s2+$0x18800];
	v24 =	vmul.f32 v29, v1  }
0x151: {  	v19 =	vmul.f32 v19, v1;
	v1 =	vmovc v22;
	v29 =	vsub.f32 $1.000000000e+00, v9;
	vm4 =	vgt.s32 v10, $0xFFFFFFFF;
	v30 =	vld [tilespmem:s2+$0x1A800]  }
0x152: {  	v25 =	vadd.f32 v25, v27;
	v27 =	vmul.f32 v7, v12;
	v22 =	vld [tilespmem:s8+$0x1A700];
	v23 =	vnsel vm4, $0x0, v23  }
0x153: {  	vm4 =	vgt.s32 v28, $0xFFFFFFFF;
	vm8 =	vlt.s32 v28, $0x0;
	v31 =	vld [tilespmem:s22+$0x18800];
	v7 =	vmul.f32 v23, v29  }
0x154: {  	v21 =	vadd.f32 v26, v21;
	v16 =	vnsel vm4, $0x0, v16;
	v12 =	vsel vm8, $0x0, v28;
	v23 =	vld [tilespmem:s2+$0x18880]  }
0x155: {  	v26 =	vsub.f32 $1.000000000e+00, v16;
	v28 =	vsub.f32 v29, v7;
	vm4 =	vgt.s32 v13, $0xFFFFFFFF;
	v32 =	vld [tilespmem:s2+$0x1A880]  }
0x156: {  	v11 =	vadd.f32 v11, v20;
	v20 =	vadd.f32 v24, v2;
	v2 =	vmovc v25;
	v33 =	vld [tilespmem:s22+$0x1A800];
	v29 =	vnsel vm4, $0x0, v30  }
0x157: {  	v25 =	vadd.f32 v19, v3;
	v3 =	vmovc v21;
	v22 =	vnsel vm2, $0x0, v22;
	v24 =	vld [tilespmem:s19+$0x18700];
	v30 =	vmul.f32 v29, v28  }
0x158: {  	v19 =	vmul.f32 v22, v26;
	vm2 =	vgt.s32 v31, $0xFFFFFFFF;
	vm4 =	vgt.s32 v31, $0x0;
	v34 =	vld [tilespmem:s2+$0x18900]  }
0x159: {  	v29 =	vnsel vm4, $0x0, v31;
	v21 =	vsub.f32 v28, v30;
	vm4 =	vgt.s32 v23, $0xFFFFFFFF;
	v28 =	vld [tilespmem:s2+$0x1A900]  }
0x15a: {  	v27 =	vadd.f32 v27, v11;
	v31 =	vsub.f32 v26, v19;
	v35 =	vld [tilespmem:s19+$0x1A700];
	v22 =	vnsel vm4, $0x0, v32  }
0x15b: {  	v36 =	vpsel p0, v15, v14;
	v11 =	vnsel vm2, $0x0, v33;
	v33 =	vld [tilespmem:s22+$0x18900];
	v26 =	vmul.f32 v22, v21  }
0x15c: {  	v22 =	vmul.f32 v11, v31;
	vm4 =	vgt.s32 v24, $0xFFFFFFFF;
	vm2 =	vgt.s32 v24, $0x0;
	v37 =	vld [tilespmem:s2+$0x18980]  }
0x15d: {  	v32 =	vnsel vm2, $0x0, v24;
	v11 =	vsub.f32 v21, v26;
	vm9 =	vgt.s32 v34, $0xFFFFFFFF;
	v21 =	vld [tilespmem:s2+$0x1A980]  }
0x15e: {  	vm2 =	vmand vm0, vm8;
	v24 =	vsub.f32 v31, v22;
	v31 =	vld [tilespmem:s22+$0x1A900];
	v15 =	vnsel vm9, $0x0, v28  }
0x15f: {  	v39 =	vpsel p0, v18, v6;
	v28 =	vnsel vm4, $0x0, v35;
	v15 =	vmul.f32 v15, v11;
	v38 =	vld [tilespmem:s2+$0x18A00]  }
0x160: {  	v28 =	vmul.f32 v28, v24;
	vm4 =	vgt.s32 v33, $0xFFFFFFFF;
	vm9 =	vgt.s32 v33, $0x0;
	v6 =	vld [tilespmem:s18+$0x18700]  }
0x161: {  	v35 =	vnsel vm9, $0x0, v33;
	v33 =	vsub.f32 v11, v15;
	vm9 =	vgt.s32 v37, $0xFFFFFFFF;
	v40 =	vld [tilespmem:s2+$0x1AA00]  }
0x162: {  	v20 =	vsel vm5, v4, v20;
	v4 =	vmovc v36;
	v24 =	vsub.f32 v24, v28;
	v41 =	vld [tilespmem:s18+$0x1A700];
	v11 =	vnsel vm9, $0x0, v21  }
0x163: {  	v25 =	vsel vm7, v0, v25;
	v0 =	vmovc v14;
	v21 =	vnsel vm4, $0x0, v31;
	v18 =	vmul.f32 v11, v33;
	v11 =	vld [tilespmem:s2+$0x1B100];
	[tilespmem:s5+$0x1CB00] =	vst v20;
	s5 =	smov.u32 s3  }
0x164: {  	vm4 =	vlt.s32 v8, $0x0;
	v14 =	vmul.f32 v21, v24;
	vm5 =	vgt.s32 v38, $0xFFFFFFFF;
	v31 =	vld [tilespmem:s2+$0x18A80];
	[tilespmem:s12+$0x1CB00] =	vst v25;
	s12 =	smov.u32 s1  }
0x165: {  	vm7 =	vgt.s32 v10, $0x0;
	v8 =	vsel vm4, $0x0, v8;
	v21 =	vsub.f32 v33, v18;
	v25 =	vld [tilespmem:s2+$0x1AA80]  }
0x166: {  	v10 =	vnsel vm7, $0x0, v10;
	v24 =	vsub.f32 v24, v14;
	v20 =	vnsel vm5, $0x0, v40;
	v36 =	vld [tilespmem:s2+$0x1B080]  }
0x167: {  	vm7 =	vgt.s32 v13, $0x0;
	vm5 =	vgt.s32 v6, $0xFFFFFFFF;
	v20 =	vmul.f32 v20, v21;
	v46 =	vld [tilespmem:s2+$0x18F80]  }
0x168: {  	v13 =	vnsel vm7, $0x0, v13;
	v33 =	vnsel vm5, $0x0, v41;
	vm5 =	vgt.s32 v6, $0x0;
	v40 =	vld [tilespmem:s2+$0x18F00]  }
0x169: {  	vm7 =	vgt.s32 v23, $0x0;
	v41 =	vsub.f32 v21, v20;
	vm9 =	vgt.s32 v31, $0xFFFFFFFF;
	v43 =	vld [tilespmem:s2+$0x1AF00]  }
0x16a: {  	v33 =	vmul.f32 v33, v24;
	v47 =	vld.idx.msk [tilespmem:v8+s6+$0x0], $0xffff;
	v8 =	vnsel vm7, $0x0, v23;
	v21 =	vnsel vm9, $0x0, v25  }
0x16b: {  	v42 =	vnsel vm5, $0x0, v6;
	vm5 =	vgt.s32 v34, $0x0;
	v48 =	vld.idx.msk [tilespmem:v10+s6+$0x0], $0xffff;
	v21 =	vmul.f32 v21, v41  }
0x16c: {  	v6 =	vsub.f32 v24, v33;
	v23 =	vsel vm6, v39, v27;
	v10 =	vnsel vm5, $0x0, v34;
	v24 =	vld [tilespmem:s2+$0x1AF80]  }
0x16d: {  	vm5 =	vgt.s32 v37, $0x0;
	v45 =	vld.idx.msk [tilespmem:v13+s6+$0x0], $0xffff;
	v13 =	vsub.f32 v41, v21;
	vm6 =	vgt.s32 v40, $0xFFFFFFFF;
	[tilespmem:s26+$0x1CB00] =	vst v23  }
0x16e: {  	v25 =	vnsel vm5, $0x0, v37;
	vm5 =	vmmov vm3;
	v23 =	vnsel vm6, $0x0, v43;
	v27 =	vld [tilespmem:s2+$0x19000]  }
0x16f: {  	vm3 =	vmmov vm8;
	vm6 =	vgt.s32 v38, $0x0;
	v44 =	vld.idx.msk [tilespmem:v8+s6+$0x0], $0xffff;
	v23 =	vmul.f32 v23, v13  }
0x170: {  	vm7 =	vgt.s32 v46, $0xFFFFFFFF;
	v8 =	vnsel vm6, $0x0, v38;
	vm6 =	vgt.s32 v31, $0x0;
	v34 =	vld [tilespmem:s2+$0x1B000]  }
0x171: {  	v37 =	vmul.f32 v47, v9;
	v38 =	vmul.f32 v48, v7;
	v43 =	vld.idx.msk [tilespmem:v10+s6+$0x0], $0xffff;
	v10 =	vsub.f32 v13, v23  }
0x172: {  	v13 =	vnsel vm6, $0x0, v31;
	vm6 =	vgt.s32 v40, $0x0;
	v24 =	vnsel vm7, $0x0, v24;
	v31 =	vld [tilespmem:s2+$0x19080]  }
0x173: {  	v37 =	vadd.f32 v38, v37;
	v38 =	vmul.f32 v45, v30;
	v41 =	vld.idx.msk [tilespmem:v25+s6+$0x0], $0xffff;
	v24 =	vmul.f32 v24, v10  }
0x174: {  	v49 =	vnsel vm6, $0x0, v40;
	vm6 =	vgt.s32 v46, $0x0;
	vm7 =	vgt.s32 v27, $0xFFFFFFFF;
	v50 =	vld [tilespmem:s2+$0x19100]  }
0x175: {  	v25 =	vadd.f32 v38, v37;
	v37 =	vmul.f32 v44, v26;
	v40 =	vld.idx.msk [tilespmem:v8+s6+$0x0], $0xffff;
	v8 =	vsub.f32 v10, v24  }
0x176: {  	v10 =	vnsel vm6, $0x0, v46;
	v34 =	vnsel vm7, $0x0, v34;
	vm6 =	vgt.s32 v27, $0x0;
	v46 =	vld [tilespmem:s2+$0x19180]  }
0x177: {  	v37 =	vadd.f32 v37, v25;
	v38 =	vmul.f32 v43, v15;
	v39 =	vld.idx.msk [tilespmem:v13+s6+$0x0], $0xffff;
	v25 =	vmul.f32 v34, v8  }
0x178: {  	v13 =	vnsel vm6, $0x0, v27;
	vm6 =	vgt.s32 v31, $0xFFFFFFFF;
	vm7 =	vgt.s32 v31, $0x0;
	v51 =	vld [tilespmem:s2+$0x19200]  }
0x179: {  	v27 =	vadd.f32 v38, v37;
	v34 =	vmul.f32 v41, v18;
	v38 =	vld.idx.msk [tilespmem:v49+s6+$0x0], $0xffff;
	v8 =	vsub.f32 v8, v25  }
0x17a: {  	v36 =	vnsel vm6, $0x0, v36;
	v31 =	vnsel vm7, $0x0, v31;
	vm6 =	vgt.s32 v50, $0x0;
	v49 =	vld [tilespmem:s2+$0x19280]  }
0x17b: {  	v34 =	vadd.f32 v34, v27;
	v52 =	vmul.f32 v40, v20;
	v37 =	vld.idx.msk [tilespmem:v10+s6+$0x0], $0xffff;
	v27 =	vmul.f32 v36, v8  }
0x17c: {  	vm7 =	vgt.s32 v50, $0xFFFFFFFF;
	v10 =	vnsel vm6, $0x0, v50;
	vm6 =	vgt.s32 v46, $0x0;
	v50 =	vld [tilespmem:s2+$0x1B180]  }
0x17d: {  	v34 =	vadd.f32 v52, v34;
	v52 =	vmul.f32 v39, v21;
	v36 =	vld.idx.msk [tilespmem:v13+s6+$0x0], $0xffff;
	v13 =	vsub.f32 v8, v27  }
0x17e: {  	v8 =	vnsel vm7, $0x0, v11;
	v11 =	vnsel vm6, $0x0, v46;
	vm6 =	vgt.s32 v51, $0x0;
	v53 =	vld [tilespmem:s22+$0x18A00]  }
0x17f: {  	v52 =	vadd.f32 v52, v34;
	v54 =	vmul.f32 v38, v23;
	v34 =	vld.idx.msk [tilespmem:v31+s6+$0x0], $0xffff;
	v8 =	vmul.f32 v8, v13  }
0x180: {  	vm7 =	vgt.s32 v46, $0xFFFFFFFF;
	v55 =	vnsel vm6, $0x0, v51;
	vm6 =	vgt.s32 v49, $0x0;
	v46 =	vld [tilespmem:s2+$0x1B200]  }
0x181: {  	v52 =	vadd.f32 v54, v52;
	v54 =	vmul.f32 v37, v24;
	v56 =	vsub.f32 v13, v8;
	v31 =	vld.idx.msk [tilespmem:v10+s6+$0x0], $0xffff  }
0x182: {  	v47 =	vshll.u32 v47, $0x10;
	v10 =	vnsel vm7, $0x0, v50;
	v50 =	vnsel vm6, $0x0, v49;
	v57 =	vld [tilespmem:s22+$0x1AA00]  }
0x183: {  	v52 =	vadd.f32 v54, v52;
	v54 =	vmul.f32 v36, v25;
	v10 =	vmul.f32 v10, v56;
	v13 =	vld.idx.msk [tilespmem:v11+s6+$0x0], $0xffff  }
0x184: {  	v48 =	vshll.u32 v48, $0x10;
	vm7 =	vgt.s32 v51, $0xFFFFFFFF;
	vm6 =	vgt.s32 v53, $0xFFFFFFFF;
	v51 =	vld [tilespmem:s2+$0x1B280]  }
0x185: {  	v52 =	vadd.f32 v54, v52;
	v54 =	vmul.f32 v34, v27;
	v56 =	vsub.f32 v56, v10;
	v11 =	vld.idx.msk [tilespmem:v55+s6+$0x0], $0xffff  }
0x186: {  	v47 =	vmul.f32 v47, v9;
	v48 =	vmul.f32 v48, v7;
	v7 =	vnsel vm7, $0x0, v46;
	v55 =	vld [tilespmem:s0+$0x18700]  }
0x187: {  	v46 =	vadd.f32 v54, v52;
	v52 =	vmul.f32 v31, v8;
	v9 =	vmul.f32 v7, v56;
	v7 =	vld.idx.msk [tilespmem:v50+s6+$0x0], $0xffff  }
0x188: {  	v50 =	vnsel vm6, $0x0, v57;
	v57 =	vshll.u32 v45, $0x10;
	vm6 =	vgt.s32 v49, $0xFFFFFFFF;
	v54 =	vld [tilespmem:s0+$0x1A700]  }
0x189: {  	v46 =	vadd.f32 v52, v46;
	v52 =	vmul.f32 v13, v10;
	v49 =	vld [tilespmem:s22+$0x18F00];
	v56 =	vsub.f32 v56, v9  }
0x18a: {  	v47 =	vadd.f32 v48, v47;
	v45 =	vmul.f32 v50, v6;
	s0 =	sshll.u32 s16, $0x8;
	v48 =	vnsel vm6, $0x0, v51;
	v50 =	vld [tilespmem:s22+$0x1AF00]  }
0x18b: {  	s3 =	sor.u32 s17, s0;
	s1 =	sor.u32 s0, s4;
	s26 =	sor.u32 s0, s11;
	v46 =	vadd.f32 v52, v46;
	v52 =	vmul.f32 v11, v9;
	v51 =	vld.idx.msk [tilespmem:v12+s6+$0x0], $0xffff;
	v12 =	vmul.f32 v48, v56  }
0x18c: {  	v30 =	vmul.f32 v57, v30;
	s1 =	sor.u32 $0x80, s1;
	v48 =	vsub.f32 v6, v45;
	vm6 =	vgt.s32 v55, $0xFFFFFFFF;
	v6 =	vld [tilespmem:s26+$0x1C780]  }
0x18d: {  	v46 =	vadd.f32 v52, v46;
	v17 =	vld.idx.msk [tilespmem:v17+s6+$0x0], $0xffff;
	v54 =	vnsel vm6, $0x0, v54;
	v52 =	vmul.f32 v7, v12  }
0x18e: {  	vm6 =	vgt.s32 v53, $0x0;
	v54 =	vmul.f32 v54, v48;
	vm7 =	vgt.s32 v49, $0xFFFFFFFF;
	v56 =	vld [tilespmem:s23+$0x18700]  }
0x18f: {  	v44 =	vshll.u32 v44, $0x10;
	v29 =	vld.idx.msk [tilespmem:v29+s6+$0x0], $0xffff;
	v50 =	vnsel vm7, $0x0, v50;
	v46 =	vadd.f32 v52, v46  }
0x190: {  	v52 =	vnsel vm6, $0x0, v53;
	vm6 =	vmand vm0, vm4;
	v48 =	vsub.f32 v48, v54;
	v53 =	vld [tilespmem:s23+$0x1A700]  }
0x191: {  	v57 =	vshll.u32 v51, $0x10;
	v51 =	vmul.f32 v51, v16;
	v32 =	vld.idx.msk [tilespmem:v32+s6+$0x0], $0xffff;
	v46 =	vsel vm6, v6, v46  }
0x192: {  	v30 =	vadd.f32 v30, v47;
	v16 =	vmul.f32 v57, v16;
	v50 =	vmul.f32 v50, v48;
	v57 =	vld [tilespmem:s22+$0x19000];
	[tilespmem:s26+$0x1CB80] =	vst v46  }
0x193: {  	v46 =	vshll.u32 v17, $0x10;
	v17 =	vmul.f32 v17, v19;
	v35 =	vld.idx.msk [tilespmem:v35+s6+$0x0], $0xffff;
	vm6 =	vgt.s32 v56, $0xFFFFFFFF  }
0x194: {  	v26 =	vmul.f32 v44, v26;
	v19 =	vmul.f32 v46, v19;
	v46 =	vsub.f32 v48, v50;
	v47 =	vld [tilespmem:s22+$0x1B000]  }
0x195: {  	v17 =	vadd.f32 v17, v51;
	v44 =	vshll.u32 v29, $0x10;
	v42 =	vld.idx.msk [tilespmem:v42+s6+$0x0], $0xffff;
	v48 =	vnsel vm6, $0x0, v53  }
0x196: {  	v16 =	vadd.f32 v19, v16;
	v19 =	vmul.f32 v44, v22;
	v44 =	vmul.f32 v48, v46;
	v48 =	vld [tilespmem:s20+$0x18700]  }
0x197: {  	v22 =	vmul.f32 v29, v22;
	v29 =	vshll.u32 v32, $0x10;
	v32 =	vmul.f32 v32, v28;
	v51 =	vld.idx.msk [tilespmem:v52+s6+$0x0], $0xffff  }
0x198: {  	v16 =	vadd.f32 v19, v16;
	v19 =	vmul.f32 v29, v28;
	v28 =	vsub.f32 v46, v44;
	v29 =	vld [tilespmem:s20+$0x1A700]  }
0x199: {  	vm6 =	vgt.s32 v55, $0x0;
	v17 =	vadd.f32 v22, v17;
	vm7 =	vgt.s32 v57, $0xFFFFFFFF;
	v46 =	vld [tilespmem:s22+$0x19100]  }
0x19a: {  	v43 =	vshll.u32 v43, $0x10;
	v52 =	vnsel vm6, $0x0, v55;
	v22 =	vshll.u32 v35, $0x10;
	v53 =	vld [tilespmem:s22+$0x1B100]  }
0x19b: {  	v30 =	vadd.f32 v26, v30;
	v16 =	vadd.f32 v19, v16;
	v19 =	vnsel vm7, $0x0, v47;
	v47 =	vld [tilespmem:s9+$0x18700]  }
0x19c: {  	v32 =	vadd.f32 v32, v17;
	v22 =	vmul.f32 v22, v14;
	v55 =	vmul.f32 v19, v28;
	v58 =	vld [tilespmem:s9+$0x1A700]  }
0x19d: {  	v15 =	vmul.f32 v43, v15;
	vm6 =	vgt.s32 v49, $0x0;
	v14 =	vmul.f32 v35, v14;
	v35 =	vld [tilespmem:s22+$0x19200]  }
0x19e: {  	v41 =	vshll.u32 v41, $0x10;
	v43 =	vnsel vm6, $0x0, v49;
	v19 =	vshll.u32 v42, $0x10;
	v17 =	vld [tilespmem:s25+$0x18700]  }
0x19f: {  	v49 =	vmul.f32 v19, v33;
	v33 =	vmul.f32 v42, v33;
	v28 =	vsub.f32 v28, v55;
	v42 =	vld.idx.msk [tilespmem:v52+s6+$0x0], $0xffff  }
0x1a0: {  	v18 =	vmul.f32 v41, v18;
	v30 =	vadd.f32 v15, v30;
	v16 =	vadd.f32 v22, v16;
	v26 =	vld [tilespmem:s22+$0x1B200]  }
0x1a1: {  	vm6 =	vgt.s32 v56, $0x0;
	v15 =	vadd.f32 v14, v32;
	vm7 =	vgt.s32 v48, $0xFFFFFFFF;
	v22 =	vld [tilespmem:s25+$0x1A700]  }
0x1a2: {  	v40 =	vshll.u32 v40, $0x10;
	v32 =	vnsel vm6, $0x0, v56;
	v14 =	vshll.u32 v51, $0x10;
	v19 =	vld.idx.msk [tilespmem:v5+s6+$0x0], $0xffff  }
0x1a3: {  	v41 =	vmul.f32 v51, v45;
	v5 =	vmul.f32 v14, v45;
	v14 =	vnsel vm7, $0x0, v29;
	v43 =	vld.idx.msk [tilespmem:v43+s6+$0x0], $0xffff  }
0x1a4: {  	v20 =	vmul.f32 v40, v20;
	v16 =	vadd.f32 v49, v16;
	v45 =	vmul.f32 v14, v28;
	v14 =	vld [tilespmem:s1+$0x1C700]  }
0x1a5: {  	v30 =	vadd.f32 v18, v30;
	vm6 =	vgt.s32 v57, $0x0;
	v29 =	vadd.f32 v33, v15;
	v15 =	vld [tilespmem:s3+$0x1C700]  }
0x1a6: {  	v39 =	vshll.u32 v39, $0x10;
	v40 =	vnsel vm6, $0x0, v57;
	v33 =	vshll.u32 v42, $0x10;
	v18 =	vld [tilespmem:s26+$0x1C700]  }
0x1a7: {  	v42 =	vmul.f32 v42, v54;
	v33 =	vmul.f32 v33, v54;
	v28 =	vsub.f32 v28, v45;
	v32 =	vld.idx.msk [tilespmem:v32+s6+$0x0], $0xffff  }
0x1a8: {  	v5 =	vadd.f32 v5, v16;
	v16 =	vadd.f32 v41, v29;
	v29 =	vmul.f32 v39, v21  }
0x1a9: {  	v20 =	vadd.f32 v20, v30;
	vm6 =	vgt.s32 v48, $0x0;
	vm7 =	vgt.s32 v46, $0xFFFFFFFF  }
0x1aa: {  	v38 =	vshll.u32 v38, $0x10;
	v30 =	vnsel vm6, $0x0, v48;
	v21 =	vshll.u32 v43, $0x10  }
0x1ab: {  	v41 =	vmul.f32 v43, v50;
	v39 =	vmul.f32 v21, v50;
	v21 =	vnsel vm7, $0x0, v53;
	v40 =	vld.idx.msk [tilespmem:v40+s6+$0x0], $0xffff  }
0x1ac: {  	v23 =	vmul.f32 v38, v23;
	v5 =	vadd.f32 v33, v5;
	v21 =	vmul.f32 v21, v28  }
0x1ad: {  	vm6 =	vgt.s32 v46, $0x0;
	v16 =	vadd.f32 v42, v16;
	v20 =	vadd.f32 v29, v20  }
0x1ae: {  	v37 =	vshll.u32 v37, $0x10;
	v33 =	vnsel vm6, $0x0, v46;
	v29 =	vshll.u32 v32, $0x10  }
0x1af: {  	v32 =	vmul.f32 v32, v44;
	v42 =	vsub.f32 v28, v21;
	v29 =	vmul.f32 v29, v44;
	v38 =	vld.idx.msk [tilespmem:v30+s6+$0x0], $0xffff  }
0x1b0: {  	v24 =	vmul.f32 v37, v24;
	v16 =	vadd.f32 v41, v16;
	v5 =	vadd.f32 v39, v5  }
0x1b1: {  	vm6 =	vgt.s32 v47, $0xFFFFFFFF;
	v23 =	vadd.f32 v23, v20;
	vm7 =	vgt.s32 v47, $0x0  }
0x1b2: {  	v37 =	vnsel vm7, $0x0, v47;
	v30 =	vshll.u32 v36, $0x10;
	v20 =	vshll.u32 v40, $0x10  }
0x1b3: {  	v39 =	vmul.f32 v40, v55;
	v36 =	vmul.f32 v20, v55;
	v20 =	vnsel vm6, $0x0, v58;
	v28 =	vld.idx.msk [tilespmem:v33+s6+$0x0], $0xffff  }
0x1b4: {  	v5 =	vadd.f32 v29, v5;
	v40 =	vmul.f32 v30, v25;
	v20 =	vmul.f32 v20, v42  }
0x1b5: {  	v24 =	vadd.f32 v24, v23;
	v32 =	vadd.f32 v32, v16;
	vm6 =	vgt.s32 v35, $0x0  }
.Ltmp2:
0x1b6: {  	v34 =	vshll.u32 v34, $0x10;
	v30 =	vnsel vm6, $0x0, v35;
	v16 =	vshll.u32 v38, $0x10;
	(pc) =	sbr.rel @p2 .LBB2_3-.Ltmp2, $4  }
0x1b7: {  	v25 =	vmul.f32 v38, v45;
	v23 =	vsub.f32 v42, v20;
	v29 =	vmul.f32 v16, v45;
	v16 =	vld.idx.msk [tilespmem:v37+s6+$0x0], $0xffff  }
0x1b8: {  	v27 =	vmul.f32 v34, v27;
	v32 =	vadd.f32 v39, v32;
	v33 =	vadd.f32 v36, v5  }
0x1b9: {  	vm7 =	vgt.s32 v17, $0x0;
	vm6 =	vgt.s32 v35, $0xFFFFFFFF;
	v34 =	vadd.f32 v40, v24  }
0x1ba: {  	s30 =	sadd.s32 $0x2, s30;
	v24 =	vshll.u32 v31, $0x10;
	v5 =	vnsel vm7, $0x0, v17;
	v35 =	vshll.u32 v28, $0x10  }
0x1bb: {  	v31 =	vmul.f32 v35, v21;
	v21 =	vmul.f32 v28, v21  }
0x1bc: {  	v26 =	vnsel vm6, $0x0, v26;
	vm6 =	vmmov vm1;
	vm1 =	vmmov vm2  }
0x1bd: {  	vm2 =	vmmov vm4;
	v29 =	vadd.f32 v29, v33;
	v8 =	vmul.f32 v24, v8  }
0x1be: {  	v24 =	vadd.f32 v25, v32;
	v27 =	vadd.f32 v27, v34;
	v13 =	vshll.u32 v13, $0x10  }
0x1bf: {  	vm4 =	vgt.s32 v17, $0xFFFFFFFF;
	v11 =	vshll.u32 v11, $0x10;
	v7 =	vshll.u32 v7, $0x10  }
0x1c0: {  	v28 =	vld.idx.msk [tilespmem:v30+s6+$0x0], $0xffff;
	v26 =	vmul.f32 v26, v23;
	v25 =	vshll.u32 v16, $0x10;
	v16 =	vmul.f32 v16, v20  }
0x1c1: {  	v10 =	vmul.f32 v13, v10;
	v9 =	vmul.f32 v11, v9;
	v8 =	vadd.f32 v8, v27  }
0x1c2: {  	v7 =	vmul.f32 v7, v12;
	v25 =	vmul.f32 v25, v20;
	v29 =	vadd.f32 v31, v29  }
0x1c3: {  	v5 =	vld.idx.msk [tilespmem:v5+s6+$0x0], $0xffff;
	v13 =	vadd.f32 v21, v24;
	v8 =	vadd.f32 v10, v8;
	v10 =	vshll.u32 v19, $0x10  }
0x1c4: {  	v20 =	vnsel vm4, $0x0, v22;
	v23 =	vsub.f32 v23, v26;
	v10 =	vmul.f32 v10, v1  }
0x1c5: {  	v21 =	vadd.f32 v25, v29;
	v13 =	vadd.f32 v16, v13;
	v17 =	vshll.u32 v28, $0x10  }
0x1c6: {  	v20 =	vmul.f32 v20, v23;
	v1 =	vmul.f32 v19, v1;
	v2 =	vadd.f32 v10, v2  }
0x1c7: {  	v16 =	vmul.f32 v28, v26;
	v17 =	vmul.f32 v17, v26;
	v8 =	vadd.f32 v9, v8  }
0x1c8: {  	v10 =	vshll.u32 v5, $0x10;
	v1 =	vadd.f32 v1, v3;
	v2 =	vsel vm5, v4, v2  }
0x1c9: {  	s0 =	sshll.u32 s14, $0xF;
	v11 =	vadd.f32 v17, v21;
	v3 =	vadd.f32 v7, v8;
	v7 =	vmul.f32 v10, v20;
	[tilespmem:s5+$0x1CB00] =	vst v2  }
0x1ca: {  	s0 =	sand.u32 $0x300000, s0;
	v9 =	vadd.f32 v16, v13;
	v8 =	vpsel p0, v15, v14;
	v4 =	vmul.f32 v5, v20;
	s2 =	rddreg [dreg:$0xf]  }
0x1cb: {  	v5 =	vpsel p0, v18, v6;
	v0 =	vsel vm6, v0, v1;
	v1 =	vadd.f32 v7, v11;
	s0 =	sor.u32 s2, s0  }
0x1cc: {  	[tilespmem:s12+$0x1CB00] =	vst v0;
	v0 =	vsel vm2, v5, v3;
	vm2 =	vmmov vm3;
	v2 =	vadd.f32 v4, v9;
	s0 =	sor.u32 s29, s0  }
0x1cd: {  	vm1 =	vmmov vm1;
	[tilespmem:s26+$0x1CB00] =	vst v0;
	v0 =	vsel vm2, v8, v1;
	s0 =	sadd.s32 s28, s0  }
0x1ce: {  	s9 =	rddreg [dreg:$0x4];
	v1 =	vsel vm1, v14, v2;
	[tilespmem:s3+$0x1CB00] =	vst v0;
	s12 =	sshrl.u32 s0, $0x3  }
0x1cf: {  	s11 =	simm.s32 $0x1CB00;
	[tilespmem:s1+$0x1CB00] =	vst v1;
	s0 =	sadd.s32 s9, s12  }
0x1d0: {  	[hbm4b:s0+s21] =	stream.strided.scatter [tilespmem:s11], [sflag:$0x3], $0x100, s24, s21, $0x38;
	[tilespmem:$0x1CF00] =	vst v63  }
0x1d1: {  	s16 =	simm.s32 $0x1CC00;
	p2 =	seq.s32 s14, $0x7F;
	s0 =	sadd.s32 $0x80, s0  }
0x1d2: {  	[hbm4b:s0+s21] =	stream.strided.scatter [tilespmem:s16], [sflag:$0x3], $0x100, s24, s21, $0x38;
	[tilespmem:$0x1CF00] =	vst v63  }
0x1d3: {  	s0 =	sadd.s32 @!p2 $0x2, s15  }
0x1d4: {  	s1 =	sshrl.u32 @!p2 s0, $0x1  }
0x1d5: {  	s1 =	sand.u32 @!p2 $0x18, s1  }
0x1d6: {  	s2 =	sshll.u32 @!p2 s0, $0x10;
	s1 =	sor.u32 @!p2 s10, s1  }
0x1d7: {  	s0 =	sshll.u32 @!p2 s0, $0x6;
	s2 =	sand.u32 @!p2 $0x1C00000, s2;
	s1 =	sshll.u32 @!p2 s1, $0x9  }
0x1d8: {  	s0 =	sand.u32 @!p2 $0x380, s0;
	s2 =	sadd.s32 @!p2 s2, s1  }
0x1d9: {  	s2 =	sor.u32 @!p2 s0, s2  }
0x1da: {  	s4 =	simm.s32 @!p2 $0x80;
	s3 =	rddreg [dreg:$0x1];
	s2 =	sshrl.u32 @!p2 s2, $0x3  }
0x1db: {  	s8 =	simm.s32 @!p2 $0x18700;
	s5 =	simm.s32 @!p2 $0x40000;
	s3 =	sadd.s32 @!p2 s3, s2  }
0x1dc: {  	[tilespmem:s8], [sflag:$0x1] =	stream.strided.gather @!p2 [hbm4b:s3+s4], $0x400, s5, s4, $0x38;
	[tilespmem:$0x1CF00] =	vst v63  }
0x1dd: {  	s9 =	simm.s32 @!p2 $0x18B00;
	s8 =	sadd.s32 @!p2 $0x80, s3  }
0x1de: {  	[tilespmem:s9], [sflag:$0x1] =	stream.strided.gather @!p2 [hbm4b:s8+s4], $0x400, s5, s4, $0x38;
	[tilespmem:$0x1CF00] =	vst v63  }
0x1df: {  	s3 =	sadd.s32 @!p2 $0x40000, s3;
	s8 =	simm.s32 @!p2 $0x18F00  }
0x1e0: {  	[tilespmem:s8], [sflag:$0x1] =	stream.strided.gather @!p2 [hbm4b:s3+s4], $0x400, s5, s4, $0x38;
	[tilespmem:$0x1CF00] =	vst v63  }
0x1e1: {  	s3 =	sadd.s32 @!p2 $0x80, s3;
	s8 =	simm.s32 @!p2 $0x19300  }
0x1e2: {  	[tilespmem:s8], [sflag:$0x1] =	stream.strided.gather @!p2 [hbm4b:s3+s4], $0x400, s5, s4, $0x38;
	[tilespmem:$0x1CF00] =	vst v63  }
0x1e3: {  	s3 =	rddreg [dreg:$0x2]  }
0x1e4: {  	s2 =	sadd.s32 @!p2 s3, s2;
	s3 =	simm.s32 @!p2 $0x1A700  }
0x1e5: {  	[tilespmem:s3], [sflag:$0x1] =	stream.strided.gather @!p2 [hbm4b:s2+s4], $0x400, s5, s4, $0x38;
	[tilespmem:$0x1CF00] =	vst v63  }
0x1e6: {  	s8 =	simm.s32 @!p2 $0x1AB00;
	s3 =	sadd.s32 @!p2 $0x80, s2  }
0x1e7: {  	[tilespmem:s8], [sflag:$0x1] =	stream.strided.gather @!p2 [hbm4b:s3+s4], $0x400, s5, s4, $0x38;
	[tilespmem:$0x1CF00] =	vst v63  }
0x1e8: {  	s2 =	sadd.s32 @!p2 $0x40000, s2;
	s3 =	simm.s32 @!p2 $0x1AF00  }
0x1e9: {  	[tilespmem:s3], [sflag:$0x1] =	stream.strided.gather @!p2 [hbm4b:s2+s4], $0x400, s5, s4, $0x38;
	[tilespmem:$0x1CF00] =	vst v63  }
0x1ea: {  	s2 =	sadd.s32 @!p2 $0x80, s2;
	s3 =	simm.s32 @!p2 $0x1B300  }
0x1eb: {  	[tilespmem:s3], [sflag:$0x1] =	stream.strided.gather @!p2 [hbm4b:s2+s4], $0x400, s5, s4, $0x38;
	[tilespmem:$0x1CF00] =	vst v63  }
0x1ec: {  	s2 =	rddreg [dreg:$0x6]  }
0x1ed: {  	s1 =	sadd.s32 @!p2 s2, s1  }
0x1ee: {  	s0 =	sor.u32 @!p2 s0, s1  }
0x1ef: {  	s1 =	rddreg [dreg:$0x3];
	s0 =	sshrl.u32 @!p2 s0, $0x3  }
0x1f0: {  	s0 =	sadd.s32 @!p2 s1, s0;
	s1 =	simm.s32 @!p2 $0x1C700  }
0x1f1: {  	[tilespmem:s1], [sflag:$0x1] =	stream.strided.gather @!p2 [hbm4b:s0+s4], $0x100, s5, s4, $0x38;
	[tilespmem:$0x1CF00] =	vst v63  }
0x1f2: {  	s0 =	sadd.s32 @!p2 $0x80, s0;
	s1 =	simm.s32 @!p2 $0x1C800  }
0x1f3: {  	[tilespmem:s1], [sflag:$0x1] =	stream.strided.gather @!p2 [hbm4b:s0+s4], $0x100, s5, s4, $0x38;
	[tilespmem:$0x1CF00] =	vst v63  }
0x1f4: {  	_ =	swait.ge [sflag:s13], $0x1000  }
0x1f5: {  	[sflag:s13] =	ssyncset.done $0x0  }
0x1f6: {  	[sflag:s13] =	ssyncadd.s32 $0xFFFFF000  }
0x1f7: {  	_ =	swait.ge [sflag:s13], $0x1000  }
0x1f8: {  	[sflag:s13] =	ssyncset.done $0x0  }
0x1f9: {  	[sflag:s13] =	ssyncadd.s32 $0xFFFFF000  }
0x1fa: {  	_ =	swait.ge [sflag:s13], $0x200  }
0x1fb: {  	s17 =	simm.s32 $0x0;
	[sflag:s13] =	ssyncset.done $0x0  }
0x1fc: {  	s20 =	simm.s32 $0x0;
	s0 =	simm.s32 @!p1 $0x4;
	[sflag:s13] =	ssyncadd.s32 $0xFFFFFE00  }
0x1fd: {  	s18 =	sand.u32 $0xFFFFFC00, s17;
	s3 =	simm.s32 $0x0;
	_ =	swait.ge @!p1 [sflag:s0], $0x200  }
0x1fe: {  	s19 =	sadd.s32 $0x0, s18;
	s1 =	sand.u32 $0x60, s3;
	[sflag:s0] =	ssyncset.done @!p1 $0x0  }
0x1ff: {  	s22 =	sor.u32 $0x80, s19;
	s23 =	sor.u32 $0x10, s1;
	[sflag:s0] =	ssyncadd.s32 @!p1 $0xFFFFFE00  }
0x200: {  	s25 =	sor.u32 s20, s23;
	v0 =	vld [tilespmem:s22+$0x19700]  }
0x201: {  	v1 =	vld [tilespmem:s25+$0x19700]  }
0x202: {  	v2 =	vld [tilespmem:s25+$0x1B700]  }
0x203: {  	v6 =	vld [tilespmem:s25+$0x19780]  }
0x204: {  	s5 =	sor.u32 s1, s20;
	v3 =	vld [tilespmem:s25+$0x1B780]  }
0x205: {  	v4 =	vld [tilespmem:s5+$0x19700]  }
0x206: {  	v5 =	vld [tilespmem:s5+$0x1B700]  }
0x207: {  	v7 =	vld [tilespmem:s25+$0x19800]  }
0x208: {  	v8 =	vld [tilespmem:s25+$0x1B800]  }
0x209: {  	v10 =	vld [tilespmem:s22+$0x1B700];
	vm1 =	vgt.s32 v1, $0xFFFFFFFF  }
0x20a: {  	v15 =	vld [tilespmem:s25+$0x19880];
	v2 =	vnsel vm1, $0x0, v2  }
0x20b: {  	v13 =	vld [tilespmem:s25+$0x1B880];
	vm1 =	vgt.s32 v6, $0xFFFFFFFF;
	v9 =	vsub.f32 $1.000000000e+00, v2  }
0x20c: {  	v11 =	vld [tilespmem:s5+$0x19800];
	v3 =	vnsel vm1, $0x0, v3;
	vm1 =	vgt.s32 v4, $0xFFFFFFFF  }
0x20d: {  	v16 =	vld [tilespmem:s5+$0x1B800];
	vm2 =	vgt.s32 v7, $0xFFFFFFFF;
	v12 =	vnsel vm1, $0x0, v5;
	v3 =	vmul.f32 v3, v9  }
0x20e: {  	s26 =	sor.u32 $0x180, s19;
	v18 =	vld [tilespmem:s25+$0x19900];
	v5 =	vnsel vm2, $0x0, v8;
	vm1 =	vgt.s32 v0, $0xFFFFFFFF;
	vm2 =	vgt.s32 v0, $0x0  }
0x20f: {  	v8 =	vld [tilespmem:s26+$0x19700];
	v10 =	vnsel vm1, $0x0, v10;
	vm1 =	vgt.s32 v15, $0xFFFFFFFF;
	v9 =	vsub.f32 v9, v3  }
0x210: {  	v17 =	vsub.f32 $1.000000000e+00, v12;
	v25 =	vnsel vm2, $0x0, v0;
	v0 =	vnsel vm1, $0x0, v13;
	v13 =	vld [tilespmem:s5+$0x19900]  }
0x211: {  	v21 =	vld [tilespmem:s25+$0x1B900];
	v5 =	vmul.f32 v5, v9  }
0x212: {  	v24 =	vld [tilespmem:s25+$0x19980];
	vm3 =	vlt.s32 v4, $0x0;
	vm2 =	vgt.s32 v11, $0x0;
	v14 =	vmul.f32 v10, v17  }
0x213: {  	vm1 =	vgt.s32 v11, $0xFFFFFFFF;
	v29 =	vnsel vm2, $0x0, v11;
	v11 =	vld [tilespmem:s25+$0x19A00];
	v9 =	vsub.f32 v9, v5  }
0x214: {  	v4 =	vsel vm3, $0x0, v4;
	v10 =	vld [tilespmem:s26+$0x1B700];
	v17 =	vsub.f32 v17, v14;
	vm2 =	vgt.s32 v8, $0xFFFFFFFF  }
0x215: {  	vm4 =	vgt.s32 v13, $0xFFFFFFFF;
	v20 =	vmul.f32 v0, v9;
	v0 =	vnsel vm1, $0x0, v16;
	v16 =	vld [tilespmem:s25+$0x1B980]  }
0x216: {  	v23 =	vld [tilespmem:s5+$0x1B900];
	vm5 =	vgt.s32 v13, $0x0;
	vm1 =	vgt.s32 v18, $0xFFFFFFFF;
	v19 =	vmul.f32 v0, v17  }
0x217: {  	v26 =	vld [tilespmem:s25+$0x1BA00];
	v0 =	vnsel vm1, $0x0, v21;
	vm1 =	vgt.s32 v8, $0x0;
	v9 =	vsub.f32 v9, v20  }
0x218: {  	vm6 =	vgt.s32 v11, $0xFFFFFFFF;
	v27 =	vnsel vm1, $0x0, v8;
	v17 =	vsub.f32 v17, v19  }
0x219: {  	v8 =	vnsel vm2, $0x0, v10;
	vm2 =	vgt.s32 v24, $0xFFFFFFFF;
	v0 =	vmul.f32 v0, v9  }
0x21a: {  	s31 =	sor.u32 $0x280, s19;
	v22 =	vmul.f32 v8, v17;
	v10 =	vnsel vm2, $0x0, v16;
	vm2 =	vlt.s32 v1, $0x0  }
0x21b: {  	v23 =	vnsel vm4, $0x0, v23;
	v21 =	vld [tilespmem:s31+$0x19700];
	v8 =	vsub.f32 v9, v0;
	v1 =	vsel vm2, $0x0, v1  }
0x21c: {  	vm4 =	vgt.s32 v6, $0x0;
	v26 =	vnsel vm6, $0x0, v26;
	v9 =	vld [tilespmem:s31+$0x1B700];
	v16 =	vsub.f32 v17, v22  }
0x21d: {  	v33 =	vnsel vm5, $0x0, v13;
	vm5 =	vgt.s32 v15, $0x0;
	v17 =	vld [tilespmem:s25+$0x19A80];
	v10 =	vmul.f32 v10, v8  }
0x21e: {  	v28 =	vld [tilespmem:s25+$0x1BA80];
	v6 =	vnsel vm4, $0x0, v6;
	vm4 =	vgt.s32 v7, $0x0;
	v23 =	vmul.f32 v23, v16  }
0x21f: {  	v31 =	vld [tilespmem:s25+$0x19F80];
	v7 =	vnsel vm4, $0x0, v7;
	vm1 =	vmand vm0, vm3;
	v8 =	vsub.f32 v8, v10  }
0x220: {  	vm3 =	vmmov vm3;
	vm4 =	vgt.s32 v21, $0xFFFFFFFF;
	v16 =	vsub.f32 v16, v23;
	v40 =	vld.idx.msk [tilespmem:v1+s6+$0x0], $0xffff  }
0x221: {  	v1 =	vnsel vm5, $0x0, v15;
	v9 =	vnsel vm4, $0x0, v9;
	v13 =	vmul.f32 v26, v8;
	v26 =	vld [tilespmem:s25+$0x19F00]  }
0x222: {  	v57 =	vld [tilespmem:s25+$0x1BF00];
	vm4 =	vgt.s32 v18, $0x0;
	vm5 =	vgt.s32 v21, $0x0;
	vm6 =	vgt.s32 v17, $0xFFFFFFFF  }
0x223: {  	v6 =	vld.idx.msk [tilespmem:v6+s6+$0x0], $0xffff;
	v15 =	vnsel vm6, $0x0, v28;
	v28 =	vmul.f32 v9, v16;
	v8 =	vsub.f32 v8, v13  }
0x224: {  	v58 =	vld [tilespmem:s25+$0x1BF80];
	vm1 =	vmmov vm1;
	v18 =	vnsel vm4, $0x0, v18;
	v35 =	vnsel vm5, $0x0, v21  }
0x225: {  	vm4 =	vgt.s32 v24, $0x0;
	v9 =	vld [tilespmem:s25+$0x1A000];
	v42 =	vsub.f32 v16, v28;
	v15 =	vmul.f32 v15, v8  }
0x226: {  	v41 =	vld.idx.msk [tilespmem:v7+s6+$0x0], $0xffff;
	v21 =	vmul.f32 v40, v2;
	v53 =	vshll.u32 v40, $0x10;
	vm5 =	vgt.s32 v26, $0xFFFFFFFF  }
0x227: {  	v7 =	vsub.f32 v8, v15;
	v8 =	vnsel vm4, $0x0, v24;
	v16 =	vnsel vm5, $0x0, v57  }
0x228: {  	v39 =	vld [tilespmem:s25+$0x1C100];
	vm4 =	vgt.s32 v11, $0x0;
	vm5 =	vgt.s32 v31, $0xFFFFFFFF;
	v24 =	vmul.f32 v6, v3  }
0x229: {  	v38 =	vld.idx.msk [tilespmem:v1+s6+$0x0], $0xffff;
	v6 =	vshll.u32 v6, $0x10;
	v1 =	vnsel vm4, $0x0, v11;
	vm4 =	vgt.s32 v17, $0x0  }
0x22a: {  	v37 =	vld.idx.msk [tilespmem:v18+s6+$0x0], $0xffff;
	v18 =	vnsel vm5, $0x0, v58;
	vm5 =	vgt.s32 v9, $0xFFFFFFFF;
	v6 =	vmul.f32 v6, v3  }
0x22b: {  	v11 =	vld [tilespmem:s25+$0x1C000];
	v16 =	vmul.f32 v16, v7;
	v21 =	vadd.f32 v24, v21;
	v24 =	vmul.f32 v41, v5  }
0x22c: {  	v43 =	vld [tilespmem:s25+$0x1A080];
	v17 =	vnsel vm4, $0x0, v17;
	vm4 =	vgt.s32 v26, $0x0;
	v41 =	vshll.u32 v41, $0x10  }
0x22d: {  	v30 =	vld [tilespmem:s25+$0x1C080];
	v41 =	vmul.f32 v41, v5;
	v7 =	vsub.f32 v7, v16;
	v21 =	vadd.f32 v24, v21  }
0x22e: {  	v24 =	vmul.f32 v38, v20;
	v38 =	vshll.u32 v38, $0x10;
	v36 =	vld.idx.msk [tilespmem:v8+s6+$0x0], $0xffff;
	v8 =	vnsel vm4, $0x0, v26  }
0x22f: {  	v44 =	vld [tilespmem:s25+$0x1A180];
	vm4 =	vgt.s32 v31, $0x0;
	v20 =	vmul.f32 v38, v20;
	v18 =	vmul.f32 v18, v7  }
0x230: {  	v26 =	vld [tilespmem:s25+$0x1A100];
	v11 =	vnsel vm5, $0x0, v11;
	v21 =	vadd.f32 v24, v21;
	v24 =	vmul.f32 v37, v0  }
0x231: {  	v34 =	vld.idx.msk [tilespmem:v1+s6+$0x0], $0xffff;
	vm5 =	vgt.s32 v43, $0x0;
	v37 =	vshll.u32 v37, $0x10;
	v1 =	vsub.f32 v7, v18  }
0x232: {  	v32 =	vld.idx.msk [tilespmem:v17+s6+$0x0], $0xffff;
	v0 =	vmul.f32 v37, v0;
	v7 =	vnsel vm4, $0x0, v31;
	vm4 =	vgt.s32 v9, $0x0  }
0x233: {  	v45 =	vld [tilespmem:s25+$0x1A200];
	v9 =	vnsel vm4, $0x0, v9;
	vm4 =	vgt.s32 v43, $0xFFFFFFFF;
	v17 =	vmul.f32 v11, v1  }
0x234: {  	v11 =	vadd.f32 v24, v21;
	v21 =	vmul.f32 v36, v10;
	v31 =	vld.idx.msk [tilespmem:v8+s6+$0x0], $0xffff;
	v8 =	vnsel vm4, $0x0, v30  }
0x235: {  	v47 =	vld [tilespmem:s5+$0x19A00];
	v24 =	vnsel vm5, $0x0, v43;
	vm4 =	vgt.s32 v26, $0x0;
	v36 =	vshll.u32 v36, $0x10  }
0x236: {  	v43 =	vld [tilespmem:s25+$0x1A280];
	vm5 =	vgt.s32 v26, $0xFFFFFFFF;
	v46 =	vmul.f32 v34, v13;
	v10 =	vmul.f32 v36, v10  }
0x237: {  	v51 =	vld [tilespmem:s5+$0x1BA00];
	v1 =	vsub.f32 v1, v17;
	v21 =	vadd.f32 v21, v11;
	v59 =	vmul.f32 v32, v15  }
0x238: {  	v32 =	vshll.u32 v32, $0x10;
	v30 =	vld.idx.msk [tilespmem:v7+s6+$0x0], $0xffff;
	v7 =	vnsel vm4, $0x0, v26;
	vm4 =	vgt.s32 v44, $0x0  }
0x239: {  	v54 =	vld [tilespmem:s25+$0x1C280];
	v15 =	vmul.f32 v32, v15;
	v11 =	vmul.f32 v8, v1;
	v21 =	vadd.f32 v46, v21  }
0x23a: {  	v8 =	vld [tilespmem:s25+$0x1C180];
	v60 =	vnsel vm4, $0x0, v44;
	vm4 =	vgt.s32 v45, $0x0;
	v61 =	vmul.f32 v31, v16  }
0x23b: {  	v26 =	vld.idx.msk [tilespmem:v9+s6+$0x0], $0xffff;
	v49 =	vnsel vm4, $0x0, v45;
	vm4 =	vgt.s32 v43, $0x0;
	v9 =	vsub.f32 v1, v11  }
0x23c: {  	v48 =	vld [tilespmem:s25+$0x1C200];
	v1 =	vnsel vm5, $0x0, v39;
	v21 =	vadd.f32 v59, v21;
	vm5 =	vgt.s32 v44, $0xFFFFFFFF  }
0x23d: {  	v24 =	vld.idx.msk [tilespmem:v24+s6+$0x0], $0xffff;
	v52 =	vnsel vm4, $0x0, v43;
	vm4 =	vgt.s32 v47, $0xFFFFFFFF;
	v39 =	vmul.f32 v53, v2  }
0x23e: {  	s9 =	sor.u32 $0x380, s19;
	v57 =	vnsel vm4, $0x0, v51;
	vm4 =	vgt.s32 v43, $0xFFFFFFFF;
	v1 =	vmul.f32 v1, v9  }
0x23f: {  	v58 =	vld [tilespmem:s9+$0x1B700];
	v46 =	vadd.f32 v61, v21;
	v50 =	vmul.f32 v30, v18;
	v39 =	vadd.f32 v6, v39  }
0x240: {  	v21 =	vld.idx.msk [tilespmem:v7+s6+$0x0], $0xffff;
	v6 =	vnsel vm4, $0x0, v54;
	v7 =	vnsel vm5, $0x0, v8;
	v63 =	vmul.f32 v26, v17  }
0x241: {  	vm5 =	vgt.s32 v45, $0xFFFFFFFF;
	v45 =	vld [tilespmem:s9+$0x19700];
	v26 =	vshll.u32 v26, $0x10;
	v62 =	vsub.f32 v9, v1  }
0x242: {  	v46 =	vadd.f32 v50, v46;
	v9 =	vld.idx.msk [tilespmem:v60+s6+$0x0], $0xffff;
	v55 =	vmul.f32 v24, v11;
	v48 =	vnsel vm5, $0x0, v48  }
0x243: {  	v51 =	vld [tilespmem:s5+$0x19F00];
	vm5 =	vgt.s32 v47, $0x0;
	v39 =	vadd.f32 v41, v39;
	v17 =	vmul.f32 v26, v17  }
0x244: {  	v61 =	vld [tilespmem:s5+$0x1BF00];
	v54 =	vnsel vm5, $0x0, v47;
	v8 =	vmul.f32 v7, v62;
	v46 =	vadd.f32 v63, v46  }
0x245: {  	v20 =	vadd.f32 v20, v39;
	v56 =	vmul.f32 v21, v1;
	v21 =	vshll.u32 v21, $0x10  }
0x246: {  	v63 =	vld.idx.msk [tilespmem:v4+s6+$0x0], $0xffff;
	v44 =	vsub.f32 v62, v8;
	v46 =	vadd.f32 v55, v46;
	vm4 =	vgt.s32 v45, $0xFFFFFFFF  }
0x247: {  	v7 =	vld.idx.msk [tilespmem:v49+s6+$0x0], $0xffff;
	v0 =	vadd.f32 v0, v20;
	v1 =	vmul.f32 v21, v1;
	v59 =	vmul.f32 v9, v8  }
0x248: {  	v25 =	vld.idx.msk [tilespmem:v25+s6+$0x0], $0xffff;
	v5 =	vnsel vm4, $0x0, v58;
	vm4 =	vgt.s32 v51, $0xFFFFFFFF;
	v9 =	vshll.u32 v9, $0x10  }
0x249: {  	v3 =	vmul.f32 v48, v44;
	v46 =	vadd.f32 v56, v46;
	v48 =	vnsel vm4, $0x0, v61  }
0x24a: {  	v29 =	vld.idx.msk [tilespmem:v29+s6+$0x0], $0xffff;
	vm4 =	vmand vm0, vm2;
	v0 =	vadd.f32 v10, v0;
	v8 =	vmul.f32 v9, v8  }
0x24b: {  	v27 =	vld.idx.msk [tilespmem:v27+s6+$0x0], $0xffff;
	v56 =	vshll.u32 v63, $0x10;
	v60 =	vsub.f32 v44, v3;
	v44 =	vmul.f32 v57, v42  }
0x24c: {  	v2 =	vld.idx.msk [tilespmem:v52+s6+$0x0], $0xffff;
	v62 =	vadd.f32 v59, v46;
	v52 =	vmul.f32 v7, v3;
	v46 =	vmul.f32 v63, v12  }
0x24d: {  	v58 =	vld [tilespmem:s5+$0x1A000];
	v12 =	vmul.f32 v56, v12;
	v57 =	vshll.u32 v25, $0x10;
	v25 =	vmul.f32 v25, v14  }
0x24e: {  	s16 =	sor.u32 $0x880, s19;
	v33 =	vld.idx.msk [tilespmem:v33+s6+$0x0], $0xffff;
	v14 =	vmul.f32 v57, v14;
	v4 =	vmul.f32 v6, v60;
	v42 =	vsub.f32 v42, v44  }
0x24f: {  	s11 =	simm.s32 $0x0;
	v53 =	vld [tilespmem:s16+$0x19700];
	v40 =	vadd.f32 v52, v62;
	v60 =	vshll.u32 v29, $0x10;
	v25 =	vadd.f32 v25, v46  }
0x250: {  	s29 =	sor.u32 s11, s23;
	v55 =	vld [tilespmem:s16+$0x1B700];
	v12 =	vadd.f32 v14, v12;
	v14 =	vmul.f32 v60, v19;
	v19 =	vmul.f32 v29, v19  }
0x251: {  	v6 =	vld [tilespmem:s29+$0x1C980];
	v29 =	vshll.u32 v27, $0x10;
	v27 =	vmul.f32 v27, v22;
	v43 =	vmul.f32 v2, v4  }
0x252: {  	v62 =	vld [tilespmem:s5+$0x1C000];
	vm5 =	vgt.s32 v58, $0xFFFFFFFF;
	v49 =	vmul.f32 v5, v42;
	v22 =	vmul.f32 v29, v22  }
0x253: {  	v12 =	vadd.f32 v14, v12;
	v19 =	vadd.f32 v19, v25;
	v25 =	vshll.u32 v33, $0x10  }
0x254: {  	v14 =	vld.idx.msk [tilespmem:v35+s6+$0x0], $0xffff;
	v5 =	vadd.f32 v43, v40;
	v42 =	vsub.f32 v42, v49;
	v25 =	vmul.f32 v25, v23  }
0x255: {  	v23 =	vmul.f32 v33, v23;
	v12 =	vadd.f32 v22, v12;
	v19 =	vadd.f32 v27, v19  }
0x256: {  	v5 =	vsel vm4, v6, v5;
	v47 =	vmul.f32 v48, v42;
	vm4 =	vgt.s32 v53, $0xFFFFFFFF  }
0x257: {  	v43 =	vld.idx.msk [tilespmem:v54+s6+$0x0], $0xffff;
	v38 =	vnsel vm5, $0x0, v62;
	v61 =	vnsel vm4, $0x0, v55;
	vm4 =	vgt.s32 v45, $0x0  }
0x258: {  	s17 =	sor.u32 $0x980, s19;
	v19 =	vadd.f32 v23, v19;
	v59 =	vsub.f32 v42, v47;
	v63 =	vnsel vm4, $0x0, v45  }
0x259: {  	v22 =	vld [tilespmem:s17+$0x19700];
	vm4 =	vgt.s32 v51, $0x0;
	v45 =	vshll.u32 v14, $0x10;
	v14 =	vmul.f32 v14, v28  }
0x25a: {  	v46 =	vld [tilespmem:s17+$0x1B700];
	v52 =	vnsel vm4, $0x0, v51;
	vm4 =	vgt.s32 v53, $0x0;
	v42 =	vmul.f32 v61, v59  }
0x25b: {  	v12 =	vadd.f32 v25, v12;
	v33 =	vmul.f32 v45, v28;
	v23 =	vnsel vm4, $0x0, v53;
	v53 =	vld [tilespmem:s5+$0x1A100]  }
0x25c: {  	v20 =	vshll.u32 v43, $0x10;
	v14 =	vadd.f32 v14, v19;
	v19 =	vld [tilespmem:s5+$0x1C100];
	v29 =	vsub.f32 v59, v42  }
0x25d: {  	v54 =	vmul.f32 v43, v44;
	v20 =	vmul.f32 v20, v44;
	v12 =	vadd.f32 v33, v12  }
0x25e: {  	vm5 =	vgt.s32 v22, $0xFFFFFFFF;
	vm4 =	vgt.s32 v58, $0x0;
	v25 =	vld.idx.msk [tilespmem:v63+s6+$0x0], $0xffff;
	v27 =	vmul.f32 v38, v29  }
0x25f: {  	v55 =	vnsel vm5, $0x0, v46;
	v14 =	vadd.f32 v54, v14;
	v12 =	vadd.f32 v20, v12;
	v56 =	vld.idx.msk [tilespmem:v52+s6+$0x0], $0xffff  }
0x260: {  	v20 =	vld.idx.msk [tilespmem:v23+s6+$0x0], $0xffff;
	vm5 =	vgt.s32 v53, $0xFFFFFFFF;
	v23 =	vshll.u32 v31, $0x10;
	v28 =	vsub.f32 v29, v27  }
0x261: {  	s18 =	sor.u32 $0xA80, s19;
	v29 =	vshll.u32 v34, $0x10;
	v19 =	vnsel vm5, $0x0, v19;
	v16 =	vmul.f32 v23, v16  }
0x262: {  	s20 =	simm.s32 $0x100;
	v31 =	vld [tilespmem:s18+$0x19700];
	v13 =	vmul.f32 v29, v13;
	v29 =	vnsel vm4, $0x0, v58;
	vm4 =	vgt.s32 v22, $0x0  }
0x263: {  	s0 =	sand.u32 $0xFFFFFC00, s20;
	v36 =	vmul.f32 v55, v28;
	v10 =	vshll.u32 v25, $0x10;
	v25 =	vmul.f32 v25, v49  }
0x264: {  	s4 =	sor.u32 s1, s11;
	s1 =	sadd.s32 $0x20, s0;
	v22 =	vnsel vm4, $0x0, v22;
	vm4 =	vgt.s32 v53, $0x0;
	v10 =	vmul.f32 v10, v49  }
0x265: {  	s17 =	sor.u32 $0x280, s1;
	v0 =	vadd.f32 v13, v0;
	v13 =	vshll.u32 v56, $0x10;
	v57 =	vmul.f32 v56, v47  }
0x266: {  	v39 =	vld [tilespmem:s17+$0x19700];
	v28 =	vsub.f32 v28, v36;
	v13 =	vmul.f32 v13, v47;
	v14 =	vadd.f32 v25, v14  }
0x267: {  	v23 =	vld [tilespmem:s18+$0x1B700];
	v25 =	vnsel vm4, $0x0, v53;
	vm4 =	vgt.s32 v31, $0xFFFFFFFF;
	vm5 =	vgt.s32 v31, $0x0  }
0x268: {  	v10 =	vadd.f32 v10, v12;
	v0 =	vadd.f32 v15, v0;
	v15 =	vshll.u32 v20, $0x10;
	v12 =	vld.idx.msk [tilespmem:v29+s6+$0x0], $0xffff  }
0x269: {  	v20 =	vmul.f32 v20, v42;
	v19 =	vmul.f32 v19, v28;
	v29 =	vshll.u32 v30, $0x10;
	v30 =	vld [tilespmem:s5+$0x1A200]  }
0x26a: {  	s19 =	sor.u32 $0xB80, s19;
	v10 =	vadd.f32 v13, v10;
	v13 =	vld.idx.msk [tilespmem:v22+s6+$0x0], $0xffff;
	v18 =	vmul.f32 v29, v18;
	v16 =	vadd.f32 v16, v0  }
0x26b: {  	s3 =	sor.u32 s11, s3;
	s26 =	simm.s32 $0x20;
	v15 =	vmul.f32 v15, v42;
	v14 =	vadd.f32 v57, v14;
	v22 =	vld [tilespmem:s19+$0x19700];
	v29 =	vnsel vm5, $0x0, v31  }
0x26c: {  	s22 =	simm.s32 $0x0;
	v58 =	vld [tilespmem:s5+$0x1C200];
	s5 =	sor.u32 $0x80, s3;
	s3 =	sand.u32 $0x60, s26;
	v28 =	vsub.f32 v28, v19;
	v16 =	vadd.f32 v18, v16;
	v18 =	vshll.u32 v24, $0x10  }
0x26d: {  	v62 =	vld [tilespmem:s17+$0x1B700];
	s31 =	sor.u32 s3, s22;
	v14 =	vadd.f32 v20, v14;
	v10 =	vadd.f32 v15, v10;
	v11 =	vmul.f32 v18, v11  }
0x26e: {  	v41 =	vld [tilespmem:s31+$0x19900];
	v0 =	vshll.u32 v12, $0x10;
	v12 =	vmul.f32 v12, v27;
	v16 =	vadd.f32 v17, v16  }
0x26f: {  	s23 =	sor.u32 $0x10, s3;
	v15 =	vld.idx.msk [tilespmem:v25+s6+$0x0], $0xffff;
	v31 =	vmul.f32 v0, v27;
	v0 =	vnsel vm4, $0x0, v23;
	vm4 =	vgt.s32 v30, $0x0  }
0x270: {  	s25 =	sor.u32 s22, s23;
	v25 =	vld [tilespmem:s19+$0x1B700];
	v20 =	vshll.u32 v13, $0x10;
	v13 =	vmul.f32 v13, v36;
	vm5 =	vgt.s32 v22, $0x0  }
0x271: {  	v56 =	vld [tilespmem:s25+$0x19F00];
	v23 =	vmul.f32 v0, v28;
	v26 =	vnsel vm4, $0x0, v30;
	v20 =	vmul.f32 v20, v36  }
0x272: {  	v59 =	vld [tilespmem:s4+$0x1C900];
	v12 =	vadd.f32 v12, v14;
	vm4 =	vgt.s32 v30, $0xFFFFFFFF;
	v14 =	vnsel vm5, $0x0, v22  }
0x273: {  	v27 =	vld.idx.msk [tilespmem:v29+s6+$0x0], $0xffff;
	vm5 =	vmmov vm2;
	v11 =	vadd.f32 v11, v16;
	vm2 =	vgt.s32 v22, $0xFFFFFFFF  }
0x274: {  	v18 =	vld [tilespmem:s29+$0x1C900];
	vm9 =	vgt.s32 v41, $0xFFFFFFFF;
	v10 =	vadd.f32 v31, v10;
	v17 =	vshll.u32 v15, $0x10  }
0x275: {  	v15 =	vmul.f32 v15, v19;
	v31 =	vld [tilespmem:s25+$0x19780];
	v22 =	vnsel vm2, $0x0, v25;
	v24 =	vsub.f32 v28, v23  }
0x276: {  	vm13 =	vgt.s32 v56, $0xFFFFFFFF;
	v12 =	vadd.f32 v13, v12;
	v10 =	vadd.f32 v20, v10;
	v20 =	vld [tilespmem:s25+$0x19700]  }
0x277: {  	v21 =	vld [tilespmem:s25+$0x1B700];
	v17 =	vmul.f32 v17, v19;
	v19 =	vnsel vm4, $0x0, v58;
	v11 =	vadd.f32 v1, v11  }
0x278: {  	v19 =	vmul.f32 v19, v24;
	v13 =	vshll.u32 v27, $0x10;
	v9 =	vadd.f32 v15, v12;
	v26 =	vld.idx.msk [tilespmem:v26+s6+$0x0], $0xffff  }
0x279: {  	s11 =	sor.u32 $0x80, s1;
	v13 =	vmul.f32 v13, v23;
	v10 =	vadd.f32 v17, v10;
	v17 =	vmul.f32 v27, v23;
	v23 =	vld [tilespmem:s25+$0x1B780]  }
0x27a: {  	v28 =	vld [tilespmem:s11+$0x19700];
	v6 =	vpsel p0, v18, v6;
	v8 =	vadd.f32 v8, v11;
	v16 =	vsub.f32 v24, v19  }
0x27b: {  	v12 =	vld [tilespmem:s31+$0x19700];
	v24 =	vshll.u32 v7, $0x10;
	vm2 =	vgt.s32 v31, $0xFFFFFFFF;
	vm4 =	vgt.s32 v20, $0xFFFFFFFF  }
0x27c: {  	vm8 =	vgt.s32 v31, $0x0;
	v10 =	vadd.f32 v13, v10;
	v7 =	vnsel vm4, $0x0, v21;
	v21 =	vld [tilespmem:s25+$0x19800]  }
0x27d: {  	v25 =	vld [tilespmem:s25+$0x1B800];
	v17 =	vadd.f32 v17, v9;
	v1 =	vshll.u32 v26, $0x10;
	v13 =	vsub.f32 $1.000000000e+00, v7  }
0x27e: {  	v15 =	vld [tilespmem:s31+$0x1B700];
	v27 =	vmul.f32 v1, v19;
	v1 =	vmul.f32 v22, v16;
	v22 =	vnsel vm2, $0x0, v23  }
0x27f: {  	v60 =	vld [tilespmem:s25+$0x19880];
	v31 =	vnsel vm8, $0x0, v31;
	vm4 =	vgt.s32 v28, $0x0;
	v9 =	vmul.f32 v22, v13  }
0x280: {  	v61 =	vld [tilespmem:s25+$0x19A00];
	v30 =	vnsel vm4, $0x0, v28;
	vm4 =	vgt.s32 v12, $0xFFFFFFFF;
	v19 =	vmul.f32 v26, v19  }
0x281: {  	v11 =	vld [tilespmem:s25+$0x1B880];
	v22 =	vmul.f32 v24, v3;
	v3 =	vsub.f32 v13, v9;
	vm6 =	vgt.s32 v21, $0xFFFFFFFF  }
0x282: {  	v16 =	vld [tilespmem:s11+$0x1B700];
	vm2 =	vgt.s32 v28, $0xFFFFFFFF;
	v13 =	vshll.u32 v2, $0x10;
	v24 =	vnsel vm6, $0x0, v25  }
0x283: {  	v23 =	vld [tilespmem:s31+$0x19800];
	v2 =	vadd.f32 v27, v10;
	v27 =	vnsel vm4, $0x0, v15;
	v28 =	vmul.f32 v24, v3  }
0x284: {  	v26 =	vld [tilespmem:s31+$0x1B800];
	vm4 =	vgt.s32 v60, $0xFFFFFFFF;
	v8 =	vadd.f32 v22, v8;
	vm8 =	vgt.s32 v21, $0x0  }
0x285: {  	v4 =	vmul.f32 v13, v4;
	vm6 =	vlt.s32 v12, $0x0;
	v13 =	vld [tilespmem:s25+$0x19900];
	v15 =	vsub.f32 v3, v28  }
0x286: {  	s16 =	sor.u32 $0x180, s1;
	v25 =	vld [tilespmem:s25+$0x1B900];
	v11 =	vnsel vm4, $0x0, v11;
	v3 =	vadd.f32 v19, v17;
	v17 =	vsub.f32 $1.000000000e+00, v27  }
0x287: {  	v10 =	vld [tilespmem:s16+$0x19700];
	v55 =	vnsel vm8, $0x0, v21;
	vm8 =	vgt.s32 v60, $0x0;
	v16 =	vnsel vm2, $0x0, v16  }
0x288: {  	v22 =	vld [tilespmem:s25+$0x1B980];
	vm4 =	vgt.s32 v23, $0x0;
	v24 =	vmul.f32 v11, v15;
	v29 =	vmul.f32 v16, v17  }
0x289: {  	v12 =	vsel vm6, $0x0, v12;
	vm2 =	vgt.s32 v23, $0xFFFFFFFF;
	v33 =	vnsel vm4, $0x0, v23;
	v11 =	vld [tilespmem:s25+$0x19980]  }
0x28a: {  	v19 =	vld [tilespmem:s16+$0x1B700];
	vm4 =	vgt.s32 v13, $0xFFFFFFFF;
	v16 =	vsub.f32 v15, v24;
	v17 =	vsub.f32 v17, v29  }
0x28b: {  	v0 =	vld [tilespmem:s5+$0x1C900];
	vm12 =	vgt.s32 v13, $0x0;
	v15 =	vnsel vm4, $0x0, v25;
	v25 =	vnsel vm2, $0x0, v26  }
0x28c: {  	v23 =	vld [tilespmem:s31+$0x1B900];
	vm2 =	vgt.s32 v10, $0x0;
	v15 =	vmul.f32 v15, v16;
	v26 =	vmul.f32 v25, v17  }
0x28d: {  	v57 =	vld [tilespmem:s25+$0x1BF00];
	v13 =	vnsel vm12, $0x0, v13;
	vm4 =	vgt.s32 v10, $0xFFFFFFFF;
	v36 =	vnsel vm2, $0x0, v10  }
0x28e: {  	vm7 =	vgt.s32 v11, $0xFFFFFFFF;
	v10 =	vsub.f32 v16, v15;
	v16 =	vld [tilespmem:s25+$0x1BA00];
	v25 =	vsub.f32 v17, v26  }
0x28f: {  	v19 =	vnsel vm4, $0x0, v19;
	vm4 =	vlt.s32 v20, $0x0;
	v17 =	vnsel vm7, $0x0, v22;
	v22 =	vld [tilespmem:s25+$0x19A80]  }
0x290: {  	v17 =	vmul.f32 v17, v10;
	v32 =	vmul.f32 v19, v25;
	v19 =	vsel vm4, $0x0, v20;
	v20 =	vld [tilespmem:s25+$0x1BA80]  }
0x291: {  	v50 =	vld.idx.msk [tilespmem:v31+s6+$0x0], $0xffff;
	v8 =	vadd.f32 v4, v8;
	v4 =	vpsel p0, v59, v0;
	v23 =	vnsel vm9, $0x0, v23  }
0x292: {  	v31 =	vld [tilespmem:s25+$0x1A000];
	vm7 =	vgt.s32 v61, $0xFFFFFFFF;
	v10 =	vsub.f32 v10, v17;
	v25 =	vsub.f32 v25, v32  }
0x293: {  	v58 =	vld [tilespmem:s25+$0x1C000];
	vm2 =	vmand vm0, vm6;
	v16 =	vnsel vm7, $0x0, v16;
	vm7 =	vgt.s32 v41, $0x0  }
0x294: {  	v45 =	vld.idx.msk [tilespmem:v13+s6+$0x0], $0xffff;
	vm15 =	vgt.s32 v22, $0xFFFFFFFF;
	v18 =	vmul.f32 v16, v10;
	v35 =	vmul.f32 v23, v25  }
0x295: {  	v41 =	vnsel vm7, $0x0, v41;
	v49 =	vld.idx.msk [tilespmem:v19+s6+$0x0], $0xffff;
	v19 =	vnsel vm8, $0x0, v60;
	v20 =	vnsel vm15, $0x0, v20  }
0x296: {  	v16 =	vld [tilespmem:s25+$0x19F80];
	vm8 =	vgt.s32 v39, $0xFFFFFFFF;
	v60 =	vmul.f32 v50, v9;
	v10 =	vsub.f32 v10, v18  }
0x297: {  	vm15 =	vgt.s32 v31, $0xFFFFFFFF;
	v51 =	vsub.f32 v25, v35;
	v25 =	vnsel vm13, $0x0, v57  }
0x298: {  	v52 =	vld.idx.msk [tilespmem:v55+s6+$0x0], $0xffff;
	v34 =	vnsel vm15, $0x0, v58;
	v21 =	vmul.f32 v20, v10;
	v20 =	vnsel vm8, $0x0, v62  }
0x299: {  	v23 =	vld [tilespmem:s25+$0x1BF80];
	vm8 =	vgt.s32 v11, $0x0;
	v62 =	vmul.f32 v45, v15;
	v45 =	vshll.u32 v45, $0x10  }
0x29a: {  	v11 =	vnsel vm8, $0x0, v11;
	vm8 =	vgt.s32 v61, $0x0;
	v10 =	vsub.f32 v10, v21  }
0x29b: {  	vm14 =	vgt.s32 v16, $0xFFFFFFFF;
	v43 =	vmul.f32 v20, v51;
	v46 =	vld.idx.msk [tilespmem:v19+s6+$0x0], $0xffff;
	v59 =	vmul.f32 v49, v7  }
0x29c: {  	v19 =	vmul.f32 v25, v10;
	v25 =	vnsel vm8, $0x0, v61;
	vm8 =	vgt.s32 v22, $0x0  }
0x29d: {  	v63 =	vld [tilespmem:s25+$0x1C080];
	v15 =	vmul.f32 v45, v15;
	v61 =	vmul.f32 v52, v28;
	v13 =	vnsel vm8, $0x0, v22  }
0x29e: {  	v53 =	vld [tilespmem:s25+$0x1A080];
	vm8 =	vgt.s32 v56, $0x0;
	v22 =	vnsel vm14, $0x0, v23;
	v23 =	vadd.f32 v60, v59  }
0x29f: {  	v51 =	vsub.f32 v51, v43;
	v10 =	vsub.f32 v10, v19;
	v44 =	vld.idx.msk [tilespmem:v11+s6+$0x0], $0xffff;
	v11 =	vnsel vm8, $0x0, v56  }
0x2a0: {  	v54 =	vld [tilespmem:s25+$0x1A100];
	v20 =	vadd.f32 v61, v23;
	v23 =	vmul.f32 v46, v24;
	v46 =	vshll.u32 v46, $0x10  }
0x2a1: {  	v55 =	vld [tilespmem:s25+$0x1A180];
	vm8 =	vgt.s32 v16, $0x0;
	v22 =	vmul.f32 v22, v10;
	v24 =	vmul.f32 v46, v24  }
0x2a2: {  	v42 =	vld.idx.msk [tilespmem:v25+s6+$0x0], $0xffff;
	v25 =	vnsel vm8, $0x0, v16;
	v20 =	vadd.f32 v23, v20;
	v16 =	vsel vm5, v6, v8  }
0x2a3: {  	v47 =	vld [tilespmem:s25+$0x1C100];
	vm5 =	vgt.s32 v31, $0x0;
	vm8 =	vgt.s32 v53, $0x0;
	v10 =	vsub.f32 v10, v22  }
0x2a4: {  	v40 =	vld.idx.msk [tilespmem:v13+s6+$0x0], $0xffff;
	v6 =	vnsel vm5, $0x0, v31;
	vm5 =	vgt.s32 v53, $0xFFFFFFFF;
	v53 =	vnsel vm8, $0x0, v53  }
0x2a5: {  	v13 =	vld [tilespmem:s25+$0x1A200];
	vm8 =	vgt.s32 v54, $0xFFFFFFFF;
	v8 =	vadd.f32 v62, v20;
	v20 =	vmul.f32 v44, v17  }
0x2a6: {  	v38 =	vld.idx.msk [tilespmem:v11+s6+$0x0], $0xffff;
	v11 =	vnsel vm5, $0x0, v63;
	vm5 =	vgt.s32 v54, $0x0;
	v23 =	vmul.f32 v34, v10  }
0x2a7: {  	v48 =	vld [tilespmem:s25+$0x1A280];
	v44 =	vshll.u32 v44, $0x10;
	v54 =	vnsel vm5, $0x0, v54;
	vm5 =	vgt.s32 v55, $0x0  }
0x2a8: {  	v56 =	vld [tilespmem:s31+$0x19A00];
	v17 =	vmul.f32 v44, v17;
	v8 =	vadd.f32 v20, v8;
	v10 =	vsub.f32 v10, v23  }
0x2a9: {  	v57 =	vnsel vm5, $0x0, v55;
	v31 =	vmul.f32 v42, v18;
	v37 =	vld.idx.msk [tilespmem:v25+s6+$0x0], $0xffff;
	v42 =	vshll.u32 v42, $0x10  }
0x2aa: {  	v25 =	vmul.f32 v40, v21;
	v34 =	vld.idx.msk [tilespmem:v6+s6+$0x0], $0xffff;
	vm5 =	vgt.s32 v13, $0x0;
	v20 =	vmul.f32 v11, v10  }
0x2ab: {  	v18 =	vmul.f32 v42, v18;
	v40 =	vshll.u32 v40, $0x10;
	v11 =	vld [tilespmem:s25+$0x1C180];
	v8 =	vadd.f32 v31, v8  }
0x2ac: {  	s18 =	sor.u32 $0x380, s1;
	v63 =	vmul.f32 v38, v19;
	v31 =	vld.idx.msk [tilespmem:v53+s6+$0x0], $0xffff;
	v62 =	vnsel vm5, $0x0, v13;
	v6 =	vsub.f32 v10, v20  }
0x2ad: {  	vm5 =	vgt.s32 v48, $0x0;
	v53 =	vld [tilespmem:s18+$0x19700];
	v10 =	vnsel vm8, $0x0, v47;
	v25 =	vadd.f32 v25, v8  }
0x2ae: {  	v58 =	vld [tilespmem:s31+$0x1BA00];
	v59 =	vnsel vm5, $0x0, v48;
	vm5 =	vgt.s32 v56, $0xFFFFFFFF;
	v8 =	vmul.f32 v10, v6  }
0x2af: {  	v61 =	vld [tilespmem:s25+$0x1C200];
	vm8 =	vgt.s32 v55, $0xFFFFFFFF;
	v60 =	vmul.f32 v37, v22;
	v10 =	vadd.f32 v63, v25  }
0x2b0: {  	v37 =	vshll.u32 v37, $0x10;
	v25 =	vld.idx.msk [tilespmem:v54+s6+$0x0], $0xffff;
	v63 =	vmul.f32 v34, v23;
	v6 =	vsub.f32 v6, v8  }
0x2b1: {  	v11 =	vnsel vm8, $0x0, v11;
	vm8 =	vgt.s32 v13, $0xFFFFFFFF;
	v13 =	vld.idx.msk [tilespmem:v57+s6+$0x0], $0xffff;
	v47 =	vadd.f32 v60, v10  }
0x2b2: {  	v57 =	vshll.u32 v50, $0x10;
	vm7 =	vgt.s32 v53, $0xFFFFFFFF;
	v10 =	vmul.f32 v11, v6  }
0x2b3: {  	v60 =	vld [tilespmem:s25+$0x1C280];
	v11 =	vshll.u32 v49, $0x10;
	v47 =	vadd.f32 v63, v47;
	v49 =	vmul.f32 v57, v9  }
0x2b4: {  	v9 =	vnsel vm8, $0x0, v61;
	v54 =	vmul.f32 v11, v7;
	v7 =	vmul.f32 v31, v20  }
0x2b5: {  	v11 =	vld.idx.msk [tilespmem:v62+s6+$0x0], $0xffff;
	v61 =	vmul.f32 v25, v8;
	v62 =	vnsel vm5, $0x0, v58;
	vm5 =	vgt.s32 v48, $0xFFFFFFFF  }
0x2b6: {  	v55 =	vld [tilespmem:s31+$0x19F00];
	v31 =	vshll.u32 v31, $0x10;
	v25 =	vshll.u32 v25, $0x10;
	v63 =	vmul.f32 v13, v10  }
0x2b7: {  	s20 =	sor.u32 $0x880, s1;
	v48 =	vld [tilespmem:s18+$0x1B700];
	v6 =	vsub.f32 v6, v10;
	v57 =	vmul.f32 v62, v51;
	v20 =	vmul.f32 v31, v20  }
0x2b8: {  	v58 =	vld [tilespmem:s20+$0x19700];
	v47 =	vadd.f32 v7, v47;
	v50 =	vnsel vm5, $0x0, v60;
	vm5 =	vgt.s32 v39, $0x0  }
0x2b9: {  	v49 =	vadd.f32 v49, v54;
	v9 =	vmul.f32 v9, v6;
	v51 =	vsub.f32 v51, v57  }
0x2ba: {  	v60 =	vld.idx.msk [tilespmem:v12+s6+$0x0], $0xffff;
	v39 =	vnsel vm5, $0x0, v39;
	vm5 =	vmmov vm3;
	vm3 =	vmmov vm6  }
0x2bb: {  	v30 =	vld.idx.msk [tilespmem:v30+s6+$0x0], $0xffff;
	vm6 =	vgt.s32 v56, $0x0;
	v47 =	vadd.f32 v61, v47;
	v61 =	vshll.u32 v52, $0x10  }
0x2bc: {  	v33 =	vld.idx.msk [tilespmem:v33+s6+$0x0], $0xffff;
	v56 =	vnsel vm6, $0x0, v56;
	v6 =	vsub.f32 v6, v9;
	v28 =	vmul.f32 v61, v28  }
0x2bd: {  	v7 =	vld.idx.msk [tilespmem:v59+s6+$0x0], $0xffff;
	v48 =	vnsel vm7, $0x0, v48;
	vm7 =	vgt.s32 v55, $0xFFFFFFFF;
	vm6 =	vgt.s32 v58, $0xFFFFFFFF  }
0x2be: {  	v47 =	vadd.f32 v63, v47;
	v48 =	vmul.f32 v48, v51;
	v12 =	vmul.f32 v50, v6  }
0x2bf: {  	v63 =	vld [tilespmem:s31+$0x1BF00];
	v6 =	vmul.f32 v11, v9;
	v59 =	vshll.u32 v60, $0x10;
	v60 =	vmul.f32 v60, v27  }
0x2c0: {  	v36 =	vld.idx.msk [tilespmem:v36+s6+$0x0], $0xffff;
	v28 =	vadd.f32 v28, v49;
	v50 =	vmul.f32 v59, v27;
	v27 =	vshll.u32 v30, $0x10  }
0x2c1: {  	v41 =	vld.idx.msk [tilespmem:v41+s6+$0x0], $0xffff;
	v61 =	vsub.f32 v51, v48;
	v30 =	vmul.f32 v30, v29;
	v59 =	vshll.u32 v33, $0x10  }
0x2c2: {  	s19 =	simm.s32 $0x0;
	v46 =	vld [tilespmem:s31+$0x1A000];
	v47 =	vadd.f32 v6, v47;
	v62 =	vmul.f32 v7, v12;
	v29 =	vmul.f32 v27, v29  }
0x2c3: {  	s28 =	sor.u32 s19, s23;
	v39 =	vld.idx.msk [tilespmem:v39+s6+$0x0], $0xffff;
	v49 =	vmul.f32 v59, v26;
	v26 =	vmul.f32 v33, v26;
	v24 =	vadd.f32 v24, v28  }
0x2c4: {  	v6 =	vld [tilespmem:s28+$0x1C980];
	v30 =	vadd.f32 v30, v60;
	v47 =	vadd.f32 v62, v47;
	v27 =	vnsel vm7, $0x0, v63  }
0x2c5: {  	v60 =	vld [tilespmem:s31+$0x1C000];
	vm7 =	vmand vm0, vm4;
	v29 =	vadd.f32 v29, v50;
	v15 =	vadd.f32 v15, v24  }
0x2c6: {  	s22 =	sor.u32 $0x980, s1;
	v62 =	vld [tilespmem:s20+$0x1B700];
	v54 =	vmul.f32 v27, v61;
	v26 =	vadd.f32 v26, v30;
	v30 =	vshll.u32 v41, $0x10  }
0x2c7: {  	v28 =	vld [tilespmem:s22+$0x19700];
	v29 =	vadd.f32 v49, v29;
	v30 =	vmul.f32 v30, v35;
	v35 =	vmul.f32 v41, v35  }
0x2c8: {  	v52 =	vld.idx.msk [tilespmem:v56+s6+$0x0], $0xffff;
	v56 =	vshll.u32 v39, $0x10;
	v39 =	vmul.f32 v39, v43;
	v15 =	vadd.f32 v17, v15  }
0x2c9: {  	v27 =	vsel vm7, v6, v47;
	v63 =	vsub.f32 v61, v54;
	v61 =	vshll.u32 v36, $0x10  }
0x2ca: {  	v36 =	vmul.f32 v36, v32;
	vm7 =	vgt.s32 v46, $0xFFFFFFFF;
	v45 =	vmul.f32 v56, v43  }
0x2cb: {  	v32 =	vmul.f32 v61, v32;
	v50 =	vnsel vm7, $0x0, v60;
	v51 =	vnsel vm6, $0x0, v62  }
0x2cc: {  	vm7 =	vgt.s32 v28, $0xFFFFFFFF;
	v15 =	vadd.f32 v18, v15;
	v51 =	vmul.f32 v51, v63  }
0x2cd: {  	vm6 =	vgt.s32 v53, $0x0;
	v26 =	vadd.f32 v36, v26;
	v29 =	vadd.f32 v32, v29  }
0x2ce: {  	v36 =	vmul.f32 v52, v57;
	v62 =	vsub.f32 v63, v51;
	v63 =	vnsel vm6, $0x0, v53  }
0x2cf: {  	v26 =	vadd.f32 v35, v26;
	vm6 =	vgt.s32 v55, $0x0;
	v53 =	vld [tilespmem:s22+$0x1B700];
	v29 =	vadd.f32 v30, v29  }
0x2d0: {  	v30 =	vshll.u32 v52, $0x10;
	v59 =	vnsel vm6, $0x0, v55;
	vm6 =	vgt.s32 v58, $0x0  }
0x2d1: {  	v61 =	vld [tilespmem:s31+$0x1A100];
	v30 =	vmul.f32 v30, v57;
	v26 =	vadd.f32 v39, v26;
	v32 =	vmul.f32 v50, v62  }
0x2d2: {  	v17 =	vld [tilespmem:s31+$0x1C100];
	v60 =	vnsel vm6, $0x0, v58;
	v29 =	vadd.f32 v45, v29;
	vm6 =	vgt.s32 v46, $0x0  }
0x2d3: {  	s23 =	sor.u32 $0xA80, s1;
	v49 =	vnsel vm6, $0x0, v46;
	vm6 =	vgt.s32 v28, $0x0;
	v33 =	vsub.f32 v62, v32;
	v24 =	vld.idx.msk [tilespmem:v63+s6+$0x0], $0xffff  }
0x2d4: {  	v50 =	vshll.u32 v38, $0x10;
	v28 =	vnsel vm6, $0x0, v28;
	v41 =	vnsel vm7, $0x0, v53;
	v53 =	vld [tilespmem:s23+$0x19700]  }
0x2d5: {  	v58 =	vmul.f32 v37, v22;
	v26 =	vadd.f32 v36, v26;
	v41 =	vmul.f32 v41, v33;
	v62 =	vld.idx.msk [tilespmem:v59+s6+$0x0], $0xffff  }
0x2d6: {  	v29 =	vadd.f32 v30, v29;
	v30 =	vmul.f32 v40, v21;
	vm7 =	vgt.s32 v61, $0xFFFFFFFF  }
0x2d7: {  	vm6 =	vgt.s32 v61, $0x0;
	v17 =	vnsel vm7, $0x0, v17;
	v33 =	vsub.f32 v33, v41  }
0x2d8: {  	v15 =	vadd.f32 v30, v15;
	v35 =	vld.idx.msk [tilespmem:v60+s6+$0x0], $0xffff;
	v63 =	vshll.u32 v24, $0x10;
	v24 =	vmul.f32 v24, v48  }
0x2d9: {  	v59 =	vld.idx.msk [tilespmem:v28+s6+$0x0], $0xffff;
	v28 =	vshll.u32 v34, $0x10;
	v21 =	vmul.f32 v17, v33;
	v17 =	vmul.f32 v50, v19  }
0x2da: {  	v19 =	vld.idx.msk [tilespmem:v49+s6+$0x0], $0xffff;
	vm7 =	vgt.s32 v53, $0x0;
	v39 =	vmul.f32 v63, v48;
	v18 =	vshll.u32 v62, $0x10  }
0x2db: {  	v52 =	vmul.f32 v62, v54;
	v60 =	vnsel vm7, $0x0, v53;
	v62 =	vmul.f32 v28, v23  }
0x2dc: {  	v30 =	vld [tilespmem:s23+$0x1B700];
	v18 =	vmul.f32 v18, v54;
	v24 =	vadd.f32 v24, v26;
	v54 =	vnsel vm6, $0x0, v61  }
0x2dd: {  	s25 =	sor.u32 $0xB80, s1;
	v57 =	vld [tilespmem:s31+$0x1A200];
	v26 =	vshll.u32 v35, $0x10;
	v35 =	vmul.f32 v35, v51;
	v15 =	vadd.f32 v17, v15  }
0x2de: {  	v56 =	vsub.f32 v33, v21;
	vm6 =	vgt.s32 v53, $0xFFFFFFFF;
	v17 =	vld [tilespmem:s25+$0x19700];
	v29 =	vadd.f32 v39, v29  }
0x2df: {  	v55 =	vmul.f32 v26, v51;
	v26 =	vld [tilespmem:s31+$0x1C200];
	v63 =	vadd.f32 v58, v15;
	v22 =	vshll.u32 v19, $0x10  }
0x2e0: {  	v15 =	vshll.u32 v59, $0x10;
	v18 =	vadd.f32 v18, v29;
	v61 =	vmul.f32 v22, v32;
	v22 =	vld [tilespmem:s25+$0x1B700]  }
0x2e1: {  	s3 =	sor.u32 s3, s19;
	v29 =	vadd.f32 v52, v24;
	v32 =	vmul.f32 v19, v32;
	v19 =	vnsel vm6, $0x0, v30;
	v28 =	vld.idx.msk [tilespmem:v54+s6+$0x0], $0xffff  }
0x2e2: {  	[tilespmem:s28+$0x1CD80] =	vst v27;
	vm6 =	vgt.s32 v57, $0x0;
	v30 =	vmul.f32 v15, v41;
	v15 =	vld [tilespmem:s3+$0x1C900];
	v27 =	vadd.f32 v62, v63  }
0x2e3: {  	[tilespmem:s29+$0x1CD00] =	vst v16;
	s31 =	sor.u32 s19, s26;
	v16 =	vld.idx.msk [tilespmem:v60+s6+$0x0], $0xffff;
	v18 =	vadd.f32 v55, v18;
	v24 =	vmul.f32 v19, v56;
	v33 =	vnsel vm6, $0x0, v57  }
0x2e4: {  	s1 =	sor.u32 $0x80, s31;
	v35 =	vadd.f32 v35, v29;
	v19 =	vld.idx.msk [tilespmem:v14+s6+$0x0], $0xffff;
	v29 =	vmul.f32 v59, v41;
	vm7 =	vgt.s32 v17, $0x0  }
0x2e5: {  	[tilespmem:s29+$0x1CD80] =	vst v5;
	v14 =	vld [tilespmem:s1+$0x1C900];
	vm6 =	vgt.s32 v57, $0xFFFFFFFF;
	v5 =	vnsel vm7, $0x0, v17;
	v23 =	vsub.f32 v56, v24  }
0x2e6: {  	s30 =	simm.s32 $0x2;
	s29 =	simm.s32 $0x4;
	v34 =	vadd.f32 v61, v18;
	v32 =	vadd.f32 v32, v35;
	v18 =	vld [tilespmem:s28+$0x1C900];
	v35 =	vshll.u32 v28, $0x10  }
.LBB2_5:
0x2e7: {  	v31 =	vmul.f32 v35, v21;
	v21 =	vmul.f32 v28, v21;
	v26 =	vnsel vm6, $0x0, v26  }
0x2e8: {  	s0 =	sshll.u32 s29, $0x7;
	v28 =	vld.idx.msk [tilespmem:v33+s6+$0x0], $0xffff;
	vm7 =	vmmov vm1;
	vm1 =	vmmov vm2;
	vm6 =	vmmov vm4  }
0x2e9: {  	s30 =	sadd.s32 $0x2, s30;
	v30 =	vadd.f32 v30, v34;
	v25 =	vmul.f32 v25, v8;
	s26 =	sadd.s32 $0x20, s26;
	s0 =	sand.u32 $0xFFFFFC00, s0;
	v26 =	vmul.f32 v26, v23  }
0x2ea: {  	v29 =	vadd.f32 v29, v32;
	v20 =	vadd.f32 v20, v27;
	s16 =	sshrl.u32 s30, $0x3;
	s17 =	sand.u32 $0x60, s26;
	v8 =	vshll.u32 v16, $0x10;
	s8 =	sadd.s32 s0, s26  }
0x2eb: {  	s0 =	sshll.u32 s16, $0xA;
	s11 =	sor.u32 $0x10, s17;
	v27 =	vmul.f32 v8, v24;
	v8 =	vshll.u32 v13, $0x10;
	s31 =	sor.u32 $0x80, s8;
	v23 =	vsub.f32 v23, v26  }
0x2ec: {  	v16 =	vmul.f32 v16, v24;
	v30 =	vadd.f32 v31, v30;
	s22 =	sor.u32 s17, s0;
	s19 =	sor.u32 $0x180, s8;
	s2 =	sor.u32 s0, s11;
	v24 =	vmul.f32 v8, v10;
	v13 =	vld [tilespmem:s31+$0x19700]  }
0x2ed: {  	vm2 =	vgt.s32 v17, $0xFFFFFFFF;
	v21 =	vadd.f32 v21, v29;
	v17 =	vadd.f32 v25, v20;
	s18 =	sor.u32 $0x280, s8;
	s0 =	sor.u32 $0x380, s8;
	s23 =	sor.u32 $0x880, s8;
	v8 =	vld [tilespmem:s2+$0x19700]  }
0x2ee: {  	v11 =	vshll.u32 v11, $0x10;
	v22 =	vnsel vm2, $0x0, v22;
	s20 =	sor.u32 $0x980, s8;
	s9 =	sor.u32 $0xA80, s8;
	s25 =	sor.u32 $0xB80, s8;
	v25 =	vshll.u32 v28, $0x10;
	v20 =	vld [tilespmem:s2+$0x1B700]  }
0x2ef: {  	p1 =	slt.u32 s30, $0xE;
	v27 =	vadd.f32 v27, v30;
	v22 =	vmul.f32 v22, v23;
	v25 =	vmul.f32 v25, v26;
	v10 =	vld [tilespmem:s2+$0x19780]  }
0x2f0: {  	v11 =	vmul.f32 v11, v9;
	v21 =	vadd.f32 v16, v21;
	v26 =	vmul.f32 v28, v26;
	v23 =	vld [tilespmem:s2+$0x1B780]  }
0x2f1: {  	v24 =	vadd.f32 v24, v17;
	v28 =	vld [tilespmem:s22+$0x19700];
	vm2 =	vgt.s32 v13, $0xFFFFFFFF;
	vm4 =	vgt.s32 v13, $0x0  }
0x2f2: {  	v29 =	vshll.u32 v19, $0x10;
	v16 =	vld [tilespmem:s22+$0x1B700];
	v17 =	vnsel vm4, $0x0, v13;
	vm4 =	vgt.s32 v8, $0xFFFFFFFF  }
0x2f3: {  	v7 =	vshll.u32 v7, $0x10;
	v9 =	vnsel vm4, $0x0, v20;
	v13 =	vld [tilespmem:s2+$0x19800];
	v20 =	vmul.f32 v29, v1  }
0x2f4: {  	v19 =	vmul.f32 v19, v1;
	v1 =	vmovc v22;
	v29 =	vsub.f32 $1.000000000e+00, v9;
	vm4 =	vgt.s32 v10, $0xFFFFFFFF;
	v30 =	vld [tilespmem:s2+$0x1B800]  }
0x2f5: {  	v25 =	vadd.f32 v25, v27;
	v27 =	vmul.f32 v7, v12;
	v22 =	vld [tilespmem:s31+$0x1B700];
	v23 =	vnsel vm4, $0x0, v23  }
0x2f6: {  	vm4 =	vgt.s32 v28, $0xFFFFFFFF;
	vm8 =	vlt.s32 v28, $0x0;
	v31 =	vld [tilespmem:s22+$0x19800];
	v7 =	vmul.f32 v23, v29  }
0x2f7: {  	v21 =	vadd.f32 v26, v21;
	v16 =	vnsel vm4, $0x0, v16;
	v12 =	vsel vm8, $0x0, v28;
	v23 =	vld [tilespmem:s2+$0x19880]  }
0x2f8: {  	v26 =	vsub.f32 $1.000000000e+00, v16;
	v28 =	vsub.f32 v29, v7;
	vm4 =	vgt.s32 v13, $0xFFFFFFFF;
	v32 =	vld [tilespmem:s2+$0x1B880]  }
0x2f9: {  	v11 =	vadd.f32 v11, v24;
	v20 =	vadd.f32 v20, v2;
	v2 =	vmovc v25;
	v33 =	vld [tilespmem:s22+$0x1B800];
	v29 =	vnsel vm4, $0x0, v30  }
0x2fa: {  	v25 =	vadd.f32 v19, v3;
	v3 =	vmovc v21;
	v22 =	vnsel vm2, $0x0, v22;
	v24 =	vld [tilespmem:s19+$0x19700];
	v30 =	vmul.f32 v29, v28  }
0x2fb: {  	v19 =	vmul.f32 v22, v26;
	vm2 =	vgt.s32 v31, $0xFFFFFFFF;
	vm4 =	vgt.s32 v31, $0x0;
	v34 =	vld [tilespmem:s2+$0x19900]  }
0x2fc: {  	v29 =	vnsel vm4, $0x0, v31;
	v21 =	vsub.f32 v28, v30;
	vm4 =	vgt.s32 v23, $0xFFFFFFFF;
	v28 =	vld [tilespmem:s2+$0x1B900]  }
0x2fd: {  	v27 =	vadd.f32 v27, v11;
	v31 =	vsub.f32 v26, v19;
	v35 =	vld [tilespmem:s19+$0x1B700];
	v22 =	vnsel vm4, $0x0, v32  }
0x2fe: {  	v36 =	vpsel p0, v15, v14;
	v11 =	vnsel vm2, $0x0, v33;
	v33 =	vld [tilespmem:s22+$0x19900];
	v26 =	vmul.f32 v22, v21  }
0x2ff: {  	v22 =	vmul.f32 v11, v31;
	vm4 =	vgt.s32 v24, $0xFFFFFFFF;
	vm2 =	vgt.s32 v24, $0x0;
	v37 =	vld [tilespmem:s2+$0x19980]  }
0x300: {  	v32 =	vnsel vm2, $0x0, v24;
	v11 =	vsub.f32 v21, v26;
	vm9 =	vgt.s32 v34, $0xFFFFFFFF;
	v21 =	vld [tilespmem:s2+$0x1B980]  }
0x301: {  	vm2 =	vmand vm0, vm8;
	v24 =	vsub.f32 v31, v22;
	v31 =	vld [tilespmem:s22+$0x1B900];
	v15 =	vnsel vm9, $0x0, v28  }
0x302: {  	v39 =	vpsel p0, v18, v6;
	v28 =	vnsel vm4, $0x0, v35;
	v15 =	vmul.f32 v15, v11;
	v38 =	vld [tilespmem:s2+$0x19A00]  }
0x303: {  	v28 =	vmul.f32 v28, v24;
	vm4 =	vgt.s32 v33, $0xFFFFFFFF;
	vm9 =	vgt.s32 v33, $0x0;
	v6 =	vld [tilespmem:s18+$0x19700]  }
0x304: {  	v35 =	vnsel vm9, $0x0, v33;
	v33 =	vsub.f32 v11, v15;
	vm9 =	vgt.s32 v37, $0xFFFFFFFF;
	v40 =	vld [tilespmem:s2+$0x1BA00]  }
0x305: {  	v20 =	vsel vm5, v4, v20;
	v4 =	vmovc v36;
	v24 =	vsub.f32 v24, v28;
	v41 =	vld [tilespmem:s18+$0x1B700];
	v11 =	vnsel vm9, $0x0, v21  }
0x306: {  	v25 =	vsel vm7, v0, v25;
	v0 =	vmovc v14;
	v21 =	vnsel vm4, $0x0, v31;
	v18 =	vmul.f32 v11, v33;
	v11 =	vld [tilespmem:s2+$0x1C100];
	[tilespmem:s4+$0x1CD00] =	vst v20;
	s4 =	smov.u32 s3  }
0x307: {  	vm4 =	vlt.s32 v8, $0x0;
	v14 =	vmul.f32 v21, v24;
	vm5 =	vgt.s32 v38, $0xFFFFFFFF;
	v31 =	vld [tilespmem:s2+$0x19A80];
	[tilespmem:s5+$0x1CD00] =	vst v25;
	s5 =	smov.u32 s1  }
0x308: {  	vm7 =	vgt.s32 v10, $0x0;
	v8 =	vsel vm4, $0x0, v8;
	v21 =	vsub.f32 v33, v18;
	v25 =	vld [tilespmem:s2+$0x1BA80]  }
0x309: {  	v10 =	vnsel vm7, $0x0, v10;
	v24 =	vsub.f32 v24, v14;
	v20 =	vnsel vm5, $0x0, v40;
	v36 =	vld [tilespmem:s2+$0x1C080]  }
0x30a: {  	vm7 =	vgt.s32 v13, $0x0;
	vm5 =	vgt.s32 v6, $0xFFFFFFFF;
	v20 =	vmul.f32 v20, v21;
	v46 =	vld [tilespmem:s2+$0x19F80]  }
0x30b: {  	v13 =	vnsel vm7, $0x0, v13;
	v33 =	vnsel vm5, $0x0, v41;
	vm5 =	vgt.s32 v6, $0x0;
	v40 =	vld [tilespmem:s2+$0x19F00]  }
0x30c: {  	vm7 =	vgt.s32 v23, $0x0;
	v41 =	vsub.f32 v21, v20;
	vm9 =	vgt.s32 v31, $0xFFFFFFFF;
	v43 =	vld [tilespmem:s2+$0x1BF00]  }
0x30d: {  	v33 =	vmul.f32 v33, v24;
	v47 =	vld.idx.msk [tilespmem:v8+s6+$0x0], $0xffff;
	v8 =	vnsel vm7, $0x0, v23;
	v21 =	vnsel vm9, $0x0, v25  }
0x30e: {  	v42 =	vnsel vm5, $0x0, v6;
	vm5 =	vgt.s32 v34, $0x0;
	v48 =	vld.idx.msk [tilespmem:v10+s6+$0x0], $0xffff;
	v21 =	vmul.f32 v21, v41  }
0x30f: {  	v6 =	vsub.f32 v24, v33;
	v23 =	vsel vm6, v39, v27;
	v10 =	vnsel vm5, $0x0, v34;
	v24 =	vld [tilespmem:s2+$0x1BF80]  }
0x310: {  	vm5 =	vgt.s32 v37, $0x0;
	v45 =	vld.idx.msk [tilespmem:v13+s6+$0x0], $0xffff;
	v13 =	vsub.f32 v41, v21;
	vm6 =	vgt.s32 v40, $0xFFFFFFFF;
	[tilespmem:s28+$0x1CD00] =	vst v23  }
0x311: {  	v25 =	vnsel vm5, $0x0, v37;
	vm5 =	vmmov vm3;
	v23 =	vnsel vm6, $0x0, v43;
	v27 =	vld [tilespmem:s2+$0x1A000]  }
0x312: {  	vm3 =	vmmov vm8;
	vm6 =	vgt.s32 v38, $0x0;
	v44 =	vld.idx.msk [tilespmem:v8+s6+$0x0], $0xffff;
	v23 =	vmul.f32 v23, v13  }
0x313: {  	vm7 =	vgt.s32 v46, $0xFFFFFFFF;
	v8 =	vnsel vm6, $0x0, v38;
	vm6 =	vgt.s32 v31, $0x0;
	v34 =	vld [tilespmem:s2+$0x1C000]  }
0x314: {  	v37 =	vmul.f32 v47, v9;
	v38 =	vmul.f32 v48, v7;
	v43 =	vld.idx.msk [tilespmem:v10+s6+$0x0], $0xffff;
	v10 =	vsub.f32 v13, v23  }
0x315: {  	v13 =	vnsel vm6, $0x0, v31;
	vm6 =	vgt.s32 v40, $0x0;
	v24 =	vnsel vm7, $0x0, v24;
	v31 =	vld [tilespmem:s2+$0x1A080]  }
0x316: {  	v37 =	vadd.f32 v38, v37;
	v38 =	vmul.f32 v45, v30;
	v41 =	vld.idx.msk [tilespmem:v25+s6+$0x0], $0xffff;
	v24 =	vmul.f32 v24, v10  }
0x317: {  	v49 =	vnsel vm6, $0x0, v40;
	vm6 =	vgt.s32 v46, $0x0;
	vm7 =	vgt.s32 v27, $0xFFFFFFFF;
	v50 =	vld [tilespmem:s2+$0x1A100]  }
0x318: {  	v25 =	vadd.f32 v38, v37;
	v37 =	vmul.f32 v44, v26;
	v40 =	vld.idx.msk [tilespmem:v8+s6+$0x0], $0xffff;
	v8 =	vsub.f32 v10, v24  }
0x319: {  	v10 =	vnsel vm6, $0x0, v46;
	v34 =	vnsel vm7, $0x0, v34;
	vm6 =	vgt.s32 v27, $0x0;
	v46 =	vld [tilespmem:s2+$0x1A180]  }
0x31a: {  	v37 =	vadd.f32 v37, v25;
	v38 =	vmul.f32 v43, v15;
	v39 =	vld.idx.msk [tilespmem:v13+s6+$0x0], $0xffff;
	v25 =	vmul.f32 v34, v8  }
0x31b: {  	v13 =	vnsel vm6, $0x0, v27;
	vm6 =	vgt.s32 v31, $0xFFFFFFFF;
	vm7 =	vgt.s32 v31, $0x0;
	v51 =	vld [tilespmem:s2+$0x1A200]  }
0x31c: {  	v27 =	vadd.f32 v38, v37;
	v34 =	vmul.f32 v41, v18;
	v38 =	vld.idx.msk [tilespmem:v49+s6+$0x0], $0xffff;
	v8 =	vsub.f32 v8, v25  }
0x31d: {  	v36 =	vnsel vm6, $0x0, v36;
	v31 =	vnsel vm7, $0x0, v31;
	vm6 =	vgt.s32 v50, $0x0;
	v49 =	vld [tilespmem:s2+$0x1A280]  }
0x31e: {  	v34 =	vadd.f32 v34, v27;
	v52 =	vmul.f32 v40, v20;
	v37 =	vld.idx.msk [tilespmem:v10+s6+$0x0], $0xffff;
	v27 =	vmul.f32 v36, v8  }
0x31f: {  	vm7 =	vgt.s32 v50, $0xFFFFFFFF;
	v10 =	vnsel vm6, $0x0, v50;
	vm6 =	vgt.s32 v46, $0x0;
	v50 =	vld [tilespmem:s2+$0x1C180]  }
0x320: {  	v34 =	vadd.f32 v52, v34;
	v52 =	vmul.f32 v39, v21;
	v36 =	vld.idx.msk [tilespmem:v13+s6+$0x0], $0xffff;
	v13 =	vsub.f32 v8, v27  }
0x321: {  	v8 =	vnsel vm7, $0x0, v11;
	v11 =	vnsel vm6, $0x0, v46;
	vm6 =	vgt.s32 v51, $0x0;
	v53 =	vld [tilespmem:s22+$0x19A00]  }
0x322: {  	v52 =	vadd.f32 v52, v34;
	v54 =	vmul.f32 v38, v23;
	v34 =	vld.idx.msk [tilespmem:v31+s6+$0x0], $0xffff;
	v8 =	vmul.f32 v8, v13  }
0x323: {  	vm7 =	vgt.s32 v46, $0xFFFFFFFF;
	v55 =	vnsel vm6, $0x0, v51;
	vm6 =	vgt.s32 v49, $0x0;
	v46 =	vld [tilespmem:s2+$0x1C200]  }
0x324: {  	v52 =	vadd.f32 v54, v52;
	v54 =	vmul.f32 v37, v24;
	v56 =	vsub.f32 v13, v8;
	v31 =	vld.idx.msk [tilespmem:v10+s6+$0x0], $0xffff  }
0x325: {  	v47 =	vshll.u32 v47, $0x10;
	v10 =	vnsel vm7, $0x0, v50;
	v50 =	vnsel vm6, $0x0, v49;
	v57 =	vld [tilespmem:s22+$0x1BA00]  }
0x326: {  	v52 =	vadd.f32 v54, v52;
	v54 =	vmul.f32 v36, v25;
	v10 =	vmul.f32 v10, v56;
	v13 =	vld.idx.msk [tilespmem:v11+s6+$0x0], $0xffff  }
0x327: {  	v48 =	vshll.u32 v48, $0x10;
	vm7 =	vgt.s32 v51, $0xFFFFFFFF;
	vm6 =	vgt.s32 v53, $0xFFFFFFFF;
	v51 =	vld [tilespmem:s2+$0x1C280]  }
0x328: {  	v52 =	vadd.f32 v54, v52;
	v54 =	vmul.f32 v34, v27;
	v56 =	vsub.f32 v56, v10;
	v11 =	vld.idx.msk [tilespmem:v55+s6+$0x0], $0xffff  }
0x329: {  	v47 =	vmul.f32 v47, v9;
	v48 =	vmul.f32 v48, v7;
	v7 =	vnsel vm7, $0x0, v46;
	v55 =	vld [tilespmem:s0+$0x19700]  }
0x32a: {  	v46 =	vadd.f32 v54, v52;
	v52 =	vmul.f32 v31, v8;
	v9 =	vmul.f32 v7, v56;
	v7 =	vld.idx.msk [tilespmem:v50+s6+$0x0], $0xffff  }
0x32b: {  	v50 =	vnsel vm6, $0x0, v57;
	v57 =	vshll.u32 v45, $0x10;
	vm6 =	vgt.s32 v49, $0xFFFFFFFF;
	v54 =	vld [tilespmem:s0+$0x1B700]  }
0x32c: {  	v46 =	vadd.f32 v52, v46;
	v52 =	vmul.f32 v13, v10;
	v49 =	vld [tilespmem:s22+$0x19F00];
	v56 =	vsub.f32 v56, v9  }
0x32d: {  	v47 =	vadd.f32 v48, v47;
	v45 =	vmul.f32 v50, v6;
	s0 =	sshll.u32 s16, $0x8;
	v48 =	vnsel vm6, $0x0, v51;
	v50 =	vld [tilespmem:s22+$0x1BF00]  }
0x32e: {  	s3 =	sor.u32 s17, s0;
	s1 =	sor.u32 s0, s26;
	s28 =	sor.u32 s0, s11;
	v46 =	vadd.f32 v52, v46;
	v52 =	vmul.f32 v11, v9;
	v51 =	vld.idx.msk [tilespmem:v12+s6+$0x0], $0xffff;
	v12 =	vmul.f32 v48, v56  }
0x32f: {  	v30 =	vmul.f32 v57, v30;
	s1 =	sor.u32 $0x80, s1;
	v48 =	vsub.f32 v6, v45;
	vm6 =	vgt.s32 v55, $0xFFFFFFFF;
	v6 =	vld [tilespmem:s28+$0x1C980]  }
0x330: {  	v46 =	vadd.f32 v52, v46;
	v17 =	vld.idx.msk [tilespmem:v17+s6+$0x0], $0xffff;
	v54 =	vnsel vm6, $0x0, v54;
	v52 =	vmul.f32 v7, v12  }
0x331: {  	vm6 =	vgt.s32 v53, $0x0;
	v54 =	vmul.f32 v54, v48;
	vm7 =	vgt.s32 v49, $0xFFFFFFFF;
	v56 =	vld [tilespmem:s23+$0x19700]  }
0x332: {  	v44 =	vshll.u32 v44, $0x10;
	v29 =	vld.idx.msk [tilespmem:v29+s6+$0x0], $0xffff;
	v50 =	vnsel vm7, $0x0, v50;
	v46 =	vadd.f32 v52, v46  }
0x333: {  	v52 =	vnsel vm6, $0x0, v53;
	vm6 =	vmand vm0, vm4;
	v48 =	vsub.f32 v48, v54;
	v53 =	vld [tilespmem:s23+$0x1B700]  }
0x334: {  	v57 =	vshll.u32 v51, $0x10;
	v51 =	vmul.f32 v51, v16;
	v32 =	vld.idx.msk [tilespmem:v32+s6+$0x0], $0xffff;
	v46 =	vsel vm6, v6, v46  }
0x335: {  	v30 =	vadd.f32 v30, v47;
	v16 =	vmul.f32 v57, v16;
	v50 =	vmul.f32 v50, v48;
	v57 =	vld [tilespmem:s22+$0x1A000];
	[tilespmem:s28+$0x1CD80] =	vst v46  }
0x336: {  	v46 =	vshll.u32 v17, $0x10;
	v17 =	vmul.f32 v17, v19;
	v35 =	vld.idx.msk [tilespmem:v35+s6+$0x0], $0xffff;
	vm6 =	vgt.s32 v56, $0xFFFFFFFF  }
0x337: {  	v26 =	vmul.f32 v44, v26;
	v19 =	vmul.f32 v46, v19;
	v46 =	vsub.f32 v48, v50;
	v47 =	vld [tilespmem:s22+$0x1C000]  }
0x338: {  	v17 =	vadd.f32 v17, v51;
	v44 =	vshll.u32 v29, $0x10;
	v42 =	vld.idx.msk [tilespmem:v42+s6+$0x0], $0xffff;
	v48 =	vnsel vm6, $0x0, v53  }
0x339: {  	v16 =	vadd.f32 v19, v16;
	v19 =	vmul.f32 v44, v22;
	v44 =	vmul.f32 v48, v46;
	v48 =	vld [tilespmem:s20+$0x19700]  }
0x33a: {  	v22 =	vmul.f32 v29, v22;
	v29 =	vshll.u32 v32, $0x10;
	v32 =	vmul.f32 v32, v28;
	v51 =	vld.idx.msk [tilespmem:v52+s6+$0x0], $0xffff  }
0x33b: {  	v16 =	vadd.f32 v19, v16;
	v19 =	vmul.f32 v29, v28;
	v28 =	vsub.f32 v46, v44;
	v29 =	vld [tilespmem:s20+$0x1B700]  }
0x33c: {  	vm6 =	vgt.s32 v55, $0x0;
	v17 =	vadd.f32 v22, v17;
	vm7 =	vgt.s32 v57, $0xFFFFFFFF;
	v46 =	vld [tilespmem:s22+$0x1A100]  }
0x33d: {  	v43 =	vshll.u32 v43, $0x10;
	v52 =	vnsel vm6, $0x0, v55;
	v22 =	vshll.u32 v35, $0x10;
	v53 =	vld [tilespmem:s22+$0x1C100]  }
0x33e: {  	v30 =	vadd.f32 v26, v30;
	v16 =	vadd.f32 v19, v16;
	v19 =	vnsel vm7, $0x0, v47;
	v47 =	vld [tilespmem:s9+$0x19700]  }
0x33f: {  	v32 =	vadd.f32 v32, v17;
	v22 =	vmul.f32 v22, v14;
	v55 =	vmul.f32 v19, v28;
	v58 =	vld [tilespmem:s9+$0x1B700]  }
0x340: {  	v15 =	vmul.f32 v43, v15;
	vm6 =	vgt.s32 v49, $0x0;
	v14 =	vmul.f32 v35, v14;
	v35 =	vld [tilespmem:s22+$0x1A200]  }
0x341: {  	v41 =	vshll.u32 v41, $0x10;
	v43 =	vnsel vm6, $0x0, v49;
	v19 =	vshll.u32 v42, $0x10;
	v17 =	vld [tilespmem:s25+$0x19700]  }
0x342: {  	v49 =	vmul.f32 v19, v33;
	v33 =	vmul.f32 v42, v33;
	v28 =	vsub.f32 v28, v55;
	v42 =	vld.idx.msk [tilespmem:v52+s6+$0x0], $0xffff  }
0x343: {  	v18 =	vmul.f32 v41, v18;
	v30 =	vadd.f32 v15, v30;
	v16 =	vadd.f32 v22, v16;
	v26 =	vld [tilespmem:s22+$0x1C200]  }
0x344: {  	vm6 =	vgt.s32 v56, $0x0;
	v15 =	vadd.f32 v14, v32;
	vm7 =	vgt.s32 v48, $0xFFFFFFFF;
	v22 =	vld [tilespmem:s25+$0x1B700]  }
0x345: {  	v40 =	vshll.u32 v40, $0x10;
	v32 =	vnsel vm6, $0x0, v56;
	v14 =	vshll.u32 v51, $0x10;
	v19 =	vld.idx.msk [tilespmem:v5+s6+$0x0], $0xffff  }
0x346: {  	v41 =	vmul.f32 v51, v45;
	v5 =	vmul.f32 v14, v45;
	v14 =	vnsel vm7, $0x0, v29;
	v43 =	vld.idx.msk [tilespmem:v43+s6+$0x0], $0xffff  }
0x347: {  	v20 =	vmul.f32 v40, v20;
	v16 =	vadd.f32 v49, v16;
	v29 =	vmul.f32 v14, v28;
	v14 =	vld [tilespmem:s1+$0x1C900]  }
0x348: {  	v30 =	vadd.f32 v18, v30;
	vm6 =	vgt.s32 v57, $0x0;
	v33 =	vadd.f32 v33, v15;
	v15 =	vld [tilespmem:s3+$0x1C900]  }
0x349: {  	v39 =	vshll.u32 v39, $0x10;
	v45 =	vnsel vm6, $0x0, v57;
	v40 =	vshll.u32 v42, $0x10;
	v18 =	vld [tilespmem:s28+$0x1C900]  }
0x34a: {  	v42 =	vmul.f32 v42, v54;
	v40 =	vmul.f32 v40, v54;
	v28 =	vsub.f32 v28, v29;
	v32 =	vld.idx.msk [tilespmem:v32+s6+$0x0], $0xffff  }
0x34b: {  	v5 =	vadd.f32 v5, v16;
	v16 =	vadd.f32 v41, v33;
	v33 =	vmul.f32 v39, v21  }
0x34c: {  	v20 =	vadd.f32 v20, v30;
	vm6 =	vgt.s32 v48, $0x0;
	vm7 =	vgt.s32 v46, $0xFFFFFFFF  }
0x34d: {  	v38 =	vshll.u32 v38, $0x10;
	v30 =	vnsel vm6, $0x0, v48;
	v21 =	vshll.u32 v43, $0x10  }
0x34e: {  	v41 =	vmul.f32 v43, v50;
	v39 =	vmul.f32 v21, v50;
	v21 =	vnsel vm7, $0x0, v53;
	v43 =	vld.idx.msk [tilespmem:v45+s6+$0x0], $0xffff  }
0x34f: {  	v23 =	vmul.f32 v38, v23;
	v5 =	vadd.f32 v40, v5;
	v21 =	vmul.f32 v21, v28  }
0x350: {  	vm6 =	vgt.s32 v46, $0x0;
	v16 =	vadd.f32 v42, v16;
	v20 =	vadd.f32 v33, v20  }
0x351: {  	v37 =	vshll.u32 v37, $0x10;
	v38 =	vnsel vm6, $0x0, v46;
	v33 =	vshll.u32 v32, $0x10  }
0x352: {  	v32 =	vmul.f32 v32, v44;
	v42 =	vsub.f32 v28, v21;
	v33 =	vmul.f32 v33, v44;
	v40 =	vld.idx.msk [tilespmem:v30+s6+$0x0], $0xffff  }
0x353: {  	v16 =	vadd.f32 v41, v16;
	v5 =	vadd.f32 v39, v5;
	v30 =	vmul.f32 v37, v24  }
0x354: {  	vm6 =	vgt.s32 v47, $0xFFFFFFFF;
	v20 =	vadd.f32 v23, v20;
	vm7 =	vgt.s32 v47, $0x0  }
0x355: {  	v36 =	vshll.u32 v36, $0x10;
	v37 =	vnsel vm7, $0x0, v47;
	v23 =	vshll.u32 v43, $0x10  }
0x356: {  	v41 =	vmul.f32 v43, v55;
	v39 =	vmul.f32 v23, v55;
	v23 =	vnsel vm6, $0x0, v58;
	v28 =	vld.idx.msk [tilespmem:v38+s6+$0x0], $0xffff  }
0x357: {  	v25 =	vmul.f32 v36, v25;
	v5 =	vadd.f32 v33, v5;
	v24 =	vmul.f32 v23, v42  }
0x358: {  	v32 =	vadd.f32 v32, v16;
	vm6 =	vgt.s32 v35, $0x0;
	v36 =	vadd.f32 v30, v20  }
.Ltmp3:
0x359: {  	v20 =	vshll.u32 v34, $0x10;
	v33 =	vnsel vm6, $0x0, v35;
	v16 =	vshll.u32 v40, $0x10;
	(pc) =	sbr.rel @p1 .LBB2_5-.Ltmp3, $4  }
0x35a: {  	v23 =	vsub.f32 v42, v24;
	v30 =	vmul.f32 v16, v29;
	v29 =	vmul.f32 v40, v29;
	v16 =	vld.idx.msk [tilespmem:v37+s6+$0x0], $0xffff  }
0x35b: {  	v32 =	vadd.f32 v41, v32;
	v20 =	vmul.f32 v20, v27;
	v34 =	vadd.f32 v39, v5  }
0x35c: {  	vm7 =	vgt.s32 v17, $0x0;
	vm6 =	vgt.s32 v35, $0xFFFFFFFF;
	v27 =	vadd.f32 v25, v36  }
0x35d: {  	s29 =	sadd.s32 $0x2, s29;
	v5 =	vnsel vm7, $0x0, v17;
	v25 =	vshll.u32 v31, $0x10;
	v35 =	vshll.u32 v28, $0x10  }
0x35e: {  	v31 =	vmul.f32 v35, v21;
	v37 =	vmul.f32 v28, v21  }
0x35f: {  	v26 =	vnsel vm6, $0x0, v26;
	vm14 =	vmmov vm1;
	vm1 =	vmmov vm2  }
0x360: {  	vm2 =	vmmov vm4;
	v30 =	vadd.f32 v30, v34;
	v8 =	vmul.f32 v25, v8  }
0x361: {  	v39 =	vadd.f32 v29, v32;
	v20 =	vadd.f32 v20, v27;
	v13 =	vshll.u32 v13, $0x10  }
0x362: {  	vm15 =	vgt.s32 v17, $0xFFFFFFFF;
	v11 =	vshll.u32 v11, $0x10;
	v49 =	vshll.u32 v19, $0x10  }
0x363: {  	v7 =	vshll.u32 v7, $0x10;
	v50 =	vmul.f32 v19, v1;
	v56 =	vpsel p0, v15, v14  }
0x364: {  	v38 =	vld.idx.msk [tilespmem:v33+s6+$0x0], $0xffff;
	v26 =	vmul.f32 v26, v23;
	v40 =	vshll.u32 v16, $0x10;
	v43 =	vmul.f32 v16, v24  }
0x365: {  	v10 =	vmul.f32 v13, v10;
	v41 =	vmul.f32 v40, v24;
	v42 =	vadd.f32 v31, v30  }
0x366: {  	v5 =	vld.idx.msk [tilespmem:v5+s6+$0x0], $0xffff;
	v46 =	vnsel vm15, $0x0, v22;
	v44 =	vadd.f32 v37, v39;
	v8 =	vadd.f32 v8, v20  }
0x367: {  	v9 =	vmul.f32 v11, v9;
	v23 =	vsub.f32 v23, v26;
	v47 =	vadd.f32 v41, v42  }
0x368: {  	v7 =	vmul.f32 v7, v12;
	v13 =	vadd.f32 v43, v44;
	v8 =	vadd.f32 v10, v8  }
0x369: {  	v10 =	vmul.f32 v49, v1;
	v45 =	vshll.u32 v38, $0x10;
	v20 =	vmul.f32 v46, v23  }
0x36a: {  	v1 =	vadd.f32 v50, v3;
	v48 =	vmul.f32 v38, v26;
	v17 =	vmul.f32 v45, v26  }
0x36b: {  	v53 =	vshll.u32 v5, $0x10;
	v8 =	vadd.f32 v9, v8;
	v2 =	vadd.f32 v10, v2  }
0x36c: {  	v52 =	vadd.f32 v48, v13;
	v55 =	vmul.f32 v53, v20;
	v51 =	vadd.f32 v17, v47  }
0x36d: {  	v57 =	vmul.f32 v5, v20;
	v54 =	vadd.f32 v7, v8;
	v2 =	vsel vm5, v4, v2  }
0x36e: {  	v58 =	vpsel p0, v18, v6;
	v0 =	vsel vm14, v0, v1;
	[tilespmem:s4+$0x1CD00] =	vst v2;
	v59 =	vadd.f32 v55, v51  }
0x36f: {  	v61 =	vadd.f32 v57, v52;
	[tilespmem:s5+$0x1CD00] =	vst v0;
	v60 =	vsel vm2, v58, v54;
	vm2 =	vmmov vm3  }
0x370: {  	vm1 =	vmmov vm1;
	[tilespmem:s28+$0x1CD00] =	vst v60;
	v62 =	vsel vm2, v56, v59  }
0x371: {  	v63 =	vsel vm1, v14, v61;
	[tilespmem:s3+$0x1CD00] =	vst v62  }
0x372: {  	[tilespmem:s1+$0x1CD00] =	vst v63  }
.Ltmp4:
0x373: {  	s0 =	rddreg [dreg:$0x10];
	(pc) =	sbr.rel @p2 .LBB2_8-.Ltmp4, $4  }
0x374: {  	s30 =	simm.s32 $0x1CD00;
	s0 =	sadd.s32 s12, s0  }
0x375: {  	[hbm4b:s0+s21] =	stream.strided.scatter [tilespmem:s30], [sflag:$0x4], $0x100, s24, s21, $0x38;
	[tilespmem:$0x1CF00] =	vst v63  }
0x376: {  	s31 =	simm.s32 $0x1CE00;
	s0 =	sadd.s32 $0x80, s0  }
0x377: {  	[hbm4b:s0+s21] =	stream.strided.scatter [tilespmem:s31], [sflag:$0x4], $0x100, s24, s21, $0x38;
	[tilespmem:$0x1CF00] =	vst v63  }
0x378: {  	s0 =	sadd.s32 $0x3, s15  }
0x379: {  	s1 =	sshrl.u32 s0, $0x1  }
0x37a: {  	s1 =	sand.u32 $0x18, s1  }
0x37b: {  	s2 =	sshll.u32 s0, $0x10;
	s1 =	sor.u32 s10, s1  }
0x37c: {  	s0 =	sshll.u32 s0, $0x6;
	s2 =	sand.u32 $0x1C00000, s2;
	s1 =	sshll.u32 s1, $0x9  }
0x37d: {  	s0 =	sand.u32 $0x380, s0;
	s2 =	sadd.s32 s2, s1  }
0x37e: {  	s2 =	sor.u32 s0, s2  }
0x37f: {  	s2 =	sshrl.u32 s2, $0x3  }
0x380: {  	s3 =	rddreg [dreg:$0x1];
	s2 =	sor.u32 $0x100, s2  }
0x381: {  	s4 =	simm.s32 $0x19700;
	s3 =	sadd.s32 s3, s2  }
0x382: {  	[tilespmem:s4], [sflag:$0x2] =	stream.strided.gather [hbm4b:s3+s21], $0x400, s24, s21, $0x38;
	[tilespmem:$0x1CF00] =	vst v63  }
0x383: {  	s5 =	simm.s32 $0x19B00;
	s16 =	sadd.s32 $0x80, s3  }
0x384: {  	[tilespmem:s5], [sflag:$0x2] =	stream.strided.gather [hbm4b:s16+s21], $0x400, s24, s21, $0x38;
	[tilespmem:$0x1CF00] =	vst v63  }
0x385: {  	s17 =	simm.s32 $0x19F00;
	s3 =	sadd.s32 $0x40000, s3  }
0x386: {  	[tilespmem:s17], [sflag:$0x2] =	stream.strided.gather [hbm4b:s3+s21], $0x400, s24, s21, $0x38;
	[tilespmem:$0x1CF00] =	vst v63  }
0x387: {  	s18 =	simm.s32 $0x1A300;
	s19 =	rddreg [dreg:$0x2];
	s3 =	sadd.s32 $0x80, s3  }
0x388: {  	[tilespmem:s18], [sflag:$0x2] =	stream.strided.gather [hbm4b:s3+s21], $0x400, s24, s21, $0x38;
	[tilespmem:$0x1CF00] =	vst v63  }
0x389: {  	s20 =	simm.s32 $0x1B700;
	s2 =	sadd.s32 s19, s2  }
0x38a: {  	[tilespmem:s20], [sflag:$0x2] =	stream.strided.gather [hbm4b:s2+s21], $0x400, s24, s21, $0x38;
	[tilespmem:$0x1CF00] =	vst v63  }
0x38b: {  	s23 =	simm.s32 $0x1BB00;
	s28 =	rddreg [dreg:$0x6];
	s22 =	sadd.s32 $0x80, s2  }
0x38c: {  	[tilespmem:s23], [sflag:$0x2] =	stream.strided.gather [hbm4b:s22+s21], $0x400, s24, s21, $0x38;
	[tilespmem:$0x1CF00] =	vst v63  }
0x38d: {  	s25 =	simm.s32 $0x1BF00;
	s1 =	sadd.s32 s28, s1;
	s2 =	sadd.s32 $0x40000, s2  }
0x38e: {  	[tilespmem:s25], [sflag:$0x2] =	stream.strided.gather [hbm4b:s2+s21], $0x400, s24, s21, $0x38;
	[tilespmem:$0x1CF00] =	vst v63  }
0x38f: {  	s26 =	simm.s32 $0x1C300;
	s0 =	sor.u32 s0, s1;
	s2 =	sadd.s32 $0x80, s2  }
0x390: {  	[tilespmem:s26], [sflag:$0x2] =	stream.strided.gather [hbm4b:s2+s21], $0x400, s24, s21, $0x38;
	[tilespmem:$0x1CF00] =	vst v63  }
.Ltmp5:
0x391: {  	s29 =	rddreg [dreg:$0xd];
	s0 =	sshrl.u32 s0, $0x3;
	(pc) =	sbr.rel .LBB2_2-.Ltmp5, $4  }
0x392: {  	s30 =	simm.s32 $0x1C900;
	s0 =	sadd.s32 s0, s29  }
0x393: {  	[tilespmem:s30], [sflag:$0x2] =	stream.strided.gather [hbm4b:s0+s21], $0x100, s24, s21, $0x38;
	[tilespmem:$0x1CF00] =	vst v63  }
0x394: {  	s31 =	simm.s32 $0x1CA00;
	s14 =	sadd.s32 $0x1, s14;
	s0 =	sadd.s32 $0x80, s0  }
0x395: {  	[tilespmem:s31], [sflag:$0x2] =	stream.strided.gather [hbm4b:s0+s21], $0x100, s24, s21, $0x38;
	[tilespmem:$0x1CF00] =	vst v63  }
.LBB2_9:
0x396: {  	_ =	sfence.sel $0x180000  }
0x397: {  	[bflag:$0x0] =	sbarrier.arrive $0xFFFF  }
0x398: {  	_ =	strace $0x90000047  }
0x399: {  	s0 =	stileid.u32;
	[bflag:$0x2] =	sbarrier.arrive $0xFFFF  }
0x39a: {  	p0 =	sne.s32 s0, $0x0;
	s0 =	rddreg [dreg:$0x5]  }
0x39b: {  	s0 =	sadd.s32 @!p0 $0x100000, s0  }
0x39c: {  	[sflag:s0] =	ssyncadd.tile.s32 @!p0 $0x1;
	_ =	shalt  }
.Lfunc_end2:
_tile_overlayer_lowered:
.L_overlay_start_2:
0x39d: {  	(tag) =	ssettag $0x2  }
0x39e: {  	s0 =	rddreg [dreg:$0x0];
	s2 =	stileid.u32  }
0x39f: {  	s1 =	rddreg [dreg:$0x1];
	p0 =	sne.s32 s2, $0x0  }
0x3a0: {  	s3 =	rddreg [dreg:$0x2];
	[bflag:$0x3] =	sbarrier.arrive $0xFFFF;
	s2 =	simm.s32 @!p0 $0x1C05  }
0x3a1: {  	[timem:s3], [sflag:s2] =	dma.local @!p0 [hbm:s0], s1  }
0x3a2: {  	s0 =	simm.s32 @!p0 $0x5  }
0x3a3: {  	_ =	swait.ge @!p0 [sflag:s0], s1  }
0x3a4: {  	s1 =	ssub.s32 @!p0 $0x0, s1;
	[sflag:s0] =	ssyncset.done @!p0 $0x0  }
0x3a5: {  	[sflag:s0] =	ssyncadd.s32 @!p0 s1  }
0x3a6: {  	[bflag:$0x3] =	sbarrier.arrive $0xFFFF  }
0x3a7: {  	_ =	shalt  }

</sc_bundles>
